<compile_context>
chip_gen: v7x
topology: tpu7x:2x2x1
jax: 0.10.2.dev20260603
libtpu: 0.0.44.dev20260713+nightly
codegen_flags: <defaults>
</compile_context>

<pallas_src>
import dataclasses
import functools

import jax
import jax.numpy as jnp
from jax import lax
from jax.experimental import pallas as pl
from jax.experimental.pallas import tpu as pltpu
from jax.experimental.pallas import tpu_sc as plsc

H = 16
DH = 64
B = 2
N = 2048
C = H * DH
S_KEPT = N - int(N * 0.5)
KEEP_REM = S_KEPT - 1
SCALE = DH ** -0.5
ONE_F32_BITS = 0x3F800000


def _matmul_bias_body(x_ref, w_ref, b_ref, o_ref):
    acc = lax.dot_general(x_ref[...], w_ref[...], (((1,), (0,)), ((), ())),
                          preferred_element_type=jnp.float32)
    o_ref[...] = (acc + b_ref[...]).astype(o_ref.dtype)


def _matmul_bias(x, w, b, bm, bn, n_out=None, out_dtype=jnp.float32):
    m, k = x.shape
    n = w.shape[1] if n_out is None else n_out
    return pl.pallas_call(
        _matmul_bias_body,
        grid=(m // bm, n // bn),
        in_specs=[
            pl.BlockSpec((bm, k), lambda i, j: (i, 0)),
            pl.BlockSpec((k, bn), lambda i, j: (0, j)),
            pl.BlockSpec((1, bn), lambda i, j: (0, j)),
        ],
        out_specs=pl.BlockSpec((bm, bn), lambda i, j: (i, j)),
        out_shape=jax.ShapeDtypeStruct((m, n), out_dtype),
    )(x, w, b.reshape(1, -1))


def _select_body(mb_hbm, kidx_hbm, mrow, kidx_v):
    wid = lax.axis_index("c") * 16 + lax.axis_index("s")
    pltpu.sync_copy(mb_hbm.at[wid], mrow)
    nch = N // 16

    def count_ge(t):
        def body(c, acc):
            v = mrow[pl.ds(c * 16, 16)]
            return acc + jnp.where(v >= t, 1, 0).astype(jnp.int32)
        acc = lax.fori_loop(0, nch, body, jnp.zeros((16,), jnp.int32))
        return jnp.sum(acc)

    def bs_body(_, carry):
        lo, hi = carry
        mid = (lo + hi) >> 1
        big = count_ge(mid) >= KEEP_REM
        return jnp.where(big, mid, lo), jnp.where(big, hi, mid)

    thr, _ = lax.fori_loop(0, 31, bs_body,
                           (jnp.int32(0), jnp.int32(ONE_F32_BITS)))
    needed = KEEP_REM - count_ge(thr + 1)

    bid = wid // H
    base0 = bid * N
    lane = lax.iota(jnp.int32, 16)
    kidx_v[pl.ds(0, 16)] = jnp.zeros((16,), jnp.int32) + base0

    def comp_body(c, carry):
        off, eqc = carry
        v = mrow[pl.ds(c * 16, 16)]
        gt = v > thr
        eq = v == thr
        eqi = eq.astype(jnp.int32)
        tie = eqc + plsc.cumsum(eqi) - eqi
        keep = gt | (eq & (tie < needed))
        keepi = keep.astype(jnp.int32)
        pos = off + plsc.cumsum(keepi) - keepi
        kk = base0 + c * 16 + lane + 1
        plsc.store_scatter(kidx_v, [pos], kk, mask=keep)
        return off + jnp.sum(keepi), eqc + jnp.sum(eqi)

    lax.fori_loop(0, nch, comp_body, (jnp.int32(1), jnp.int32(0)))
    pltpu.sync_copy(kidx_v.at[pl.ds(0, S_KEPT)], kidx_hbm.at[wid])


def _sc_compiler_params():
    cp = pltpu.CompilerParams()
    if "needs_layout_passes" in pltpu.CompilerParams.__dataclass_fields__:
        cp = dataclasses.replace(cp, needs_layout_passes=False)
    return cp


def _select(maskbits):
    mesh = plsc.VectorSubcoreMesh(core_axis_name="c", subcore_axis_name="s")
    fn = pl.kernel(
        _select_body,
        out_type=jax.ShapeDtypeStruct((B * H, S_KEPT), jnp.int32),
        mesh=mesh,
        compiler_params=_sc_compiler_params(),
        scratch_types=[pltpu.VMEM((N,), jnp.int32),
                       pltpu.VMEM((S_KEPT + 16,), jnp.int32)],
    )
    return fn(maskbits)


CHUNK = 128
NCHUNK = S_KEPT // CHUNK


def _gather_body(kv_hbm, kidx_hbm, kvg_hbm, idx, buf0, buf1, sem0, sem1):
    wid = lax.axis_index("c") * 16 + lax.axis_index("s")
    hid = wid % H
    pltpu.sync_copy(kidx_hbm.at[wid], idx)
    base = wid * S_KEPT
    bufs = (buf0, buf1)
    sems = (sem0, sem1)
    src = kv_hbm.at[:, pl.ds(hid * 2 * DH, 2 * DH)]
    pend = pltpu.async_copy(src.at[idx.at[0]], bufs[0], sems[0])
    for c in range(NCHUNK):
        nxt = None
        if c < NCHUNK - 1:
            nxt = pltpu.async_copy(src.at[idx.at[c + 1]],
                                   bufs[(c + 1) % 2], sems[(c + 1) % 2])
        pend.wait()
        pltpu.sync_copy(bufs[c % 2],
                        kvg_hbm.at[pl.ds(base + c * CHUNK, CHUNK)])
        pend = nxt


def _gather(kv2d, kidx3):
    mesh = plsc.VectorSubcoreMesh(core_axis_name="c", subcore_axis_name="s")
    fn = pl.kernel(
        _gather_body,
        out_type=jax.ShapeDtypeStruct((B * H * S_KEPT, 2 * DH), jnp.float32),
        mesh=mesh,
        scratch_types=[pltpu.VMEM((NCHUNK, CHUNK), jnp.int32),
                       pltpu.VMEM((CHUNK, 2 * DH), jnp.float32),
                       pltpu.VMEM((CHUNK, 2 * DH), jnp.float32),
                       pltpu.SemaphoreType.DMA,
                       pltpu.SemaphoreType.DMA],
    )
    return fn(kv2d, kidx3)


def _attn_body(q_ref, kv_ref, o_ref, kvb):
    @pl.when(pl.program_id(1) == 0)
    def _():
        kvb[...] = kv_ref[...].astype(jnp.bfloat16)

    for h in range(H):
        qh = (q_ref[:, h * DH:(h + 1) * DH] * SCALE).astype(jnp.bfloat16)
        qp = jnp.concatenate([qh, jnp.zeros_like(qh)], axis=1)
        kv = kvb[h]
        s = lax.dot_general(qp, kv, (((1,), (1,)), ((), ())),
                            preferred_element_type=jnp.float32)
        p = jnp.exp(s)
        l = jnp.sum(p, axis=-1, keepdims=True)
        o = lax.dot_general(p.astype(jnp.bfloat16), kv,
                            (((1,), (0,)), ((), ())),
                            preferred_element_type=jnp.float32)
        o_ref[:, h * DH:(h + 1) * DH] = (o[:, DH:] / l).astype(o_ref.dtype)


def _attention(q2d, kvg3, bq):
    nb = N // bq
    return pl.pallas_call(
        _attn_body,
        grid=(B, nb),
        in_specs=[
            pl.BlockSpec((bq, C), lambda b, i: (b * nb + i, 0)),
            pl.BlockSpec((H, S_KEPT, 2 * DH), lambda b, i: (b, 0, 0)),
        ],
        out_specs=pl.BlockSpec((bq, C), lambda b, i: (b * nb + i, 0)),
        out_shape=jax.ShapeDtypeStruct((B * N, C), jnp.bfloat16),
        scratch_shapes=[pltpu.VMEM((H, S_KEPT, 2 * DH), jnp.bfloat16)],
    )(q2d, kvg3)


def kernel(x, Wqkv, bqkv, Wproj, bproj, mask):
    x2d = x.reshape(B * N, C).astype(jnp.bfloat16)
    q2d = _matmul_bias(x2d, Wqkv[:, :C].astype(jnp.bfloat16), bqkv[:C],
                       bm=512, bn=512, out_dtype=jnp.bfloat16)

    Wkvp = Wqkv[:, C:].reshape(C, 2, H, DH).transpose(0, 2, 1, 3).reshape(C, 2 * C)
    bkvp = bqkv[C:].reshape(2, H, DH).transpose(1, 0, 2).reshape(2 * C)
    kv2d = _matmul_bias(x2d, Wkvp.astype(jnp.bfloat16), bkvp, bm=512, bn=512)

    maskp = jnp.concatenate(
        [mask.reshape(B * H, N - 1), jnp.zeros((B * H, 1), jnp.float32)], axis=1)
    maskbits = lax.bitcast_convert_type(maskp, jnp.int32)
    kidx = _select(maskbits)

    kvg = _gather(kv2d, kidx.reshape(B * H, NCHUNK, CHUNK))

    attn = _attention(q2d, kvg.reshape(B * H, S_KEPT, 2 * DH), bq=512)

    out = _matmul_bias(attn, Wproj.astype(jnp.bfloat16), bproj, bm=512, bn=512)
    return out.reshape(B, N, C)

# --- scband reference (transcript-rebuilt; emitter-appended) ---
"""Pipeline reference for scband-my-attention-18013092839564 (READ-ONLY COPY).

The authoritative reference and input builder live on the scoring server;
editing this copy changes nothing except your own understanding.
"""

import jax, jax.numpy as jnp
import numpy as np

DIM = 1024
NUM_HEADS = 16
DROP_PCT = 0.5


def random_drop_elements(k, v, mask, drop_percentage=DROP_PCT):
    # rand branch of the original helper: randomly keep tokens per (batch, head),
    # always preserving the first token. Same indices applied to k and v.
    B, H, S, D = k.shape
    target_seq_len = S - int(S * drop_percentage)
    k_first = k[:, :, 0:1, :]
    k_rem = k[:, :, 1:, :]
    v_first = v[:, :, 0:1, :]
    v_rem = v[:, :, 1:, :]
    # topk over random mask == random selection without replacement
    _, idx = jax.lax.top_k(mask, target_seq_len - 1)  # [B, H, target-1]
    idx = jnp.sort(idx, axis=-1)
    idx_e = idx[..., None]  # [B, H, target-1, 1]
    k_sel = jnp.take_along_axis(k_rem, idx_e, axis=2)
    v_sel = jnp.take_along_axis(v_rem, idx_e, axis=2)
    k_out = jnp.concatenate([k_first, k_sel], axis=2)
    v_out = jnp.concatenate([v_first, v_sel], axis=2)
    return k_out, v_out


def setup_inputs(seed: int = 0) -> dict:
    key = jax.random.key(seed)
    k1, k2, k3, k4 = jax.random.split(key, 4)
    B, S, C = 2, 2048, DIM
    x = jax.random.normal(k1, (B, S, C), dtype=jnp.float32)
    Wqkv = jax.random.normal(k2, (C, 3 * C), dtype=jnp.float32) * 0.02
    bqkv = jnp.zeros((3 * C,), dtype=jnp.float32)
    Wproj = jax.random.normal(k3, (C, C), dtype=jnp.float32) * 0.02
    bproj = jnp.zeros((C,), dtype=jnp.float32)
    # the torch module draws this with torch.rand inside forward; we materialize it
    mask = jax.random.uniform(k4, (B, NUM_HEADS, S - 1), dtype=jnp.float32)
    return {"x": x, "Wqkv": Wqkv, "bqkv": bqkv, "Wproj": Wproj, "bproj": bproj, "mask": mask}


def reference(x, Wqkv, bqkv, Wproj, bproj, mask):
    B, N, C = x.shape
    H = NUM_HEADS
    dh = C // H
    scale = dh ** -0.5
    qkv = x @ Wqkv + bqkv  # [B, N, 3C]
    qkv = qkv.reshape(B, N, 3, H, dh).transpose(2, 0, 3, 1, 4)  # [3, B, H, N, dh]
    q, k, v = qkv[0], qkv[1], qkv[2]
    k, v = random_drop_elements(k, v, mask, DROP_PCT)
    attn = (q * scale) @ jnp.swapaxes(k, -2, -1)  # [B, H, N, S_kept]
    attn = jax.nn.softmax(attn, axis=-1)
    out = attn @ v  # [B, H, N, dh]
    out = out.transpose(0, 2, 1, 3).reshape(B, N, C)
    out = out @ Wproj + bproj
    return out

if __name__ == "__main__":
    import jax
    _d = setup_inputs()
    print(jax.jit(kernel)(*tuple(_d.values())))

</pallas_src>

<mosaic_0001>
#map = affine_map<(d0, d1) -> (0, 0)>
#map1 = affine_map<(d0, d1) -> (0, 0, 0)>
module attributes {stable_mosaic.version = 14 : i64} {
  func.func @_gather_body(%arg0: i32, %arg1: i32, %arg2: memref<4096x2048xf32, #tpu.memory_space<hbm>>, %arg3: memref<32x8x128xi32, #tpu.memory_space<hbm>>, %arg4: memref<32768x128xf32, #tpu.memory_space<hbm>>, %arg5: memref<8x128xi32, #tpu.memory_space<vmem>>, %arg6: memref<128x128xf32, #tpu.memory_space<vmem>>, %arg7: memref<128x128xf32, #tpu.memory_space<vmem>>, %arg8: memref<!tpu.dma_semaphore, #tpu.memory_space<semaphore_mem>>, %arg9: memref<!tpu.dma_semaphore, #tpu.memory_space<semaphore_mem>>) attributes {dimension_semantics = [#tpu.dimension_semantics<core_parallel>, #tpu.dimension_semantics<subcore_parallel>], iteration_bounds = array<i64: 2, 16>, scalar_prefetch = 0 : i64, scratch_operands = 5 : i64, tpu.core_type = #tpu.core_type<sc_vector_subcore>, window_params = [{transform_indices = #map}, {transform_indices = #map1}, {transform_indices = #map}]} {
    %mul3A = arith.constant 16 : i32
    %mul3A_0 = arith.muli %arg0, %mul3A : i32
    %add3A = arith.addi %mul3A_0, %arg1 : i32
    %jit3A = arith.constant 16 : i32
    %eq3A = arith.constant 0 : i32
    %eq3A_1 = arith.cmpi eq, %jit3A, %eq3A : i32
    %jit3A_2 = arith.constant 1 : i32
    %select_n3A = arith.select %eq3A_1, %jit3A_2, %jit3A : i32
    %rem3A = arith.remsi %add3A, %select_n3A : i32
    %ne3A = arith.constant 0 : i32
    %ne3A_3 = arith.cmpi ne, %rem3A, %ne3A : i32
    %lt3A = arith.constant 0 : i32
    %lt3A_4 = arith.cmpi slt, %rem3A, %lt3A : i32
    %lt3A_5 = arith.constant 0 : i32
    %lt3A_6 = arith.cmpi slt, %select_n3A, %lt3A_5 : i32
    %ne3A_7 = arith.xori %lt3A_4, %lt3A_6 : i1
    %and3A = arith.andi %ne3A_7, %ne3A_3 : i1
    %add3A_8 = arith.addi %rem3A, %select_n3A : i32
    %select_n3A_9 = arith.select %and3A, %add3A_8, %rem3A : i32
    "tpu.region"() ({
      %run_scoped3A = tpu.sem_alloc : memref<!tpu.dma_semaphore, #tpu.memory_space<semaphore_mem>>
      %dma_start3A_174 = arith.constant 0 : i32
      %dma_start3A_175 = arith.constant 0 : i32
      %dma_start3A_176 = tpu.memref_slice %arg3[%add3A, %dma_start3A_174, %dma_start3A_175] : memref<32x8x128xi32, #tpu.memory_space<hbm>> -> memref<1x8x128xi32, #tpu.memory_space<hbm>>
      %dma_start3A_177 = tpu.memref_squeeze %dma_start3A_176 : memref<1x8x128xi32, #tpu.memory_space<hbm>> -> memref<8x128xi32, #tpu.memory_space<hbm>>
      %dma_start3A_178 = arith.constant 0 : i32
      %dma_start3A_179 = arith.constant 0 : i32
      %dma_start3A_180 = tpu.memref_slice %arg3[%add3A, %dma_start3A_178, %dma_start3A_179] : memref<32x8x128xi32, #tpu.memory_space<hbm>> -> memref<1x8x128xi32, #tpu.memory_space<hbm>>
      %dma_start3A_181 = tpu.memref_squeeze %dma_start3A_180 : memref<1x8x128xi32, #tpu.memory_space<hbm>> -> memref<8x128xi32, #tpu.memory_space<hbm>>
      tpu.enqueue_dma source(%dma_start3A_181 : memref<8x128xi32, #tpu.memory_space<hbm>>) target(%arg5 : memref<8x128xi32, #tpu.memory_space<vmem>>) target_semaphore(%run_scoped3A : memref<!tpu.dma_semaphore, #tpu.memory_space<semaphore_mem>>)
      %dma_wait3A_182 = arith.constant 0 : i32
      %dma_wait3A_183 = arith.constant 0 : i32
      %dma_wait3A_184 = tpu.memref_slice %arg3[%add3A, %dma_wait3A_182, %dma_wait3A_183] : memref<32x8x128xi32, #tpu.memory_space<hbm>> -> memref<1x8x128xi32, #tpu.memory_space<hbm>>
      %dma_wait3A_185 = tpu.memref_squeeze %dma_wait3A_184 : memref<1x8x128xi32, #tpu.memory_space<hbm>> -> memref<8x128xi32, #tpu.memory_space<hbm>>
      %dma_wait3A_186 = arith.constant 0 : i32
      %dma_wait3A_187 = arith.constant 0 : i32
      %dma_wait3A_188 = tpu.memref_slice %arg3[%add3A, %dma_wait3A_186, %dma_wait3A_187] : memref<32x8x128xi32, #tpu.memory_space<hbm>> -> memref<1x8x128xi32, #tpu.memory_space<hbm>>
      %dma_wait3A_189 = tpu.memref_squeeze %dma_wait3A_188 : memref<1x8x128xi32, #tpu.memory_space<hbm>> -> memref<8x128xi32, #tpu.memory_space<hbm>>
      tpu.wait_dma2 semaphore(%run_scoped3A : memref<!tpu.dma_semaphore, #tpu.memory_space<semaphore_mem>>) src(%dma_wait3A_189 : memref<8x128xi32, #tpu.memory_space<hbm>>) dst(%arg5 : memref<8x128xi32, #tpu.memory_space<vmem>>)
      tpu.yield
    }) : () -> ()
    %mul3A_10 = arith.constant 1024 : i32
    %mul3A_11 = arith.muli %add3A, %mul3A_10 : i32
    %mul3A_12 = arith.constant 2 : i32
    %mul3A_13 = arith.muli %select_n3A_9, %mul3A_12 : i32
    %mul3A_14 = arith.constant 64 : i32
    %mul3A_15 = arith.muli %mul3A_13, %mul3A_14 : i32
    %dma_start3A = arith.constant 0 : i32
    %dma_start3A_16 = arith.constant 0 : i32
    %dma_start3A_17 = tpu.memref_slice %arg5[%dma_start3A, %dma_start3A_16] : memref<8x128xi32, #tpu.memory_space<vmem>> -> memref<1x128xi32, #tpu.memory_space<vmem>>
    %dma_start3A_18 = tpu.memref_squeeze %dma_start3A_17 : memref<1x128xi32, #tpu.memory_space<vmem>> -> memref<128xi32, #tpu.memory_space<vmem>>
    %dma_start3A_19 = arith.constant 0 : i32
    %dma_start3A_20 = tpu.memref_slice %arg2[%dma_start3A_19, %mul3A_15] : memref<4096x2048xf32, #tpu.memory_space<hbm>> -> memref<4096x128xf32, #tpu.memory_space<hbm>>
    %dma_start3A_21 = arith.constant 0 : i32
    %dma_start3A_22 = arith.constant 0 : i32
    %dma_start3A_23 = tpu.memref_slice %dma_start3A_20[%dma_start3A_21, %dma_start3A_22] : memref<4096x128xf32, #tpu.memory_space<hbm>> -> memref<4096x128xf32, #tpu.memory_space<hbm>>
    tpu.enqueue_indirect_dma source(%dma_start3A_23 : memref<4096x128xf32, #tpu.memory_space<hbm>>) target(%arg6 : memref<128x128xf32, #tpu.memory_space<vmem>>) offsets(%dma_start3A_18 : memref<128xi32, #tpu.memory_space<vmem>>) semaphore(%arg8 : memref<!tpu.dma_semaphore, #tpu.memory_space<semaphore_mem>>)
    %dma_start3A_24 = arith.constant 1 : i32
    %dma_start3A_25 = arith.constant 0 : i32
    %dma_start3A_26 = tpu.memref_slice %arg5[%dma_start3A_24, %dma_start3A_25] : memref<8x128xi32, #tpu.memory_space<vmem>> -> memref<1x128xi32, #tpu.memory_space<vmem>>
    %dma_start3A_27 = tpu.memref_squeeze %dma_start3A_26 : memref<1x128xi32, #tpu.memory_space<vmem>> -> memref<128xi32, #tpu.memory_space<vmem>>
    %dma_start3A_28 = arith.constant 0 : i32
    %dma_start3A_29 = tpu.memref_slice %arg2[%dma_start3A_28, %mul3A_15] : memref<4096x2048xf32, #tpu.memory_space<hbm>> -> memref<4096x128xf32, #tpu.memory_space<hbm>>
    %dma_start3A_30 = arith.constant 0 : i32
    %dma_start3A_31 = arith.constant 0 : i32
    %dma_start3A_32 = tpu.memref_slice %dma_start3A_29[%dma_start3A_30, %dma_start3A_31] : memref<4096x128xf32, #tpu.memory_space<hbm>> -> memref<4096x128xf32, #tpu.memory_space<hbm>>
    tpu.enqueue_indirect_dma source(%dma_start3A_32 : memref<4096x128xf32, #tpu.memory_space<hbm>>) target(%arg7 : memref<128x128xf32, #tpu.memory_space<vmem>>) offsets(%dma_start3A_27 : memref<128xi32, #tpu.memory_space<vmem>>) semaphore(%arg9 : memref<!tpu.dma_semaphore, #tpu.memory_space<semaphore_mem>>)
    %dma_wait3A = arith.constant 0 : i32
    %dma_wait3A_33 = arith.constant 0 : i32
    %dma_wait3A_34 = tpu.memref_slice %arg5[%dma_wait3A, %dma_wait3A_33] : memref<8x128xi32, #tpu.memory_space<vmem>> -> memref<1x128xi32, #tpu.memory_space<vmem>>
    %dma_wait3A_35 = tpu.memref_squeeze %dma_wait3A_34 : memref<1x128xi32, #tpu.memory_space<vmem>> -> memref<128xi32, #tpu.memory_space<vmem>>
    %dma_wait3A_36 = arith.constant 0 : i32
    %dma_wait3A_37 = tpu.memref_slice %arg2[%dma_wait3A_36, %mul3A_15] : memref<4096x2048xf32, #tpu.memory_space<hbm>> -> memref<4096x128xf32, #tpu.memory_space<hbm>>
    %dma_wait3A_38 = arith.constant 0 : i32
    %dma_wait3A_39 = arith.constant 0 : i32
    %dma_wait3A_40 = tpu.memref_slice %dma_wait3A_37[%dma_wait3A_38, %dma_wait3A_39] : memref<4096x128xf32, #tpu.memory_space<hbm>> -> memref<4096x128xf32, #tpu.memory_space<hbm>>
    tpu.wait_indirect_dma semaphore(%arg8 : memref<!tpu.dma_semaphore, #tpu.memory_space<semaphore_mem>>) src(%dma_wait3A_40 : memref<4096x128xf32, #tpu.memory_space<hbm>>) dst(%arg6 : memref<128x128xf32, #tpu.memory_space<vmem>>)
    %add3A_41 = arith.constant 0 : i32
    %add3A_42 = arith.addi %mul3A_11, %add3A_41 : i32
    "tpu.region"() ({
      %run_scoped3A = tpu.sem_alloc : memref<!tpu.dma_semaphore, #tpu.memory_space<semaphore_mem>>
      %dma_start3A_174 = arith.constant 0 : i32
      %dma_start3A_175 = tpu.memref_slice %arg4[%add3A_42, %dma_start3A_174] : memref<32768x128xf32, #tpu.memory_space<hbm>> -> memref<128x128xf32, #tpu.memory_space<hbm>>
      %dma_start3A_176 = arith.constant 0 : i32
      %dma_start3A_177 = tpu.memref_slice %arg4[%add3A_42, %dma_start3A_176] : memref<32768x128xf32, #tpu.memory_space<hbm>> -> memref<128x128xf32, #tpu.memory_space<hbm>>
      tpu.enqueue_dma source(%arg6 : memref<128x128xf32, #tpu.memory_space<vmem>>) target(%dma_start3A_177 : memref<128x128xf32, #tpu.memory_space<hbm>>) target_semaphore(%run_scoped3A : memref<!tpu.dma_semaphore, #tpu.memory_space<semaphore_mem>>)
      %dma_wait3A_178 = arith.constant 0 : i32
      %dma_wait3A_179 = tpu.memref_slice %arg4[%add3A_42, %dma_wait3A_178] : memref<32768x128xf32, #tpu.memory_space<hbm>> -> memref<128x128xf32, #tpu.memory_space<hbm>>
      %dma_wait3A_180 = arith.constant 0 : i32
      %dma_wait3A_181 = tpu.memref_slice %arg4[%add3A_42, %dma_wait3A_180] : memref<32768x128xf32, #tpu.memory_space<hbm>> -> memref<128x128xf32, #tpu.memory_space<hbm>>
      tpu.wait_dma2 semaphore(%run_scoped3A : memref<!tpu.dma_semaphore, #tpu.memory_space<semaphore_mem>>) src(%arg6 : memref<128x128xf32, #tpu.memory_space<vmem>>) dst(%dma_wait3A_181 : memref<128x128xf32, #tpu.memory_space<hbm>>)
      tpu.yield
    }) : () -> ()
    %dma_start3A_43 = arith.constant 2 : i32
    %dma_start3A_44 = arith.constant 0 : i32
    %dma_start3A_45 = tpu.memref_slice %arg5[%dma_start3A_43, %dma_start3A_44] : memref<8x128xi32, #tpu.memory_space<vmem>> -> memref<1x128xi32, #tpu.memory_space<vmem>>
    %dma_start3A_46 = tpu.memref_squeeze %dma_start3A_45 : memref<1x128xi32, #tpu.memory_space<vmem>> -> memref<128xi32, #tpu.memory_space<vmem>>
    %dma_start3A_47 = arith.constant 0 : i32
    %dma_start3A_48 = tpu.memref_slice %arg2[%dma_start3A_47, %mul3A_15] : memref<4096x2048xf32, #tpu.memory_space<hbm>> -> memref<4096x128xf32, #tpu.memory_space<hbm>>
    %dma_start3A_49 = arith.constant 0 : i32
    %dma_start3A_50 = arith.constant 0 : i32
    %dma_start3A_51 = tpu.memref_slice %dma_start3A_48[%dma_start3A_49, %dma_start3A_50] : memref<4096x128xf32, #tpu.memory_space<hbm>> -> memref<4096x128xf32, #tpu.memory_space<hbm>>
    tpu.enqueue_indirect_dma source(%dma_start3A_51 : memref<4096x128xf32, #tpu.memory_space<hbm>>) target(%arg6 : memref<128x128xf32, #tpu.memory_space<vmem>>) offsets(%dma_start3A_46 : memref<128xi32, #tpu.memory_space<vmem>>) semaphore(%arg8 : memref<!tpu.dma_semaphore, #tpu.memory_space<semaphore_mem>>)
    %dma_wait3A_52 = arith.constant 1 : i32
    %dma_wait3A_53 = arith.constant 0 : i32
    %dma_wait3A_54 = tpu.memref_slice %arg5[%dma_wait3A_52, %dma_wait3A_53] : memref<8x128xi32, #tpu.memory_space<vmem>> -> memref<1x128xi32, #tpu.memory_space<vmem>>
    %dma_wait3A_55 = tpu.memref_squeeze %dma_wait3A_54 : memref<1x128xi32, #tpu.memory_space<vmem>> -> memref<128xi32, #tpu.memory_space<vmem>>
    %dma_wait3A_56 = arith.constant 0 : i32
    %dma_wait3A_57 = tpu.memref_slice %arg2[%dma_wait3A_56, %mul3A_15] : memref<4096x2048xf32, #tpu.memory_space<hbm>> -> memref<4096x128xf32, #tpu.memory_space<hbm>>
    %dma_wait3A_58 = arith.constant 0 : i32
    %dma_wait3A_59 = arith.constant 0 : i32
    %dma_wait3A_60 = tpu.memref_slice %dma_wait3A_57[%dma_wait3A_58, %dma_wait3A_59] : memref<4096x128xf32, #tpu.memory_space<hbm>> -> memref<4096x128xf32, #tpu.memory_space<hbm>>
    tpu.wait_indirect_dma semaphore(%arg9 : memref<!tpu.dma_semaphore, #tpu.memory_space<semaphore_mem>>) src(%dma_wait3A_60 : memref<4096x128xf32, #tpu.memory_space<hbm>>) dst(%arg7 : memref<128x128xf32, #tpu.memory_space<vmem>>)
    %add3A_61 = arith.constant 128 : i32
    %add3A_62 = arith.addi %mul3A_11, %add3A_61 : i32
    "tpu.region"() ({
      %run_scoped3A = tpu.sem_alloc : memref<!tpu.dma_semaphore, #tpu.memory_space<semaphore_mem>>
      %dma_start3A_174 = arith.constant 0 : i32
      %dma_start3A_175 = tpu.memref_slice %arg4[%add3A_62, %dma_start3A_174] : memref<32768x128xf32, #tpu.memory_space<hbm>> -> memref<128x128xf32, #tpu.memory_space<hbm>>
      %dma_start3A_176 = arith.constant 0 : i32
      %dma_start3A_177 = tpu.memref_slice %arg4[%add3A_62, %dma_start3A_176] : memref<32768x128xf32, #tpu.memory_space<hbm>> -> memref<128x128xf32, #tpu.memory_space<hbm>>
      tpu.enqueue_dma source(%arg7 : memref<128x128xf32, #tpu.memory_space<vmem>>) target(%dma_start3A_177 : memref<128x128xf32, #tpu.memory_space<hbm>>) target_semaphore(%run_scoped3A : memref<!tpu.dma_semaphore, #tpu.memory_space<semaphore_mem>>)
      %dma_wait3A_178 = arith.constant 0 : i32
      %dma_wait3A_179 = tpu.memref_slice %arg4[%add3A_62, %dma_wait3A_178] : memref<32768x128xf32, #tpu.memory_space<hbm>> -> memref<128x128xf32, #tpu.memory_space<hbm>>
      %dma_wait3A_180 = arith.constant 0 : i32
      %dma_wait3A_181 = tpu.memref_slice %arg4[%add3A_62, %dma_wait3A_180] : memref<32768x128xf32, #tpu.memory_space<hbm>> -> memref<128x128xf32, #tpu.memory_space<hbm>>
      tpu.wait_dma2 semaphore(%run_scoped3A : memref<!tpu.dma_semaphore, #tpu.memory_space<semaphore_mem>>) src(%arg7 : memref<128x128xf32, #tpu.memory_space<vmem>>) dst(%dma_wait3A_181 : memref<128x128xf32, #tpu.memory_space<hbm>>)
      tpu.yield
    }) : () -> ()
    %dma_start3A_63 = arith.constant 3 : i32
    %dma_start3A_64 = arith.constant 0 : i32
    %dma_start3A_65 = tpu.memref_slice %arg5[%dma_start3A_63, %dma_start3A_64] : memref<8x128xi32, #tpu.memory_space<vmem>> -> memref<1x128xi32, #tpu.memory_space<vmem>>
    %dma_start3A_66 = tpu.memref_squeeze %dma_start3A_65 : memref<1x128xi32, #tpu.memory_space<vmem>> -> memref<128xi32, #tpu.memory_space<vmem>>
    %dma_start3A_67 = arith.constant 0 : i32
    %dma_start3A_68 = tpu.memref_slice %arg2[%dma_start3A_67, %mul3A_15] : memref<4096x2048xf32, #tpu.memory_space<hbm>> -> memref<4096x128xf32, #tpu.memory_space<hbm>>
    %dma_start3A_69 = arith.constant 0 : i32
    %dma_start3A_70 = arith.constant 0 : i32
    %dma_start3A_71 = tpu.memref_slice %dma_start3A_68[%dma_start3A_69, %dma_start3A_70] : memref<4096x128xf32, #tpu.memory_space<hbm>> -> memref<4096x128xf32, #tpu.memory_space<hbm>>
    tpu.enqueue_indirect_dma source(%dma_start3A_71 : memref<4096x128xf32, #tpu.memory_space<hbm>>) target(%arg7 : memref<128x128xf32, #tpu.memory_space<vmem>>) offsets(%dma_start3A_66 : memref<128xi32, #tpu.memory_space<vmem>>) semaphore(%arg9 : memref<!tpu.dma_semaphore, #tpu.memory_space<semaphore_mem>>)
    %dma_wait3A_72 = arith.constant 2 : i32
    %dma_wait3A_73 = arith.constant 0 : i32
    %dma_wait3A_74 = tpu.memref_slice %arg5[%dma_wait3A_72, %dma_wait3A_73] : memref<8x128xi32, #tpu.memory_space<vmem>> -> memref<1x128xi32, #tpu.memory_space<vmem>>
    %dma_wait3A_75 = tpu.memref_squeeze %dma_wait3A_74 : memref<1x128xi32, #tpu.memory_space<vmem>> -> memref<128xi32, #tpu.memory_space<vmem>>
    %dma_wait3A_76 = arith.constant 0 : i32
    %dma_wait3A_77 = tpu.memref_slice %arg2[%dma_wait3A_76, %mul3A_15] : memref<4096x2048xf32, #tpu.memory_space<hbm>> -> memref<4096x128xf32, #tpu.memory_space<hbm>>
    %dma_wait3A_78 = arith.constant 0 : i32
    %dma_wait3A_79 = arith.constant 0 : i32
    %dma_wait3A_80 = tpu.memref_slice %dma_wait3A_77[%dma_wait3A_78, %dma_wait3A_79] : memref<4096x128xf32, #tpu.memory_space<hbm>> -> memref<4096x128xf32, #tpu.memory_space<hbm>>
    tpu.wait_indirect_dma semaphore(%arg8 : memref<!tpu.dma_semaphore, #tpu.memory_space<semaphore_mem>>) src(%dma_wait3A_80 : memref<4096x128xf32, #tpu.memory_space<hbm>>) dst(%arg6 : memref<128x128xf32, #tpu.memory_space<vmem>>)
    %add3A_81 = arith.constant 256 : i32
    %add3A_82 = arith.addi %mul3A_11, %add3A_81 : i32
    "tpu.region"() ({
      %run_scoped3A = tpu.sem_alloc : memref<!tpu.dma_semaphore, #tpu.memory_space<semaphore_mem>>
      %dma_start3A_174 = arith.constant 0 : i32
      %dma_start3A_175 = tpu.memref_slice %arg4[%add3A_82, %dma_start3A_174] : memref<32768x128xf32, #tpu.memory_space<hbm>> -> memref<128x128xf32, #tpu.memory_space<hbm>>
      %dma_start3A_176 = arith.constant 0 : i32
      %dma_start3A_177 = tpu.memref_slice %arg4[%add3A_82, %dma_start3A_176] : memref<32768x128xf32, #tpu.memory_space<hbm>> -> memref<128x128xf32, #tpu.memory_space<hbm>>
      tpu.enqueue_dma source(%arg6 : memref<128x128xf32, #tpu.memory_space<vmem>>) target(%dma_start3A_177 : memref<128x128xf32, #tpu.memory_space<hbm>>) target_semaphore(%run_scoped3A : memref<!tpu.dma_semaphore, #tpu.memory_space<semaphore_mem>>)
      %dma_wait3A_178 = arith.constant 0 : i32
      %dma_wait3A_179 = tpu.memref_slice %arg4[%add3A_82, %dma_wait3A_178] : memref<32768x128xf32, #tpu.memory_space<hbm>> -> memref<128x128xf32, #tpu.memory_space<hbm>>
      %dma_wait3A_180 = arith.constant 0 : i32
      %dma_wait3A_181 = tpu.memref_slice %arg4[%add3A_82, %dma_wait3A_180] : memref<32768x128xf32, #tpu.memory_space<hbm>> -> memref<128x128xf32, #tpu.memory_space<hbm>>
      tpu.wait_dma2 semaphore(%run_scoped3A : memref<!tpu.dma_semaphore, #tpu.memory_space<semaphore_mem>>) src(%arg6 : memref<128x128xf32, #tpu.memory_space<vmem>>) dst(%dma_wait3A_181 : memref<128x128xf32, #tpu.memory_space<hbm>>)
      tpu.yield
    }) : () -> ()
    %dma_start3A_83 = arith.constant 4 : i32
    %dma_start3A_84 = arith.constant 0 : i32
    %dma_start3A_85 = tpu.memref_slice %arg5[%dma_start3A_83, %dma_start3A_84] : memref<8x128xi32, #tpu.memory_space<vmem>> -> memref<1x128xi32, #tpu.memory_space<vmem>>
    %dma_start3A_86 = tpu.memref_squeeze %dma_start3A_85 : memref<1x128xi32, #tpu.memory_space<vmem>> -> memref<128xi32, #tpu.memory_space<vmem>>
    %dma_start3A_87 = arith.constant 0 : i32
    %dma_start3A_88 = tpu.memref_slice %arg2[%dma_start3A_87, %mul3A_15] : memref<4096x2048xf32, #tpu.memory_space<hbm>> -> memref<4096x128xf32, #tpu.memory_space<hbm>>
    %dma_start3A_89 = arith.constant 0 : i32
    %dma_start3A_90 = arith.constant 0 : i32
    %dma_start3A_91 = tpu.memref_slice %dma_start3A_88[%dma_start3A_89, %dma_start3A_90] : memref<4096x128xf32, #tpu.memory_space<hbm>> -> memref<4096x128xf32, #tpu.memory_space<hbm>>
    tpu.enqueue_indirect_dma source(%dma_start3A_91 : memref<4096x128xf32, #tpu.memory_space<hbm>>) target(%arg6 : memref<128x128xf32, #tpu.memory_space<vmem>>) offsets(%dma_start3A_86 : memref<128xi32, #tpu.memory_space<vmem>>) semaphore(%arg8 : memref<!tpu.dma_semaphore, #tpu.memory_space<semaphore_mem>>)
    %dma_wait3A_92 = arith.constant 3 : i32
    %dma_wait3A_93 = arith.constant 0 : i32
    %dma_wait3A_94 = tpu.memref_slice %arg5[%dma_wait3A_92, %dma_wait3A_93] : memref<8x128xi32, #tpu.memory_space<vmem>> -> memref<1x128xi32, #tpu.memory_space<vmem>>
    %dma_wait3A_95 = tpu.memref_squeeze %dma_wait3A_94 : memref<1x128xi32, #tpu.memory_space<vmem>> -> memref<128xi32, #tpu.memory_space<vmem>>
    %dma_wait3A_96 = arith.constant 0 : i32
    %dma_wait3A_97 = tpu.memref_slice %arg2[%dma_wait3A_96, %mul3A_15] : memref<4096x2048xf32, #tpu.memory_space<hbm>> -> memref<4096x128xf32, #tpu.memory_space<hbm>>
    %dma_wait3A_98 = arith.constant 0 : i32
    %dma_wait3A_99 = arith.constant 0 : i32
    %dma_wait3A_100 = tpu.memref_slice %dma_wait3A_97[%dma_wait3A_98, %dma_wait3A_99] : memref<4096x128xf32, #tpu.memory_space<hbm>> -> memref<4096x128xf32, #tpu.memory_space<hbm>>
    tpu.wait_indirect_dma semaphore(%arg9 : memref<!tpu.dma_semaphore, #tpu.memory_space<semaphore_mem>>) src(%dma_wait3A_100 : memref<4096x128xf32, #tpu.memory_space<hbm>>) dst(%arg7 : memref<128x128xf32, #tpu.memory_space<vmem>>)
    %add3A_101 = arith.constant 384 : i32
    %add3A_102 = arith.addi %mul3A_11, %add3A_101 : i32
    "tpu.region"() ({
      %run_scoped3A = tpu.sem_alloc : memref<!tpu.dma_semaphore, #tpu.memory_space<semaphore_mem>>
      %dma_start3A_174 = arith.constant 0 : i32
      %dma_start3A_175 = tpu.memref_slice %arg4[%add3A_102, %dma_start3A_174] : memref<32768x128xf32, #tpu.memory_space<hbm>> -> memref<128x128xf32, #tpu.memory_space<hbm>>
      %dma_start3A_176 = arith.constant 0 : i32
      %dma_start3A_177 = tpu.memref_slice %arg4[%add3A_102, %dma_start3A_176] : memref<32768x128xf32, #tpu.memory_space<hbm>> -> memref<128x128xf32, #tpu.memory_space<hbm>>
      tpu.enqueue_dma source(%arg7 : memref<128x128xf32, #tpu.memory_space<vmem>>) target(%dma_start3A_177 : memref<128x128xf32, #tpu.memory_space<hbm>>) target_semaphore(%run_scoped3A : memref<!tpu.dma_semaphore, #tpu.memory_space<semaphore_mem>>)
      %dma_wait3A_178 = arith.constant 0 : i32
      %dma_wait3A_179 = tpu.memref_slice %arg4[%add3A_102, %dma_wait3A_178] : memref<32768x128xf32, #tpu.memory_space<hbm>> -> memref<128x128xf32, #tpu.memory_space<hbm>>
      %dma_wait3A_180 = arith.constant 0 : i32
      %dma_wait3A_181 = tpu.memref_slice %arg4[%add3A_102, %dma_wait3A_180] : memref<32768x128xf32, #tpu.memory_space<hbm>> -> memref<128x128xf32, #tpu.memory_space<hbm>>
      tpu.wait_dma2 semaphore(%run_scoped3A : memref<!tpu.dma_semaphore, #tpu.memory_space<semaphore_mem>>) src(%arg7 : memref<128x128xf32, #tpu.memory_space<vmem>>) dst(%dma_wait3A_181 : memref<128x128xf32, #tpu.memory_space<hbm>>)
      tpu.yield
    }) : () -> ()
    %dma_start3A_103 = arith.constant 5 : i32
    %dma_start3A_104 = arith.constant 0 : i32
    %dma_start3A_105 = tpu.memref_slice %arg5[%dma_start3A_103, %dma_start3A_104] : memref<8x128xi32, #tpu.memory_space<vmem>> -> memref<1x128xi32, #tpu.memory_space<vmem>>
    %dma_start3A_106 = tpu.memref_squeeze %dma_start3A_105 : memref<1x128xi32, #tpu.memory_space<vmem>> -> memref<128xi32, #tpu.memory_space<vmem>>
    %dma_start3A_107 = arith.constant 0 : i32
    %dma_start3A_108 = tpu.memref_slice %arg2[%dma_start3A_107, %mul3A_15] : memref<4096x2048xf32, #tpu.memory_space<hbm>> -> memref<4096x128xf32, #tpu.memory_space<hbm>>
    %dma_start3A_109 = arith.constant 0 : i32
    %dma_start3A_110 = arith.constant 0 : i32
    %dma_start3A_111 = tpu.memref_slice %dma_start3A_108[%dma_start3A_109, %dma_start3A_110] : memref<4096x128xf32, #tpu.memory_space<hbm>> -> memref<4096x128xf32, #tpu.memory_space<hbm>>
    tpu.enqueue_indirect_dma source(%dma_start3A_111 : memref<4096x128xf32, #tpu.memory_space<hbm>>) target(%arg7 : memref<128x128xf32, #tpu.memory_space<vmem>>) offsets(%dma_start3A_106 : memref<128xi32, #tpu.memory_space<vmem>>) semaphore(%arg9 : memref<!tpu.dma_semaphore, #tpu.memory_space<semaphore_mem>>)
    %dma_wait3A_112 = arith.constant 4 : i32
    %dma_wait3A_113 = arith.constant 0 : i32
    %dma_wait3A_114 = tpu.memref_slice %arg5[%dma_wait3A_112, %dma_wait3A_113] : memref<8x128xi32, #tpu.memory_space<vmem>> -> memref<1x128xi32, #tpu.memory_space<vmem>>
    %dma_wait3A_115 = tpu.memref_squeeze %dma_wait3A_114 : memref<1x128xi32, #tpu.memory_space<vmem>> -> memref<128xi32, #tpu.memory_space<vmem>>
    %dma_wait3A_116 = arith.constant 0 : i32
    %dma_wait3A_117 = tpu.memref_slice %arg2[%dma_wait3A_116, %mul3A_15] : memref<4096x2048xf32, #tpu.memory_space<hbm>> -> memref<4096x128xf32, #tpu.memory_space<hbm>>
    %dma_wait3A_118 = arith.constant 0 : i32
    %dma_wait3A_119 = arith.constant 0 : i32
    %dma_wait3A_120 = tpu.memref_slice %dma_wait3A_117[%dma_wait3A_118, %dma_wait3A_119] : memref<4096x128xf32, #tpu.memory_space<hbm>> -> memref<4096x128xf32, #tpu.memory_space<hbm>>
    tpu.wait_indirect_dma semaphore(%arg8 : memref<!tpu.dma_semaphore, #tpu.memory_space<semaphore_mem>>) src(%dma_wait3A_120 : memref<4096x128xf32, #tpu.memory_space<hbm>>) dst(%arg6 : memref<128x128xf32, #tpu.memory_space<vmem>>)
    %add3A_121 = arith.constant 512 : i32
    %add3A_122 = arith.addi %mul3A_11, %add3A_121 : i32
    "tpu.region"() ({
      %run_scoped3A = tpu.sem_alloc : memref<!tpu.dma_semaphore, #tpu.memory_space<semaphore_mem>>
      %dma_start3A_174 = arith.constant 0 : i32
      %dma_start3A_175 = tpu.memref_slice %arg4[%add3A_122, %dma_start3A_174] : memref<32768x128xf32, #tpu.memory_space<hbm>> -> memref<128x128xf32, #tpu.memory_space<hbm>>
      %dma_start3A_176 = arith.constant 0 : i32
      %dma_start3A_177 = tpu.memref_slice %arg4[%add3A_122, %dma_start3A_176] : memref<32768x128xf32, #tpu.memory_space<hbm>> -> memref<128x128xf32, #tpu.memory_space<hbm>>
      tpu.enqueue_dma source(%arg6 : memref<128x128xf32, #tpu.memory_space<vmem>>) target(%dma_start3A_177 : memref<128x128xf32, #tpu.memory_space<hbm>>) target_semaphore(%run_scoped3A : memref<!tpu.dma_semaphore, #tpu.memory_space<semaphore_mem>>)
      %dma_wait3A_178 = arith.constant 0 : i32
      %dma_wait3A_179 = tpu.memref_slice %arg4[%add3A_122, %dma_wait3A_178] : memref<32768x128xf32, #tpu.memory_space<hbm>> -> memref<128x128xf32, #tpu.memory_space<hbm>>
      %dma_wait3A_180 = arith.constant 0 : i32
      %dma_wait3A_181 = tpu.memref_slice %arg4[%add3A_122, %dma_wait3A_180] : memref<32768x128xf32, #tpu.memory_space<hbm>> -> memref<128x128xf32, #tpu.memory_space<hbm>>
      tpu.wait_dma2 semaphore(%run_scoped3A : memref<!tpu.dma_semaphore, #tpu.memory_space<semaphore_mem>>) src(%arg6 : memref<128x128xf32, #tpu.memory_space<vmem>>) dst(%dma_wait3A_181 : memref<128x128xf32, #tpu.memory_space<hbm>>)
      tpu.yield
    }) : () -> ()
    %dma_start3A_123 = arith.constant 6 : i32
    %dma_start3A_124 = arith.constant 0 : i32
    %dma_start3A_125 = tpu.memref_slice %arg5[%dma_start3A_123, %dma_start3A_124] : memref<8x128xi32, #tpu.memory_space<vmem>> -> memref<1x128xi32, #tpu.memory_space<vmem>>
    %dma_start3A_126 = tpu.memref_squeeze %dma_start3A_125 : memref<1x128xi32, #tpu.memory_space<vmem>> -> memref<128xi32, #tpu.memory_space<vmem>>
    %dma_start3A_127 = arith.constant 0 : i32
    %dma_start3A_128 = tpu.memref_slice %arg2[%dma_start3A_127, %mul3A_15] : memref<4096x2048xf32, #tpu.memory_space<hbm>> -> memref<4096x128xf32, #tpu.memory_space<hbm>>
    %dma_start3A_129 = arith.constant 0 : i32
    %dma_start3A_130 = arith.constant 0 : i32
    %dma_start3A_131 = tpu.memref_slice %dma_start3A_128[%dma_start3A_129, %dma_start3A_130] : memref<4096x128xf32, #tpu.memory_space<hbm>> -> memref<4096x128xf32, #tpu.memory_space<hbm>>
    tpu.enqueue_indirect_dma source(%dma_start3A_131 : memref<4096x128xf32, #tpu.memory_space<hbm>>) target(%arg6 : memref<128x128xf32, #tpu.memory_space<vmem>>) offsets(%dma_start3A_126 : memref<128xi32, #tpu.memory_space<vmem>>) semaphore(%arg8 : memref<!tpu.dma_semaphore, #tpu.memory_space<semaphore_mem>>)
    %dma_wait3A_132 = arith.constant 5 : i32
    %dma_wait3A_133 = arith.constant 0 : i32
    %dma_wait3A_134 = tpu.memref_slice %arg5[%dma_wait3A_132, %dma_wait3A_133] : memref<8x128xi32, #tpu.memory_space<vmem>> -> memref<1x128xi32, #tpu.memory_space<vmem>>
    %dma_wait3A_135 = tpu.memref_squeeze %dma_wait3A_134 : memref<1x128xi32, #tpu.memory_space<vmem>> -> memref<128xi32, #tpu.memory_space<vmem>>
    %dma_wait3A_136 = arith.constant 0 : i32
    %dma_wait3A_137 = tpu.memref_slice %arg2[%dma_wait3A_136, %mul3A_15] : memref<4096x2048xf32, #tpu.memory_space<hbm>> -> memref<4096x128xf32, #tpu.memory_space<hbm>>
    %dma_wait3A_138 = arith.constant 0 : i32
    %dma_wait3A_139 = arith.constant 0 : i32
    %dma_wait3A_140 = tpu.memref_slice %dma_wait3A_137[%dma_wait3A_138, %dma_wait3A_139] : memref<4096x128xf32, #tpu.memory_space<hbm>> -> memref<4096x128xf32, #tpu.memory_space<hbm>>
    tpu.wait_indirect_dma semaphore(%arg9 : memref<!tpu.dma_semaphore, #tpu.memory_space<semaphore_mem>>) src(%dma_wait3A_140 : memref<4096x128xf32, #tpu.memory_space<hbm>>) dst(%arg7 : memref<128x128xf32, #tpu.memory_space<vmem>>)
    %add3A_141 = arith.constant 640 : i32
    %add3A_142 = arith.addi %mul3A_11, %add3A_141 : i32
    "tpu.region"() ({
      %run_scoped3A = tpu.sem_alloc : memref<!tpu.dma_semaphore, #tpu.memory_space<semaphore_mem>>
      %dma_start3A_174 = arith.constant 0 : i32
      %dma_start3A_175 = tpu.memref_slice %arg4[%add3A_142, %dma_start3A_174] : memref<32768x128xf32, #tpu.memory_space<hbm>> -> memref<128x128xf32, #tpu.memory_space<hbm>>
      %dma_start3A_176 = arith.constant 0 : i32
      %dma_start3A_177 = tpu.memref_slice %arg4[%add3A_142, %dma_start3A_176] : memref<32768x128xf32, #tpu.memory_space<hbm>> -> memref<128x128xf32, #tpu.memory_space<hbm>>
      tpu.enqueue_dma source(%arg7 : memref<128x128xf32, #tpu.memory_space<vmem>>) target(%dma_start3A_177 : memref<128x128xf32, #tpu.memory_space<hbm>>) target_semaphore(%run_scoped3A : memref<!tpu.dma_semaphore, #tpu.memory_space<semaphore_mem>>)
      %dma_wait3A_178 = arith.constant 0 : i32
      %dma_wait3A_179 = tpu.memref_slice %arg4[%add3A_142, %dma_wait3A_178] : memref<32768x128xf32, #tpu.memory_space<hbm>> -> memref<128x128xf32, #tpu.memory_space<hbm>>
      %dma_wait3A_180 = arith.constant 0 : i32
      %dma_wait3A_181 = tpu.memref_slice %arg4[%add3A_142, %dma_wait3A_180] : memref<32768x128xf32, #tpu.memory_space<hbm>> -> memref<128x128xf32, #tpu.memory_space<hbm>>
      tpu.wait_dma2 semaphore(%run_scoped3A : memref<!tpu.dma_semaphore, #tpu.memory_space<semaphore_mem>>) src(%arg7 : memref<128x128xf32, #tpu.memory_space<vmem>>) dst(%dma_wait3A_181 : memref<128x128xf32, #tpu.memory_space<hbm>>)
      tpu.yield
    }) : () -> ()
    %dma_start3A_143 = arith.constant 7 : i32
    %dma_start3A_144 = arith.constant 0 : i32
    %dma_start3A_145 = tpu.memref_slice %arg5[%dma_start3A_143, %dma_start3A_144] : memref<8x128xi32, #tpu.memory_space<vmem>> -> memref<1x128xi32, #tpu.memory_space<vmem>>
    %dma_start3A_146 = tpu.memref_squeeze %dma_start3A_145 : memref<1x128xi32, #tpu.memory_space<vmem>> -> memref<128xi32, #tpu.memory_space<vmem>>
    %dma_start3A_147 = arith.constant 0 : i32
    %dma_start3A_148 = tpu.memref_slice %arg2[%dma_start3A_147, %mul3A_15] : memref<4096x2048xf32, #tpu.memory_space<hbm>> -> memref<4096x128xf32, #tpu.memory_space<hbm>>
    %dma_start3A_149 = arith.constant 0 : i32
    %dma_start3A_150 = arith.constant 0 : i32
    %dma_start3A_151 = tpu.memref_slice %dma_start3A_148[%dma_start3A_149, %dma_start3A_150] : memref<4096x128xf32, #tpu.memory_space<hbm>> -> memref<4096x128xf32, #tpu.memory_space<hbm>>
    tpu.enqueue_indirect_dma source(%dma_start3A_151 : memref<4096x128xf32, #tpu.memory_space<hbm>>) target(%arg7 : memref<128x128xf32, #tpu.memory_space<vmem>>) offsets(%dma_start3A_146 : memref<128xi32, #tpu.memory_space<vmem>>) semaphore(%arg9 : memref<!tpu.dma_semaphore, #tpu.memory_space<semaphore_mem>>)
    %dma_wait3A_152 = arith.constant 6 : i32
    %dma_wait3A_153 = arith.constant 0 : i32
    %dma_wait3A_154 = tpu.memref_slice %arg5[%dma_wait3A_152, %dma_wait3A_153] : memref<8x128xi32, #tpu.memory_space<vmem>> -> memref<1x128xi32, #tpu.memory_space<vmem>>
    %dma_wait3A_155 = tpu.memref_squeeze %dma_wait3A_154 : memref<1x128xi32, #tpu.memory_space<vmem>> -> memref<128xi32, #tpu.memory_space<vmem>>
    %dma_wait3A_156 = arith.constant 0 : i32
    %dma_wait3A_157 = tpu.memref_slice %arg2[%dma_wait3A_156, %mul3A_15] : memref<4096x2048xf32, #tpu.memory_space<hbm>> -> memref<4096x128xf32, #tpu.memory_space<hbm>>
    %dma_wait3A_158 = arith.constant 0 : i32
    %dma_wait3A_159 = arith.constant 0 : i32
    %dma_wait3A_160 = tpu.memref_slice %dma_wait3A_157[%dma_wait3A_158, %dma_wait3A_159] : memref<4096x128xf32, #tpu.memory_space<hbm>> -> memref<4096x128xf32, #tpu.memory_space<hbm>>
    tpu.wait_indirect_dma semaphore(%arg8 : memref<!tpu.dma_semaphore, #tpu.memory_space<semaphore_mem>>) src(%dma_wait3A_160 : memref<4096x128xf32, #tpu.memory_space<hbm>>) dst(%arg6 : memref<128x128xf32, #tpu.memory_space<vmem>>)
    %add3A_161 = arith.constant 768 : i32
    %add3A_162 = arith.addi %mul3A_11, %add3A_161 : i32
    "tpu.region"() ({
      %run_scoped3A = tpu.sem_alloc : memref<!tpu.dma_semaphore, #tpu.memory_space<semaphore_mem>>
      %dma_start3A_174 = arith.constant 0 : i32
      %dma_start3A_175 = tpu.memref_slice %arg4[%add3A_162, %dma_start3A_174] : memref<32768x128xf32, #tpu.memory_space<hbm>> -> memref<128x128xf32, #tpu.memory_space<hbm>>
      %dma_start3A_176 = arith.constant 0 : i32
      %dma_start3A_177 = tpu.memref_slice %arg4[%add3A_162, %dma_start3A_176] : memref<32768x128xf32, #tpu.memory_space<hbm>> -> memref<128x128xf32, #tpu.memory_space<hbm>>
      tpu.enqueue_dma source(%arg6 : memref<128x128xf32, #tpu.memory_space<vmem>>) target(%dma_start3A_177 : memref<128x128xf32, #tpu.memory_space<hbm>>) target_semaphore(%run_scoped3A : memref<!tpu.dma_semaphore, #tpu.memory_space<semaphore_mem>>)
      %dma_wait3A_178 = arith.constant 0 : i32
      %dma_wait3A_179 = tpu.memref_slice %arg4[%add3A_162, %dma_wait3A_178] : memref<32768x128xf32, #tpu.memory_space<hbm>> -> memref<128x128xf32, #tpu.memory_space<hbm>>
      %dma_wait3A_180 = arith.constant 0 : i32
      %dma_wait3A_181 = tpu.memref_slice %arg4[%add3A_162, %dma_wait3A_180] : memref<32768x128xf32, #tpu.memory_space<hbm>> -> memref<128x128xf32, #tpu.memory_space<hbm>>
      tpu.wait_dma2 semaphore(%run_scoped3A : memref<!tpu.dma_semaphore, #tpu.memory_space<semaphore_mem>>) src(%arg6 : memref<128x128xf32, #tpu.memory_space<vmem>>) dst(%dma_wait3A_181 : memref<128x128xf32, #tpu.memory_space<hbm>>)
      tpu.yield
    }) : () -> ()
    %dma_wait3A_163 = arith.constant 7 : i32
    %dma_wait3A_164 = arith.constant 0 : i32
    %dma_wait3A_165 = tpu.memref_slice %arg5[%dma_wait3A_163, %dma_wait3A_164] : memref<8x128xi32, #tpu.memory_space<vmem>> -> memref<1x128xi32, #tpu.memory_space<vmem>>
    %dma_wait3A_166 = tpu.memref_squeeze %dma_wait3A_165 : memref<1x128xi32, #tpu.memory_space<vmem>> -> memref<128xi32, #tpu.memory_space<vmem>>
    %dma_wait3A_167 = arith.constant 0 : i32
    %dma_wait3A_168 = tpu.memref_slice %arg2[%dma_wait3A_167, %mul3A_15] : memref<4096x2048xf32, #tpu.memory_space<hbm>> -> memref<4096x128xf32, #tpu.memory_space<hbm>>
    %dma_wait3A_169 = arith.constant 0 : i32
    %dma_wait3A_170 = arith.constant 0 : i32
    %dma_wait3A_171 = tpu.memref_slice %dma_wait3A_168[%dma_wait3A_169, %dma_wait3A_170] : memref<4096x128xf32, #tpu.memory_space<hbm>> -> memref<4096x128xf32, #tpu.memory_space<hbm>>
    tpu.wait_indirect_dma semaphore(%arg9 : memref<!tpu.dma_semaphore, #tpu.memory_space<semaphore_mem>>) src(%dma_wait3A_171 : memref<4096x128xf32, #tpu.memory_space<hbm>>) dst(%arg7 : memref<128x128xf32, #tpu.memory_space<vmem>>)
    %add3A_172 = arith.constant 896 : i32
    %add3A_173 = arith.addi %mul3A_11, %add3A_172 : i32
    "tpu.region"() ({
      %run_scoped3A = tpu.sem_alloc : memref<!tpu.dma_semaphore, #tpu.memory_space<semaphore_mem>>
      %dma_start3A_174 = arith.constant 0 : i32
      %dma_start3A_175 = tpu.memref_slice %arg4[%add3A_173, %dma_start3A_174] : memref<32768x128xf32, #tpu.memory_space<hbm>> -> memref<128x128xf32, #tpu.memory_space<hbm>>
      %dma_start3A_176 = arith.constant 0 : i32
      %dma_start3A_177 = tpu.memref_slice %arg4[%add3A_173, %dma_start3A_176] : memref<32768x128xf32, #tpu.memory_space<hbm>> -> memref<128x128xf32, #tpu.memory_space<hbm>>
      tpu.enqueue_dma source(%arg7 : memref<128x128xf32, #tpu.memory_space<vmem>>) target(%dma_start3A_177 : memref<128x128xf32, #tpu.memory_space<hbm>>) target_semaphore(%run_scoped3A : memref<!tpu.dma_semaphore, #tpu.memory_space<semaphore_mem>>)
      %dma_wait3A_178 = arith.constant 0 : i32
      %dma_wait3A_179 = tpu.memref_slice %arg4[%add3A_173, %dma_wait3A_178] : memref<32768x128xf32, #tpu.memory_space<hbm>> -> memref<128x128xf32, #tpu.memory_space<hbm>>
      %dma_wait3A_180 = arith.constant 0 : i32
      %dma_wait3A_181 = tpu.memref_slice %arg4[%add3A_173, %dma_wait3A_180] : memref<32768x128xf32, #tpu.memory_space<hbm>> -> memref<128x128xf32, #tpu.memory_space<hbm>>
      tpu.wait_dma2 semaphore(%run_scoped3A : memref<!tpu.dma_semaphore, #tpu.memory_space<semaphore_mem>>) src(%arg7 : memref<128x128xf32, #tpu.memory_space<vmem>>) dst(%dma_wait3A_181 : memref<128x128xf32, #tpu.memory_space<hbm>>)
      tpu.yield
    }) : () -> ()
    return
  }
}

#map = affine_map<(d0, d1) -> (0, 0)>
module attributes {stable_mosaic.version = 14 : i64} {
  func.func @_select_body(%arg0: i32, %arg1: i32, %arg2: memref<32x2048xi32, #tpu.memory_space<hbm>>, %arg3: memref<32x1024xi32, #tpu.memory_space<hbm>>, %arg4: memref<2048xi32, #tpu.memory_space<vmem>>, %arg5: memref<1040xi32, #tpu.memory_space<vmem>>) attributes {dimension_semantics = [#tpu.dimension_semantics<core_parallel>, #tpu.dimension_semantics<subcore_parallel>], iteration_bounds = array<i64: 2, 16>, scalar_prefetch = 0 : i64, scratch_operands = 2 : i64, tpu.core_type = #tpu.core_type<sc_vector_subcore>, window_params = [{transform_indices = #map}, {transform_indices = #map}]} {
    %mul3A = arith.constant 16 : i32
    %mul3A_0 = arith.muli %arg0, %mul3A : i32
    %add3A = arith.addi %mul3A_0, %arg1 : i32
    "tpu.region"() ({
      %run_scoped3A = tpu.sem_alloc : memref<!tpu.dma_semaphore, #tpu.memory_space<semaphore_mem>>
      %dma_start3A = arith.constant 0 : i32
      %dma_start3A_53 = tpu.memref_slice %arg2[%add3A, %dma_start3A] : memref<32x2048xi32, #tpu.memory_space<hbm>> -> memref<1x2048xi32, #tpu.memory_space<hbm>>
      %dma_start3A_54 = tpu.memref_squeeze %dma_start3A_53 : memref<1x2048xi32, #tpu.memory_space<hbm>> -> memref<2048xi32, #tpu.memory_space<hbm>>
      %dma_start3A_55 = arith.constant 0 : i32
      %dma_start3A_56 = tpu.memref_slice %arg2[%add3A, %dma_start3A_55] : memref<32x2048xi32, #tpu.memory_space<hbm>> -> memref<1x2048xi32, #tpu.memory_space<hbm>>
      %dma_start3A_57 = tpu.memref_squeeze %dma_start3A_56 : memref<1x2048xi32, #tpu.memory_space<hbm>> -> memref<2048xi32, #tpu.memory_space<hbm>>
      tpu.enqueue_dma source(%dma_start3A_57 : memref<2048xi32, #tpu.memory_space<hbm>>) target(%arg4 : memref<2048xi32, #tpu.memory_space<vmem>>) target_semaphore(%run_scoped3A : memref<!tpu.dma_semaphore, #tpu.memory_space<semaphore_mem>>)
      %dma_wait3A = arith.constant 0 : i32
      %dma_wait3A_58 = tpu.memref_slice %arg2[%add3A, %dma_wait3A] : memref<32x2048xi32, #tpu.memory_space<hbm>> -> memref<1x2048xi32, #tpu.memory_space<hbm>>
      %dma_wait3A_59 = tpu.memref_squeeze %dma_wait3A_58 : memref<1x2048xi32, #tpu.memory_space<hbm>> -> memref<2048xi32, #tpu.memory_space<hbm>>
      %dma_wait3A_60 = arith.constant 0 : i32
      %dma_wait3A_61 = tpu.memref_slice %arg2[%add3A, %dma_wait3A_60] : memref<32x2048xi32, #tpu.memory_space<hbm>> -> memref<1x2048xi32, #tpu.memory_space<hbm>>
      %dma_wait3A_62 = tpu.memref_squeeze %dma_wait3A_61 : memref<1x2048xi32, #tpu.memory_space<hbm>> -> memref<2048xi32, #tpu.memory_space<hbm>>
      tpu.wait_dma2 semaphore(%run_scoped3A : memref<!tpu.dma_semaphore, #tpu.memory_space<semaphore_mem>>) src(%dma_wait3A_62 : memref<2048xi32, #tpu.memory_space<hbm>>) dst(%arg4 : memref<2048xi32, #tpu.memory_space<vmem>>)
      tpu.yield
    }) : () -> ()
    %scan3A = arith.constant 0 : i32
    %scan3A_1 = arith.constant 1065353216 : i32
    %scan3A_2 = arith.constant 0 : i32
    %scan3A_3 = arith.constant 31 : i32
    %scan3A_4 = arith.addi %scan3A_2, %scan3A_3 : i32
    %scan3A_5 = arith.constant 1 : i32
    %scan3A_6:2 = scf.for %scan3A_53 = %scan3A_2 to %scan3A_4 step %scan3A_5 iter_args(%scan3A_54 = %scan3A, %scan3A_55 = %scan3A_1) -> (i32, i32)  : i32 {
      %add3A_56 = arith.addi %scan3A_54, %scan3A_55 : i32
      %shift_right_arithmetic3A = arith.constant 1 : i32
      %shift_right_arithmetic3A_57 = arith.shrsi %add3A_56, %shift_right_arithmetic3A : i32
      %broadcast_in_dim3A_58 = arith.constant 0 : i32
      %broadcast_in_dim3A_59 = vector.broadcast %broadcast_in_dim3A_58 : i32 to vector<16xi32>
      %scan3A_60 = arith.constant 0 : i32
      %scan3A_61 = arith.constant 128 : i32
      %scan3A_62 = arith.addi %scan3A_60, %scan3A_61 : i32
      %scan3A_63 = arith.constant 1 : i32
      %scan3A_64 = scf.for %scan3A_73 = %scan3A_60 to %scan3A_62 step %scan3A_63 iter_args(%scan3A_74 = %broadcast_in_dim3A_59) -> (vector<16xi32>)  : i32 {
        %mul3A_75 = arith.constant 16 : i32
        %mul3A_76 = arith.muli %scan3A_73, %mul3A_75 : i32
        %get3A = arith.index_cast %mul3A_76 : i32 to index
        %get3A_77 = tpu.vector_load %arg4[%get3A] {strides = array<i32>} : memref<2048xi32, #tpu.memory_space<vmem>>, vector<16xi32>,
        %ge3A_78 = vector.broadcast %shift_right_arithmetic3A_57 : i32 to vector<16xi32>
        %ge3A_79 = arith.cmpi sge, %get3A_77, %ge3A_78 : vector<16xi32>
        %jit3A_80 = arith.constant 1 : i32
        %jit3A_81 = arith.constant 0 : i32
        %broadcast_in_dim3A_82 = vector.broadcast %jit3A_80 : i32 to vector<16xi32>
        %broadcast_in_dim3A_83 = vector.broadcast %jit3A_81 : i32 to vector<16xi32>
        %select_n3A_84 = arith.select %ge3A_79, %broadcast_in_dim3A_82, %broadcast_in_dim3A_83 : vector<16xi1>, vector<16xi32>
        %add3A_85 = arith.addi %scan3A_74, %select_n3A_84 : vector<16xi32>
        scf.yield %add3A_85 : vector<16xi32>
      }
      %scan3A_65 = arith.constant 128 : i32
      %reduce_sum3A_66 = arith.constant true
      %reduce_sum3A_67 = vector.broadcast %reduce_sum3A_66 : i1 to vector<16xi1>
      %reduce_sum3A_68 = tpu.scan <sum>, %scan3A_64 masked %reduce_sum3A_67 : vector<16xi32>, vector<16xi1> -> vector<16xi32>
      %reduce_sum3A_69 = vector.extract %reduce_sum3A_68[15] : i32 from vector<16xi32>
      %ge3A = arith.constant 1023 : i32
      %ge3A_70 = arith.cmpi sge, %reduce_sum3A_69, %ge3A : i32
      %select_n3A_71 = arith.select %ge3A_70, %shift_right_arithmetic3A_57, %scan3A_54 : i32
      %select_n3A_72 = arith.select %ge3A_70, %scan3A_55, %shift_right_arithmetic3A_57 : i32
      scf.yield %select_n3A_71, %select_n3A_72 : i32, i32
    }
    %scan3A_7 = arith.constant 31 : i32
    %add3A_8 = arith.constant 1 : i32
    %add3A_9 = arith.addi %scan3A_6#0, %add3A_8 : i32
    %broadcast_in_dim3A = arith.constant 0 : i32
    %broadcast_in_dim3A_10 = vector.broadcast %broadcast_in_dim3A : i32 to vector<16xi32>
    %scan3A_11 = arith.constant 0 : i32
    %scan3A_12 = arith.constant 128 : i32
    %scan3A_13 = arith.addi %scan3A_11, %scan3A_12 : i32
    %scan3A_14 = arith.constant 1 : i32
    %scan3A_15 = scf.for %scan3A_53 = %scan3A_11 to %scan3A_13 step %scan3A_14 iter_args(%scan3A_54 = %broadcast_in_dim3A_10) -> (vector<16xi32>)  : i32 {
      %mul3A_55 = arith.constant 16 : i32
      %mul3A_56 = arith.muli %scan3A_53, %mul3A_55 : i32
      %get3A = arith.index_cast %mul3A_56 : i32 to index
      %get3A_57 = tpu.vector_load %arg4[%get3A] {strides = array<i32>} : memref<2048xi32, #tpu.memory_space<vmem>>, vector<16xi32>,
      %ge3A = vector.broadcast %add3A_9 : i32 to vector<16xi32>
      %ge3A_58 = arith.cmpi sge, %get3A_57, %ge3A : vector<16xi32>
      %jit3A_59 = arith.constant 1 : i32
      %jit3A_60 = arith.constant 0 : i32
      %broadcast_in_dim3A_61 = vector.broadcast %jit3A_59 : i32 to vector<16xi32>
      %broadcast_in_dim3A_62 = vector.broadcast %jit3A_60 : i32 to vector<16xi32>
      %select_n3A_63 = arith.select %ge3A_58, %broadcast_in_dim3A_61, %broadcast_in_dim3A_62 : vector<16xi1>, vector<16xi32>
      %add3A_64 = arith.addi %scan3A_54, %select_n3A_63 : vector<16xi32>
      scf.yield %add3A_64 : vector<16xi32>
    }
    %scan3A_16 = arith.constant 128 : i32
    %reduce_sum3A = arith.constant true
    %reduce_sum3A_17 = vector.broadcast %reduce_sum3A : i1 to vector<16xi1>
    %reduce_sum3A_18 = tpu.scan <sum>, %scan3A_15 masked %reduce_sum3A_17 : vector<16xi32>, vector<16xi1> -> vector<16xi32>
    %reduce_sum3A_19 = vector.extract %reduce_sum3A_18[15] : i32 from vector<16xi32>
    %sub3A = arith.constant 1023 : i32
    %sub3A_20 = arith.subi %sub3A, %reduce_sum3A_19 : i32
    %jit3A = arith.constant 16 : i32
    %div3A = arith.divsi %add3A, %jit3A : i32
    %sign3A = arith.constant 0 : i32
    %sign3A_21 = arith.cmpi sgt, %add3A, %sign3A : i32
    %sign3A_22 = arith.extui %sign3A_21 : i1 to i32
    %sign3A_23 = arith.constant 0 : i32
    %sign3A_24 = arith.cmpi slt, %add3A, %sign3A_23 : i32
    %sign3A_25 = arith.extui %sign3A_24 : i1 to i32
    %sign3A_26 = arith.subi %sign3A_22, %sign3A_25 : i32
    %sign3A_27 = arith.constant 0 : i32
    %sign3A_28 = arith.cmpi sgt, %jit3A, %sign3A_27 : i32
    %sign3A_29 = arith.extui %sign3A_28 : i1 to i32
    %sign3A_30 = arith.constant 0 : i32
    %sign3A_31 = arith.cmpi slt, %jit3A, %sign3A_30 : i32
    %sign3A_32 = arith.extui %sign3A_31 : i1 to i32
    %sign3A_33 = arith.subi %sign3A_29, %sign3A_32 : i32
    %ne3A = arith.cmpi ne, %sign3A_26, %sign3A_33 : i32
    %rem3A = arith.remsi %add3A, %jit3A : i32
    %ne3A_34 = arith.constant 0 : i32
    %ne3A_35 = arith.cmpi ne, %rem3A, %ne3A_34 : i32
    %and3A = arith.andi %ne3A, %ne3A_35 : i1
    %sub3A_36 = arith.constant 1 : i32
    %sub3A_37 = arith.subi %div3A, %sub3A_36 : i32
    %select_n3A = arith.select %and3A, %sub3A_37, %div3A : i32
    %mul3A_38 = arith.constant 2048 : i32
    %mul3A_39 = arith.muli %select_n3A, %mul3A_38 : i32
    %iota3A = tpu.iota {dimensions = array<i32: 0>} : vector<16xi32>
    %broadcast_in_dim3A_40 = arith.constant 0 : i32
    %broadcast_in_dim3A_41 = vector.broadcast %broadcast_in_dim3A_40 : i32 to vector<16xi32>
    %add3A_42 = vector.broadcast %mul3A_39 : i32 to vector<16xi32>
    %add3A_43 = arith.addi %broadcast_in_dim3A_41, %add3A_42 : vector<16xi32>
    %swap3A = arith.constant 0 : index
    %swap3A_44 = tpu.vector_load %arg5[%swap3A] {strides = array<i32>} : memref<1040xi32, #tpu.memory_space<vmem>>, vector<16xi32>,
    tpu.vector_store %arg5[%swap3A], %add3A_43 {strides = array<i32>} : memref<1040xi32, #tpu.memory_space<vmem>>, vector<16xi32>,
    %scan3A_45 = arith.constant 1 : i32
    %scan3A_46 = arith.constant 0 : i32
    %scan3A_47 = arith.constant 0 : i32
    %scan3A_48 = arith.constant 128 : i32
    %scan3A_49 = arith.addi %scan3A_47, %scan3A_48 : i32
    %scan3A_50 = arith.constant 1 : i32
    %scan3A_51:2 = scf.for %scan3A_53 = %scan3A_47 to %scan3A_49 step %scan3A_50 iter_args(%scan3A_54 = %scan3A_45, %scan3A_55 = %scan3A_46) -> (i32, i32)  : i32 {
      %mul3A_56 = arith.constant 16 : i32
      %mul3A_57 = arith.muli %scan3A_53, %mul3A_56 : i32
      %get3A = arith.index_cast %mul3A_57 : i32 to index
      %get3A_58 = tpu.vector_load %arg4[%get3A] {strides = array<i32>} : memref<2048xi32, #tpu.memory_space<vmem>>, vector<16xi32>,
      %gt3A = vector.broadcast %scan3A_6#0 : i32 to vector<16xi32>
      %gt3A_59 = arith.cmpi sgt, %get3A_58, %gt3A : vector<16xi32>
      %eq3A = vector.broadcast %scan3A_6#0 : i32 to vector<16xi32>
      %eq3A_60 = arith.cmpi eq, %get3A_58, %eq3A : vector<16xi32>
      %convert_element_type3A = arith.extui %eq3A_60 : vector<16xi1> to vector<16xi32>
      %broadcast_in_dim3A_61 = arith.constant true
      %broadcast_in_dim3A_62 = vector.broadcast %broadcast_in_dim3A_61 : i1 to vector<16xi1>
      %masked_cumsum3A = tpu.scan <sum>, %convert_element_type3A masked %broadcast_in_dim3A_62 : vector<16xi32>, vector<16xi1> -> vector<16xi32>
      %add3A_63 = vector.broadcast %scan3A_55 : i32 to vector<16xi32>
      %add3A_64 = arith.addi %add3A_63, %masked_cumsum3A : vector<16xi32>
      %sub3A_65 = arith.subi %add3A_64, %convert_element_type3A : vector<16xi32>
      %lt3A = vector.broadcast %sub3A_20 : i32 to vector<16xi32>
      %lt3A_66 = arith.cmpi slt, %sub3A_65, %lt3A : vector<16xi32>
      %and3A_67 = arith.andi %eq3A_60, %lt3A_66 : vector<16xi1>
      %or3A = arith.ori %gt3A_59, %and3A_67 : vector<16xi1>
      %convert_element_type3A_68 = arith.extui %or3A : vector<16xi1> to vector<16xi32>
      %broadcast_in_dim3A_69 = arith.constant true
      %broadcast_in_dim3A_70 = vector.broadcast %broadcast_in_dim3A_69 : i1 to vector<16xi1>
      %masked_cumsum3A_71 = tpu.scan <sum>, %convert_element_type3A_68 masked %broadcast_in_dim3A_70 : vector<16xi32>, vector<16xi1> -> vector<16xi32>
      %add3A_72 = vector.broadcast %scan3A_54 : i32 to vector<16xi32>
      %add3A_73 = arith.addi %add3A_72, %masked_cumsum3A_71 : vector<16xi32>
      %sub3A_74 = arith.subi %add3A_73, %convert_element_type3A_68 : vector<16xi32>
      %mul3A_75 = arith.constant 16 : i32
      %mul3A_76 = arith.muli %scan3A_53, %mul3A_75 : i32
      %add3A_77 = arith.addi %mul3A_39, %mul3A_76 : i32
      %add3A_78 = vector.broadcast %add3A_77 : i32 to vector<16xi32>
      %add3A_79 = arith.addi %add3A_78, %iota3A : vector<16xi32>
      %add3A_80 = arith.constant 1 : i32
      %add3A_81 = vector.broadcast %add3A_80 : i32 to vector<16xi32>
      %add3A_82 = arith.addi %add3A_79, %add3A_81 : vector<16xi32>
      tpu.vector_store_idx %arg5[%sub3A_74], %add3A_82 masked %or3A : memref<1040xi32, #tpu.memory_space<vmem>>[vector<16xi32>], vector<16xi32>, vector<16xi1>
      %reduce_sum3A_83 = arith.constant true
      %reduce_sum3A_84 = vector.broadcast %reduce_sum3A_83 : i1 to vector<16xi1>
      %reduce_sum3A_85 = tpu.scan <sum>, %convert_element_type3A_68 masked %reduce_sum3A_84 : vector<16xi32>, vector<16xi1> -> vector<16xi32>
      %reduce_sum3A_86 = vector.extract %reduce_sum3A_85[15] : i32 from vector<16xi32>
      %add3A_87 = arith.addi %scan3A_54, %reduce_sum3A_86 : i32
      %reduce_sum3A_88 = arith.constant true
      %reduce_sum3A_89 = vector.broadcast %reduce_sum3A_88 : i1 to vector<16xi1>
      %reduce_sum3A_90 = tpu.scan <sum>, %convert_element_type3A masked %reduce_sum3A_89 : vector<16xi32>, vector<16xi1> -> vector<16xi32>
      %reduce_sum3A_91 = vector.extract %reduce_sum3A_90[15] : i32 from vector<16xi32>
      %add3A_92 = arith.addi %scan3A_55, %reduce_sum3A_91 : i32
      scf.yield %add3A_87, %add3A_92 : i32, i32
    }
    %scan3A_52 = arith.constant 128 : i32
    "tpu.region"() ({
      %run_scoped3A = tpu.sem_alloc : memref<!tpu.dma_semaphore, #tpu.memory_space<semaphore_mem>>
      %dma_start3A = arith.constant 0 : i32
      %dma_start3A_53 = tpu.memref_slice %arg5[%dma_start3A] : memref<1040xi32, #tpu.memory_space<vmem>> -> memref<1024xi32, #tpu.memory_space<vmem>>
      %dma_start3A_54 = arith.constant 0 : i32
      %dma_start3A_55 = tpu.memref_slice %arg3[%add3A, %dma_start3A_54] : memref<32x1024xi32, #tpu.memory_space<hbm>> -> memref<1x1024xi32, #tpu.memory_space<hbm>>
      %dma_start3A_56 = tpu.memref_squeeze %dma_start3A_55 : memref<1x1024xi32, #tpu.memory_space<hbm>> -> memref<1024xi32, #tpu.memory_space<hbm>>
      %dma_start3A_57 = arith.constant 0 : i32
      %dma_start3A_58 = tpu.memref_slice %arg3[%add3A, %dma_start3A_57] : memref<32x1024xi32, #tpu.memory_space<hbm>> -> memref<1x1024xi32, #tpu.memory_space<hbm>>
      %dma_start3A_59 = tpu.memref_squeeze %dma_start3A_58 : memref<1x1024xi32, #tpu.memory_space<hbm>> -> memref<1024xi32, #tpu.memory_space<hbm>>
      %dma_start3A_60 = arith.constant 0 : i32
      %dma_start3A_61 = tpu.memref_slice %arg5[%dma_start3A_60] : memref<1040xi32, #tpu.memory_space<vmem>> -> memref<1024xi32, #tpu.memory_space<vmem>>
      tpu.enqueue_dma source(%dma_start3A_61 : memref<1024xi32, #tpu.memory_space<vmem>>) target(%dma_start3A_59 : memref<1024xi32, #tpu.memory_space<hbm>>) target_semaphore(%run_scoped3A : memref<!tpu.dma_semaphore, #tpu.memory_space<semaphore_mem>>)
      %dma_wait3A = arith.constant 0 : i32
      %dma_wait3A_62 = tpu.memref_slice %arg5[%dma_wait3A] : memref<1040xi32, #tpu.memory_space<vmem>> -> memref<1024xi32, #tpu.memory_space<vmem>>
      %dma_wait3A_63 = arith.constant 0 : i32
      %dma_wait3A_64 = tpu.memref_slice %arg3[%add3A, %dma_wait3A_63] : memref<32x1024xi32, #tpu.memory_space<hbm>> -> memref<1x1024xi32, #tpu.memory_space<hbm>>
      %dma_wait3A_65 = tpu.memref_squeeze %dma_wait3A_64 : memref<1x1024xi32, #tpu.memory_space<hbm>> -> memref<1024xi32, #tpu.memory_space<hbm>>
      %dma_wait3A_66 = arith.constant 0 : i32
      %dma_wait3A_67 = tpu.memref_slice %arg3[%add3A, %dma_wait3A_66] : memref<32x1024xi32, #tpu.memory_space<hbm>> -> memref<1x1024xi32, #tpu.memory_space<hbm>>
      %dma_wait3A_68 = tpu.memref_squeeze %dma_wait3A_67 : memref<1x1024xi32, #tpu.memory_space<hbm>> -> memref<1024xi32, #tpu.memory_space<hbm>>
      %dma_wait3A_69 = arith.constant 0 : i32
      %dma_wait3A_70 = tpu.memref_slice %arg5[%dma_wait3A_69] : memref<1040xi32, #tpu.memory_space<vmem>> -> memref<1024xi32, #tpu.memory_space<vmem>>
      tpu.wait_dma2 semaphore(%run_scoped3A : memref<!tpu.dma_semaphore, #tpu.memory_space<semaphore_mem>>) src(%dma_wait3A_70 : memref<1024xi32, #tpu.memory_space<vmem>>) dst(%dma_wait3A_68 : memref<1024xi32, #tpu.memory_space<hbm>>)
      tpu.yield
    }) : () -> ()
    return
  }
}

module attributes {stable_mosaic.version = 14 : i64} {
  func.func @_matmul_bias_body(%arg0: i32, %arg1: i32, %arg2: memref<512x1024xbf16, #tpu.memory_space<vmem>>, %arg3: memref<1024x512xbf16, #tpu.memory_space<vmem>>, %arg4: memref<1x512xf32, #tpu.memory_space<vmem>>, %arg5: memref<512x512xf32, #tpu.memory_space<vmem>>) attributes {dimension_semantics = [#tpu.dimension_semantics<arbitrary>, #tpu.dimension_semantics<arbitrary>], iteration_bounds = array<i64: 8, 4>, scalar_prefetch = 0 : i64, scratch_operands = 0 : i64, tpu.core_type = #tpu.core_type<tc>, window_params = [{transform_indices = @transform_0, window_bounds = array<i64: 512, 1024>}, {transform_indices = @transform_1, window_bounds = array<i64: 1024, 512>}, {transform_indices = @transform_2, window_bounds = array<i64: 1, 512>}, {transform_indices = @transform_3, window_bounds = array<i64: 512, 512>}]} {
    %get3A = arith.constant 0 : index
    %get3A_0 = arith.constant 0 : index
    %get3A_1 = vector.load %arg2[%get3A, %get3A_0] : memref<512x1024xbf16, #tpu.memory_space<vmem>>, vector<512x1024xbf16>
    %get3A_2 = arith.constant 0 : index
    %get3A_3 = arith.constant 0 : index
    %get3A_4 = vector.load %arg3[%get3A_2, %get3A_3] : memref<1024x512xbf16, #tpu.memory_space<vmem>>, vector<1024x512xbf16>
    %dot_general3A = arith.constant dense<0.000000e+00> : vector<512x512xf32>
    %dot_general3A_5 = tpu.matmul %get3A_1, %get3A_4, %dot_general3A {dimension_numbers = #tpu.dot_dimension_numbers<[1], [0], [0], [1], [0, 0, 1, 1], [], []>, transpose_lhs_hint = false} : vector<512x1024xbf16>, vector<1024x512xbf16>, vector<512x512xf32> -> vector<512x512xf32>
    %get3A_6 = arith.constant 0 : index
    %get3A_7 = arith.constant 0 : index
    %get3A_8 = vector.load %arg4[%get3A_6, %get3A_7] : memref<1x512xf32, #tpu.memory_space<vmem>>, vector<1x512xf32>
    %add3A = vector.broadcast %get3A_8 : vector<1x512xf32> to vector<512x512xf32>
    %add3A_9 = arith.addf %dot_general3A_5, %add3A : vector<512x512xf32>
    %swap3A = arith.constant 0 : index
    %swap3A_10 = arith.constant 0 : index
    %swap3A_11 = vector.load %arg5[%swap3A, %swap3A_10] : memref<512x512xf32, #tpu.memory_space<vmem>>, vector<512x512xf32>
    tpu.vector_store %arg5[%swap3A, %swap3A_10], %add3A_9 {strides = array<i32>} : memref<512x512xf32, #tpu.memory_space<vmem>>, vector<512x512xf32>,
    return
  }
  func.func @transform_0(%arg0: i32, %arg1: i32) -> (i32, i32) {
    %c0_i32 = arith.constant 0 : i32
    %c0_i32_0 = arith.constant 0 : i32
    return %arg0, %c0_i32 : i32, i32
  }
  func.func @transform_1(%arg0: i32, %arg1: i32) -> (i32, i32) {
    %c0_i32 = arith.constant 0 : i32
    %c0_i32_0 = arith.constant 0 : i32
    return %c0_i32, %arg1 : i32, i32
  }
  func.func @transform_2(%arg0: i32, %arg1: i32) -> (i32, i32) {
    %c0_i32 = arith.constant 0 : i32
    %c0_i32_0 = arith.constant 0 : i32
    return %c0_i32, %arg1 : i32, i32
  }
  func.func @transform_3(%arg0: i32, %arg1: i32) -> (i32, i32) {
    %c0_i32 = arith.constant 0 : i32
    return %arg0, %arg1 : i32, i32
  }
}

module attributes {stable_mosaic.version = 14 : i64} {
  func.func @_attn_body(%arg0: i32, %arg1: i32, %arg2: memref<512x1024xbf16, #tpu.memory_space<vmem>>, %arg3: memref<16x1024x128xf32, #tpu.memory_space<vmem>>, %arg4: memref<512x1024xbf16, #tpu.memory_space<vmem>>, %arg5: memref<16x1024x128xbf16, #tpu.memory_space<vmem>>) attributes {dimension_semantics = [#tpu.dimension_semantics<arbitrary>, #tpu.dimension_semantics<arbitrary>], iteration_bounds = array<i64: 2, 4>, scalar_prefetch = 0 : i64, scratch_operands = 1 : i64, tpu.core_type = #tpu.core_type<tc>, window_params = [{transform_indices = @transform_0, window_bounds = array<i64: 512, 1024>}, {transform_indices = @transform_1, window_bounds = array<i64: 16, 1024, 128>}, {transform_indices = @transform_2, window_bounds = array<i64: 512, 1024>}]} {
    %eq3A = arith.constant 0 : i32
    %eq3A_0 = arith.cmpi eq, %arg1, %eq3A : i32
    %convert_element_type3A = arith.extui %eq3A_0 : i1 to i32
    %cond3A = arith.constant 0 : i32
    %cond3A_1 = arith.cmpi ne, %convert_element_type3A, %cond3A : i32
    scf.if %cond3A_1 {
      %get3A_472 = arith.constant 0 : index
      %get3A_473 = arith.constant 0 : index
      %get3A_474 = arith.constant 0 : index
      %get3A_475 = vector.load %arg3[%get3A_472, %get3A_473, %get3A_474] : memref<16x1024x128xf32, #tpu.memory_space<vmem>>, vector<16x1024x128xf32>
      %convert_element_type3A_476 = arith.truncf %get3A_475 : vector<16x1024x128xf32> to vector<16x1024x128xbf16>
      %swap3A_477 = arith.constant 0 : index
      %swap3A_478 = arith.constant 0 : index
      %swap3A_479 = arith.constant 0 : index
      %swap3A_480 = vector.load %arg5[%swap3A_477, %swap3A_478, %swap3A_479] : memref<16x1024x128xbf16, #tpu.memory_space<vmem>>, vector<16x1024x128xbf16>
      tpu.vector_store %arg5[%swap3A_477, %swap3A_478, %swap3A_479], %convert_element_type3A_476 {strides = array<i32>} : memref<16x1024x128xbf16, #tpu.memory_space<vmem>>, vector<16x1024x128xbf16>,
    } else {
    }
    %get3A = arith.constant 0 : index
    %get3A_2 = arith.constant 0 : index
    %get3A_3 = vector.load %arg2[%get3A, %get3A_2] : memref<512x1024xbf16, #tpu.memory_space<vmem>>, vector<512x64xbf16>
    %mul3A = arith.constant 1.250000e-01 : bf16
    %mul3A_4 = vector.broadcast %mul3A : bf16 to vector<512x64xbf16>
    %mul3A_5 = arith.mulf %get3A_3, %mul3A_4 : vector<512x64xbf16>
    %broadcast_in_dim3A = arith.constant 0.000000e+00 : bf16
    %broadcast_in_dim3A_6 = vector.broadcast %broadcast_in_dim3A : bf16 to vector<512x64xbf16>
    %concatenate3A = tpu.concatenate %mul3A_5, %broadcast_in_dim3A_6 in 1 : vector<512x64xbf16>, vector<512x64xbf16> -> vector<512x128xbf16>
    %get3A_7 = arith.constant 0 : index
    %get3A_8 = arith.constant 0 : index
    %get3A_9 = arith.constant 0 : index
    %get3A_10 = vector.load %arg5[%get3A_7, %get3A_8, %get3A_9] : memref<16x1024x128xbf16, #tpu.memory_space<vmem>>, vector<1x1024x128xbf16>
    %get3A_11 = vector.shape_cast %get3A_10 : vector<1x1024x128xbf16> to vector<1024x128xbf16>
    %dot_general3A = arith.constant dense<0.000000e+00> : vector<512x1024xf32>
    %dot_general3A_12 = tpu.matmul %concatenate3A, %get3A_11, %dot_general3A {dimension_numbers = #tpu.dot_dimension_numbers<[1], [1], [0], [0], [0, 0, 1, 0], [], []>, transpose_lhs_hint = false} : vector<512x128xbf16>, vector<1024x128xbf16>, vector<512x1024xf32> -> vector<512x1024xf32>
    %exp3A = math.exp %dot_general3A_12 : vector<512x1024xf32>
    %reduce_sum3A = arith.constant dense<0.000000e+00> : vector<512xf32>
    %reduce_sum3A_13 = vector.multi_reduction <add>, %exp3A, %reduce_sum3A [1] : vector<512x1024xf32> to vector<512xf32>
    %broadcast_in_dim3A_14 = vector.shape_cast %reduce_sum3A_13 : vector<512xf32> to vector<512x1xf32>
    %convert_element_type3A_15 = arith.truncf %exp3A : vector<512x1024xf32> to vector<512x1024xbf16>
    %dot_general3A_16 = arith.constant dense<0.000000e+00> : vector<512x128xf32>
    %dot_general3A_17 = tpu.matmul %convert_element_type3A_15, %get3A_11, %dot_general3A_16 {dimension_numbers = #tpu.dot_dimension_numbers<[1], [0], [0], [1], [0, 0, 1, 1], [], []>, transpose_lhs_hint = false} : vector<512x1024xbf16>, vector<1024x128xbf16>, vector<512x128xf32> -> vector<512x128xf32>
    %slice3A = vector.extract_strided_slice %dot_general3A_17 {offsets = [0, 64], sizes = [512, 64], strides = [1, 1]} : vector<512x128xf32> to vector<512x64xf32>
    %div3A = vector.broadcast %broadcast_in_dim3A_14 : vector<512x1xf32> to vector<512x64xf32>
    %div3A_18 = arith.divf %slice3A, %div3A : vector<512x64xf32>
    %convert_element_type3A_19 = arith.truncf %div3A_18 : vector<512x64xf32> to vector<512x64xbf16>
    %swap3A = arith.constant 0 : index
    %swap3A_20 = arith.constant 0 : index
    %swap3A_21 = vector.load %arg4[%swap3A, %swap3A_20] : memref<512x1024xbf16, #tpu.memory_space<vmem>>, vector<512x64xbf16>
    tpu.vector_store %arg4[%swap3A, %swap3A_20], %convert_element_type3A_19 {strides = array<i32>} : memref<512x1024xbf16, #tpu.memory_space<vmem>>, vector<512x64xbf16>,
    %get3A_22 = arith.constant 0 : index
    %get3A_23 = arith.constant 64 : index
    %get3A_24 = vector.load %arg2[%get3A_22, %get3A_23] : memref<512x1024xbf16, #tpu.memory_space<vmem>>, vector<512x64xbf16>
    %mul3A_25 = arith.constant 1.250000e-01 : bf16
    %mul3A_26 = vector.broadcast %mul3A_25 : bf16 to vector<512x64xbf16>
    %mul3A_27 = arith.mulf %get3A_24, %mul3A_26 : vector<512x64xbf16>
    %broadcast_in_dim3A_28 = arith.constant 0.000000e+00 : bf16
    %broadcast_in_dim3A_29 = vector.broadcast %broadcast_in_dim3A_28 : bf16 to vector<512x64xbf16>
    %concatenate3A_30 = tpu.concatenate %mul3A_27, %broadcast_in_dim3A_29 in 1 : vector<512x64xbf16>, vector<512x64xbf16> -> vector<512x128xbf16>
    %get3A_31 = arith.constant 1 : index
    %get3A_32 = arith.constant 0 : index
    %get3A_33 = arith.constant 0 : index
    %get3A_34 = vector.load %arg5[%get3A_31, %get3A_32, %get3A_33] : memref<16x1024x128xbf16, #tpu.memory_space<vmem>>, vector<1x1024x128xbf16>
    %get3A_35 = vector.shape_cast %get3A_34 : vector<1x1024x128xbf16> to vector<1024x128xbf16>
    %dot_general3A_36 = arith.constant dense<0.000000e+00> : vector<512x1024xf32>
    %dot_general3A_37 = tpu.matmul %concatenate3A_30, %get3A_35, %dot_general3A_36 {dimension_numbers = #tpu.dot_dimension_numbers<[1], [1], [0], [0], [0, 0, 1, 0], [], []>, transpose_lhs_hint = false} : vector<512x128xbf16>, vector<1024x128xbf16>, vector<512x1024xf32> -> vector<512x1024xf32>
    %exp3A_38 = math.exp %dot_general3A_37 : vector<512x1024xf32>
    %reduce_sum3A_39 = arith.constant dense<0.000000e+00> : vector<512xf32>
    %reduce_sum3A_40 = vector.multi_reduction <add>, %exp3A_38, %reduce_sum3A_39 [1] : vector<512x1024xf32> to vector<512xf32>
    %broadcast_in_dim3A_41 = vector.shape_cast %reduce_sum3A_40 : vector<512xf32> to vector<512x1xf32>
    %convert_element_type3A_42 = arith.truncf %exp3A_38 : vector<512x1024xf32> to vector<512x1024xbf16>
    %dot_general3A_43 = arith.constant dense<0.000000e+00> : vector<512x128xf32>
    %dot_general3A_44 = tpu.matmul %convert_element_type3A_42, %get3A_35, %dot_general3A_43 {dimension_numbers = #tpu.dot_dimension_numbers<[1], [0], [0], [1], [0, 0, 1, 1], [], []>, transpose_lhs_hint = false} : vector<512x1024xbf16>, vector<1024x128xbf16>, vector<512x128xf32> -> vector<512x128xf32>
    %slice3A_45 = vector.extract_strided_slice %dot_general3A_44 {offsets = [0, 64], sizes = [512, 64], strides = [1, 1]} : vector<512x128xf32> to vector<512x64xf32>
    %div3A_46 = vector.broadcast %broadcast_in_dim3A_41 : vector<512x1xf32> to vector<512x64xf32>
    %div3A_47 = arith.divf %slice3A_45, %div3A_46 : vector<512x64xf32>
    %convert_element_type3A_48 = arith.truncf %div3A_47 : vector<512x64xf32> to vector<512x64xbf16>
    %swap3A_49 = arith.constant 0 : index
    %swap3A_50 = arith.constant 64 : index
    %swap3A_51 = vector.load %arg4[%swap3A_49, %swap3A_50] : memref<512x1024xbf16, #tpu.memory_space<vmem>>, vector<512x64xbf16>
    tpu.vector_store %arg4[%swap3A_49, %swap3A_50], %convert_element_type3A_48 {strides = array<i32>} : memref<512x1024xbf16, #tpu.memory_space<vmem>>, vector<512x64xbf16>,
    %get3A_52 = arith.constant 0 : index
    %get3A_53 = arith.constant 128 : index
    %get3A_54 = vector.load %arg2[%get3A_52, %get3A_53] : memref<512x1024xbf16, #tpu.memory_space<vmem>>, vector<512x64xbf16>
    %mul3A_55 = arith.constant 1.250000e-01 : bf16
    %mul3A_56 = vector.broadcast %mul3A_55 : bf16 to vector<512x64xbf16>
    %mul3A_57 = arith.mulf %get3A_54, %mul3A_56 : vector<512x64xbf16>
    %broadcast_in_dim3A_58 = arith.constant 0.000000e+00 : bf16
    %broadcast_in_dim3A_59 = vector.broadcast %broadcast_in_dim3A_58 : bf16 to vector<512x64xbf16>
    %concatenate3A_60 = tpu.concatenate %mul3A_57, %broadcast_in_dim3A_59 in 1 : vector<512x64xbf16>, vector<512x64xbf16> -> vector<512x128xbf16>
    %get3A_61 = arith.constant 2 : index
    %get3A_62 = arith.constant 0 : index
    %get3A_63 = arith.constant 0 : index
    %get3A_64 = vector.load %arg5[%get3A_61, %get3A_62, %get3A_63] : memref<16x1024x128xbf16, #tpu.memory_space<vmem>>, vector<1x1024x128xbf16>
    %get3A_65 = vector.shape_cast %get3A_64 : vector<1x1024x128xbf16> to vector<1024x128xbf16>
    %dot_general3A_66 = arith.constant dense<0.000000e+00> : vector<512x1024xf32>
    %dot_general3A_67 = tpu.matmul %concatenate3A_60, %get3A_65, %dot_general3A_66 {dimension_numbers = #tpu.dot_dimension_numbers<[1], [1], [0], [0], [0, 0, 1, 0], [], []>, transpose_lhs_hint = false} : vector<512x128xbf16>, vector<1024x128xbf16>, vector<512x1024xf32> -> vector<512x1024xf32>
    %exp3A_68 = math.exp %dot_general3A_67 : vector<512x1024xf32>
    %reduce_sum3A_69 = arith.constant dense<0.000000e+00> : vector<512xf32>
    %reduce_sum3A_70 = vector.multi_reduction <add>, %exp3A_68, %reduce_sum3A_69 [1] : vector<512x1024xf32> to vector<512xf32>
    %broadcast_in_dim3A_71 = vector.shape_cast %reduce_sum3A_70 : vector<512xf32> to vector<512x1xf32>
    %convert_element_type3A_72 = arith.truncf %exp3A_68 : vector<512x1024xf32> to vector<512x1024xbf16>
    %dot_general3A_73 = arith.constant dense<0.000000e+00> : vector<512x128xf32>
    %dot_general3A_74 = tpu.matmul %convert_element_type3A_72, %get3A_65, %dot_general3A_73 {dimension_numbers = #tpu.dot_dimension_numbers<[1], [0], [0], [1], [0, 0, 1, 1], [], []>, transpose_lhs_hint = false} : vector<512x1024xbf16>, vector<1024x128xbf16>, vector<512x128xf32> -> vector<512x128xf32>
    %slice3A_75 = vector.extract_strided_slice %dot_general3A_74 {offsets = [0, 64], sizes = [512, 64], strides = [1, 1]} : vector<512x128xf32> to vector<512x64xf32>
    %div3A_76 = vector.broadcast %broadcast_in_dim3A_71 : vector<512x1xf32> to vector<512x64xf32>
    %div3A_77 = arith.divf %slice3A_75, %div3A_76 : vector<512x64xf32>
    %convert_element_type3A_78 = arith.truncf %div3A_77 : vector<512x64xf32> to vector<512x64xbf16>
    %swap3A_79 = arith.constant 0 : index
    %swap3A_80 = arith.constant 128 : index
    %swap3A_81 = vector.load %arg4[%swap3A_79, %swap3A_80] : memref<512x1024xbf16, #tpu.memory_space<vmem>>, vector<512x64xbf16>
    tpu.vector_store %arg4[%swap3A_79, %swap3A_80], %convert_element_type3A_78 {strides = array<i32>} : memref<512x1024xbf16, #tpu.memory_space<vmem>>, vector<512x64xbf16>,
    %get3A_82 = arith.constant 0 : index
    %get3A_83 = arith.constant 192 : index
    %get3A_84 = vector.load %arg2[%get3A_82, %get3A_83] : memref<512x1024xbf16, #tpu.memory_space<vmem>>, vector<512x64xbf16>
    %mul3A_85 = arith.constant 1.250000e-01 : bf16
    %mul3A_86 = vector.broadcast %mul3A_85 : bf16 to vector<512x64xbf16>
    %mul3A_87 = arith.mulf %get3A_84, %mul3A_86 : vector<512x64xbf16>
    %broadcast_in_dim3A_88 = arith.constant 0.000000e+00 : bf16
    %broadcast_in_dim3A_89 = vector.broadcast %broadcast_in_dim3A_88 : bf16 to vector<512x64xbf16>
    %concatenate3A_90 = tpu.concatenate %mul3A_87, %broadcast_in_dim3A_89 in 1 : vector<512x64xbf16>, vector<512x64xbf16> -> vector<512x128xbf16>
    %get3A_91 = arith.constant 3 : index
    %get3A_92 = arith.constant 0 : index
    %get3A_93 = arith.constant 0 : index
    %get3A_94 = vector.load %arg5[%get3A_91, %get3A_92, %get3A_93] : memref<16x1024x128xbf16, #tpu.memory_space<vmem>>, vector<1x1024x128xbf16>
    %get3A_95 = vector.shape_cast %get3A_94 : vector<1x1024x128xbf16> to vector<1024x128xbf16>
    %dot_general3A_96 = arith.constant dense<0.000000e+00> : vector<512x1024xf32>
    %dot_general3A_97 = tpu.matmul %concatenate3A_90, %get3A_95, %dot_general3A_96 {dimension_numbers = #tpu.dot_dimension_numbers<[1], [1], [0], [0], [0, 0, 1, 0], [], []>, transpose_lhs_hint = false} : vector<512x128xbf16>, vector<1024x128xbf16>, vector<512x1024xf32> -> vector<512x1024xf32>
    %exp3A_98 = math.exp %dot_general3A_97 : vector<512x1024xf32>
    %reduce_sum3A_99 = arith.constant dense<0.000000e+00> : vector<512xf32>
    %reduce_sum3A_100 = vector.multi_reduction <add>, %exp3A_98, %reduce_sum3A_99 [1] : vector<512x1024xf32> to vector<512xf32>
    %broadcast_in_dim3A_101 = vector.shape_cast %reduce_sum3A_100 : vector<512xf32> to vector<512x1xf32>
    %convert_element_type3A_102 = arith.truncf %exp3A_98 : vector<512x1024xf32> to vector<512x1024xbf16>
    %dot_general3A_103 = arith.constant dense<0.000000e+00> : vector<512x128xf32>
    %dot_general3A_104 = tpu.matmul %convert_element_type3A_102, %get3A_95, %dot_general3A_103 {dimension_numbers = #tpu.dot_dimension_numbers<[1], [0], [0], [1], [0, 0, 1, 1], [], []>, transpose_lhs_hint = false} : vector<512x1024xbf16>, vector<1024x128xbf16>, vector<512x128xf32> -> vector<512x128xf32>
    %slice3A_105 = vector.extract_strided_slice %dot_general3A_104 {offsets = [0, 64], sizes = [512, 64], strides = [1, 1]} : vector<512x128xf32> to vector<512x64xf32>
    %div3A_106 = vector.broadcast %broadcast_in_dim3A_101 : vector<512x1xf32> to vector<512x64xf32>
    %div3A_107 = arith.divf %slice3A_105, %div3A_106 : vector<512x64xf32>
    %convert_element_type3A_108 = arith.truncf %div3A_107 : vector<512x64xf32> to vector<512x64xbf16>
    %swap3A_109 = arith.constant 0 : index
    %swap3A_110 = arith.constant 192 : index
    %swap3A_111 = vector.load %arg4[%swap3A_109, %swap3A_110] : memref<512x1024xbf16, #tpu.memory_space<vmem>>, vector<512x64xbf16>
    tpu.vector_store %arg4[%swap3A_109, %swap3A_110], %convert_element_type3A_108 {strides = array<i32>} : memref<512x1024xbf16, #tpu.memory_space<vmem>>, vector<512x64xbf16>,
    %get3A_112 = arith.constant 0 : index
    %get3A_113 = arith.constant 256 : index
    %get3A_114 = vector.load %arg2[%get3A_112, %get3A_113] : memref<512x1024xbf16, #tpu.memory_space<vmem>>, vector<512x64xbf16>
    %mul3A_115 = arith.constant 1.250000e-01 : bf16
    %mul3A_116 = vector.broadcast %mul3A_115 : bf16 to vector<512x64xbf16>
    %mul3A_117 = arith.mulf %get3A_114, %mul3A_116 : vector<512x64xbf16>
    %broadcast_in_dim3A_118 = arith.constant 0.000000e+00 : bf16
    %broadcast_in_dim3A_119 = vector.broadcast %broadcast_in_dim3A_118 : bf16 to vector<512x64xbf16>
    %concatenate3A_120 = tpu.concatenate %mul3A_117, %broadcast_in_dim3A_119 in 1 : vector<512x64xbf16>, vector<512x64xbf16> -> vector<512x128xbf16>
    %get3A_121 = arith.constant 4 : index
    %get3A_122 = arith.constant 0 : index
    %get3A_123 = arith.constant 0 : index
    %get3A_124 = vector.load %arg5[%get3A_121, %get3A_122, %get3A_123] : memref<16x1024x128xbf16, #tpu.memory_space<vmem>>, vector<1x1024x128xbf16>
    %get3A_125 = vector.shape_cast %get3A_124 : vector<1x1024x128xbf16> to vector<1024x128xbf16>
    %dot_general3A_126 = arith.constant dense<0.000000e+00> : vector<512x1024xf32>
    %dot_general3A_127 = tpu.matmul %concatenate3A_120, %get3A_125, %dot_general3A_126 {dimension_numbers = #tpu.dot_dimension_numbers<[1], [1], [0], [0], [0, 0, 1, 0], [], []>, transpose_lhs_hint = false} : vector<512x128xbf16>, vector<1024x128xbf16>, vector<512x1024xf32> -> vector<512x1024xf32>
    %exp3A_128 = math.exp %dot_general3A_127 : vector<512x1024xf32>
    %reduce_sum3A_129 = arith.constant dense<0.000000e+00> : vector<512xf32>
    %reduce_sum3A_130 = vector.multi_reduction <add>, %exp3A_128, %reduce_sum3A_129 [1] : vector<512x1024xf32> to vector<512xf32>
    %broadcast_in_dim3A_131 = vector.shape_cast %reduce_sum3A_130 : vector<512xf32> to vector<512x1xf32>
    %convert_element_type3A_132 = arith.truncf %exp3A_128 : vector<512x1024xf32> to vector<512x1024xbf16>
    %dot_general3A_133 = arith.constant dense<0.000000e+00> : vector<512x128xf32>
    %dot_general3A_134 = tpu.matmul %convert_element_type3A_132, %get3A_125, %dot_general3A_133 {dimension_numbers = #tpu.dot_dimension_numbers<[1], [0], [0], [1], [0, 0, 1, 1], [], []>, transpose_lhs_hint = false} : vector<512x1024xbf16>, vector<1024x128xbf16>, vector<512x128xf32> -> vector<512x128xf32>
    %slice3A_135 = vector.extract_strided_slice %dot_general3A_134 {offsets = [0, 64], sizes = [512, 64], strides = [1, 1]} : vector<512x128xf32> to vector<512x64xf32>
    %div3A_136 = vector.broadcast %broadcast_in_dim3A_131 : vector<512x1xf32> to vector<512x64xf32>
    %div3A_137 = arith.divf %slice3A_135, %div3A_136 : vector<512x64xf32>
    %convert_element_type3A_138 = arith.truncf %div3A_137 : vector<512x64xf32> to vector<512x64xbf16>
    %swap3A_139 = arith.constant 0 : index
    %swap3A_140 = arith.constant 256 : index
    %swap3A_141 = vector.load %arg4[%swap3A_139, %swap3A_140] : memref<512x1024xbf16, #tpu.memory_space<vmem>>, vector<512x64xbf16>
    tpu.vector_store %arg4[%swap3A_139, %swap3A_140], %convert_element_type3A_138 {strides = array<i32>} : memref<512x1024xbf16, #tpu.memory_space<vmem>>, vector<512x64xbf16>,
    %get3A_142 = arith.constant 0 : index
    %get3A_143 = arith.constant 320 : index
    %get3A_144 = vector.load %arg2[%get3A_142, %get3A_143] : memref<512x1024xbf16, #tpu.memory_space<vmem>>, vector<512x64xbf16>
    %mul3A_145 = arith.constant 1.250000e-01 : bf16
    %mul3A_146 = vector.broadcast %mul3A_145 : bf16 to vector<512x64xbf16>
    %mul3A_147 = arith.mulf %get3A_144, %mul3A_146 : vector<512x64xbf16>
    %broadcast_in_dim3A_148 = arith.constant 0.000000e+00 : bf16
    %broadcast_in_dim3A_149 = vector.broadcast %broadcast_in_dim3A_148 : bf16 to vector<512x64xbf16>
    %concatenate3A_150 = tpu.concatenate %mul3A_147, %broadcast_in_dim3A_149 in 1 : vector<512x64xbf16>, vector<512x64xbf16> -> vector<512x128xbf16>
    %get3A_151 = arith.constant 5 : index
    %get3A_152 = arith.constant 0 : index
    %get3A_153 = arith.constant 0 : index
    %get3A_154 = vector.load %arg5[%get3A_151, %get3A_152, %get3A_153] : memref<16x1024x128xbf16, #tpu.memory_space<vmem>>, vector<1x1024x128xbf16>
    %get3A_155 = vector.shape_cast %get3A_154 : vector<1x1024x128xbf16> to vector<1024x128xbf16>
    %dot_general3A_156 = arith.constant dense<0.000000e+00> : vector<512x1024xf32>
    %dot_general3A_157 = tpu.matmul %concatenate3A_150, %get3A_155, %dot_general3A_156 {dimension_numbers = #tpu.dot_dimension_numbers<[1], [1], [0], [0], [0, 0, 1, 0], [], []>, transpose_lhs_hint = false} : vector<512x128xbf16>, vector<1024x128xbf16>, vector<512x1024xf32> -> vector<512x1024xf32>
    %exp3A_158 = math.exp %dot_general3A_157 : vector<512x1024xf32>
    %reduce_sum3A_159 = arith.constant dense<0.000000e+00> : vector<512xf32>
    %reduce_sum3A_160 = vector.multi_reduction <add>, %exp3A_158, %reduce_sum3A_159 [1] : vector<512x1024xf32> to vector<512xf32>
    %broadcast_in_dim3A_161 = vector.shape_cast %reduce_sum3A_160 : vector<512xf32> to vector<512x1xf32>
    %convert_element_type3A_162 = arith.truncf %exp3A_158 : vector<512x1024xf32> to vector<512x1024xbf16>
    %dot_general3A_163 = arith.constant dense<0.000000e+00> : vector<512x128xf32>
    %dot_general3A_164 = tpu.matmul %convert_element_type3A_162, %get3A_155, %dot_general3A_163 {dimension_numbers = #tpu.dot_dimension_numbers<[1], [0], [0], [1], [0, 0, 1, 1], [], []>, transpose_lhs_hint = false} : vector<512x1024xbf16>, vector<1024x128xbf16>, vector<512x128xf32> -> vector<512x128xf32>
    %slice3A_165 = vector.extract_strided_slice %dot_general3A_164 {offsets = [0, 64], sizes = [512, 64], strides = [1, 1]} : vector<512x128xf32> to vector<512x64xf32>
    %div3A_166 = vector.broadcast %broadcast_in_dim3A_161 : vector<512x1xf32> to vector<512x64xf32>
    %div3A_167 = arith.divf %slice3A_165, %div3A_166 : vector<512x64xf32>
    %convert_element_type3A_168 = arith.truncf %div3A_167 : vector<512x64xf32> to vector<512x64xbf16>
    %swap3A_169 = arith.constant 0 : index
    %swap3A_170 = arith.constant 320 : index
    %swap3A_171 = vector.load %arg4[%swap3A_169, %swap3A_170] : memref<512x1024xbf16, #tpu.memory_space<vmem>>, vector<512x64xbf16>
    tpu.vector_store %arg4[%swap3A_169, %swap3A_170], %convert_element_type3A_168 {strides = array<i32>} : memref<512x1024xbf16, #tpu.memory_space<vmem>>, vector<512x64xbf16>,
    %get3A_172 = arith.constant 0 : index
    %get3A_173 = arith.constant 384 : index
    %get3A_174 = vector.load %arg2[%get3A_172, %get3A_173] : memref<512x1024xbf16, #tpu.memory_space<vmem>>, vector<512x64xbf16>
    %mul3A_175 = arith.constant 1.250000e-01 : bf16
    %mul3A_176 = vector.broadcast %mul3A_175 : bf16 to vector<512x64xbf16>
    %mul3A_177 = arith.mulf %get3A_174, %mul3A_176 : vector<512x64xbf16>
    %broadcast_in_dim3A_178 = arith.constant 0.000000e+00 : bf16
    %broadcast_in_dim3A_179 = vector.broadcast %broadcast_in_dim3A_178 : bf16 to vector<512x64xbf16>
    %concatenate3A_180 = tpu.concatenate %mul3A_177, %broadcast_in_dim3A_179 in 1 : vector<512x64xbf16>, vector<512x64xbf16> -> vector<512x128xbf16>
    %get3A_181 = arith.constant 6 : index
    %get3A_182 = arith.constant 0 : index
    %get3A_183 = arith.constant 0 : index
    %get3A_184 = vector.load %arg5[%get3A_181, %get3A_182, %get3A_183] : memref<16x1024x128xbf16, #tpu.memory_space<vmem>>, vector<1x1024x128xbf16>
    %get3A_185 = vector.shape_cast %get3A_184 : vector<1x1024x128xbf16> to vector<1024x128xbf16>
    %dot_general3A_186 = arith.constant dense<0.000000e+00> : vector<512x1024xf32>
    %dot_general3A_187 = tpu.matmul %concatenate3A_180, %get3A_185, %dot_general3A_186 {dimension_numbers = #tpu.dot_dimension_numbers<[1], [1], [0], [0], [0, 0, 1, 0], [], []>, transpose_lhs_hint = false} : vector<512x128xbf16>, vector<1024x128xbf16>, vector<512x1024xf32> -> vector<512x1024xf32>
    %exp3A_188 = math.exp %dot_general3A_187 : vector<512x1024xf32>
    %reduce_sum3A_189 = arith.constant dense<0.000000e+00> : vector<512xf32>
    %reduce_sum3A_190 = vector.multi_reduction <add>, %exp3A_188, %reduce_sum3A_189 [1] : vector<512x1024xf32> to vector<512xf32>
    %broadcast_in_dim3A_191 = vector.shape_cast %reduce_sum3A_190 : vector<512xf32> to vector<512x1xf32>
    %convert_element_type3A_192 = arith.truncf %exp3A_188 : vector<512x1024xf32> to vector<512x1024xbf16>
    %dot_general3A_193 = arith.constant dense<0.000000e+00> : vector<512x128xf32>
    %dot_general3A_194 = tpu.matmul %convert_element_type3A_192, %get3A_185, %dot_general3A_193 {dimension_numbers = #tpu.dot_dimension_numbers<[1], [0], [0], [1], [0, 0, 1, 1], [], []>, transpose_lhs_hint = false} : vector<512x1024xbf16>, vector<1024x128xbf16>, vector<512x128xf32> -> vector<512x128xf32>
    %slice3A_195 = vector.extract_strided_slice %dot_general3A_194 {offsets = [0, 64], sizes = [512, 64], strides = [1, 1]} : vector<512x128xf32> to vector<512x64xf32>
    %div3A_196 = vector.broadcast %broadcast_in_dim3A_191 : vector<512x1xf32> to vector<512x64xf32>
    %div3A_197 = arith.divf %slice3A_195, %div3A_196 : vector<512x64xf32>
    %convert_element_type3A_198 = arith.truncf %div3A_197 : vector<512x64xf32> to vector<512x64xbf16>
    %swap3A_199 = arith.constant 0 : index
    %swap3A_200 = arith.constant 384 : index
    %swap3A_201 = vector.load %arg4[%swap3A_199, %swap3A_200] : memref<512x1024xbf16, #tpu.memory_space<vmem>>, vector<512x64xbf16>
    tpu.vector_store %arg4[%swap3A_199, %swap3A_200], %convert_element_type3A_198 {strides = array<i32>} : memref<512x1024xbf16, #tpu.memory_space<vmem>>, vector<512x64xbf16>,
    %get3A_202 = arith.constant 0 : index
    %get3A_203 = arith.constant 448 : index
    %get3A_204 = vector.load %arg2[%get3A_202, %get3A_203] : memref<512x1024xbf16, #tpu.memory_space<vmem>>, vector<512x64xbf16>
    %mul3A_205 = arith.constant 1.250000e-01 : bf16
    %mul3A_206 = vector.broadcast %mul3A_205 : bf16 to vector<512x64xbf16>
    %mul3A_207 = arith.mulf %get3A_204, %mul3A_206 : vector<512x64xbf16>
    %broadcast_in_dim3A_208 = arith.constant 0.000000e+00 : bf16
    %broadcast_in_dim3A_209 = vector.broadcast %broadcast_in_dim3A_208 : bf16 to vector<512x64xbf16>
    %concatenate3A_210 = tpu.concatenate %mul3A_207, %broadcast_in_dim3A_209 in 1 : vector<512x64xbf16>, vector<512x64xbf16> -> vector<512x128xbf16>
    %get3A_211 = arith.constant 7 : index
    %get3A_212 = arith.constant 0 : index
    %get3A_213 = arith.constant 0 : index
    %get3A_214 = vector.load %arg5[%get3A_211, %get3A_212, %get3A_213] : memref<16x1024x128xbf16, #tpu.memory_space<vmem>>, vector<1x1024x128xbf16>
    %get3A_215 = vector.shape_cast %get3A_214 : vector<1x1024x128xbf16> to vector<1024x128xbf16>
    %dot_general3A_216 = arith.constant dense<0.000000e+00> : vector<512x1024xf32>
    %dot_general3A_217 = tpu.matmul %concatenate3A_210, %get3A_215, %dot_general3A_216 {dimension_numbers = #tpu.dot_dimension_numbers<[1], [1], [0], [0], [0, 0, 1, 0], [], []>, transpose_lhs_hint = false} : vector<512x128xbf16>, vector<1024x128xbf16>, vector<512x1024xf32> -> vector<512x1024xf32>
    %exp3A_218 = math.exp %dot_general3A_217 : vector<512x1024xf32>
    %reduce_sum3A_219 = arith.constant dense<0.000000e+00> : vector<512xf32>
    %reduce_sum3A_220 = vector.multi_reduction <add>, %exp3A_218, %reduce_sum3A_219 [1] : vector<512x1024xf32> to vector<512xf32>
    %broadcast_in_dim3A_221 = vector.shape_cast %reduce_sum3A_220 : vector<512xf32> to vector<512x1xf32>
    %convert_element_type3A_222 = arith.truncf %exp3A_218 : vector<512x1024xf32> to vector<512x1024xbf16>
    %dot_general3A_223 = arith.constant dense<0.000000e+00> : vector<512x128xf32>
    %dot_general3A_224 = tpu.matmul %convert_element_type3A_222, %get3A_215, %dot_general3A_223 {dimension_numbers = #tpu.dot_dimension_numbers<[1], [0], [0], [1], [0, 0, 1, 1], [], []>, transpose_lhs_hint = false} : vector<512x1024xbf16>, vector<1024x128xbf16>, vector<512x128xf32> -> vector<512x128xf32>
    %slice3A_225 = vector.extract_strided_slice %dot_general3A_224 {offsets = [0, 64], sizes = [512, 64], strides = [1, 1]} : vector<512x128xf32> to vector<512x64xf32>
    %div3A_226 = vector.broadcast %broadcast_in_dim3A_221 : vector<512x1xf32> to vector<512x64xf32>
    %div3A_227 = arith.divf %slice3A_225, %div3A_226 : vector<512x64xf32>
    %convert_element_type3A_228 = arith.truncf %div3A_227 : vector<512x64xf32> to vector<512x64xbf16>
    %swap3A_229 = arith.constant 0 : index
    %swap3A_230 = arith.constant 448 : index
    %swap3A_231 = vector.load %arg4[%swap3A_229, %swap3A_230] : memref<512x1024xbf16, #tpu.memory_space<vmem>>, vector<512x64xbf16>
    tpu.vector_store %arg4[%swap3A_229, %swap3A_230], %convert_element_type3A_228 {strides = array<i32>} : memref<512x1024xbf16, #tpu.memory_space<vmem>>, vector<512x64xbf16>,
    %get3A_232 = arith.constant 0 : index
    %get3A_233 = arith.constant 512 : index
    %get3A_234 = vector.load %arg2[%get3A_232, %get3A_233] : memref<512x1024xbf16, #tpu.memory_space<vmem>>, vector<512x64xbf16>
    %mul3A_235 = arith.constant 1.250000e-01 : bf16
    %mul3A_236 = vector.broadcast %mul3A_235 : bf16 to vector<512x64xbf16>
    %mul3A_237 = arith.mulf %get3A_234, %mul3A_236 : vector<512x64xbf16>
    %broadcast_in_dim3A_238 = arith.constant 0.000000e+00 : bf16
    %broadcast_in_dim3A_239 = vector.broadcast %broadcast_in_dim3A_238 : bf16 to vector<512x64xbf16>
    %concatenate3A_240 = tpu.concatenate %mul3A_237, %broadcast_in_dim3A_239 in 1 : vector<512x64xbf16>, vector<512x64xbf16> -> vector<512x128xbf16>
    %get3A_241 = arith.constant 8 : index
    %get3A_242 = arith.constant 0 : index
    %get3A_243 = arith.constant 0 : index
    %get3A_244 = vector.load %arg5[%get3A_241, %get3A_242, %get3A_243] : memref<16x1024x128xbf16, #tpu.memory_space<vmem>>, vector<1x1024x128xbf16>
    %get3A_245 = vector.shape_cast %get3A_244 : vector<1x1024x128xbf16> to vector<1024x128xbf16>
    %dot_general3A_246 = arith.constant dense<0.000000e+00> : vector<512x1024xf32>
    %dot_general3A_247 = tpu.matmul %concatenate3A_240, %get3A_245, %dot_general3A_246 {dimension_numbers = #tpu.dot_dimension_numbers<[1], [1], [0], [0], [0, 0, 1, 0], [], []>, transpose_lhs_hint = false} : vector<512x128xbf16>, vector<1024x128xbf16>, vector<512x1024xf32> -> vector<512x1024xf32>
    %exp3A_248 = math.exp %dot_general3A_247 : vector<512x1024xf32>
    %reduce_sum3A_249 = arith.constant dense<0.000000e+00> : vector<512xf32>
    %reduce_sum3A_250 = vector.multi_reduction <add>, %exp3A_248, %reduce_sum3A_249 [1] : vector<512x1024xf32> to vector<512xf32>
    %broadcast_in_dim3A_251 = vector.shape_cast %reduce_sum3A_250 : vector<512xf32> to vector<512x1xf32>
    %convert_element_type3A_252 = arith.truncf %exp3A_248 : vector<512x1024xf32> to vector<512x1024xbf16>
    %dot_general3A_253 = arith.constant dense<0.000000e+00> : vector<512x128xf32>
    %dot_general3A_254 = tpu.matmul %convert_element_type3A_252, %get3A_245, %dot_general3A_253 {dimension_numbers = #tpu.dot_dimension_numbers<[1], [0], [0], [1], [0, 0, 1, 1], [], []>, transpose_lhs_hint = false} : vector<512x1024xbf16>, vector<1024x128xbf16>, vector<512x128xf32> -> vector<512x128xf32>
    %slice3A_255 = vector.extract_strided_slice %dot_general3A_254 {offsets = [0, 64], sizes = [512, 64], strides = [1, 1]} : vector<512x128xf32> to vector<512x64xf32>
    %div3A_256 = vector.broadcast %broadcast_in_dim3A_251 : vector<512x1xf32> to vector<512x64xf32>
    %div3A_257 = arith.divf %slice3A_255, %div3A_256 : vector<512x64xf32>
    %convert_element_type3A_258 = arith.truncf %div3A_257 : vector<512x64xf32> to vector<512x64xbf16>
    %swap3A_259 = arith.constant 0 : index
    %swap3A_260 = arith.constant 512 : index
    %swap3A_261 = vector.load %arg4[%swap3A_259, %swap3A_260] : memref<512x1024xbf16, #tpu.memory_space<vmem>>, vector<512x64xbf16>
    tpu.vector_store %arg4[%swap3A_259, %swap3A_260], %convert_element_type3A_258 {strides = array<i32>} : memref<512x1024xbf16, #tpu.memory_space<vmem>>, vector<512x64xbf16>,
    %get3A_262 = arith.constant 0 : index
    %get3A_263 = arith.constant 576 : index
    %get3A_264 = vector.load %arg2[%get3A_262, %get3A_263] : memref<512x1024xbf16, #tpu.memory_space<vmem>>, vector<512x64xbf16>
    %mul3A_265 = arith.constant 1.250000e-01 : bf16
    %mul3A_266 = vector.broadcast %mul3A_265 : bf16 to vector<512x64xbf16>
    %mul3A_267 = arith.mulf %get3A_264, %mul3A_266 : vector<512x64xbf16>
    %broadcast_in_dim3A_268 = arith.constant 0.000000e+00 : bf16
    %broadcast_in_dim3A_269 = vector.broadcast %broadcast_in_dim3A_268 : bf16 to vector<512x64xbf16>
    %concatenate3A_270 = tpu.concatenate %mul3A_267, %broadcast_in_dim3A_269 in 1 : vector<512x64xbf16>, vector<512x64xbf16> -> vector<512x128xbf16>
    %get3A_271 = arith.constant 9 : index
    %get3A_272 = arith.constant 0 : index
    %get3A_273 = arith.constant 0 : index
    %get3A_274 = vector.load %arg5[%get3A_271, %get3A_272, %get3A_273] : memref<16x1024x128xbf16, #tpu.memory_space<vmem>>, vector<1x1024x128xbf16>
    %get3A_275 = vector.shape_cast %get3A_274 : vector<1x1024x128xbf16> to vector<1024x128xbf16>
    %dot_general3A_276 = arith.constant dense<0.000000e+00> : vector<512x1024xf32>
    %dot_general3A_277 = tpu.matmul %concatenate3A_270, %get3A_275, %dot_general3A_276 {dimension_numbers = #tpu.dot_dimension_numbers<[1], [1], [0], [0], [0, 0, 1, 0], [], []>, transpose_lhs_hint = false} : vector<512x128xbf16>, vector<1024x128xbf16>, vector<512x1024xf32> -> vector<512x1024xf32>
    %exp3A_278 = math.exp %dot_general3A_277 : vector<512x1024xf32>
    %reduce_sum3A_279 = arith.constant dense<0.000000e+00> : vector<512xf32>
    %reduce_sum3A_280 = vector.multi_reduction <add>, %exp3A_278, %reduce_sum3A_279 [1] : vector<512x1024xf32> to vector<512xf32>
    %broadcast_in_dim3A_281 = vector.shape_cast %reduce_sum3A_280 : vector<512xf32> to vector<512x1xf32>
    %convert_element_type3A_282 = arith.truncf %exp3A_278 : vector<512x1024xf32> to vector<512x1024xbf16>
    %dot_general3A_283 = arith.constant dense<0.000000e+00> : vector<512x128xf32>
    %dot_general3A_284 = tpu.matmul %convert_element_type3A_282, %get3A_275, %dot_general3A_283 {dimension_numbers = #tpu.dot_dimension_numbers<[1], [0], [0], [1], [0, 0, 1, 1], [], []>, transpose_lhs_hint = false} : vector<512x1024xbf16>, vector<1024x128xbf16>, vector<512x128xf32> -> vector<512x128xf32>
    %slice3A_285 = vector.extract_strided_slice %dot_general3A_284 {offsets = [0, 64], sizes = [512, 64], strides = [1, 1]} : vector<512x128xf32> to vector<512x64xf32>
    %div3A_286 = vector.broadcast %broadcast_in_dim3A_281 : vector<512x1xf32> to vector<512x64xf32>
    %div3A_287 = arith.divf %slice3A_285, %div3A_286 : vector<512x64xf32>
    %convert_element_type3A_288 = arith.truncf %div3A_287 : vector<512x64xf32> to vector<512x64xbf16>
    %swap3A_289 = arith.constant 0 : index
    %swap3A_290 = arith.constant 576 : index
    %swap3A_291 = vector.load %arg4[%swap3A_289, %swap3A_290] : memref<512x1024xbf16, #tpu.memory_space<vmem>>, vector<512x64xbf16>
    tpu.vector_store %arg4[%swap3A_289, %swap3A_290], %convert_element_type3A_288 {strides = array<i32>} : memref<512x1024xbf16, #tpu.memory_space<vmem>>, vector<512x64xbf16>,
    %get3A_292 = arith.constant 0 : index
    %get3A_293 = arith.constant 640 : index
    %get3A_294 = vector.load %arg2[%get3A_292, %get3A_293] : memref<512x1024xbf16, #tpu.memory_space<vmem>>, vector<512x64xbf16>
    %mul3A_295 = arith.constant 1.250000e-01 : bf16
    %mul3A_296 = vector.broadcast %mul3A_295 : bf16 to vector<512x64xbf16>
    %mul3A_297 = arith.mulf %get3A_294, %mul3A_296 : vector<512x64xbf16>
    %broadcast_in_dim3A_298 = arith.constant 0.000000e+00 : bf16
    %broadcast_in_dim3A_299 = vector.broadcast %broadcast_in_dim3A_298 : bf16 to vector<512x64xbf16>
    %concatenate3A_300 = tpu.concatenate %mul3A_297, %broadcast_in_dim3A_299 in 1 : vector<512x64xbf16>, vector<512x64xbf16> -> vector<512x128xbf16>
    %get3A_301 = arith.constant 10 : index
    %get3A_302 = arith.constant 0 : index
    %get3A_303 = arith.constant 0 : index
    %get3A_304 = vector.load %arg5[%get3A_301, %get3A_302, %get3A_303] : memref<16x1024x128xbf16, #tpu.memory_space<vmem>>, vector<1x1024x128xbf16>
    %get3A_305 = vector.shape_cast %get3A_304 : vector<1x1024x128xbf16> to vector<1024x128xbf16>
    %dot_general3A_306 = arith.constant dense<0.000000e+00> : vector<512x1024xf32>
    %dot_general3A_307 = tpu.matmul %concatenate3A_300, %get3A_305, %dot_general3A_306 {dimension_numbers = #tpu.dot_dimension_numbers<[1], [1], [0], [0], [0, 0, 1, 0], [], []>, transpose_lhs_hint = false} : vector<512x128xbf16>, vector<1024x128xbf16>, vector<512x1024xf32> -> vector<512x1024xf32>
    %exp3A_308 = math.exp %dot_general3A_307 : vector<512x1024xf32>
    %reduce_sum3A_309 = arith.constant dense<0.000000e+00> : vector<512xf32>
    %reduce_sum3A_310 = vector.multi_reduction <add>, %exp3A_308, %reduce_sum3A_309 [1] : vector<512x1024xf32> to vector<512xf32>
    %broadcast_in_dim3A_311 = vector.shape_cast %reduce_sum3A_310 : vector<512xf32> to vector<512x1xf32>
    %convert_element_type3A_312 = arith.truncf %exp3A_308 : vector<512x1024xf32> to vector<512x1024xbf16>
    %dot_general3A_313 = arith.constant dense<0.000000e+00> : vector<512x128xf32>
    %dot_general3A_314 = tpu.matmul %convert_element_type3A_312, %get3A_305, %dot_general3A_313 {dimension_numbers = #tpu.dot_dimension_numbers<[1], [0], [0], [1], [0, 0, 1, 1], [], []>, transpose_lhs_hint = false} : vector<512x1024xbf16>, vector<1024x128xbf16>, vector<512x128xf32> -> vector<512x128xf32>
    %slice3A_315 = vector.extract_strided_slice %dot_general3A_314 {offsets = [0, 64], sizes = [512, 64], strides = [1, 1]} : vector<512x128xf32> to vector<512x64xf32>
    %div3A_316 = vector.broadcast %broadcast_in_dim3A_311 : vector<512x1xf32> to vector<512x64xf32>
    %div3A_317 = arith.divf %slice3A_315, %div3A_316 : vector<512x64xf32>
    %convert_element_type3A_318 = arith.truncf %div3A_317 : vector<512x64xf32> to vector<512x64xbf16>
    %swap3A_319 = arith.constant 0 : index
    %swap3A_320 = arith.constant 640 : index
    %swap3A_321 = vector.load %arg4[%swap3A_319, %swap3A_320] : memref<512x1024xbf16, #tpu.memory_space<vmem>>, vector<512x64xbf16>
    tpu.vector_store %arg4[%swap3A_319, %swap3A_320], %convert_element_type3A_318 {strides = array<i32>} : memref<512x1024xbf16, #tpu.memory_space<vmem>>, vector<512x64xbf16>,
    %get3A_322 = arith.constant 0 : index
    %get3A_323 = arith.constant 704 : index
    %get3A_324 = vector.load %arg2[%get3A_322, %get3A_323] : memref<512x1024xbf16, #tpu.memory_space<vmem>>, vector<512x64xbf16>
    %mul3A_325 = arith.constant 1.250000e-01 : bf16
    %mul3A_326 = vector.broadcast %mul3A_325 : bf16 to vector<512x64xbf16>
    %mul3A_327 = arith.mulf %get3A_324, %mul3A_326 : vector<512x64xbf16>
    %broadcast_in_dim3A_328 = arith.constant 0.000000e+00 : bf16
    %broadcast_in_dim3A_329 = vector.broadcast %broadcast_in_dim3A_328 : bf16 to vector<512x64xbf16>
    %concatenate3A_330 = tpu.concatenate %mul3A_327, %broadcast_in_dim3A_329 in 1 : vector<512x64xbf16>, vector<512x64xbf16> -> vector<512x128xbf16>
    %get3A_331 = arith.constant 11 : index
    %get3A_332 = arith.constant 0 : index
    %get3A_333 = arith.constant 0 : index
    %get3A_334 = vector.load %arg5[%get3A_331, %get3A_332, %get3A_333] : memref<16x1024x128xbf16, #tpu.memory_space<vmem>>, vector<1x1024x128xbf16>
    %get3A_335 = vector.shape_cast %get3A_334 : vector<1x1024x128xbf16> to vector<1024x128xbf16>
    %dot_general3A_336 = arith.constant dense<0.000000e+00> : vector<512x1024xf32>
    %dot_general3A_337 = tpu.matmul %concatenate3A_330, %get3A_335, %dot_general3A_336 {dimension_numbers = #tpu.dot_dimension_numbers<[1], [1], [0], [0], [0, 0, 1, 0], [], []>, transpose_lhs_hint = false} : vector<512x128xbf16>, vector<1024x128xbf16>, vector<512x1024xf32> -> vector<512x1024xf32>
    %exp3A_338 = math.exp %dot_general3A_337 : vector<512x1024xf32>
    %reduce_sum3A_339 = arith.constant dense<0.000000e+00> : vector<512xf32>
    %reduce_sum3A_340 = vector.multi_reduction <add>, %exp3A_338, %reduce_sum3A_339 [1] : vector<512x1024xf32> to vector<512xf32>
    %broadcast_in_dim3A_341 = vector.shape_cast %reduce_sum3A_340 : vector<512xf32> to vector<512x1xf32>
    %convert_element_type3A_342 = arith.truncf %exp3A_338 : vector<512x1024xf32> to vector<512x1024xbf16>
    %dot_general3A_343 = arith.constant dense<0.000000e+00> : vector<512x128xf32>
    %dot_general3A_344 = tpu.matmul %convert_element_type3A_342, %get3A_335, %dot_general3A_343 {dimension_numbers = #tpu.dot_dimension_numbers<[1], [0], [0], [1], [0, 0, 1, 1], [], []>, transpose_lhs_hint = false} : vector<512x1024xbf16>, vector<1024x128xbf16>, vector<512x128xf32> -> vector<512x128xf32>
    %slice3A_345 = vector.extract_strided_slice %dot_general3A_344 {offsets = [0, 64], sizes = [512, 64], strides = [1, 1]} : vector<512x128xf32> to vector<512x64xf32>
    %div3A_346 = vector.broadcast %broadcast_in_dim3A_341 : vector<512x1xf32> to vector<512x64xf32>
    %div3A_347 = arith.divf %slice3A_345, %div3A_346 : vector<512x64xf32>
    %convert_element_type3A_348 = arith.truncf %div3A_347 : vector<512x64xf32> to vector<512x64xbf16>
    %swap3A_349 = arith.constant 0 : index
    %swap3A_350 = arith.constant 704 : index
    %swap3A_351 = vector.load %arg4[%swap3A_349, %swap3A_350] : memref<512x1024xbf16, #tpu.memory_space<vmem>>, vector<512x64xbf16>
    tpu.vector_store %arg4[%swap3A_349, %swap3A_350], %convert_element_type3A_348 {strides = array<i32>} : memref<512x1024xbf16, #tpu.memory_space<vmem>>, vector<512x64xbf16>,
    %get3A_352 = arith.constant 0 : index
    %get3A_353 = arith.constant 768 : index
    %get3A_354 = vector.load %arg2[%get3A_352, %get3A_353] : memref<512x1024xbf16, #tpu.memory_space<vmem>>, vector<512x64xbf16>
    %mul3A_355 = arith.constant 1.250000e-01 : bf16
    %mul3A_356 = vector.broadcast %mul3A_355 : bf16 to vector<512x64xbf16>
    %mul3A_357 = arith.mulf %get3A_354, %mul3A_356 : vector<512x64xbf16>
    %broadcast_in_dim3A_358 = arith.constant 0.000000e+00 : bf16
    %broadcast_in_dim3A_359 = vector.broadcast %broadcast_in_dim3A_358 : bf16 to vector<512x64xbf16>
    %concatenate3A_360 = tpu.concatenate %mul3A_357, %broadcast_in_dim3A_359 in 1 : vector<512x64xbf16>, vector<512x64xbf16> -> vector<512x128xbf16>
    %get3A_361 = arith.constant 12 : index
    %get3A_362 = arith.constant 0 : index
    %get3A_363 = arith.constant 0 : index
    %get3A_364 = vector.load %arg5[%get3A_361, %get3A_362, %get3A_363] : memref<16x1024x128xbf16, #tpu.memory_space<vmem>>, vector<1x1024x128xbf16>
    %get3A_365 = vector.shape_cast %get3A_364 : vector<1x1024x128xbf16> to vector<1024x128xbf16>
    %dot_general3A_366 = arith.constant dense<0.000000e+00> : vector<512x1024xf32>
    %dot_general3A_367 = tpu.matmul %concatenate3A_360, %get3A_365, %dot_general3A_366 {dimension_numbers = #tpu.dot_dimension_numbers<[1], [1], [0], [0], [0, 0, 1, 0], [], []>, transpose_lhs_hint = false} : vector<512x128xbf16>, vector<1024x128xbf16>, vector<512x1024xf32> -> vector<512x1024xf32>
    %exp3A_368 = math.exp %dot_general3A_367 : vector<512x1024xf32>
    %reduce_sum3A_369 = arith.constant dense<0.000000e+00> : vector<512xf32>
    %reduce_sum3A_370 = vector.multi_reduction <add>, %exp3A_368, %reduce_sum3A_369 [1] : vector<512x1024xf32> to vector<512xf32>
    %broadcast_in_dim3A_371 = vector.shape_cast %reduce_sum3A_370 : vector<512xf32> to vector<512x1xf32>
    %convert_element_type3A_372 = arith.truncf %exp3A_368 : vector<512x1024xf32> to vector<512x1024xbf16>
    %dot_general3A_373 = arith.constant dense<0.000000e+00> : vector<512x128xf32>
    %dot_general3A_374 = tpu.matmul %convert_element_type3A_372, %get3A_365, %dot_general3A_373 {dimension_numbers = #tpu.dot_dimension_numbers<[1], [0], [0], [1], [0, 0, 1, 1], [], []>, transpose_lhs_hint = false} : vector<512x1024xbf16>, vector<1024x128xbf16>, vector<512x128xf32> -> vector<512x128xf32>
    %slice3A_375 = vector.extract_strided_slice %dot_general3A_374 {offsets = [0, 64], sizes = [512, 64], strides = [1, 1]} : vector<512x128xf32> to vector<512x64xf32>
    %div3A_376 = vector.broadcast %broadcast_in_dim3A_371 : vector<512x1xf32> to vector<512x64xf32>
    %div3A_377 = arith.divf %slice3A_375, %div3A_376 : vector<512x64xf32>
    %convert_element_type3A_378 = arith.truncf %div3A_377 : vector<512x64xf32> to vector<512x64xbf16>
    %swap3A_379 = arith.constant 0 : index
    %swap3A_380 = arith.constant 768 : index
    %swap3A_381 = vector.load %arg4[%swap3A_379, %swap3A_380] : memref<512x1024xbf16, #tpu.memory_space<vmem>>, vector<512x64xbf16>
    tpu.vector_store %arg4[%swap3A_379, %swap3A_380], %convert_element_type3A_378 {strides = array<i32>} : memref<512x1024xbf16, #tpu.memory_space<vmem>>, vector<512x64xbf16>,
    %get3A_382 = arith.constant 0 : index
    %get3A_383 = arith.constant 832 : index
    %get3A_384 = vector.load %arg2[%get3A_382, %get3A_383] : memref<512x1024xbf16, #tpu.memory_space<vmem>>, vector<512x64xbf16>
    %mul3A_385 = arith.constant 1.250000e-01 : bf16
    %mul3A_386 = vector.broadcast %mul3A_385 : bf16 to vector<512x64xbf16>
    %mul3A_387 = arith.mulf %get3A_384, %mul3A_386 : vector<512x64xbf16>
    %broadcast_in_dim3A_388 = arith.constant 0.000000e+00 : bf16
    %broadcast_in_dim3A_389 = vector.broadcast %broadcast_in_dim3A_388 : bf16 to vector<512x64xbf16>
    %concatenate3A_390 = tpu.concatenate %mul3A_387, %broadcast_in_dim3A_389 in 1 : vector<512x64xbf16>, vector<512x64xbf16> -> vector<512x128xbf16>
    %get3A_391 = arith.constant 13 : index
    %get3A_392 = arith.constant 0 : index
    %get3A_393 = arith.constant 0 : index
    %get3A_394 = vector.load %arg5[%get3A_391, %get3A_392, %get3A_393] : memref<16x1024x128xbf16, #tpu.memory_space<vmem>>, vector<1x1024x128xbf16>
    %get3A_395 = vector.shape_cast %get3A_394 : vector<1x1024x128xbf16> to vector<1024x128xbf16>
    %dot_general3A_396 = arith.constant dense<0.000000e+00> : vector<512x1024xf32>
    %dot_general3A_397 = tpu.matmul %concatenate3A_390, %get3A_395, %dot_general3A_396 {dimension_numbers = #tpu.dot_dimension_numbers<[1], [1], [0], [0], [0, 0, 1, 0], [], []>, transpose_lhs_hint = false} : vector<512x128xbf16>, vector<1024x128xbf16>, vector<512x1024xf32> -> vector<512x1024xf32>
    %exp3A_398 = math.exp %dot_general3A_397 : vector<512x1024xf32>
    %reduce_sum3A_399 = arith.constant dense<0.000000e+00> : vector<512xf32>
    %reduce_sum3A_400 = vector.multi_reduction <add>, %exp3A_398, %reduce_sum3A_399 [1] : vector<512x1024xf32> to vector<512xf32>
    %broadcast_in_dim3A_401 = vector.shape_cast %reduce_sum3A_400 : vector<512xf32> to vector<512x1xf32>
    %convert_element_type3A_402 = arith.truncf %exp3A_398 : vector<512x1024xf32> to vector<512x1024xbf16>
    %dot_general3A_403 = arith.constant dense<0.000000e+00> : vector<512x128xf32>
    %dot_general3A_404 = tpu.matmul %convert_element_type3A_402, %get3A_395, %dot_general3A_403 {dimension_numbers = #tpu.dot_dimension_numbers<[1], [0], [0], [1], [0, 0, 1, 1], [], []>, transpose_lhs_hint = false} : vector<512x1024xbf16>, vector<1024x128xbf16>, vector<512x128xf32> -> vector<512x128xf32>
    %slice3A_405 = vector.extract_strided_slice %dot_general3A_404 {offsets = [0, 64], sizes = [512, 64], strides = [1, 1]} : vector<512x128xf32> to vector<512x64xf32>
    %div3A_406 = vector.broadcast %broadcast_in_dim3A_401 : vector<512x1xf32> to vector<512x64xf32>
    %div3A_407 = arith.divf %slice3A_405, %div3A_406 : vector<512x64xf32>
    %convert_element_type3A_408 = arith.truncf %div3A_407 : vector<512x64xf32> to vector<512x64xbf16>
    %swap3A_409 = arith.constant 0 : index
    %swap3A_410 = arith.constant 832 : index
    %swap3A_411 = vector.load %arg4[%swap3A_409, %swap3A_410] : memref<512x1024xbf16, #tpu.memory_space<vmem>>, vector<512x64xbf16>
    tpu.vector_store %arg4[%swap3A_409, %swap3A_410], %convert_element_type3A_408 {strides = array<i32>} : memref<512x1024xbf16, #tpu.memory_space<vmem>>, vector<512x64xbf16>,
    %get3A_412 = arith.constant 0 : index
    %get3A_413 = arith.constant 896 : index
    %get3A_414 = vector.load %arg2[%get3A_412, %get3A_413] : memref<512x1024xbf16, #tpu.memory_space<vmem>>, vector<512x64xbf16>
    %mul3A_415 = arith.constant 1.250000e-01 : bf16
    %mul3A_416 = vector.broadcast %mul3A_415 : bf16 to vector<512x64xbf16>
    %mul3A_417 = arith.mulf %get3A_414, %mul3A_416 : vector<512x64xbf16>
    %broadcast_in_dim3A_418 = arith.constant 0.000000e+00 : bf16
    %broadcast_in_dim3A_419 = vector.broadcast %broadcast_in_dim3A_418 : bf16 to vector<512x64xbf16>
    %concatenate3A_420 = tpu.concatenate %mul3A_417, %broadcast_in_dim3A_419 in 1 : vector<512x64xbf16>, vector<512x64xbf16> -> vector<512x128xbf16>
    %get3A_421 = arith.constant 14 : index
    %get3A_422 = arith.constant 0 : index
    %get3A_423 = arith.constant 0 : index
    %get3A_424 = vector.load %arg5[%get3A_421, %get3A_422, %get3A_423] : memref<16x1024x128xbf16, #tpu.memory_space<vmem>>, vector<1x1024x128xbf16>
    %get3A_425 = vector.shape_cast %get3A_424 : vector<1x1024x128xbf16> to vector<1024x128xbf16>
    %dot_general3A_426 = arith.constant dense<0.000000e+00> : vector<512x1024xf32>
    %dot_general3A_427 = tpu.matmul %concatenate3A_420, %get3A_425, %dot_general3A_426 {dimension_numbers = #tpu.dot_dimension_numbers<[1], [1], [0], [0], [0, 0, 1, 0], [], []>, transpose_lhs_hint = false} : vector<512x128xbf16>, vector<1024x128xbf16>, vector<512x1024xf32> -> vector<512x1024xf32>
    %exp3A_428 = math.exp %dot_general3A_427 : vector<512x1024xf32>
    %reduce_sum3A_429 = arith.constant dense<0.000000e+00> : vector<512xf32>
    %reduce_sum3A_430 = vector.multi_reduction <add>, %exp3A_428, %reduce_sum3A_429 [1] : vector<512x1024xf32> to vector<512xf32>
    %broadcast_in_dim3A_431 = vector.shape_cast %reduce_sum3A_430 : vector<512xf32> to vector<512x1xf32>
    %convert_element_type3A_432 = arith.truncf %exp3A_428 : vector<512x1024xf32> to vector<512x1024xbf16>
    %dot_general3A_433 = arith.constant dense<0.000000e+00> : vector<512x128xf32>
    %dot_general3A_434 = tpu.matmul %convert_element_type3A_432, %get3A_425, %dot_general3A_433 {dimension_numbers = #tpu.dot_dimension_numbers<[1], [0], [0], [1], [0, 0, 1, 1], [], []>, transpose_lhs_hint = false} : vector<512x1024xbf16>, vector<1024x128xbf16>, vector<512x128xf32> -> vector<512x128xf32>
    %slice3A_435 = vector.extract_strided_slice %dot_general3A_434 {offsets = [0, 64], sizes = [512, 64], strides = [1, 1]} : vector<512x128xf32> to vector<512x64xf32>
    %div3A_436 = vector.broadcast %broadcast_in_dim3A_431 : vector<512x1xf32> to vector<512x64xf32>
    %div3A_437 = arith.divf %slice3A_435, %div3A_436 : vector<512x64xf32>
    %convert_element_type3A_438 = arith.truncf %div3A_437 : vector<512x64xf32> to vector<512x64xbf16>
    %swap3A_439 = arith.constant 0 : index
    %swap3A_440 = arith.constant 896 : index
    %swap3A_441 = vector.load %arg4[%swap3A_439, %swap3A_440] : memref<512x1024xbf16, #tpu.memory_space<vmem>>, vector<512x64xbf16>
    tpu.vector_store %arg4[%swap3A_439, %swap3A_440], %convert_element_type3A_438 {strides = array<i32>} : memref<512x1024xbf16, #tpu.memory_space<vmem>>, vector<512x64xbf16>,
    %get3A_442 = arith.constant 0 : index
    %get3A_443 = arith.constant 960 : index
    %get3A_444 = vector.load %arg2[%get3A_442, %get3A_443] : memref<512x1024xbf16, #tpu.memory_space<vmem>>, vector<512x64xbf16>
    %mul3A_445 = arith.constant 1.250000e-01 : bf16
    %mul3A_446 = vector.broadcast %mul3A_445 : bf16 to vector<512x64xbf16>
    %mul3A_447 = arith.mulf %get3A_444, %mul3A_446 : vector<512x64xbf16>
    %broadcast_in_dim3A_448 = arith.constant 0.000000e+00 : bf16
    %broadcast_in_dim3A_449 = vector.broadcast %broadcast_in_dim3A_448 : bf16 to vector<512x64xbf16>
    %concatenate3A_450 = tpu.concatenate %mul3A_447, %broadcast_in_dim3A_449 in 1 : vector<512x64xbf16>, vector<512x64xbf16> -> vector<512x128xbf16>
    %get3A_451 = arith.constant 15 : index
    %get3A_452 = arith.constant 0 : index
    %get3A_453 = arith.constant 0 : index
    %get3A_454 = vector.load %arg5[%get3A_451, %get3A_452, %get3A_453] : memref<16x1024x128xbf16, #tpu.memory_space<vmem>>, vector<1x1024x128xbf16>
    %get3A_455 = vector.shape_cast %get3A_454 : vector<1x1024x128xbf16> to vector<1024x128xbf16>
    %dot_general3A_456 = arith.constant dense<0.000000e+00> : vector<512x1024xf32>
    %dot_general3A_457 = tpu.matmul %concatenate3A_450, %get3A_455, %dot_general3A_456 {dimension_numbers = #tpu.dot_dimension_numbers<[1], [1], [0], [0], [0, 0, 1, 0], [], []>, transpose_lhs_hint = false} : vector<512x128xbf16>, vector<1024x128xbf16>, vector<512x1024xf32> -> vector<512x1024xf32>
    %exp3A_458 = math.exp %dot_general3A_457 : vector<512x1024xf32>
    %reduce_sum3A_459 = arith.constant dense<0.000000e+00> : vector<512xf32>
    %reduce_sum3A_460 = vector.multi_reduction <add>, %exp3A_458, %reduce_sum3A_459 [1] : vector<512x1024xf32> to vector<512xf32>
    %broadcast_in_dim3A_461 = vector.shape_cast %reduce_sum3A_460 : vector<512xf32> to vector<512x1xf32>
    %convert_element_type3A_462 = arith.truncf %exp3A_458 : vector<512x1024xf32> to vector<512x1024xbf16>
    %dot_general3A_463 = arith.constant dense<0.000000e+00> : vector<512x128xf32>
    %dot_general3A_464 = tpu.matmul %convert_element_type3A_462, %get3A_455, %dot_general3A_463 {dimension_numbers = #tpu.dot_dimension_numbers<[1], [0], [0], [1], [0, 0, 1, 1], [], []>, transpose_lhs_hint = false} : vector<512x1024xbf16>, vector<1024x128xbf16>, vector<512x128xf32> -> vector<512x128xf32>
    %slice3A_465 = vector.extract_strided_slice %dot_general3A_464 {offsets = [0, 64], sizes = [512, 64], strides = [1, 1]} : vector<512x128xf32> to vector<512x64xf32>
    %div3A_466 = vector.broadcast %broadcast_in_dim3A_461 : vector<512x1xf32> to vector<512x64xf32>
    %div3A_467 = arith.divf %slice3A_465, %div3A_466 : vector<512x64xf32>
    %convert_element_type3A_468 = arith.truncf %div3A_467 : vector<512x64xf32> to vector<512x64xbf16>
    %swap3A_469 = arith.constant 0 : index
    %swap3A_470 = arith.constant 960 : index
    %swap3A_471 = vector.load %arg4[%swap3A_469, %swap3A_470] : memref<512x1024xbf16, #tpu.memory_space<vmem>>, vector<512x64xbf16>
    tpu.vector_store %arg4[%swap3A_469, %swap3A_470], %convert_element_type3A_468 {strides = array<i32>} : memref<512x1024xbf16, #tpu.memory_space<vmem>>, vector<512x64xbf16>,
    return
  }
  func.func @transform_0(%arg0: i32, %arg1: i32) -> (i32, i32) {
    %mul3A = arith.constant 4 : i32
    %mul3A_0 = arith.muli %arg0, %mul3A : i32
    %add3A = arith.addi %mul3A_0, %arg1 : i32
    %c0_i32 = arith.constant 0 : i32
    %c0_i32_1 = arith.constant 0 : i32
    return %add3A, %c0_i32 : i32, i32
  }
  func.func @transform_1(%arg0: i32, %arg1: i32) -> (i32, i32, i32) {
    %c0_i32 = arith.constant 0 : i32
    %c0_i32_0 = arith.constant 0 : i32
    %c0_i32_1 = arith.constant 0 : i32
    return %arg0, %c0_i32, %c0_i32_0 : i32, i32, i32
  }
  func.func @transform_2(%arg0: i32, %arg1: i32) -> (i32, i32) {
    %mul3A = arith.constant 4 : i32
    %mul3A_0 = arith.muli %arg0, %mul3A : i32
    %add3A = arith.addi %mul3A_0, %arg1 : i32
    %c0_i32 = arith.constant 0 : i32
    %c0_i32_1 = arith.constant 0 : i32
    return %add3A, %c0_i32 : i32, i32
  }
}

module attributes {stable_mosaic.version = 14 : i64} {
  func.func @_matmul_bias_body(%arg0: i32, %arg1: i32, %arg2: memref<512x1024xbf16, #tpu.memory_space<vmem>>, %arg3: memref<1024x512xbf16, #tpu.memory_space<vmem>>, %arg4: memref<1x512xf32, #tpu.memory_space<vmem>>, %arg5: memref<512x512xbf16, #tpu.memory_space<vmem>>) attributes {dimension_semantics = [#tpu.dimension_semantics<arbitrary>, #tpu.dimension_semantics<arbitrary>], iteration_bounds = array<i64: 8, 2>, scalar_prefetch = 0 : i64, scratch_operands = 0 : i64, tpu.core_type = #tpu.core_type<tc>, window_params = [{transform_indices = @transform_0, window_bounds = array<i64: 512, 1024>}, {transform_indices = @transform_1, window_bounds = array<i64: 1024, 512>}, {transform_indices = @transform_2, window_bounds = array<i64: 1, 512>}, {transform_indices = @transform_3, window_bounds = array<i64: 512, 512>}]} {
    %get3A = arith.constant 0 : index
    %get3A_0 = arith.constant 0 : index
    %get3A_1 = vector.load %arg2[%get3A, %get3A_0] : memref<512x1024xbf16, #tpu.memory_space<vmem>>, vector<512x1024xbf16>
    %get3A_2 = arith.constant 0 : index
    %get3A_3 = arith.constant 0 : index
    %get3A_4 = vector.load %arg3[%get3A_2, %get3A_3] : memref<1024x512xbf16, #tpu.memory_space<vmem>>, vector<1024x512xbf16>
    %dot_general3A = arith.constant dense<0.000000e+00> : vector<512x512xf32>
    %dot_general3A_5 = tpu.matmul %get3A_1, %get3A_4, %dot_general3A {dimension_numbers = #tpu.dot_dimension_numbers<[1], [0], [0], [1], [0, 0, 1, 1], [], []>, transpose_lhs_hint = false} : vector<512x1024xbf16>, vector<1024x512xbf16>, vector<512x512xf32> -> vector<512x512xf32>
    %get3A_6 = arith.constant 0 : index
    %get3A_7 = arith.constant 0 : index
    %get3A_8 = vector.load %arg4[%get3A_6, %get3A_7] : memref<1x512xf32, #tpu.memory_space<vmem>>, vector<1x512xf32>
    %add3A = vector.broadcast %get3A_8 : vector<1x512xf32> to vector<512x512xf32>
    %add3A_9 = arith.addf %dot_general3A_5, %add3A : vector<512x512xf32>
    %convert_element_type3A = arith.truncf %add3A_9 : vector<512x512xf32> to vector<512x512xbf16>
    %swap3A = arith.constant 0 : index
    %swap3A_10 = arith.constant 0 : index
    %swap3A_11 = vector.load %arg5[%swap3A, %swap3A_10] : memref<512x512xbf16, #tpu.memory_space<vmem>>, vector<512x512xbf16>
    tpu.vector_store %arg5[%swap3A, %swap3A_10], %convert_element_type3A {strides = array<i32>} : memref<512x512xbf16, #tpu.memory_space<vmem>>, vector<512x512xbf16>,
    return
  }
  func.func @transform_0(%arg0: i32, %arg1: i32) -> (i32, i32) {
    %c0_i32 = arith.constant 0 : i32
    %c0_i32_0 = arith.constant 0 : i32
    return %arg0, %c0_i32 : i32, i32
  }
  func.func @transform_1(%arg0: i32, %arg1: i32) -> (i32, i32) {
    %c0_i32 = arith.constant 0 : i32
    %c0_i32_0 = arith.constant 0 : i32
    return %c0_i32, %arg1 : i32, i32
  }
  func.func @transform_2(%arg0: i32, %arg1: i32) -> (i32, i32) {
    %c0_i32 = arith.constant 0 : i32
    %c0_i32_0 = arith.constant 0 : i32
    return %c0_i32, %arg1 : i32, i32
  }
  func.func @transform_3(%arg0: i32, %arg1: i32) -> (i32, i32) {
    %c0_i32 = arith.constant 0 : i32
    return %arg0, %arg1 : i32, i32
  }
}

module attributes {stable_mosaic.version = 14 : i64} {
  func.func @_matmul_bias_body(%arg0: i32, %arg1: i32, %arg2: memref<512x1024xbf16, #tpu.memory_space<vmem>>, %arg3: memref<1024x512xbf16, #tpu.memory_space<vmem>>, %arg4: memref<1x512xf32, #tpu.memory_space<vmem>>, %arg5: memref<512x512xf32, #tpu.memory_space<vmem>>) attributes {dimension_semantics = [#tpu.dimension_semantics<arbitrary>, #tpu.dimension_semantics<arbitrary>], iteration_bounds = array<i64: 8, 2>, scalar_prefetch = 0 : i64, scratch_operands = 0 : i64, tpu.core_type = #tpu.core_type<tc>, window_params = [{transform_indices = @transform_0, window_bounds = array<i64: 512, 1024>}, {transform_indices = @transform_1, window_bounds = array<i64: 1024, 512>}, {transform_indices = @transform_2, window_bounds = array<i64: 1, 512>}, {transform_indices = @transform_3, window_bounds = array<i64: 512, 512>}]} {
    %get3A = arith.constant 0 : index
    %get3A_0 = arith.constant 0 : index
    %get3A_1 = vector.load %arg2[%get3A, %get3A_0] : memref<512x1024xbf16, #tpu.memory_space<vmem>>, vector<512x1024xbf16>
    %get3A_2 = arith.constant 0 : index
    %get3A_3 = arith.constant 0 : index
    %get3A_4 = vector.load %arg3[%get3A_2, %get3A_3] : memref<1024x512xbf16, #tpu.memory_space<vmem>>, vector<1024x512xbf16>
    %dot_general3A = arith.constant dense<0.000000e+00> : vector<512x512xf32>
    %dot_general3A_5 = tpu.matmul %get3A_1, %get3A_4, %dot_general3A {dimension_numbers = #tpu.dot_dimension_numbers<[1], [0], [0], [1], [0, 0, 1, 1], [], []>, transpose_lhs_hint = false} : vector<512x1024xbf16>, vector<1024x512xbf16>, vector<512x512xf32> -> vector<512x512xf32>
    %get3A_6 = arith.constant 0 : index
    %get3A_7 = arith.constant 0 : index
    %get3A_8 = vector.load %arg4[%get3A_6, %get3A_7] : memref<1x512xf32, #tpu.memory_space<vmem>>, vector<1x512xf32>
    %add3A = vector.broadcast %get3A_8 : vector<1x512xf32> to vector<512x512xf32>
    %add3A_9 = arith.addf %dot_general3A_5, %add3A : vector<512x512xf32>
    %swap3A = arith.constant 0 : index
    %swap3A_10 = arith.constant 0 : index
    %swap3A_11 = vector.load %arg5[%swap3A, %swap3A_10] : memref<512x512xf32, #tpu.memory_space<vmem>>, vector<512x512xf32>
    tpu.vector_store %arg5[%swap3A, %swap3A_10], %add3A_9 {strides = array<i32>} : memref<512x512xf32, #tpu.memory_space<vmem>>, vector<512x512xf32>,
    return
  }
  func.func @transform_0(%arg0: i32, %arg1: i32) -> (i32, i32) {
    %c0_i32 = arith.constant 0 : i32
    %c0_i32_0 = arith.constant 0 : i32
    return %arg0, %c0_i32 : i32, i32
  }
  func.func @transform_1(%arg0: i32, %arg1: i32) -> (i32, i32) {
    %c0_i32 = arith.constant 0 : i32
    %c0_i32_0 = arith.constant 0 : i32
    return %c0_i32, %arg1 : i32, i32
  }
  func.func @transform_2(%arg0: i32, %arg1: i32) -> (i32, i32) {
    %c0_i32 = arith.constant 0 : i32
    %c0_i32_0 = arith.constant 0 : i32
    return %c0_i32, %arg1 : i32, i32
  }
  func.func @transform_3(%arg0: i32, %arg1: i32) -> (i32, i32) {
    %c0_i32 = arith.constant 0 : i32
    return %arg0, %arg1 : i32, i32
  }
}

</mosaic_0001>

<sc_bundles>
// kernel: kernel.11.cloned.1.call-start
scs
__scs_entry_jumppad:
0x0: {  	(pc) =	sbr.rel $0x88, $3  }
0x1: {  	(tag) =	ssettag $0x0;
	lr =	simm.s32 $0x1  }
0x2: {  	[smem:$0x3F9B] =	sst lr;
	_ =	strace $0xD0000000  }
0x3: {  	_ = 	snop  }
0x4: {  	_ = 	snop  }
0x5: {  	_ = 	snop  }
0x6: {  	_ = 	snop  }
0x7: {  	_ = 	snop  }
__scs_overlays_trampoline_lowered:
0x8: {  	[smem:$0x3FAA] =	sst s0  }
0x9: {  	[smem:$0x3FAB] =	sst s1  }
0xa: {  	[smem:$0x3FAC] =	sst s2  }
0xb: {  	[smem:$0x3FAD] =	sst s3  }
0xc: {  	[smem:$0x3FAE] =	sst s4  }
0xd: {  	[smem:$0x3FAF] =	sst s5  }
0xe: {  	[smem:$0x3FB0] =	sst s6  }
0xf: {  	[smem:$0x3FB1] =	sst s7  }
0x10: {  	[smem:$0x3FB2] =	sst s8  }
0x11: {  	[smem:$0x3FB3] =	sst s9;
	s0 =	simm.s32 @!p0 $0x0  }
0x12: {  	s1 =	sld [smem:$0x3F99];
	s0 =	simm.s32 @p0 $0x1  }
0x13: {  	[smem:$0x3FB4] =	sst s0;
	s0 =	simm.s32 @!p1 $0x0  }
0x14: {  	s2 =	sld [smem:$0x3F98];
	s0 =	simm.s32 @p1 $0x1  }
0x15: {  	[smem:$0x3FB5] =	sst s0;
	s0 =	simm.s32 @!p2 $0x0  }
0x16: {  	s3 =	sld [smem:$0x3FDB];
	s0 =	simm.s32 @p2 $0x1  }
0x17: {  	s4 =	simm.s32 $0x1BF5;
	[smem:$0x3FB7] =	sst s0  }
0x18: {  	s0 =	sld [smem:$0x3F9A];
	_ =	swait.ge [sflag:s4], $0x0  }
0x19: {  	s7 =	sld [smem:$0x3F9B]  }
0x1a: {  	s8 =	sadd.s32 $0xFFFFE003, lr  }
0x1b: {  	s9 =	sadd.s32 $0xFFFFFEF7, lr;
	s5 =	simm.s32 $0xFFFFFFFF;
	p2 =	slt.u32 s8, $0xFFFFF086  }
0x1c: {  	p1 =	slt.u32 s9, $0xF7A;
	s5 =	simm.s32 @!p2 $0x0  }
0x1d: {  	s5 =	simm.s32 @p1 $0x1;
	p0 =	seq.s32 s7, s2  }
0x1e: {  	s7 =	smul.u32 @!p0 $0xF7A, s2;
	p2 =	seq.s32 @!p0 s5, $0x0  }
0x1f: {  	s9 =	smul.u32 $0xF7A, s1;
	s8 =	simm.s32 @!p0 $0x1BF5;
	p2 =	por !p2, p0  }
0x20: {  	[sflag:s8] =	ssyncset.s32 @!p0 $0xFFFFF086;
	s6 =	sadd.s32 @!p0 s3, s7;
	s7 =	simm.s32 @!p0 $0x108  }
0x21: {  	s3 =	sadd.s32 s3, s9;
	s6 =	sadd.s32 @!p0 $0x88, s6;
	s7 =	simm.s32 @p2 $0x1082  }
0x22: {  	[simem:s7], [sflag:s8] =	dma.local @!p0 [hbm:s6], $0xF7A  }
0x23: {  	s9 =	sor.u32 $0xD0000000, s2;
	s6 =	simm.s32 $0x108;
	_ =	swait.ge @!p0 [sflag:s8], $0x0  }
0x24: {  	s3 =	sadd.s32 $0x88, s3;
	s6 =	simm.s32 @!p1 $0x1082;
	[sflag:s4] =	ssyncset.s32 $0xFFFFF086  }
0x25: {  	[simem:s6], [sflag:s4] =	dma.local [hbm:s3], $0xF7A  }
0x26: {  	[smem:$0x3F9B] =	sst s1;
	(tag) =	ssettag s2;
	_ =	strace s9  }
0x27: {  	s1 =	sld [smem:$0x3FAB]  }
0x28: {  	s2 =	sld [smem:$0x3FAC]  }
0x29: {  	s4 =	sld [smem:$0x3FAE]  }
0x2a: {  	p0 =	seq.s32 s5, $0x0;
	s5 =	sld [smem:$0x3FAF]  }
0x2b: {  	s6 =	sld [smem:$0x3FB0]  }
0x2c: {  	s7 =	sld [smem:$0x3FB1]  }
0x2d: {  	s3 =	simm.s32 $0x108;
	s8 =	sld [smem:$0x3FB2]  }
0x2e: {  	s3 =	simm.s32 @!p0 $0x1082;
	s9 =	sld [smem:$0x3FB3]  }
0x2f: {  	lr =	sadd.s32 s0, s3;
	s0 =	sld [smem:$0x3FAA]  }
0x30: {  	s3 =	sld [smem:$0x3FAD]  }
0x31: {  	[smem:$0x3FB6] =	sst s10  }
0x32: {  	s10 =	sld [smem:$0x3FB4];
	_ =	sdelay $0x3  }
0x33: {  	p0 =	seq.s32 s10, $0x1;
	s10 =	sld [smem:$0x3FB6];
	_ =	sdelay $0x3  }
0x34: {  	[smem:$0x3FB6] =	sst s10  }
0x35: {  	s10 =	sld [smem:$0x3FB5];
	_ =	sdelay $0x3  }
0x36: {  	p1 =	seq.s32 s10, $0x1;
	s10 =	sld [smem:$0x3FB6];
	_ =	sdelay $0x3  }
0x37: {  	[smem:$0x3FB6] =	sst s10  }
0x38: {  	s10 =	sld [smem:$0x3FB7]  }
0x39: {  	_ = 	snop;
	(pc) =	sbr.ind lr, $3  }
0x3a: {  	_ = 	snop  }
0x3b: {  	_ = 	snop  }
0x3c: {  	p2 =	seq.s32 s10, $0x1;
	s10 =	sld [smem:$0x3FB6]  }
0x3d: {  	_ =	shalt  }
0x3e: {  	_ =	shalt  }
0x3f: {  	_ =	shalt  }
0x40: {  	_ =	shalt  }
0x41: {  	_ =	shalt  }
0x42: {  	_ =	shalt  }
0x43: {  	_ =	shalt  }
0x44: {  	_ =	shalt  }
0x45: {  	_ =	shalt  }
0x46: {  	_ =	shalt  }
0x47: {  	_ =	shalt  }
0x48: {  	_ =	shalt  }
0x49: {  	_ =	shalt  }
0x4a: {  	_ =	shalt  }
0x4b: {  	_ =	shalt  }
0x4c: {  	_ =	shalt  }
0x4d: {  	_ =	shalt  }
0x4e: {  	_ =	shalt  }
0x4f: {  	_ =	shalt  }
0x50: {  	_ =	shalt  }
0x51: {  	_ =	shalt  }
0x52: {  	_ =	shalt  }
0x53: {  	_ =	shalt  }
0x54: {  	_ =	shalt  }
0x55: {  	_ =	shalt  }
0x56: {  	_ =	shalt  }
0x57: {  	_ =	shalt  }
0x58: {  	_ =	shalt  }
0x59: {  	_ =	shalt  }
0x5a: {  	_ =	shalt  }
0x5b: {  	_ =	shalt  }
0x5c: {  	_ =	shalt  }
0x5d: {  	_ =	shalt  }
0x5e: {  	_ =	shalt  }
0x5f: {  	_ =	shalt  }
0x60: {  	_ =	shalt  }
0x61: {  	_ =	shalt  }
0x62: {  	_ =	shalt  }
0x63: {  	_ =	shalt  }
0x64: {  	_ =	shalt  }
0x65: {  	_ =	shalt  }
0x66: {  	_ =	shalt  }
0x67: {  	_ =	shalt  }
0x68: {  	_ =	shalt  }
0x69: {  	_ =	shalt  }
0x6a: {  	_ =	shalt  }
0x6b: {  	_ =	shalt  }
0x6c: {  	_ =	shalt  }
0x6d: {  	_ =	shalt  }
0x6e: {  	_ =	shalt  }
0x6f: {  	_ =	shalt  }
0x70: {  	_ =	shalt  }
0x71: {  	_ =	shalt  }
0x72: {  	_ =	shalt  }
0x73: {  	_ =	shalt  }
0x74: {  	_ =	shalt  }
0x75: {  	_ =	shalt  }
0x76: {  	_ =	shalt  }
0x77: {  	_ =	shalt  }
0x78: {  	_ =	shalt  }
0x79: {  	_ =	shalt  }
0x7a: {  	_ =	shalt  }
0x7b: {  	_ =	shalt  }
0x7c: {  	_ =	shalt  }
0x7d: {  	_ =	shalt  }
0x7e: {  	_ =	shalt  }
0x7f: {  	_ =	shalt  }
0x80: {  	_ =	shalt  }
0x81: {  	_ =	shalt  }
0x82: {  	_ =	shalt  }
0x83: {  	_ =	shalt  }
0x84: {  	_ =	shalt  }
0x85: {  	_ =	shalt  }
0x86: {  	_ =	shalt  }
0x87: {  	_ =	shalt  }
.Lfunc_end0:
.L_simem_size_0:
called_computation.1_lowered:
.L_overlay_start_0:
0x88: {  	s2 =	sld [smem:$0x3FD9]  }
0x89: {  	s3 =	sld [smem:$0x3FFE];
	_ =	sdelay $0x1  }
0x8a: {  	s1 =	srdreg.scid  }
0x8b: {  	s0 =	sand.u32 $0x1, s1  }
0x8c: {  	s17 =	sshll.u32 s0, $0xA;
	s2 =	sadd.s32 s3, s2  }
0x8d: {  	s2 =	sadd.s32 s2, s17  }
0x8e: {  	[smem:$0x3FC2] =	sst s2  }
0x8f: {  	_ = 	snop  }
0x90: {  	s2 =	sld [smem:$0x3FD0];
	(tm) =	ssettm $0x1  }
0x91: {  	s18 =	sld [smem:$0x3FFB];
	_ =	sdelay $0x3  }
0x92: {  	_ =	strace s18  }
0x93: {  	s3 =	sld [smem:$0x3FFC];
	_ =	sdelay $0x3  }
0x94: {  	_ =	strace s3  }
0x95: {  	s3 =	sld [smem:$0x3FFD];
	_ =	sdelay $0x3  }
0x96: {  	_ =	strace s3  }
0x97: {  	_ =	strace $0x8FFFFFFF  }
0x98: {  	s19 =	sld [smem:$0x3FDB];
	_ =	sdelay $0x1  }
0x99: {  	s4 =	simm.s32 $_scs_section_size  }
0x9a: {  	s5 =	simm.s32 $_size__tile_overlayer_lowered;
	s6 =	simm.s32 $_tile_overlayer_lowered  }
0x9b: {  	s22 =	simm.s32 $0x1BFF;
	s21 =	sshll.u32 s6, $0x1;
	s3 =	sadd.s32 s4, s19  }
0x9c: {  	s7 =	simm.s32 $0x0;
	s20 =	sshll.u32 s5, $0x1;
	s5 =	sadd.s32 s21, s3  }
0x9d: {  	[timem:s7], [sflag:s22] =	dma.local [hbm:s5], s20  }
0x9e: {  	_ =	swait.ge [sflag:s22], s20  }
0x9f: {  	s4 =	ssub.s32 $0x0, s20;
	[sflag:s22] =	ssyncset.done $0x0  }
0xa0: {  	[sflag:s22] =	ssyncadd.s32 s4;
	_ =	sdelay $0x1  }
0xa1: {  	s23 =	simm.s32 $0x1B8B  }
0xa2: {  	_ =	swait.ge [sflag:s23], $0x1  }
0xa3: {  	[sflag:s23] =	ssyncset.done $0x0  }
0xa4: {  	s25 =	simm.s32 $0x1B8E;
	s24 =	sld [smem:$0x3FFE];
	[sflag:s23] =	ssyncadd.s32 $0xFFFFFFFF  }
0xa5: {  	s26 =	simm.s32 $execute0_lowered;
	[smem:$0x3FD2] =	sst s25  }
0xa6: {  	s5 =	sshll.u32 s26, $0x1;
	_ =	strace $0x80000049;
	[dreg:$0x1] =	wrdreg $0xFFFFFFFF  }
0xa7: {  	s28 =	simm.s32 $_size_execute0_lowered;
	s3 =	sadd.s32 s3, s5;
	[dreg:$0x0] =	wrdreg $0x0  }
0xa8: {  	s5 =	sshll.u32 s28, $0x1;
	[dreg:$0x2] =	wrdreg s3  }
0xa9: {  	[dreg:$0x3] =	wrdreg s5  }
0xaa: {  	[dreg:$0x4] =	wrdreg $0xC0  }
0xab: {  	_ =	task [dreg:s7], $0x5FFFF  }
0xac: {  	[dreg:$0x1] =	wrdreg $0xFFFFFFFF  }
0xad: {  	[dreg:$0x0] =	wrdreg $0x60  }
0xae: {  	[dreg:$0x2] =	wrdreg s24  }
0xaf: {  	[dreg:$0x3] =	wrdreg s2  }
0xb0: {  	[dreg:$0x4] =	wrdreg $0x9  }
0xb1: {  	_ =	task.clear_ibuf [dreg:s7], $0x5FFFF;
	_ =	strace $0x90000049  }
0xb2: {  	s29 =	simm.s32 $0x9;
	_ =	strace $0x8000004B  }
0xb3: {  	_ =	swait.ge [sflag:s29], $0x1  }
0xb4: {  	[sflag:s29] =	ssyncadd.s32 $0xFFFFFFFF  }
0xb5: {  	_ =	strace $0x9000004B  }
0xb6: {  	_ =	sfence  }
0xb7: {  	s30 =	sld [smem:$0x0];
	_ =	sdelay $0x2  }
0xb8: {  	s31 =	sshll.u32 s1, $0xD;
	s1 =	sshrl.u32 s1, $0x2  }
0xb9: {  	s3 =	sand.u32 $0x4000, s31;
	s1 =	sadd.s32 s1, s30  }
0xba: {  	s0 =	sor.u32 s3, s0;
	s1 =	sshll.u32 s1, $0x11  }
0xbb: {  	s0 =	sor.u32 s1, s0  }
0xbc: {  	s0 =	sadd.s32 $0x8F2B, s0  }
0xbd: {  	[sflag:s0] =	ssyncadd.remote.s32 $0x1  }
0xbe: {  	_ =	sfence.sel $0xFFFF  }
0xbf: {  	[dreg:$0x0] =	wrdreg $0xFFFFFFFF;
	(pc) =	sbr.abs _section_cstart, $3  }
0xc0: {  	[dreg:$0x1] =	wrdreg $0xFFFFFFFF  }
0xc1: {  	_ =	task.clear_ibuf [dreg:s7], $0x2FFFF;
	_ =	strace $0x9FFFFFFF  }
0xc2: {  	(tm) =	ssettm $0x7FFFFFFF  }
0xc3: {  	_ =	shalt  }
tec
execute0_lowered:
.L_overlay_start_1:
0x0: {  	(tag) =	ssettag $0x1  }
0x1: {  	s0 =	srdreg.scid  }
0x2: {  	s6 =	stileid.u32;
	s0 =	sand.u32 $0x1, s0  }
0x3: {  	s1 =	rddreg [dreg:$0x0];
	s3 =	sshll.u32 s6, $0xA;
	s2 =	sshll.u32 s0, $0xE  }
0x4: {  	s4 =	rddreg [dreg:$0x1];
	s8 =	simm.s32 $0x1;
	s3 =	sor.u32 s3, s2  }
0x5: {  	s2 =	simm.s32 $0x0;
	s5 =	sshrl.u32 s3, $0x3;
	s3 =	sshll.u32 s3, $0x4  }
0x6: {  	[smem:$0x7FF] =	sst s2;
	s5 =	sadd.s32 s5, s1;
	s7 =	sadd.s32 s4, s3  }
0x7: {  	_ =	strace $0x8000004A;
	s5 =	sadd.s32 $0x102E00, s5;
	[dreg:$0xb] =	wrdreg s7  }
0x8: {  	s9 =	simm.s32 $0x2;
	s3 =	sadd.s32 $0x800, s7;
	[dreg:$0x3] =	wrdreg s5  }
0x9: {  	v0 =	vimm.s32 $0x7;
	s23 =	sshll.u32 s6, $0x7;
	s24 =	sadd.s32 $0x1000, s7;
	[dreg:$0x4] =	wrdreg s3  }
0xa: {  	v1 =	vimm.s32 $0x4;
	v2 =	vimm.s32 $0x0;
	v3 =	vlaneseq.u32;
	s6 =	simm.s32 $0x3;
	s25 =	sadd.s32 $0x1800, s7;
	[dreg:$0x5] =	wrdreg s24  }
0xb: {  	vm0 =	vmmov $0x1;
	v4 =	vimm.s32 $0x1;
	v5 =	vimm.s32 $0x2;
	s0 =	ssub.s32 $0x2, s0;
	s26 =	sadd.s32 $0x2000, s7;
	[dreg:$0x6] =	wrdreg s25  }
0xc: {  	v6 =	vimm.s32 $0x3;
	v7 =	vimm.s32 $0x5;
	v8 =	vimm.s32 $0x6;
	s28 =	sshrl.u32 s0, $0x1;
	s29 =	sadd.s32 $0x2800, s7;
	[dreg:$0x7] =	wrdreg s26  }
0xd: {  	v9 =	vimm.s32 $0x8;
	v10 =	vimm.s32 $0x9;
	v11 =	vimm.s32 $0xA;
	s0 =	ssub.s32 s0, s28;
	s30 =	sadd.s32 $0x3000, s7;
	[dreg:$0x8] =	wrdreg s29  }
0xe: {  	v12 =	vimm.s32 $0xB;
	v13 =	vimm.s32 $0xC;
	v14 =	vimm.s32 $0xD;
	s1 =	sadd.s32 s23, s1;
	s31 =	sadd.s32 $0x3800, s7;
	[dreg:$0x9] =	wrdreg s30  }
0xf: {  	v15 =	vimm.s32 $0xE;
	v16 =	vimm.s32 $0xF;
	v3 =	vmul.u32 $0x8, v3;
	s4 =	sadd.s32 $0x2E00, s1;
	[dreg:$0xa] =	wrdreg s31;
	s5 =	smax.u32 s0, $0x1  }
.LBB2_1:
0x10: {  	s10 =	rddreg [dreg:$0x3]  }
0x11: {  	[tilespmem:s2], [sflag:$0x3] =	stream.linear.gather [hbm4b:s10+s2], $0x400, $0x38;
	[tilespmem:$0x8400] =	vst v63  }
0x12: {  	_ =	swait.ge [sflag:s6], $0x400  }
0x13: {  	[sflag:s6] =	ssyncset.done $0x0  }
0x14: {  	[sflag:s6] =	ssyncadd.s32 $0xFFFFFC00  }
0x15: {  	v17 =	vld [tilespmem:$0x0];
	_ =	sdelay $0x4  }
0x16: {  	v18 =	vshll.u32 v17, $0x4  }
0x17: {  	v17 =	vand.u32 $0x7, v17;
	v18 =	vand.u32 $0xFFFFFF80, v18  }
0x18: {  	v17 =	vor.u32 v17, v18  }
0x19: {  	v18 =	vperm.xlane v17, v2;
	_ =	sdelay $0x1  }
0x1a: {  	v19 =	vperm.xlane v17, v4;
	v18 =	vadd.s32 v3, v18;
	_ =	sdelay $0x1  }
0x1b: {  	v20 =	vperm.xlane v17, v5;
	v19 =	vadd.s32 v3, v19;
	_ =	sdelay $0x1  }
0x1c: {  	s0 =	simm.s32 $0x400;
	v21 =	vperm.xlane v17, v6;
	v20 =	vadd.s32 v3, v20  }
0x1d: {  	[tilespmem:s0], [sflag:$0x1] =	stream.indirect_vreg.gather [hbm4b:s4+s2], $0x80, v18, vm0, $0xb8;
	[tilespmem:$0x8400] =	vst v63  }
0x1e: {  	s7 =	simm.s32 $0x480;
	v58 =	vperm.xlane v17, v1;
	v18 =	vadd.s32 v3, v21  }
0x1f: {  	[tilespmem:s7], [sflag:$0x1] =	stream.indirect_vreg.gather [hbm4b:s4+s2], $0x80, v19, vm0, $0xb8;
	[tilespmem:$0x8400] =	vst v63  }
0x20: {  	s10 =	simm.s32 $0x500;
	v59 =	vperm.xlane v17, v7;
	v19 =	vadd.s32 v3, v58  }
0x21: {  	[tilespmem:s10], [sflag:$0x1] =	stream.indirect_vreg.gather [hbm4b:s4+s2], $0x80, v20, vm0, $0xb8;
	[tilespmem:$0x8400] =	vst v63  }
0x22: {  	s11 =	simm.s32 $0x580;
	v61 =	vperm.xlane v17, v8;
	v60 =	vadd.s32 v3, v59  }
0x23: {  	[tilespmem:s11], [sflag:$0x1] =	stream.indirect_vreg.gather [hbm4b:s4+s2], $0x80, v18, vm0, $0xb8;
	[tilespmem:$0x8400] =	vst v63  }
0x24: {  	s12 =	simm.s32 $0x600;
	v62 =	vperm.xlane v17, v0;
	v18 =	vadd.s32 v3, v61  }
0x25: {  	[tilespmem:s12], [sflag:$0x1] =	stream.indirect_vreg.gather [hbm4b:s4+s2], $0x80, v19, vm0, $0xb8;
	[tilespmem:$0x8400] =	vst v63  }
0x26: {  	s13 =	simm.s32 $0x680;
	v63 =	vperm.xlane v17, v9;
	v19 =	vadd.s32 v3, v62  }
0x27: {  	[tilespmem:s13], [sflag:$0x1] =	stream.indirect_vreg.gather [hbm4b:s4+s2], $0x80, v60, vm0, $0xb8;
	[tilespmem:$0x8400] =	vst v63  }
0x28: {  	s14 =	simm.s32 $0x700;
	v25 =	vperm.xlane v17, v10;
	v24 =	vadd.s32 v3, v63  }
0x29: {  	[tilespmem:s14], [sflag:$0x1] =	stream.indirect_vreg.gather [hbm4b:s4+s2], $0x80, v18, vm0, $0xb8;
	[tilespmem:$0x8400] =	vst v63  }
0x2a: {  	s15 =	simm.s32 $0x780;
	v26 =	vperm.xlane v17, v11;
	v18 =	vadd.s32 v3, v25  }
0x2b: {  	[tilespmem:s15], [sflag:$0x1] =	stream.indirect_vreg.gather [hbm4b:s4+s2], $0x80, v19, vm0, $0xb8;
	[tilespmem:$0x8400] =	vst v63  }
0x2c: {  	s16 =	simm.s32 $0x800;
	v27 =	vperm.xlane v17, v12;
	v19 =	vadd.s32 v3, v26  }
0x2d: {  	[tilespmem:s16], [sflag:$0x1] =	stream.indirect_vreg.gather [hbm4b:s4+s2], $0x80, v24, vm0, $0xb8;
	[tilespmem:$0x8400] =	vst v63  }
0x2e: {  	s17 =	simm.s32 $0x880;
	v29 =	vperm.xlane v17, v13;
	v28 =	vadd.s32 v3, v27  }
0x2f: {  	[tilespmem:s17], [sflag:$0x1] =	stream.indirect_vreg.gather [hbm4b:s4+s2], $0x80, v18, vm0, $0xb8;
	[tilespmem:$0x8400] =	vst v63  }
0x30: {  	s18 =	simm.s32 $0x900;
	v30 =	vperm.xlane v17, v14;
	v18 =	vadd.s32 v3, v29  }
0x31: {  	[tilespmem:s18], [sflag:$0x1] =	stream.indirect_vreg.gather [hbm4b:s4+s2], $0x80, v19, vm0, $0xb8;
	[tilespmem:$0x8400] =	vst v63  }
0x32: {  	s19 =	simm.s32 $0x980;
	v31 =	vperm.xlane v17, v15;
	v19 =	vadd.s32 v3, v30  }
0x33: {  	[tilespmem:s19], [sflag:$0x1] =	stream.indirect_vreg.gather [hbm4b:s4+s2], $0x80, v28, vm0, $0xb8;
	[tilespmem:$0x8400] =	vst v63  }
0x34: {  	s20 =	simm.s32 $0xA00;
	v17 =	vperm.xlane v17, v16;
	v32 =	vadd.s32 v3, v31  }
0x35: {  	[tilespmem:s20], [sflag:$0x1] =	stream.indirect_vreg.gather [hbm4b:s4+s2], $0x80, v18, vm0, $0xb8;
	[tilespmem:$0x8400] =	vst v63  }
0x36: {  	s21 =	simm.s32 $0xA80;
	v17 =	vadd.s32 v3, v17  }
0x37: {  	[tilespmem:s21], [sflag:$0x1] =	stream.indirect_vreg.gather [hbm4b:s4+s2], $0x80, v19, vm0, $0xb8;
	[tilespmem:$0x8400] =	vst v63  }
0x38: {  	s22 =	simm.s32 $0xB00  }
0x39: {  	[tilespmem:s22], [sflag:$0x1] =	stream.indirect_vreg.gather [hbm4b:s4+s2], $0x80, v32, vm0, $0xb8;
	[tilespmem:$0x8400] =	vst v63  }
0x3a: {  	s24 =	simm.s32 $0xB80  }
0x3b: {  	[tilespmem:s24], [sflag:$0x1] =	stream.indirect_vreg.gather [hbm4b:s4+s2], $0x80, v17, vm0, $0xb8;
	[tilespmem:$0x8400] =	vst v63  }
0x3c: {  	v17 =	vld [tilespmem:$0x10];
	_ =	sdelay $0x4  }
0x3d: {  	v18 =	vshll.u32 v17, $0x4  }
0x3e: {  	v17 =	vand.u32 $0x7, v17;
	v18 =	vand.u32 $0xFFFFFF80, v18  }
0x3f: {  	v17 =	vor.u32 v17, v18  }
0x40: {  	v18 =	vperm.xlane v17, v2;
	_ =	sdelay $0x1  }
0x41: {  	v19 =	vperm.xlane v17, v4;
	v18 =	vadd.s32 v3, v18;
	_ =	sdelay $0x1  }
0x42: {  	v33 =	vperm.xlane v17, v5;
	v19 =	vadd.s32 v3, v19;
	_ =	sdelay $0x1  }
0x43: {  	s25 =	simm.s32 $0xC00;
	v34 =	vperm.xlane v17, v6;
	v20 =	vadd.s32 v3, v33  }
0x44: {  	[tilespmem:s25], [sflag:$0x1] =	stream.indirect_vreg.gather [hbm4b:s4+s2], $0x80, v18, vm0, $0xb8;
	[tilespmem:$0x8400] =	vst v63  }
0x45: {  	s26 =	simm.s32 $0xC80;
	v35 =	vperm.xlane v17, v1;
	v18 =	vadd.s32 v3, v34  }
0x46: {  	[tilespmem:s26], [sflag:$0x1] =	stream.indirect_vreg.gather [hbm4b:s4+s2], $0x80, v19, vm0, $0xb8;
	[tilespmem:$0x8400] =	vst v63  }
0x47: {  	s28 =	simm.s32 $0xD00;
	v36 =	vperm.xlane v17, v7;
	v19 =	vadd.s32 v3, v35  }
0x48: {  	[tilespmem:s28], [sflag:$0x1] =	stream.indirect_vreg.gather [hbm4b:s4+s2], $0x80, v20, vm0, $0xb8;
	[tilespmem:$0x8400] =	vst v63  }
0x49: {  	s29 =	simm.s32 $0xD80;
	v38 =	vperm.xlane v17, v8;
	v37 =	vadd.s32 v3, v36  }
0x4a: {  	[tilespmem:s29], [sflag:$0x1] =	stream.indirect_vreg.gather [hbm4b:s4+s2], $0x80, v18, vm0, $0xb8;
	[tilespmem:$0x8400] =	vst v63  }
0x4b: {  	s30 =	simm.s32 $0xE00;
	v39 =	vperm.xlane v17, v0;
	v18 =	vadd.s32 v3, v38  }
0x4c: {  	[tilespmem:s30], [sflag:$0x1] =	stream.indirect_vreg.gather [hbm4b:s4+s2], $0x80, v19, vm0, $0xb8;
	[tilespmem:$0x8400] =	vst v63  }
0x4d: {  	s31 =	simm.s32 $0xE80;
	v40 =	vperm.xlane v17, v9;
	v19 =	vadd.s32 v3, v39  }
0x4e: {  	[tilespmem:s31], [sflag:$0x1] =	stream.indirect_vreg.gather [hbm4b:s4+s2], $0x80, v37, vm0, $0xb8;
	[tilespmem:$0x8400] =	vst v63  }
0x4f: {  	s1 =	simm.s32 $0xF00;
	v42 =	vperm.xlane v17, v10;
	v41 =	vadd.s32 v3, v40  }
0x50: {  	[tilespmem:s1], [sflag:$0x1] =	stream.indirect_vreg.gather [hbm4b:s4+s2], $0x80, v18, vm0, $0xb8;
	[tilespmem:$0x8400] =	vst v63  }
0x51: {  	s10 =	simm.s32 $0xF80;
	v43 =	vperm.xlane v17, v11;
	v18 =	vadd.s32 v3, v42  }
0x52: {  	[tilespmem:s10], [sflag:$0x1] =	stream.indirect_vreg.gather [hbm4b:s4+s2], $0x80, v19, vm0, $0xb8;
	[tilespmem:$0x8400] =	vst v63  }
0x53: {  	s24 =	simm.s32 $0x1000;
	v44 =	vperm.xlane v17, v12;
	v19 =	vadd.s32 v3, v43  }
0x54: {  	[tilespmem:s24], [sflag:$0x1] =	stream.indirect_vreg.gather [hbm4b:s4+s2], $0x80, v41, vm0, $0xb8;
	[tilespmem:$0x8400] =	vst v63  }
0x55: {  	v46 =	vperm.xlane v17, v13;
	v45 =	vadd.s32 v3, v44;
	s25 =	simm.s32 $0x1080  }
0x56: {  	[tilespmem:s25], [sflag:$0x1] =	stream.indirect_vreg.gather [hbm4b:s4+s2], $0x80, v18, vm0, $0xb8;
	[tilespmem:$0x8400] =	vst v63  }
0x57: {  	v47 =	vperm.xlane v17, v14;
	s26 =	simm.s32 $0x1100;
	v18 =	vadd.s32 v3, v46  }
0x58: {  	[tilespmem:s26], [sflag:$0x1] =	stream.indirect_vreg.gather [hbm4b:s4+s2], $0x80, v19, vm0, $0xb8;
	[tilespmem:$0x8400] =	vst v63  }
0x59: {  	v48 =	vperm.xlane v17, v15;
	s28 =	simm.s32 $0x1180;
	v19 =	vadd.s32 v3, v47  }
0x5a: {  	[tilespmem:s28], [sflag:$0x1] =	stream.indirect_vreg.gather [hbm4b:s4+s2], $0x80, v45, vm0, $0xb8;
	[tilespmem:$0x8400] =	vst v63  }
0x5b: {  	v17 =	vperm.xlane v17, v16;
	v49 =	vadd.s32 v3, v48;
	s29 =	simm.s32 $0x1200  }
0x5c: {  	[tilespmem:s29], [sflag:$0x1] =	stream.indirect_vreg.gather [hbm4b:s4+s2], $0x80, v18, vm0, $0xb8;
	[tilespmem:$0x8400] =	vst v63  }
0x5d: {  	v17 =	vadd.s32 v3, v17;
	s30 =	simm.s32 $0x1280  }
0x5e: {  	[tilespmem:s30], [sflag:$0x1] =	stream.indirect_vreg.gather [hbm4b:s4+s2], $0x80, v19, vm0, $0xb8;
	[tilespmem:$0x8400] =	vst v63  }
0x5f: {  	s31 =	simm.s32 $0x1300  }
0x60: {  	[tilespmem:s31], [sflag:$0x1] =	stream.indirect_vreg.gather [hbm4b:s4+s2], $0x80, v49, vm0, $0xb8;
	[tilespmem:$0x8400] =	vst v63  }
0x61: {  	s1 =	simm.s32 $0x1380  }
0x62: {  	[tilespmem:s1], [sflag:$0x1] =	stream.indirect_vreg.gather [hbm4b:s4+s2], $0x80, v17, vm0, $0xb8;
	[tilespmem:$0x8400] =	vst v63  }
0x63: {  	v17 =	vld [tilespmem:$0x20];
	_ =	sdelay $0x4  }
0x64: {  	v18 =	vshll.u32 v17, $0x4  }
0x65: {  	v17 =	vand.u32 $0x7, v17;
	v18 =	vand.u32 $0xFFFFFF80, v18  }
0x66: {  	v17 =	vor.u32 v17, v18  }
0x67: {  	v18 =	vperm.xlane v17, v2;
	_ =	sdelay $0x1  }
0x68: {  	v19 =	vperm.xlane v17, v4;
	v18 =	vadd.s32 v3, v18;
	_ =	sdelay $0x1  }
0x69: {  	v50 =	vperm.xlane v17, v5;
	v19 =	vadd.s32 v3, v19;
	_ =	sdelay $0x1  }
0x6a: {  	s10 =	simm.s32 $0x1400;
	v51 =	vperm.xlane v17, v6;
	v20 =	vadd.s32 v3, v50  }
0x6b: {  	[tilespmem:s10], [sflag:$0x1] =	stream.indirect_vreg.gather [hbm4b:s4+s2], $0x80, v18, vm0, $0xb8;
	[tilespmem:$0x8400] =	vst v63  }
0x6c: {  	s24 =	simm.s32 $0x1480;
	v52 =	vperm.xlane v17, v1;
	v18 =	vadd.s32 v3, v51  }
0x6d: {  	[tilespmem:s24], [sflag:$0x1] =	stream.indirect_vreg.gather [hbm4b:s4+s2], $0x80, v19, vm0, $0xb8;
	[tilespmem:$0x8400] =	vst v63  }
0x6e: {  	s25 =	simm.s32 $0x1500;
	v53 =	vperm.xlane v17, v7;
	v19 =	vadd.s32 v3, v52  }
0x6f: {  	[tilespmem:s25], [sflag:$0x1] =	stream.indirect_vreg.gather [hbm4b:s4+s2], $0x80, v20, vm0, $0xb8;
	[tilespmem:$0x8400] =	vst v63  }
0x70: {  	s26 =	simm.s32 $0x1580;
	v55 =	vperm.xlane v17, v8;
	v54 =	vadd.s32 v3, v53  }
0x71: {  	[tilespmem:s26], [sflag:$0x1] =	stream.indirect_vreg.gather [hbm4b:s4+s2], $0x80, v18, vm0, $0xb8;
	[tilespmem:$0x8400] =	vst v63  }
0x72: {  	s28 =	simm.s32 $0x1600;
	v56 =	vperm.xlane v17, v0;
	v18 =	vadd.s32 v3, v55  }
0x73: {  	[tilespmem:s28], [sflag:$0x1] =	stream.indirect_vreg.gather [hbm4b:s4+s2], $0x80, v19, vm0, $0xb8;
	[tilespmem:$0x8400] =	vst v63  }
0x74: {  	s29 =	simm.s32 $0x1680;
	v57 =	vperm.xlane v17, v9;
	v19 =	vadd.s32 v3, v56  }
0x75: {  	[tilespmem:s29], [sflag:$0x1] =	stream.indirect_vreg.gather [hbm4b:s4+s2], $0x80, v54, vm0, $0xb8;
	[tilespmem:$0x8400] =	vst v63  }
0x76: {  	s30 =	simm.s32 $0x1700;
	v59 =	vperm.xlane v17, v10;
	v58 =	vadd.s32 v3, v57  }
0x77: {  	[tilespmem:s30], [sflag:$0x1] =	stream.indirect_vreg.gather [hbm4b:s4+s2], $0x80, v18, vm0, $0xb8;
	[tilespmem:$0x8400] =	vst v63  }
0x78: {  	s31 =	simm.s32 $0x1780;
	v60 =	vperm.xlane v17, v11;
	v18 =	vadd.s32 v3, v59  }
0x79: {  	[tilespmem:s31], [sflag:$0x1] =	stream.indirect_vreg.gather [hbm4b:s4+s2], $0x80, v19, vm0, $0xb8;
	[tilespmem:$0x8400] =	vst v63  }
0x7a: {  	s1 =	simm.s32 $0x1800;
	v61 =	vperm.xlane v17, v12;
	v19 =	vadd.s32 v3, v60  }
0x7b: {  	[tilespmem:s1], [sflag:$0x1] =	stream.indirect_vreg.gather [hbm4b:s4+s2], $0x80, v58, vm0, $0xb8;
	[tilespmem:$0x8400] =	vst v63  }
0x7c: {  	v63 =	vperm.xlane v17, v13;
	v62 =	vadd.s32 v3, v61;
	s10 =	simm.s32 $0x1880  }
0x7d: {  	[tilespmem:s10], [sflag:$0x1] =	stream.indirect_vreg.gather [hbm4b:s4+s2], $0x80, v18, vm0, $0xb8;
	[tilespmem:$0x8400] =	vst v63  }
0x7e: {  	v24 =	vperm.xlane v17, v14;
	s24 =	simm.s32 $0x1900;
	v18 =	vadd.s32 v3, v63  }
0x7f: {  	[tilespmem:s24], [sflag:$0x1] =	stream.indirect_vreg.gather [hbm4b:s4+s2], $0x80, v19, vm0, $0xb8;
	[tilespmem:$0x8400] =	vst v63  }
0x80: {  	v25 =	vperm.xlane v17, v15;
	s25 =	simm.s32 $0x1980;
	v19 =	vadd.s32 v3, v24  }
0x81: {  	[tilespmem:s25], [sflag:$0x1] =	stream.indirect_vreg.gather [hbm4b:s4+s2], $0x80, v62, vm0, $0xb8;
	[tilespmem:$0x8400] =	vst v63  }
0x82: {  	v17 =	vperm.xlane v17, v16;
	v26 =	vadd.s32 v3, v25;
	s26 =	simm.s32 $0x1A00  }
0x83: {  	[tilespmem:s26], [sflag:$0x1] =	stream.indirect_vreg.gather [hbm4b:s4+s2], $0x80, v18, vm0, $0xb8;
	[tilespmem:$0x8400] =	vst v63  }
0x84: {  	v17 =	vadd.s32 v3, v17;
	s28 =	simm.s32 $0x1A80  }
0x85: {  	[tilespmem:s28], [sflag:$0x1] =	stream.indirect_vreg.gather [hbm4b:s4+s2], $0x80, v19, vm0, $0xb8;
	[tilespmem:$0x8400] =	vst v63  }
0x86: {  	s29 =	simm.s32 $0x1B00  }
0x87: {  	[tilespmem:s29], [sflag:$0x1] =	stream.indirect_vreg.gather [hbm4b:s4+s2], $0x80, v26, vm0, $0xb8;
	[tilespmem:$0x8400] =	vst v63  }
0x88: {  	s30 =	simm.s32 $0x1B80  }
0x89: {  	[tilespmem:s30], [sflag:$0x1] =	stream.indirect_vreg.gather [hbm4b:s4+s2], $0x80, v17, vm0, $0xb8;
	[tilespmem:$0x8400] =	vst v63  }
0x8a: {  	v17 =	vld [tilespmem:$0x30];
	_ =	sdelay $0x4  }
0x8b: {  	v18 =	vshll.u32 v17, $0x4  }
0x8c: {  	v17 =	vand.u32 $0x7, v17;
	v18 =	vand.u32 $0xFFFFFF80, v18  }
0x8d: {  	v17 =	vor.u32 v17, v18  }
0x8e: {  	v18 =	vperm.xlane v17, v2;
	_ =	sdelay $0x1  }
0x8f: {  	v19 =	vperm.xlane v17, v4;
	v18 =	vadd.s32 v3, v18;
	_ =	sdelay $0x1  }
0x90: {  	v27 =	vperm.xlane v17, v5;
	v19 =	vadd.s32 v3, v19;
	_ =	sdelay $0x1  }
0x91: {  	s31 =	simm.s32 $0x1C00;
	v28 =	vperm.xlane v17, v6;
	v20 =	vadd.s32 v3, v27  }
0x92: {  	[tilespmem:s31], [sflag:$0x1] =	stream.indirect_vreg.gather [hbm4b:s4+s2], $0x80, v18, vm0, $0xb8;
	[tilespmem:$0x8400] =	vst v63  }
0x93: {  	s1 =	simm.s32 $0x1C80;
	v29 =	vperm.xlane v17, v1;
	v18 =	vadd.s32 v3, v28  }
0x94: {  	[tilespmem:s1], [sflag:$0x1] =	stream.indirect_vreg.gather [hbm4b:s4+s2], $0x80, v19, vm0, $0xb8;
	[tilespmem:$0x8400] =	vst v63  }
0x95: {  	s10 =	simm.s32 $0x1D00;
	v30 =	vperm.xlane v17, v7;
	v19 =	vadd.s32 v3, v29  }
0x96: {  	[tilespmem:s10], [sflag:$0x1] =	stream.indirect_vreg.gather [hbm4b:s4+s2], $0x80, v20, vm0, $0xb8;
	[tilespmem:$0x8400] =	vst v63  }
0x97: {  	s24 =	simm.s32 $0x1D80;
	v32 =	vperm.xlane v17, v8;
	v31 =	vadd.s32 v3, v30  }
0x98: {  	[tilespmem:s24], [sflag:$0x1] =	stream.indirect_vreg.gather [hbm4b:s4+s2], $0x80, v18, vm0, $0xb8;
	[tilespmem:$0x8400] =	vst v63  }
0x99: {  	s25 =	simm.s32 $0x1E00;
	v33 =	vperm.xlane v17, v0;
	v18 =	vadd.s32 v3, v32  }
0x9a: {  	[tilespmem:s25], [sflag:$0x1] =	stream.indirect_vreg.gather [hbm4b:s4+s2], $0x80, v19, vm0, $0xb8;
	[tilespmem:$0x8400] =	vst v63  }
0x9b: {  	s26 =	simm.s32 $0x1E80;
	v34 =	vperm.xlane v17, v9;
	v19 =	vadd.s32 v3, v33  }
0x9c: {  	[tilespmem:s26], [sflag:$0x1] =	stream.indirect_vreg.gather [hbm4b:s4+s2], $0x80, v31, vm0, $0xb8;
	[tilespmem:$0x8400] =	vst v63  }
0x9d: {  	s28 =	simm.s32 $0x1F00;
	v36 =	vperm.xlane v17, v10;
	v35 =	vadd.s32 v3, v34  }
0x9e: {  	[tilespmem:s28], [sflag:$0x1] =	stream.indirect_vreg.gather [hbm4b:s4+s2], $0x80, v18, vm0, $0xb8;
	[tilespmem:$0x8400] =	vst v63  }
0x9f: {  	s29 =	simm.s32 $0x1F80;
	v37 =	vperm.xlane v17, v11;
	v18 =	vadd.s32 v3, v36  }
0xa0: {  	[tilespmem:s29], [sflag:$0x1] =	stream.indirect_vreg.gather [hbm4b:s4+s2], $0x80, v19, vm0, $0xb8;
	[tilespmem:$0x8400] =	vst v63  }
0xa1: {  	s30 =	simm.s32 $0x2000;
	v38 =	vperm.xlane v17, v12;
	v19 =	vadd.s32 v3, v37  }
0xa2: {  	[tilespmem:s30], [sflag:$0x1] =	stream.indirect_vreg.gather [hbm4b:s4+s2], $0x80, v35, vm0, $0xb8;
	[tilespmem:$0x8400] =	vst v63  }
0xa3: {  	v40 =	vperm.xlane v17, v13;
	v39 =	vadd.s32 v3, v38;
	s31 =	simm.s32 $0x2080  }
0xa4: {  	[tilespmem:s31], [sflag:$0x1] =	stream.indirect_vreg.gather [hbm4b:s4+s2], $0x80, v18, vm0, $0xb8;
	[tilespmem:$0x8400] =	vst v63  }
0xa5: {  	v41 =	vperm.xlane v17, v14;
	s1 =	simm.s32 $0x2100;
	v18 =	vadd.s32 v3, v40  }
0xa6: {  	[tilespmem:s1], [sflag:$0x1] =	stream.indirect_vreg.gather [hbm4b:s4+s2], $0x80, v19, vm0, $0xb8;
	[tilespmem:$0x8400] =	vst v63  }
0xa7: {  	v42 =	vperm.xlane v17, v15;
	s10 =	simm.s32 $0x2180;
	v19 =	vadd.s32 v3, v41  }
0xa8: {  	[tilespmem:s10], [sflag:$0x1] =	stream.indirect_vreg.gather [hbm4b:s4+s2], $0x80, v39, vm0, $0xb8;
	[tilespmem:$0x8400] =	vst v63  }
0xa9: {  	v17 =	vperm.xlane v17, v16;
	v43 =	vadd.s32 v3, v42;
	s24 =	simm.s32 $0x2200  }
0xaa: {  	[tilespmem:s24], [sflag:$0x1] =	stream.indirect_vreg.gather [hbm4b:s4+s2], $0x80, v18, vm0, $0xb8;
	[tilespmem:$0x8400] =	vst v63  }
0xab: {  	v17 =	vadd.s32 v3, v17;
	s25 =	simm.s32 $0x2280  }
0xac: {  	[tilespmem:s25], [sflag:$0x1] =	stream.indirect_vreg.gather [hbm4b:s4+s2], $0x80, v19, vm0, $0xb8;
	[tilespmem:$0x8400] =	vst v63  }
0xad: {  	s26 =	simm.s32 $0x2300  }
0xae: {  	[tilespmem:s26], [sflag:$0x1] =	stream.indirect_vreg.gather [hbm4b:s4+s2], $0x80, v43, vm0, $0xb8;
	[tilespmem:$0x8400] =	vst v63  }
0xaf: {  	s28 =	simm.s32 $0x2380  }
0xb0: {  	[tilespmem:s28], [sflag:$0x1] =	stream.indirect_vreg.gather [hbm4b:s4+s2], $0x80, v17, vm0, $0xb8;
	[tilespmem:$0x8400] =	vst v63  }
0xb1: {  	v17 =	vld [tilespmem:$0x40];
	_ =	sdelay $0x4  }
0xb2: {  	v18 =	vshll.u32 v17, $0x4  }
0xb3: {  	v17 =	vand.u32 $0x7, v17;
	v18 =	vand.u32 $0xFFFFFF80, v18  }
0xb4: {  	v17 =	vor.u32 v17, v18  }
0xb5: {  	v18 =	vperm.xlane v17, v2;
	_ =	sdelay $0x1  }
0xb6: {  	v19 =	vperm.xlane v17, v4;
	v18 =	vadd.s32 v3, v18;
	_ =	sdelay $0x1  }
0xb7: {  	v44 =	vperm.xlane v17, v5;
	v19 =	vadd.s32 v3, v19;
	_ =	sdelay $0x1  }
0xb8: {  	s29 =	simm.s32 $0x2400;
	v45 =	vperm.xlane v17, v6;
	v20 =	vadd.s32 v3, v44  }
0xb9: {  	[tilespmem:s29], [sflag:$0x1] =	stream.indirect_vreg.gather [hbm4b:s4+s2], $0x80, v18, vm0, $0xb8;
	[tilespmem:$0x8400] =	vst v63  }
0xba: {  	s30 =	simm.s32 $0x2480;
	v46 =	vperm.xlane v17, v1;
	v18 =	vadd.s32 v3, v45  }
0xbb: {  	[tilespmem:s30], [sflag:$0x1] =	stream.indirect_vreg.gather [hbm4b:s4+s2], $0x80, v19, vm0, $0xb8;
	[tilespmem:$0x8400] =	vst v63  }
0xbc: {  	s31 =	simm.s32 $0x2500;
	v47 =	vperm.xlane v17, v7;
	v19 =	vadd.s32 v3, v46  }
0xbd: {  	[tilespmem:s31], [sflag:$0x1] =	stream.indirect_vreg.gather [hbm4b:s4+s2], $0x80, v20, vm0, $0xb8;
	[tilespmem:$0x8400] =	vst v63  }
0xbe: {  	s1 =	simm.s32 $0x2580;
	v49 =	vperm.xlane v17, v8;
	v48 =	vadd.s32 v3, v47  }
0xbf: {  	[tilespmem:s1], [sflag:$0x1] =	stream.indirect_vreg.gather [hbm4b:s4+s2], $0x80, v18, vm0, $0xb8;
	[tilespmem:$0x8400] =	vst v63  }
0xc0: {  	s10 =	simm.s32 $0x2600;
	v50 =	vperm.xlane v17, v0;
	v18 =	vadd.s32 v3, v49  }
0xc1: {  	[tilespmem:s10], [sflag:$0x1] =	stream.indirect_vreg.gather [hbm4b:s4+s2], $0x80, v19, vm0, $0xb8;
	[tilespmem:$0x8400] =	vst v63  }
0xc2: {  	s24 =	simm.s32 $0x2680;
	v51 =	vperm.xlane v17, v9;
	v19 =	vadd.s32 v3, v50  }
0xc3: {  	[tilespmem:s24], [sflag:$0x1] =	stream.indirect_vreg.gather [hbm4b:s4+s2], $0x80, v48, vm0, $0xb8;
	[tilespmem:$0x8400] =	vst v63  }
0xc4: {  	s25 =	simm.s32 $0x2700;
	v53 =	vperm.xlane v17, v10;
	v52 =	vadd.s32 v3, v51  }
0xc5: {  	[tilespmem:s25], [sflag:$0x1] =	stream.indirect_vreg.gather [hbm4b:s4+s2], $0x80, v18, vm0, $0xb8;
	[tilespmem:$0x8400] =	vst v63  }
0xc6: {  	s26 =	simm.s32 $0x2780;
	v54 =	vperm.xlane v17, v11;
	v18 =	vadd.s32 v3, v53  }
0xc7: {  	[tilespmem:s26], [sflag:$0x1] =	stream.indirect_vreg.gather [hbm4b:s4+s2], $0x80, v19, vm0, $0xb8;
	[tilespmem:$0x8400] =	vst v63  }
0xc8: {  	s28 =	simm.s32 $0x2800;
	v55 =	vperm.xlane v17, v12;
	v19 =	vadd.s32 v3, v54  }
0xc9: {  	[tilespmem:s28], [sflag:$0x1] =	stream.indirect_vreg.gather [hbm4b:s4+s2], $0x80, v52, vm0, $0xb8;
	[tilespmem:$0x8400] =	vst v63  }
0xca: {  	v57 =	vperm.xlane v17, v13;
	v56 =	vadd.s32 v3, v55;
	s29 =	simm.s32 $0x2880  }
0xcb: {  	[tilespmem:s29], [sflag:$0x1] =	stream.indirect_vreg.gather [hbm4b:s4+s2], $0x80, v18, vm0, $0xb8;
	[tilespmem:$0x8400] =	vst v63  }
0xcc: {  	v58 =	vperm.xlane v17, v14;
	s30 =	simm.s32 $0x2900;
	v18 =	vadd.s32 v3, v57  }
0xcd: {  	[tilespmem:s30], [sflag:$0x1] =	stream.indirect_vreg.gather [hbm4b:s4+s2], $0x80, v19, vm0, $0xb8;
	[tilespmem:$0x8400] =	vst v63  }
0xce: {  	v59 =	vperm.xlane v17, v15;
	s31 =	simm.s32 $0x2980;
	v19 =	vadd.s32 v3, v58  }
0xcf: {  	[tilespmem:s31], [sflag:$0x1] =	stream.indirect_vreg.gather [hbm4b:s4+s2], $0x80, v56, vm0, $0xb8;
	[tilespmem:$0x8400] =	vst v63  }
0xd0: {  	v17 =	vperm.xlane v17, v16;
	v60 =	vadd.s32 v3, v59;
	s1 =	simm.s32 $0x2A00  }
0xd1: {  	[tilespmem:s1], [sflag:$0x1] =	stream.indirect_vreg.gather [hbm4b:s4+s2], $0x80, v18, vm0, $0xb8;
	[tilespmem:$0x8400] =	vst v63  }
0xd2: {  	v17 =	vadd.s32 v3, v17;
	s10 =	simm.s32 $0x2A80  }
0xd3: {  	[tilespmem:s10], [sflag:$0x1] =	stream.indirect_vreg.gather [hbm4b:s4+s2], $0x80, v19, vm0, $0xb8;
	[tilespmem:$0x8400] =	vst v63  }
0xd4: {  	s24 =	simm.s32 $0x2B00  }
0xd5: {  	[tilespmem:s24], [sflag:$0x1] =	stream.indirect_vreg.gather [hbm4b:s4+s2], $0x80, v60, vm0, $0xb8;
	[tilespmem:$0x8400] =	vst v63  }
0xd6: {  	s25 =	simm.s32 $0x2B80  }
0xd7: {  	[tilespmem:s25], [sflag:$0x1] =	stream.indirect_vreg.gather [hbm4b:s4+s2], $0x80, v17, vm0, $0xb8;
	[tilespmem:$0x8400] =	vst v63  }
0xd8: {  	v17 =	vld [tilespmem:$0x50];
	_ =	sdelay $0x4  }
0xd9: {  	v18 =	vshll.u32 v17, $0x4  }
0xda: {  	v17 =	vand.u32 $0x7, v17;
	v18 =	vand.u32 $0xFFFFFF80, v18  }
0xdb: {  	v17 =	vor.u32 v17, v18  }
0xdc: {  	v18 =	vperm.xlane v17, v2;
	_ =	sdelay $0x1  }
0xdd: {  	v19 =	vperm.xlane v17, v4;
	v18 =	vadd.s32 v3, v18;
	_ =	sdelay $0x1  }
0xde: {  	v61 =	vperm.xlane v17, v5;
	v19 =	vadd.s32 v3, v19;
	_ =	sdelay $0x1  }
0xdf: {  	s26 =	simm.s32 $0x2C00;
	v62 =	vperm.xlane v17, v6;
	v20 =	vadd.s32 v3, v61  }
0xe0: {  	[tilespmem:s26], [sflag:$0x1] =	stream.indirect_vreg.gather [hbm4b:s4+s2], $0x80, v18, vm0, $0xb8;
	[tilespmem:$0x8400] =	vst v63  }
0xe1: {  	s28 =	simm.s32 $0x2C80;
	v63 =	vperm.xlane v17, v1;
	v18 =	vadd.s32 v3, v62  }
0xe2: {  	[tilespmem:s28], [sflag:$0x1] =	stream.indirect_vreg.gather [hbm4b:s4+s2], $0x80, v19, vm0, $0xb8;
	[tilespmem:$0x8400] =	vst v63  }
0xe3: {  	s29 =	simm.s32 $0x2D00;
	v24 =	vperm.xlane v17, v7;
	v19 =	vadd.s32 v3, v63  }
0xe4: {  	[tilespmem:s29], [sflag:$0x1] =	stream.indirect_vreg.gather [hbm4b:s4+s2], $0x80, v20, vm0, $0xb8;
	[tilespmem:$0x8400] =	vst v63  }
0xe5: {  	s30 =	simm.s32 $0x2D80;
	v26 =	vperm.xlane v17, v8;
	v25 =	vadd.s32 v3, v24  }
0xe6: {  	[tilespmem:s30], [sflag:$0x1] =	stream.indirect_vreg.gather [hbm4b:s4+s2], $0x80, v18, vm0, $0xb8;
	[tilespmem:$0x8400] =	vst v63  }
0xe7: {  	s31 =	simm.s32 $0x2E00;
	v27 =	vperm.xlane v17, v0;
	v18 =	vadd.s32 v3, v26  }
0xe8: {  	[tilespmem:s31], [sflag:$0x1] =	stream.indirect_vreg.gather [hbm4b:s4+s2], $0x80, v19, vm0, $0xb8;
	[tilespmem:$0x8400] =	vst v63  }
0xe9: {  	s1 =	simm.s32 $0x2E80;
	v28 =	vperm.xlane v17, v9;
	v19 =	vadd.s32 v3, v27  }
0xea: {  	[tilespmem:s1], [sflag:$0x1] =	stream.indirect_vreg.gather [hbm4b:s4+s2], $0x80, v25, vm0, $0xb8;
	[tilespmem:$0x8400] =	vst v63  }
0xeb: {  	s10 =	simm.s32 $0x2F00;
	v30 =	vperm.xlane v17, v10;
	v29 =	vadd.s32 v3, v28  }
0xec: {  	[tilespmem:s10], [sflag:$0x1] =	stream.indirect_vreg.gather [hbm4b:s4+s2], $0x80, v18, vm0, $0xb8;
	[tilespmem:$0x8400] =	vst v63  }
0xed: {  	s24 =	simm.s32 $0x2F80;
	v31 =	vperm.xlane v17, v11;
	v18 =	vadd.s32 v3, v30  }
0xee: {  	[tilespmem:s24], [sflag:$0x1] =	stream.indirect_vreg.gather [hbm4b:s4+s2], $0x80, v19, vm0, $0xb8;
	[tilespmem:$0x8400] =	vst v63  }
0xef: {  	s25 =	simm.s32 $0x3000;
	v32 =	vperm.xlane v17, v12;
	v19 =	vadd.s32 v3, v31  }
0xf0: {  	[tilespmem:s25], [sflag:$0x1] =	stream.indirect_vreg.gather [hbm4b:s4+s2], $0x80, v29, vm0, $0xb8;
	[tilespmem:$0x8400] =	vst v63  }
0xf1: {  	v34 =	vperm.xlane v17, v13;
	v33 =	vadd.s32 v3, v32;
	s26 =	simm.s32 $0x3080  }
0xf2: {  	[tilespmem:s26], [sflag:$0x1] =	stream.indirect_vreg.gather [hbm4b:s4+s2], $0x80, v18, vm0, $0xb8;
	[tilespmem:$0x8400] =	vst v63  }
0xf3: {  	v35 =	vperm.xlane v17, v14;
	s28 =	simm.s32 $0x3100;
	v18 =	vadd.s32 v3, v34  }
0xf4: {  	[tilespmem:s28], [sflag:$0x1] =	stream.indirect_vreg.gather [hbm4b:s4+s2], $0x80, v19, vm0, $0xb8;
	[tilespmem:$0x8400] =	vst v63  }
0xf5: {  	v36 =	vperm.xlane v17, v15;
	s29 =	simm.s32 $0x3180;
	v19 =	vadd.s32 v3, v35  }
0xf6: {  	[tilespmem:s29], [sflag:$0x1] =	stream.indirect_vreg.gather [hbm4b:s4+s2], $0x80, v33, vm0, $0xb8;
	[tilespmem:$0x8400] =	vst v63  }
0xf7: {  	v17 =	vperm.xlane v17, v16;
	v37 =	vadd.s32 v3, v36;
	s30 =	simm.s32 $0x3200  }
0xf8: {  	[tilespmem:s30], [sflag:$0x1] =	stream.indirect_vreg.gather [hbm4b:s4+s2], $0x80, v18, vm0, $0xb8;
	[tilespmem:$0x8400] =	vst v63  }
0xf9: {  	v17 =	vadd.s32 v3, v17;
	s31 =	simm.s32 $0x3280  }
0xfa: {  	[tilespmem:s31], [sflag:$0x1] =	stream.indirect_vreg.gather [hbm4b:s4+s2], $0x80, v19, vm0, $0xb8;
	[tilespmem:$0x8400] =	vst v63  }
0xfb: {  	s1 =	simm.s32 $0x3300  }
0xfc: {  	[tilespmem:s1], [sflag:$0x1] =	stream.indirect_vreg.gather [hbm4b:s4+s2], $0x80, v37, vm0, $0xb8;
	[tilespmem:$0x8400] =	vst v63  }
0xfd: {  	s10 =	simm.s32 $0x3380  }
0xfe: {  	[tilespmem:s10], [sflag:$0x1] =	stream.indirect_vreg.gather [hbm4b:s4+s2], $0x80, v17, vm0, $0xb8;
	[tilespmem:$0x8400] =	vst v63  }
0xff: {  	v17 =	vld [tilespmem:$0x60];
	_ =	sdelay $0x4  }
0x100: {  	v18 =	vshll.u32 v17, $0x4  }
0x101: {  	v17 =	vand.u32 $0x7, v17;
	v18 =	vand.u32 $0xFFFFFF80, v18  }
0x102: {  	v17 =	vor.u32 v17, v18  }
0x103: {  	v18 =	vperm.xlane v17, v2;
	_ =	sdelay $0x1  }
0x104: {  	v19 =	vperm.xlane v17, v4;
	v18 =	vadd.s32 v3, v18;
	_ =	sdelay $0x1  }
0x105: {  	v38 =	vperm.xlane v17, v5;
	v19 =	vadd.s32 v3, v19;
	_ =	sdelay $0x1  }
0x106: {  	s24 =	simm.s32 $0x3400;
	v39 =	vperm.xlane v17, v6;
	v20 =	vadd.s32 v3, v38  }
0x107: {  	[tilespmem:s24], [sflag:$0x1] =	stream.indirect_vreg.gather [hbm4b:s4+s2], $0x80, v18, vm0, $0xb8;
	[tilespmem:$0x8400] =	vst v63  }
0x108: {  	s25 =	simm.s32 $0x3480;
	v40 =	vperm.xlane v17, v1;
	v18 =	vadd.s32 v3, v39  }
0x109: {  	[tilespmem:s25], [sflag:$0x1] =	stream.indirect_vreg.gather [hbm4b:s4+s2], $0x80, v19, vm0, $0xb8;
	[tilespmem:$0x8400] =	vst v63  }
0x10a: {  	s26 =	simm.s32 $0x3500;
	v41 =	vperm.xlane v17, v7;
	v19 =	vadd.s32 v3, v40  }
0x10b: {  	[tilespmem:s26], [sflag:$0x1] =	stream.indirect_vreg.gather [hbm4b:s4+s2], $0x80, v20, vm0, $0xb8;
	[tilespmem:$0x8400] =	vst v63  }
0x10c: {  	s28 =	simm.s32 $0x3580;
	v43 =	vperm.xlane v17, v8;
	v42 =	vadd.s32 v3, v41  }
0x10d: {  	[tilespmem:s28], [sflag:$0x1] =	stream.indirect_vreg.gather [hbm4b:s4+s2], $0x80, v18, vm0, $0xb8;
	[tilespmem:$0x8400] =	vst v63  }
0x10e: {  	s29 =	simm.s32 $0x3600;
	v44 =	vperm.xlane v17, v0;
	v18 =	vadd.s32 v3, v43  }
0x10f: {  	[tilespmem:s29], [sflag:$0x1] =	stream.indirect_vreg.gather [hbm4b:s4+s2], $0x80, v19, vm0, $0xb8;
	[tilespmem:$0x8400] =	vst v63  }
0x110: {  	s30 =	simm.s32 $0x3680;
	v45 =	vperm.xlane v17, v9;
	v19 =	vadd.s32 v3, v44  }
0x111: {  	[tilespmem:s30], [sflag:$0x1] =	stream.indirect_vreg.gather [hbm4b:s4+s2], $0x80, v42, vm0, $0xb8;
	[tilespmem:$0x8400] =	vst v63  }
0x112: {  	s31 =	simm.s32 $0x3700;
	v47 =	vperm.xlane v17, v10;
	v46 =	vadd.s32 v3, v45  }
0x113: {  	[tilespmem:s31], [sflag:$0x1] =	stream.indirect_vreg.gather [hbm4b:s4+s2], $0x80, v18, vm0, $0xb8;
	[tilespmem:$0x8400] =	vst v63  }
0x114: {  	s1 =	simm.s32 $0x3780;
	v48 =	vperm.xlane v17, v11;
	v18 =	vadd.s32 v3, v47  }
0x115: {  	[tilespmem:s1], [sflag:$0x1] =	stream.indirect_vreg.gather [hbm4b:s4+s2], $0x80, v19, vm0, $0xb8;
	[tilespmem:$0x8400] =	vst v63  }
0x116: {  	s10 =	simm.s32 $0x3800;
	v49 =	vperm.xlane v17, v12;
	v19 =	vadd.s32 v3, v48  }
0x117: {  	[tilespmem:s10], [sflag:$0x1] =	stream.indirect_vreg.gather [hbm4b:s4+s2], $0x80, v46, vm0, $0xb8;
	[tilespmem:$0x8400] =	vst v63  }
0x118: {  	v51 =	vperm.xlane v17, v13;
	v50 =	vadd.s32 v3, v49;
	s24 =	simm.s32 $0x3880  }
0x119: {  	[tilespmem:s24], [sflag:$0x1] =	stream.indirect_vreg.gather [hbm4b:s4+s2], $0x80, v18, vm0, $0xb8;
	[tilespmem:$0x8400] =	vst v63  }
0x11a: {  	v52 =	vperm.xlane v17, v14;
	s25 =	simm.s32 $0x3900;
	v18 =	vadd.s32 v3, v51  }
0x11b: {  	[tilespmem:s25], [sflag:$0x1] =	stream.indirect_vreg.gather [hbm4b:s4+s2], $0x80, v19, vm0, $0xb8;
	[tilespmem:$0x8400] =	vst v63  }
0x11c: {  	v53 =	vperm.xlane v17, v15;
	s26 =	simm.s32 $0x3980;
	v19 =	vadd.s32 v3, v52  }
0x11d: {  	[tilespmem:s26], [sflag:$0x1] =	stream.indirect_vreg.gather [hbm4b:s4+s2], $0x80, v50, vm0, $0xb8;
	[tilespmem:$0x8400] =	vst v63  }
0x11e: {  	v17 =	vperm.xlane v17, v16;
	v54 =	vadd.s32 v3, v53;
	s28 =	simm.s32 $0x3A00  }
0x11f: {  	[tilespmem:s28], [sflag:$0x1] =	stream.indirect_vreg.gather [hbm4b:s4+s2], $0x80, v18, vm0, $0xb8;
	[tilespmem:$0x8400] =	vst v63  }
0x120: {  	v17 =	vadd.s32 v3, v17;
	s29 =	simm.s32 $0x3A80  }
0x121: {  	[tilespmem:s29], [sflag:$0x1] =	stream.indirect_vreg.gather [hbm4b:s4+s2], $0x80, v19, vm0, $0xb8;
	[tilespmem:$0x8400] =	vst v63  }
0x122: {  	s30 =	simm.s32 $0x3B00  }
0x123: {  	[tilespmem:s30], [sflag:$0x1] =	stream.indirect_vreg.gather [hbm4b:s4+s2], $0x80, v54, vm0, $0xb8;
	[tilespmem:$0x8400] =	vst v63  }
0x124: {  	s31 =	simm.s32 $0x3B80  }
0x125: {  	[tilespmem:s31], [sflag:$0x1] =	stream.indirect_vreg.gather [hbm4b:s4+s2], $0x80, v17, vm0, $0xb8;
	[tilespmem:$0x8400] =	vst v63  }
0x126: {  	v17 =	vld [tilespmem:$0x70];
	_ =	sdelay $0x4  }
0x127: {  	v18 =	vshll.u32 v17, $0x4  }
0x128: {  	v17 =	vand.u32 $0x7, v17;
	v18 =	vand.u32 $0xFFFFFF80, v18  }
0x129: {  	v17 =	vor.u32 v17, v18  }
0x12a: {  	v18 =	vperm.xlane v17, v2;
	_ =	sdelay $0x1  }
0x12b: {  	v19 =	vperm.xlane v17, v4;
	v18 =	vadd.s32 v3, v18;
	_ =	sdelay $0x1  }
0x12c: {  	v55 =	vperm.xlane v17, v5;
	v19 =	vadd.s32 v3, v19;
	_ =	sdelay $0x1  }
0x12d: {  	s1 =	simm.s32 $0x3C00;
	v56 =	vperm.xlane v17, v6;
	v20 =	vadd.s32 v3, v55  }
0x12e: {  	[tilespmem:s1], [sflag:$0x1] =	stream.indirect_vreg.gather [hbm4b:s4+s2], $0x80, v18, vm0, $0xb8;
	[tilespmem:$0x8400] =	vst v63  }
0x12f: {  	s10 =	simm.s32 $0x3C80;
	v57 =	vperm.xlane v17, v1;
	v18 =	vadd.s32 v3, v56  }
0x130: {  	[tilespmem:s10], [sflag:$0x1] =	stream.indirect_vreg.gather [hbm4b:s4+s2], $0x80, v19, vm0, $0xb8;
	[tilespmem:$0x8400] =	vst v63  }
0x131: {  	s24 =	simm.s32 $0x3D00;
	v58 =	vperm.xlane v17, v7;
	v19 =	vadd.s32 v3, v57  }
0x132: {  	[tilespmem:s24], [sflag:$0x1] =	stream.indirect_vreg.gather [hbm4b:s4+s2], $0x80, v20, vm0, $0xb8;
	[tilespmem:$0x8400] =	vst v63  }
0x133: {  	s25 =	simm.s32 $0x3D80;
	v60 =	vperm.xlane v17, v8;
	v59 =	vadd.s32 v3, v58  }
0x134: {  	[tilespmem:s25], [sflag:$0x1] =	stream.indirect_vreg.gather [hbm4b:s4+s2], $0x80, v18, vm0, $0xb8;
	[tilespmem:$0x8400] =	vst v63  }
0x135: {  	s26 =	simm.s32 $0x3E00;
	v61 =	vperm.xlane v17, v0;
	v18 =	vadd.s32 v3, v60  }
0x136: {  	[tilespmem:s26], [sflag:$0x1] =	stream.indirect_vreg.gather [hbm4b:s4+s2], $0x80, v19, vm0, $0xb8;
	[tilespmem:$0x8400] =	vst v63  }
0x137: {  	s28 =	simm.s32 $0x3E80;
	v62 =	vperm.xlane v17, v9;
	v19 =	vadd.s32 v3, v61  }
0x138: {  	[tilespmem:s28], [sflag:$0x1] =	stream.indirect_vreg.gather [hbm4b:s4+s2], $0x80, v59, vm0, $0xb8;
	[tilespmem:$0x8400] =	vst v63  }
0x139: {  	s29 =	simm.s32 $0x3F00;
	v24 =	vperm.xlane v17, v10;
	v63 =	vadd.s32 v3, v62  }
0x13a: {  	[tilespmem:s29], [sflag:$0x1] =	stream.indirect_vreg.gather [hbm4b:s4+s2], $0x80, v18, vm0, $0xb8;
	[tilespmem:$0x8400] =	vst v63  }
0x13b: {  	s30 =	simm.s32 $0x3F80;
	v25 =	vperm.xlane v17, v11;
	v18 =	vadd.s32 v3, v24  }
0x13c: {  	[tilespmem:s30], [sflag:$0x1] =	stream.indirect_vreg.gather [hbm4b:s4+s2], $0x80, v19, vm0, $0xb8;
	[tilespmem:$0x8400] =	vst v63  }
0x13d: {  	s31 =	simm.s32 $0x4000;
	v26 =	vperm.xlane v17, v12;
	v19 =	vadd.s32 v3, v25  }
0x13e: {  	[tilespmem:s31], [sflag:$0x1] =	stream.indirect_vreg.gather [hbm4b:s4+s2], $0x80, v63, vm0, $0xb8;
	[tilespmem:$0x8400] =	vst v63  }
0x13f: {  	v28 =	vperm.xlane v17, v13;
	v27 =	vadd.s32 v3, v26;
	s1 =	simm.s32 $0x4080  }
0x140: {  	[tilespmem:s1], [sflag:$0x1] =	stream.indirect_vreg.gather [hbm4b:s4+s2], $0x80, v18, vm0, $0xb8;
	[tilespmem:$0x8400] =	vst v63  }
0x141: {  	v29 =	vperm.xlane v17, v14;
	s10 =	simm.s32 $0x4100;
	v18 =	vadd.s32 v3, v28  }
0x142: {  	[tilespmem:s10], [sflag:$0x1] =	stream.indirect_vreg.gather [hbm4b:s4+s2], $0x80, v19, vm0, $0xb8;
	[tilespmem:$0x8400] =	vst v63  }
0x143: {  	v30 =	vperm.xlane v17, v15;
	s24 =	simm.s32 $0x4180;
	v19 =	vadd.s32 v3, v29  }
0x144: {  	[tilespmem:s24], [sflag:$0x1] =	stream.indirect_vreg.gather [hbm4b:s4+s2], $0x80, v27, vm0, $0xb8;
	[tilespmem:$0x8400] =	vst v63  }
0x145: {  	v17 =	vperm.xlane v17, v16;
	v31 =	vadd.s32 v3, v30;
	s25 =	simm.s32 $0x4200  }
0x146: {  	[tilespmem:s25], [sflag:$0x1] =	stream.indirect_vreg.gather [hbm4b:s4+s2], $0x80, v18, vm0, $0xb8;
	[tilespmem:$0x8400] =	vst v63  }
0x147: {  	v17 =	vadd.s32 v3, v17;
	s26 =	simm.s32 $0x4280  }
0x148: {  	[tilespmem:s26], [sflag:$0x1] =	stream.indirect_vreg.gather [hbm4b:s4+s2], $0x80, v19, vm0, $0xb8;
	[tilespmem:$0x8400] =	vst v63  }
0x149: {  	s28 =	simm.s32 $0x4300  }
0x14a: {  	[tilespmem:s28], [sflag:$0x1] =	stream.indirect_vreg.gather [hbm4b:s4+s2], $0x80, v31, vm0, $0xb8;
	[tilespmem:$0x8400] =	vst v63  }
0x14b: {  	s29 =	simm.s32 $0x4380  }
0x14c: {  	[tilespmem:s29], [sflag:$0x1] =	stream.indirect_vreg.gather [hbm4b:s4+s2], $0x80, v17, vm0, $0xb8;
	[tilespmem:$0x8400] =	vst v63  }
0x14d: {  	v17 =	vld [tilespmem:$0x80];
	_ =	sdelay $0x4  }
0x14e: {  	v18 =	vshll.u32 v17, $0x4  }
0x14f: {  	v17 =	vand.u32 $0x7, v17;
	v18 =	vand.u32 $0xFFFFFF80, v18  }
0x150: {  	v17 =	vor.u32 v17, v18  }
0x151: {  	v18 =	vperm.xlane v17, v2;
	_ =	sdelay $0x1  }
0x152: {  	v19 =	vperm.xlane v17, v4;
	v18 =	vadd.s32 v3, v18;
	_ =	sdelay $0x1  }
0x153: {  	v32 =	vperm.xlane v17, v5;
	v19 =	vadd.s32 v3, v19;
	_ =	sdelay $0x1  }
0x154: {  	s30 =	simm.s32 $0x4400;
	v33 =	vperm.xlane v17, v6;
	v20 =	vadd.s32 v3, v32  }
0x155: {  	[tilespmem:s30], [sflag:$0x2] =	stream.indirect_vreg.gather [hbm4b:s4+s2], $0x80, v18, vm0, $0xb8;
	[tilespmem:$0x8400] =	vst v63  }
0x156: {  	s31 =	simm.s32 $0x4480;
	v34 =	vperm.xlane v17, v1;
	v18 =	vadd.s32 v3, v33  }
0x157: {  	[tilespmem:s31], [sflag:$0x2] =	stream.indirect_vreg.gather [hbm4b:s4+s2], $0x80, v19, vm0, $0xb8;
	[tilespmem:$0x8400] =	vst v63  }
0x158: {  	s0 =	simm.s32 $0x4500;
	v35 =	vperm.xlane v17, v7;
	v19 =	vadd.s32 v3, v34  }
0x159: {  	[tilespmem:s0], [sflag:$0x2] =	stream.indirect_vreg.gather [hbm4b:s4+s2], $0x80, v20, vm0, $0xb8;
	[tilespmem:$0x8400] =	vst v63  }
0x15a: {  	s1 =	simm.s32 $0x4580;
	v37 =	vperm.xlane v17, v8;
	v36 =	vadd.s32 v3, v35  }
0x15b: {  	[tilespmem:s1], [sflag:$0x2] =	stream.indirect_vreg.gather [hbm4b:s4+s2], $0x80, v18, vm0, $0xb8;
	[tilespmem:$0x8400] =	vst v63  }
0x15c: {  	s24 =	simm.s32 $0x4600;
	v38 =	vperm.xlane v17, v0;
	v18 =	vadd.s32 v3, v37  }
0x15d: {  	[tilespmem:s24], [sflag:$0x2] =	stream.indirect_vreg.gather [hbm4b:s4+s2], $0x80, v19, vm0, $0xb8;
	[tilespmem:$0x8400] =	vst v63  }
0x15e: {  	s25 =	simm.s32 $0x4680;
	v39 =	vperm.xlane v17, v9;
	v19 =	vadd.s32 v3, v38  }
0x15f: {  	[tilespmem:s25], [sflag:$0x2] =	stream.indirect_vreg.gather [hbm4b:s4+s2], $0x80, v36, vm0, $0xb8;
	[tilespmem:$0x8400] =	vst v63  }
0x160: {  	s26 =	simm.s32 $0x4700;
	v41 =	vperm.xlane v17, v10;
	v40 =	vadd.s32 v3, v39  }
0x161: {  	[tilespmem:s26], [sflag:$0x2] =	stream.indirect_vreg.gather [hbm4b:s4+s2], $0x80, v18, vm0, $0xb8;
	[tilespmem:$0x8400] =	vst v63  }
0x162: {  	s28 =	simm.s32 $0x4780;
	v42 =	vperm.xlane v17, v11;
	v18 =	vadd.s32 v3, v41  }
0x163: {  	[tilespmem:s28], [sflag:$0x2] =	stream.indirect_vreg.gather [hbm4b:s4+s2], $0x80, v19, vm0, $0xb8;
	[tilespmem:$0x8400] =	vst v63  }
0x164: {  	s29 =	simm.s32 $0x4800;
	v43 =	vperm.xlane v17, v12;
	v19 =	vadd.s32 v3, v42  }
0x165: {  	[tilespmem:s29], [sflag:$0x2] =	stream.indirect_vreg.gather [hbm4b:s4+s2], $0x80, v40, vm0, $0xb8;
	[tilespmem:$0x8400] =	vst v63  }
0x166: {  	v45 =	vperm.xlane v17, v13;
	v44 =	vadd.s32 v3, v43;
	s30 =	simm.s32 $0x4880  }
0x167: {  	[tilespmem:s30], [sflag:$0x2] =	stream.indirect_vreg.gather [hbm4b:s4+s2], $0x80, v18, vm0, $0xb8;
	[tilespmem:$0x8400] =	vst v63  }
0x168: {  	v46 =	vperm.xlane v17, v14;
	s31 =	simm.s32 $0x4900;
	v18 =	vadd.s32 v3, v45  }
0x169: {  	[tilespmem:s31], [sflag:$0x2] =	stream.indirect_vreg.gather [hbm4b:s4+s2], $0x80, v19, vm0, $0xb8;
	[tilespmem:$0x8400] =	vst v63  }
0x16a: {  	v47 =	vperm.xlane v17, v15;
	s0 =	simm.s32 $0x4980;
	v19 =	vadd.s32 v3, v46  }
0x16b: {  	[tilespmem:s0], [sflag:$0x2] =	stream.indirect_vreg.gather [hbm4b:s4+s2], $0x80, v44, vm0, $0xb8;
	[tilespmem:$0x8400] =	vst v63  }
0x16c: {  	v17 =	vperm.xlane v17, v16;
	v48 =	vadd.s32 v3, v47;
	s1 =	simm.s32 $0x4A00  }
0x16d: {  	[tilespmem:s1], [sflag:$0x2] =	stream.indirect_vreg.gather [hbm4b:s4+s2], $0x80, v18, vm0, $0xb8;
	[tilespmem:$0x8400] =	vst v63  }
0x16e: {  	v17 =	vadd.s32 v3, v17;
	s24 =	simm.s32 $0x4A80  }
0x16f: {  	[tilespmem:s24], [sflag:$0x2] =	stream.indirect_vreg.gather [hbm4b:s4+s2], $0x80, v19, vm0, $0xb8;
	[tilespmem:$0x8400] =	vst v63  }
0x170: {  	s25 =	simm.s32 $0x4B00  }
0x171: {  	[tilespmem:s25], [sflag:$0x2] =	stream.indirect_vreg.gather [hbm4b:s4+s2], $0x80, v48, vm0, $0xb8;
	[tilespmem:$0x8400] =	vst v63  }
0x172: {  	s26 =	simm.s32 $0x4B80  }
0x173: {  	[tilespmem:s26], [sflag:$0x2] =	stream.indirect_vreg.gather [hbm4b:s4+s2], $0x80, v17, vm0, $0xb8;
	[tilespmem:$0x8400] =	vst v63  }
0x174: {  	v17 =	vld [tilespmem:$0x90];
	_ =	sdelay $0x4  }
0x175: {  	v18 =	vshll.u32 v17, $0x4  }
0x176: {  	v17 =	vand.u32 $0x7, v17;
	v18 =	vand.u32 $0xFFFFFF80, v18  }
0x177: {  	v17 =	vor.u32 v17, v18  }
0x178: {  	v18 =	vperm.xlane v17, v2;
	_ =	sdelay $0x1  }
0x179: {  	v19 =	vperm.xlane v17, v4;
	v18 =	vadd.s32 v3, v18;
	_ =	sdelay $0x1  }
0x17a: {  	v49 =	vperm.xlane v17, v5;
	v19 =	vadd.s32 v3, v19;
	_ =	sdelay $0x1  }
0x17b: {  	s28 =	simm.s32 $0x4C00;
	v50 =	vperm.xlane v17, v6;
	v20 =	vadd.s32 v3, v49  }
0x17c: {  	[tilespmem:s28], [sflag:$0x2] =	stream.indirect_vreg.gather [hbm4b:s4+s2], $0x80, v18, vm0, $0xb8;
	[tilespmem:$0x8400] =	vst v63  }
0x17d: {  	s29 =	simm.s32 $0x4C80;
	v51 =	vperm.xlane v17, v1;
	v18 =	vadd.s32 v3, v50  }
0x17e: {  	[tilespmem:s29], [sflag:$0x2] =	stream.indirect_vreg.gather [hbm4b:s4+s2], $0x80, v19, vm0, $0xb8;
	[tilespmem:$0x8400] =	vst v63  }
0x17f: {  	s30 =	simm.s32 $0x4D00;
	v52 =	vperm.xlane v17, v7;
	v19 =	vadd.s32 v3, v51  }
0x180: {  	[tilespmem:s30], [sflag:$0x2] =	stream.indirect_vreg.gather [hbm4b:s4+s2], $0x80, v20, vm0, $0xb8;
	[tilespmem:$0x8400] =	vst v63  }
0x181: {  	s31 =	simm.s32 $0x4D80;
	v54 =	vperm.xlane v17, v8;
	v53 =	vadd.s32 v3, v52  }
0x182: {  	[tilespmem:s31], [sflag:$0x2] =	stream.indirect_vreg.gather [hbm4b:s4+s2], $0x80, v18, vm0, $0xb8;
	[tilespmem:$0x8400] =	vst v63  }
0x183: {  	s0 =	simm.s32 $0x4E00;
	v55 =	vperm.xlane v17, v0;
	v18 =	vadd.s32 v3, v54  }
0x184: {  	[tilespmem:s0], [sflag:$0x2] =	stream.indirect_vreg.gather [hbm4b:s4+s2], $0x80, v19, vm0, $0xb8;
	[tilespmem:$0x8400] =	vst v63  }
0x185: {  	s1 =	simm.s32 $0x4E80;
	v56 =	vperm.xlane v17, v9;
	v19 =	vadd.s32 v3, v55  }
0x186: {  	[tilespmem:s1], [sflag:$0x2] =	stream.indirect_vreg.gather [hbm4b:s4+s2], $0x80, v53, vm0, $0xb8;
	[tilespmem:$0x8400] =	vst v63  }
0x187: {  	s24 =	simm.s32 $0x4F00;
	v58 =	vperm.xlane v17, v10;
	v57 =	vadd.s32 v3, v56  }
0x188: {  	[tilespmem:s24], [sflag:$0x2] =	stream.indirect_vreg.gather [hbm4b:s4+s2], $0x80, v18, vm0, $0xb8;
	[tilespmem:$0x8400] =	vst v63  }
0x189: {  	s25 =	simm.s32 $0x4F80;
	v59 =	vperm.xlane v17, v11;
	v18 =	vadd.s32 v3, v58  }
0x18a: {  	[tilespmem:s25], [sflag:$0x2] =	stream.indirect_vreg.gather [hbm4b:s4+s2], $0x80, v19, vm0, $0xb8;
	[tilespmem:$0x8400] =	vst v63  }
0x18b: {  	s26 =	simm.s32 $0x5000;
	v60 =	vperm.xlane v17, v12;
	v19 =	vadd.s32 v3, v59  }
0x18c: {  	[tilespmem:s26], [sflag:$0x2] =	stream.indirect_vreg.gather [hbm4b:s4+s2], $0x80, v57, vm0, $0xb8;
	[tilespmem:$0x8400] =	vst v63  }
0x18d: {  	v62 =	vperm.xlane v17, v13;
	v61 =	vadd.s32 v3, v60;
	s28 =	simm.s32 $0x5080  }
0x18e: {  	[tilespmem:s28], [sflag:$0x2] =	stream.indirect_vreg.gather [hbm4b:s4+s2], $0x80, v18, vm0, $0xb8;
	[tilespmem:$0x8400] =	vst v63  }
0x18f: {  	v63 =	vperm.xlane v17, v14;
	s29 =	simm.s32 $0x5100;
	v18 =	vadd.s32 v3, v62  }
0x190: {  	[tilespmem:s29], [sflag:$0x2] =	stream.indirect_vreg.gather [hbm4b:s4+s2], $0x80, v19, vm0, $0xb8;
	[tilespmem:$0x8400] =	vst v63  }
0x191: {  	v24 =	vperm.xlane v17, v15;
	s30 =	simm.s32 $0x5180;
	v19 =	vadd.s32 v3, v63  }
0x192: {  	[tilespmem:s30], [sflag:$0x2] =	stream.indirect_vreg.gather [hbm4b:s4+s2], $0x80, v61, vm0, $0xb8;
	[tilespmem:$0x8400] =	vst v63  }
0x193: {  	v17 =	vperm.xlane v17, v16;
	v25 =	vadd.s32 v3, v24;
	s31 =	simm.s32 $0x5200  }
0x194: {  	[tilespmem:s31], [sflag:$0x2] =	stream.indirect_vreg.gather [hbm4b:s4+s2], $0x80, v18, vm0, $0xb8;
	[tilespmem:$0x8400] =	vst v63  }
0x195: {  	v17 =	vadd.s32 v3, v17;
	s0 =	simm.s32 $0x5280  }
0x196: {  	[tilespmem:s0], [sflag:$0x2] =	stream.indirect_vreg.gather [hbm4b:s4+s2], $0x80, v19, vm0, $0xb8;
	[tilespmem:$0x8400] =	vst v63  }
0x197: {  	s1 =	simm.s32 $0x5300  }
0x198: {  	[tilespmem:s1], [sflag:$0x2] =	stream.indirect_vreg.gather [hbm4b:s4+s2], $0x80, v25, vm0, $0xb8;
	[tilespmem:$0x8400] =	vst v63  }
0x199: {  	s24 =	simm.s32 $0x5380  }
0x19a: {  	[tilespmem:s24], [sflag:$0x2] =	stream.indirect_vreg.gather [hbm4b:s4+s2], $0x80, v17, vm0, $0xb8;
	[tilespmem:$0x8400] =	vst v63  }
0x19b: {  	v17 =	vld [tilespmem:$0xA0];
	_ =	sdelay $0x4  }
0x19c: {  	v18 =	vshll.u32 v17, $0x4  }
0x19d: {  	v17 =	vand.u32 $0x7, v17;
	v18 =	vand.u32 $0xFFFFFF80, v18  }
0x19e: {  	v17 =	vor.u32 v17, v18  }
0x19f: {  	v18 =	vperm.xlane v17, v2;
	_ =	sdelay $0x1  }
0x1a0: {  	v19 =	vperm.xlane v17, v4;
	v18 =	vadd.s32 v3, v18;
	_ =	sdelay $0x1  }
0x1a1: {  	v26 =	vperm.xlane v17, v5;
	v19 =	vadd.s32 v3, v19;
	_ =	sdelay $0x1  }
0x1a2: {  	s25 =	simm.s32 $0x5400;
	v27 =	vperm.xlane v17, v6;
	v20 =	vadd.s32 v3, v26  }
0x1a3: {  	[tilespmem:s25], [sflag:$0x2] =	stream.indirect_vreg.gather [hbm4b:s4+s2], $0x80, v18, vm0, $0xb8;
	[tilespmem:$0x8400] =	vst v63  }
0x1a4: {  	s26 =	simm.s32 $0x5480;
	v28 =	vperm.xlane v17, v1;
	v18 =	vadd.s32 v3, v27  }
0x1a5: {  	[tilespmem:s26], [sflag:$0x2] =	stream.indirect_vreg.gather [hbm4b:s4+s2], $0x80, v19, vm0, $0xb8;
	[tilespmem:$0x8400] =	vst v63  }
0x1a6: {  	s28 =	simm.s32 $0x5500;
	v29 =	vperm.xlane v17, v7;
	v19 =	vadd.s32 v3, v28  }
0x1a7: {  	[tilespmem:s28], [sflag:$0x2] =	stream.indirect_vreg.gather [hbm4b:s4+s2], $0x80, v20, vm0, $0xb8;
	[tilespmem:$0x8400] =	vst v63  }
0x1a8: {  	s29 =	simm.s32 $0x5580;
	v31 =	vperm.xlane v17, v8;
	v30 =	vadd.s32 v3, v29  }
0x1a9: {  	[tilespmem:s29], [sflag:$0x2] =	stream.indirect_vreg.gather [hbm4b:s4+s2], $0x80, v18, vm0, $0xb8;
	[tilespmem:$0x8400] =	vst v63  }
0x1aa: {  	s30 =	simm.s32 $0x5600;
	v32 =	vperm.xlane v17, v0;
	v18 =	vadd.s32 v3, v31  }
0x1ab: {  	[tilespmem:s30], [sflag:$0x2] =	stream.indirect_vreg.gather [hbm4b:s4+s2], $0x80, v19, vm0, $0xb8;
	[tilespmem:$0x8400] =	vst v63  }
0x1ac: {  	s31 =	simm.s32 $0x5680;
	v33 =	vperm.xlane v17, v9;
	v19 =	vadd.s32 v3, v32  }
0x1ad: {  	[tilespmem:s31], [sflag:$0x2] =	stream.indirect_vreg.gather [hbm4b:s4+s2], $0x80, v30, vm0, $0xb8;
	[tilespmem:$0x8400] =	vst v63  }
0x1ae: {  	s0 =	simm.s32 $0x5700;
	v35 =	vperm.xlane v17, v10;
	v34 =	vadd.s32 v3, v33  }
0x1af: {  	[tilespmem:s0], [sflag:$0x2] =	stream.indirect_vreg.gather [hbm4b:s4+s2], $0x80, v18, vm0, $0xb8;
	[tilespmem:$0x8400] =	vst v63  }
0x1b0: {  	s1 =	simm.s32 $0x5780;
	v36 =	vperm.xlane v17, v11;
	v18 =	vadd.s32 v3, v35  }
0x1b1: {  	[tilespmem:s1], [sflag:$0x2] =	stream.indirect_vreg.gather [hbm4b:s4+s2], $0x80, v19, vm0, $0xb8;
	[tilespmem:$0x8400] =	vst v63  }
0x1b2: {  	s24 =	simm.s32 $0x5800;
	v37 =	vperm.xlane v17, v12;
	v19 =	vadd.s32 v3, v36  }
0x1b3: {  	[tilespmem:s24], [sflag:$0x2] =	stream.indirect_vreg.gather [hbm4b:s4+s2], $0x80, v34, vm0, $0xb8;
	[tilespmem:$0x8400] =	vst v63  }
0x1b4: {  	v39 =	vperm.xlane v17, v13;
	v38 =	vadd.s32 v3, v37;
	s25 =	simm.s32 $0x5880  }
0x1b5: {  	[tilespmem:s25], [sflag:$0x2] =	stream.indirect_vreg.gather [hbm4b:s4+s2], $0x80, v18, vm0, $0xb8;
	[tilespmem:$0x8400] =	vst v63  }
0x1b6: {  	v40 =	vperm.xlane v17, v14;
	s26 =	simm.s32 $0x5900;
	v18 =	vadd.s32 v3, v39  }
0x1b7: {  	[tilespmem:s26], [sflag:$0x2] =	stream.indirect_vreg.gather [hbm4b:s4+s2], $0x80, v19, vm0, $0xb8;
	[tilespmem:$0x8400] =	vst v63  }
0x1b8: {  	v41 =	vperm.xlane v17, v15;
	s28 =	simm.s32 $0x5980;
	v19 =	vadd.s32 v3, v40  }
0x1b9: {  	[tilespmem:s28], [sflag:$0x2] =	stream.indirect_vreg.gather [hbm4b:s4+s2], $0x80, v38, vm0, $0xb8;
	[tilespmem:$0x8400] =	vst v63  }
0x1ba: {  	v17 =	vperm.xlane v17, v16;
	v42 =	vadd.s32 v3, v41;
	s29 =	simm.s32 $0x5A00  }
0x1bb: {  	[tilespmem:s29], [sflag:$0x2] =	stream.indirect_vreg.gather [hbm4b:s4+s2], $0x80, v18, vm0, $0xb8;
	[tilespmem:$0x8400] =	vst v63  }
0x1bc: {  	v17 =	vadd.s32 v3, v17;
	s30 =	simm.s32 $0x5A80  }
0x1bd: {  	[tilespmem:s30], [sflag:$0x2] =	stream.indirect_vreg.gather [hbm4b:s4+s2], $0x80, v19, vm0, $0xb8;
	[tilespmem:$0x8400] =	vst v63  }
0x1be: {  	s31 =	simm.s32 $0x5B00  }
0x1bf: {  	[tilespmem:s31], [sflag:$0x2] =	stream.indirect_vreg.gather [hbm4b:s4+s2], $0x80, v42, vm0, $0xb8;
	[tilespmem:$0x8400] =	vst v63  }
0x1c0: {  	s0 =	simm.s32 $0x5B80  }
0x1c1: {  	[tilespmem:s0], [sflag:$0x2] =	stream.indirect_vreg.gather [hbm4b:s4+s2], $0x80, v17, vm0, $0xb8;
	[tilespmem:$0x8400] =	vst v63  }
0x1c2: {  	v17 =	vld [tilespmem:$0xB0];
	_ =	sdelay $0x4  }
0x1c3: {  	v18 =	vshll.u32 v17, $0x4  }
0x1c4: {  	v17 =	vand.u32 $0x7, v17;
	v18 =	vand.u32 $0xFFFFFF80, v18  }
0x1c5: {  	v17 =	vor.u32 v17, v18  }
0x1c6: {  	v18 =	vperm.xlane v17, v2;
	_ =	sdelay $0x1  }
0x1c7: {  	v19 =	vperm.xlane v17, v4;
	v18 =	vadd.s32 v3, v18;
	_ =	sdelay $0x1  }
0x1c8: {  	v43 =	vperm.xlane v17, v5;
	v19 =	vadd.s32 v3, v19;
	_ =	sdelay $0x1  }
0x1c9: {  	s1 =	simm.s32 $0x5C00;
	v44 =	vperm.xlane v17, v6;
	v20 =	vadd.s32 v3, v43  }
0x1ca: {  	[tilespmem:s1], [sflag:$0x2] =	stream.indirect_vreg.gather [hbm4b:s4+s2], $0x80, v18, vm0, $0xb8;
	[tilespmem:$0x8400] =	vst v63  }
0x1cb: {  	s24 =	simm.s32 $0x5C80;
	v45 =	vperm.xlane v17, v1;
	v18 =	vadd.s32 v3, v44  }
0x1cc: {  	[tilespmem:s24], [sflag:$0x2] =	stream.indirect_vreg.gather [hbm4b:s4+s2], $0x80, v19, vm0, $0xb8;
	[tilespmem:$0x8400] =	vst v63  }
0x1cd: {  	s25 =	simm.s32 $0x5D00;
	v46 =	vperm.xlane v17, v7;
	v19 =	vadd.s32 v3, v45  }
0x1ce: {  	[tilespmem:s25], [sflag:$0x2] =	stream.indirect_vreg.gather [hbm4b:s4+s2], $0x80, v20, vm0, $0xb8;
	[tilespmem:$0x8400] =	vst v63  }
0x1cf: {  	s26 =	simm.s32 $0x5D80;
	v48 =	vperm.xlane v17, v8;
	v47 =	vadd.s32 v3, v46  }
0x1d0: {  	[tilespmem:s26], [sflag:$0x2] =	stream.indirect_vreg.gather [hbm4b:s4+s2], $0x80, v18, vm0, $0xb8;
	[tilespmem:$0x8400] =	vst v63  }
0x1d1: {  	s28 =	simm.s32 $0x5E00;
	v49 =	vperm.xlane v17, v0;
	v18 =	vadd.s32 v3, v48  }
0x1d2: {  	[tilespmem:s28], [sflag:$0x2] =	stream.indirect_vreg.gather [hbm4b:s4+s2], $0x80, v19, vm0, $0xb8;
	[tilespmem:$0x8400] =	vst v63  }
0x1d3: {  	s29 =	simm.s32 $0x5E80;
	v50 =	vperm.xlane v17, v9;
	v19 =	vadd.s32 v3, v49  }
0x1d4: {  	[tilespmem:s29], [sflag:$0x2] =	stream.indirect_vreg.gather [hbm4b:s4+s2], $0x80, v47, vm0, $0xb8;
	[tilespmem:$0x8400] =	vst v63  }
0x1d5: {  	s30 =	simm.s32 $0x5F00;
	v52 =	vperm.xlane v17, v10;
	v51 =	vadd.s32 v3, v50  }
0x1d6: {  	[tilespmem:s30], [sflag:$0x2] =	stream.indirect_vreg.gather [hbm4b:s4+s2], $0x80, v18, vm0, $0xb8;
	[tilespmem:$0x8400] =	vst v63  }
0x1d7: {  	s31 =	simm.s32 $0x5F80;
	v53 =	vperm.xlane v17, v11;
	v18 =	vadd.s32 v3, v52  }
0x1d8: {  	[tilespmem:s31], [sflag:$0x2] =	stream.indirect_vreg.gather [hbm4b:s4+s2], $0x80, v19, vm0, $0xb8;
	[tilespmem:$0x8400] =	vst v63  }
0x1d9: {  	s0 =	simm.s32 $0x6000;
	v54 =	vperm.xlane v17, v12;
	v19 =	vadd.s32 v3, v53  }
0x1da: {  	[tilespmem:s0], [sflag:$0x2] =	stream.indirect_vreg.gather [hbm4b:s4+s2], $0x80, v51, vm0, $0xb8;
	[tilespmem:$0x8400] =	vst v63  }
0x1db: {  	v56 =	vperm.xlane v17, v13;
	v55 =	vadd.s32 v3, v54;
	s1 =	simm.s32 $0x6080  }
0x1dc: {  	[tilespmem:s1], [sflag:$0x2] =	stream.indirect_vreg.gather [hbm4b:s4+s2], $0x80, v18, vm0, $0xb8;
	[tilespmem:$0x8400] =	vst v63  }
0x1dd: {  	v57 =	vperm.xlane v17, v14;
	s24 =	simm.s32 $0x6100;
	v18 =	vadd.s32 v3, v56  }
0x1de: {  	[tilespmem:s24], [sflag:$0x2] =	stream.indirect_vreg.gather [hbm4b:s4+s2], $0x80, v19, vm0, $0xb8;
	[tilespmem:$0x8400] =	vst v63  }
0x1df: {  	v58 =	vperm.xlane v17, v15;
	s25 =	simm.s32 $0x6180;
	v19 =	vadd.s32 v3, v57  }
0x1e0: {  	[tilespmem:s25], [sflag:$0x2] =	stream.indirect_vreg.gather [hbm4b:s4+s2], $0x80, v55, vm0, $0xb8;
	[tilespmem:$0x8400] =	vst v63  }
0x1e1: {  	v17 =	vperm.xlane v17, v16;
	v59 =	vadd.s32 v3, v58;
	s26 =	simm.s32 $0x6200  }
0x1e2: {  	[tilespmem:s26], [sflag:$0x2] =	stream.indirect_vreg.gather [hbm4b:s4+s2], $0x80, v18, vm0, $0xb8;
	[tilespmem:$0x8400] =	vst v63  }
0x1e3: {  	v17 =	vadd.s32 v3, v17;
	s28 =	simm.s32 $0x6280  }
0x1e4: {  	[tilespmem:s28], [sflag:$0x2] =	stream.indirect_vreg.gather [hbm4b:s4+s2], $0x80, v19, vm0, $0xb8;
	[tilespmem:$0x8400] =	vst v63  }
0x1e5: {  	s29 =	simm.s32 $0x6300  }
0x1e6: {  	[tilespmem:s29], [sflag:$0x2] =	stream.indirect_vreg.gather [hbm4b:s4+s2], $0x80, v59, vm0, $0xb8;
	[tilespmem:$0x8400] =	vst v63  }
0x1e7: {  	s30 =	simm.s32 $0x6380  }
0x1e8: {  	[tilespmem:s30], [sflag:$0x2] =	stream.indirect_vreg.gather [hbm4b:s4+s2], $0x80, v17, vm0, $0xb8;
	[tilespmem:$0x8400] =	vst v63  }
0x1e9: {  	v17 =	vld [tilespmem:$0xC0];
	_ =	sdelay $0x4  }
0x1ea: {  	v18 =	vshll.u32 v17, $0x4  }
0x1eb: {  	v17 =	vand.u32 $0x7, v17;
	v18 =	vand.u32 $0xFFFFFF80, v18  }
0x1ec: {  	v17 =	vor.u32 v17, v18  }
0x1ed: {  	v18 =	vperm.xlane v17, v2;
	_ =	sdelay $0x1  }
0x1ee: {  	v19 =	vperm.xlane v17, v4;
	v18 =	vadd.s32 v3, v18;
	_ =	sdelay $0x1  }
0x1ef: {  	v60 =	vperm.xlane v17, v5;
	v19 =	vadd.s32 v3, v19;
	_ =	sdelay $0x1  }
0x1f0: {  	s31 =	simm.s32 $0x6400;
	v61 =	vperm.xlane v17, v6;
	v20 =	vadd.s32 v3, v60  }
0x1f1: {  	[tilespmem:s31], [sflag:$0x2] =	stream.indirect_vreg.gather [hbm4b:s4+s2], $0x80, v18, vm0, $0xb8;
	[tilespmem:$0x8400] =	vst v63  }
0x1f2: {  	s0 =	simm.s32 $0x6480;
	v62 =	vperm.xlane v17, v1;
	v18 =	vadd.s32 v3, v61  }
0x1f3: {  	[tilespmem:s0], [sflag:$0x2] =	stream.indirect_vreg.gather [hbm4b:s4+s2], $0x80, v19, vm0, $0xb8;
	[tilespmem:$0x8400] =	vst v63  }
0x1f4: {  	s1 =	simm.s32 $0x6500;
	v63 =	vperm.xlane v17, v7;
	v19 =	vadd.s32 v3, v62  }
0x1f5: {  	[tilespmem:s1], [sflag:$0x2] =	stream.indirect_vreg.gather [hbm4b:s4+s2], $0x80, v20, vm0, $0xb8;
	[tilespmem:$0x8400] =	vst v63  }
0x1f6: {  	s24 =	simm.s32 $0x6580;
	v25 =	vperm.xlane v17, v8;
	v24 =	vadd.s32 v3, v63  }
0x1f7: {  	[tilespmem:s24], [sflag:$0x2] =	stream.indirect_vreg.gather [hbm4b:s4+s2], $0x80, v18, vm0, $0xb8;
	[tilespmem:$0x8400] =	vst v63  }
0x1f8: {  	s25 =	simm.s32 $0x6600;
	v26 =	vperm.xlane v17, v0;
	v18 =	vadd.s32 v3, v25  }
0x1f9: {  	[tilespmem:s25], [sflag:$0x2] =	stream.indirect_vreg.gather [hbm4b:s4+s2], $0x80, v19, vm0, $0xb8;
	[tilespmem:$0x8400] =	vst v63  }
0x1fa: {  	s26 =	simm.s32 $0x6680;
	v27 =	vperm.xlane v17, v9;
	v19 =	vadd.s32 v3, v26  }
0x1fb: {  	[tilespmem:s26], [sflag:$0x2] =	stream.indirect_vreg.gather [hbm4b:s4+s2], $0x80, v24, vm0, $0xb8;
	[tilespmem:$0x8400] =	vst v63  }
0x1fc: {  	s28 =	simm.s32 $0x6700;
	v29 =	vperm.xlane v17, v10;
	v28 =	vadd.s32 v3, v27  }
0x1fd: {  	[tilespmem:s28], [sflag:$0x2] =	stream.indirect_vreg.gather [hbm4b:s4+s2], $0x80, v18, vm0, $0xb8;
	[tilespmem:$0x8400] =	vst v63  }
0x1fe: {  	s29 =	simm.s32 $0x6780;
	v30 =	vperm.xlane v17, v11;
	v18 =	vadd.s32 v3, v29  }
0x1ff: {  	[tilespmem:s29], [sflag:$0x2] =	stream.indirect_vreg.gather [hbm4b:s4+s2], $0x80, v19, vm0, $0xb8;
	[tilespmem:$0x8400] =	vst v63  }
0x200: {  	s30 =	simm.s32 $0x6800;
	v31 =	vperm.xlane v17, v12;
	v19 =	vadd.s32 v3, v30  }
0x201: {  	[tilespmem:s30], [sflag:$0x2] =	stream.indirect_vreg.gather [hbm4b:s4+s2], $0x80, v28, vm0, $0xb8;
	[tilespmem:$0x8400] =	vst v63  }
0x202: {  	v33 =	vperm.xlane v17, v13;
	v32 =	vadd.s32 v3, v31;
	s31 =	simm.s32 $0x6880  }
0x203: {  	[tilespmem:s31], [sflag:$0x2] =	stream.indirect_vreg.gather [hbm4b:s4+s2], $0x80, v18, vm0, $0xb8;
	[tilespmem:$0x8400] =	vst v63  }
0x204: {  	v34 =	vperm.xlane v17, v14;
	s0 =	simm.s32 $0x6900;
	v18 =	vadd.s32 v3, v33  }
0x205: {  	[tilespmem:s0], [sflag:$0x2] =	stream.indirect_vreg.gather [hbm4b:s4+s2], $0x80, v19, vm0, $0xb8;
	[tilespmem:$0x8400] =	vst v63  }
0x206: {  	v35 =	vperm.xlane v17, v15;
	s1 =	simm.s32 $0x6980;
	v19 =	vadd.s32 v3, v34  }
0x207: {  	[tilespmem:s1], [sflag:$0x2] =	stream.indirect_vreg.gather [hbm4b:s4+s2], $0x80, v32, vm0, $0xb8;
	[tilespmem:$0x8400] =	vst v63  }
0x208: {  	v17 =	vperm.xlane v17, v16;
	v36 =	vadd.s32 v3, v35;
	s24 =	simm.s32 $0x6A00  }
0x209: {  	[tilespmem:s24], [sflag:$0x2] =	stream.indirect_vreg.gather [hbm4b:s4+s2], $0x80, v18, vm0, $0xb8;
	[tilespmem:$0x8400] =	vst v63  }
0x20a: {  	v17 =	vadd.s32 v3, v17;
	s25 =	simm.s32 $0x6A80  }
0x20b: {  	[tilespmem:s25], [sflag:$0x2] =	stream.indirect_vreg.gather [hbm4b:s4+s2], $0x80, v19, vm0, $0xb8;
	[tilespmem:$0x8400] =	vst v63  }
0x20c: {  	s26 =	simm.s32 $0x6B00  }
0x20d: {  	[tilespmem:s26], [sflag:$0x2] =	stream.indirect_vreg.gather [hbm4b:s4+s2], $0x80, v36, vm0, $0xb8;
	[tilespmem:$0x8400] =	vst v63  }
0x20e: {  	s28 =	simm.s32 $0x6B80  }
0x20f: {  	[tilespmem:s28], [sflag:$0x2] =	stream.indirect_vreg.gather [hbm4b:s4+s2], $0x80, v17, vm0, $0xb8;
	[tilespmem:$0x8400] =	vst v63  }
0x210: {  	v17 =	vld [tilespmem:$0xD0];
	_ =	sdelay $0x4  }
0x211: {  	v18 =	vshll.u32 v17, $0x4  }
0x212: {  	v17 =	vand.u32 $0x7, v17;
	v18 =	vand.u32 $0xFFFFFF80, v18  }
0x213: {  	v17 =	vor.u32 v17, v18  }
0x214: {  	v18 =	vperm.xlane v17, v2;
	_ =	sdelay $0x1  }
0x215: {  	v19 =	vperm.xlane v17, v4;
	v18 =	vadd.s32 v3, v18;
	_ =	sdelay $0x1  }
0x216: {  	v37 =	vperm.xlane v17, v5;
	v19 =	vadd.s32 v3, v19;
	_ =	sdelay $0x1  }
0x217: {  	s29 =	simm.s32 $0x6C00;
	v38 =	vperm.xlane v17, v6;
	v20 =	vadd.s32 v3, v37  }
0x218: {  	[tilespmem:s29], [sflag:$0x2] =	stream.indirect_vreg.gather [hbm4b:s4+s2], $0x80, v18, vm0, $0xb8;
	[tilespmem:$0x8400] =	vst v63  }
0x219: {  	s30 =	simm.s32 $0x6C80;
	v39 =	vperm.xlane v17, v1;
	v18 =	vadd.s32 v3, v38  }
0x21a: {  	[tilespmem:s30], [sflag:$0x2] =	stream.indirect_vreg.gather [hbm4b:s4+s2], $0x80, v19, vm0, $0xb8;
	[tilespmem:$0x8400] =	vst v63  }
0x21b: {  	s31 =	simm.s32 $0x6D00;
	v40 =	vperm.xlane v17, v7;
	v19 =	vadd.s32 v3, v39  }
0x21c: {  	[tilespmem:s31], [sflag:$0x2] =	stream.indirect_vreg.gather [hbm4b:s4+s2], $0x80, v20, vm0, $0xb8;
	[tilespmem:$0x8400] =	vst v63  }
0x21d: {  	s0 =	simm.s32 $0x6D80;
	v42 =	vperm.xlane v17, v8;
	v41 =	vadd.s32 v3, v40  }
0x21e: {  	[tilespmem:s0], [sflag:$0x2] =	stream.indirect_vreg.gather [hbm4b:s4+s2], $0x80, v18, vm0, $0xb8;
	[tilespmem:$0x8400] =	vst v63  }
0x21f: {  	s1 =	simm.s32 $0x6E00;
	v43 =	vperm.xlane v17, v0;
	v18 =	vadd.s32 v3, v42  }
0x220: {  	[tilespmem:s1], [sflag:$0x2] =	stream.indirect_vreg.gather [hbm4b:s4+s2], $0x80, v19, vm0, $0xb8;
	[tilespmem:$0x8400] =	vst v63  }
0x221: {  	s24 =	simm.s32 $0x6E80;
	v44 =	vperm.xlane v17, v9;
	v19 =	vadd.s32 v3, v43  }
0x222: {  	[tilespmem:s24], [sflag:$0x2] =	stream.indirect_vreg.gather [hbm4b:s4+s2], $0x80, v41, vm0, $0xb8;
	[tilespmem:$0x8400] =	vst v63  }
0x223: {  	s25 =	simm.s32 $0x6F00;
	v46 =	vperm.xlane v17, v10;
	v45 =	vadd.s32 v3, v44  }
0x224: {  	[tilespmem:s25], [sflag:$0x2] =	stream.indirect_vreg.gather [hbm4b:s4+s2], $0x80, v18, vm0, $0xb8;
	[tilespmem:$0x8400] =	vst v63  }
0x225: {  	s26 =	simm.s32 $0x6F80;
	v47 =	vperm.xlane v17, v11;
	v18 =	vadd.s32 v3, v46  }
0x226: {  	[tilespmem:s26], [sflag:$0x2] =	stream.indirect_vreg.gather [hbm4b:s4+s2], $0x80, v19, vm0, $0xb8;
	[tilespmem:$0x8400] =	vst v63  }
0x227: {  	s28 =	simm.s32 $0x7000;
	v48 =	vperm.xlane v17, v12;
	v19 =	vadd.s32 v3, v47  }
0x228: {  	[tilespmem:s28], [sflag:$0x2] =	stream.indirect_vreg.gather [hbm4b:s4+s2], $0x80, v45, vm0, $0xb8;
	[tilespmem:$0x8400] =	vst v63  }
0x229: {  	v50 =	vperm.xlane v17, v13;
	v49 =	vadd.s32 v3, v48;
	s29 =	simm.s32 $0x7080  }
0x22a: {  	[tilespmem:s29], [sflag:$0x2] =	stream.indirect_vreg.gather [hbm4b:s4+s2], $0x80, v18, vm0, $0xb8;
	[tilespmem:$0x8400] =	vst v63  }
0x22b: {  	v51 =	vperm.xlane v17, v14;
	s30 =	simm.s32 $0x7100;
	v18 =	vadd.s32 v3, v50  }
0x22c: {  	[tilespmem:s30], [sflag:$0x2] =	stream.indirect_vreg.gather [hbm4b:s4+s2], $0x80, v19, vm0, $0xb8;
	[tilespmem:$0x8400] =	vst v63  }
0x22d: {  	v52 =	vperm.xlane v17, v15;
	s31 =	simm.s32 $0x7180;
	v19 =	vadd.s32 v3, v51  }
0x22e: {  	[tilespmem:s31], [sflag:$0x2] =	stream.indirect_vreg.gather [hbm4b:s4+s2], $0x80, v49, vm0, $0xb8;
	[tilespmem:$0x8400] =	vst v63  }
0x22f: {  	v17 =	vperm.xlane v17, v16;
	v53 =	vadd.s32 v3, v52;
	s0 =	simm.s32 $0x7200  }
0x230: {  	[tilespmem:s0], [sflag:$0x2] =	stream.indirect_vreg.gather [hbm4b:s4+s2], $0x80, v18, vm0, $0xb8;
	[tilespmem:$0x8400] =	vst v63  }
0x231: {  	v17 =	vadd.s32 v3, v17;
	s1 =	simm.s32 $0x7280  }
0x232: {  	[tilespmem:s1], [sflag:$0x2] =	stream.indirect_vreg.gather [hbm4b:s4+s2], $0x80, v19, vm0, $0xb8;
	[tilespmem:$0x8400] =	vst v63  }
0x233: {  	s24 =	simm.s32 $0x7300  }
0x234: {  	[tilespmem:s24], [sflag:$0x2] =	stream.indirect_vreg.gather [hbm4b:s4+s2], $0x80, v53, vm0, $0xb8;
	[tilespmem:$0x8400] =	vst v63  }
0x235: {  	s25 =	simm.s32 $0x7380  }
0x236: {  	[tilespmem:s25], [sflag:$0x2] =	stream.indirect_vreg.gather [hbm4b:s4+s2], $0x80, v17, vm0, $0xb8;
	[tilespmem:$0x8400] =	vst v63  }
0x237: {  	v17 =	vld [tilespmem:$0xE0];
	_ =	sdelay $0x4  }
0x238: {  	v18 =	vshll.u32 v17, $0x4  }
0x239: {  	v17 =	vand.u32 $0x7, v17;
	v18 =	vand.u32 $0xFFFFFF80, v18  }
0x23a: {  	v17 =	vor.u32 v17, v18  }
0x23b: {  	v18 =	vperm.xlane v17, v2;
	_ =	sdelay $0x1  }
0x23c: {  	v19 =	vperm.xlane v17, v4;
	v18 =	vadd.s32 v3, v18;
	_ =	sdelay $0x1  }
0x23d: {  	v54 =	vperm.xlane v17, v5;
	v19 =	vadd.s32 v3, v19;
	_ =	sdelay $0x1  }
0x23e: {  	s26 =	simm.s32 $0x7400;
	v55 =	vperm.xlane v17, v6;
	v20 =	vadd.s32 v3, v54  }
0x23f: {  	[tilespmem:s26], [sflag:$0x2] =	stream.indirect_vreg.gather [hbm4b:s4+s2], $0x80, v18, vm0, $0xb8;
	[tilespmem:$0x8400] =	vst v63  }
0x240: {  	s28 =	simm.s32 $0x7480;
	v56 =	vperm.xlane v17, v1;
	v18 =	vadd.s32 v3, v55  }
0x241: {  	[tilespmem:s28], [sflag:$0x2] =	stream.indirect_vreg.gather [hbm4b:s4+s2], $0x80, v19, vm0, $0xb8;
	[tilespmem:$0x8400] =	vst v63  }
0x242: {  	s29 =	simm.s32 $0x7500;
	v57 =	vperm.xlane v17, v7;
	v19 =	vadd.s32 v3, v56  }
0x243: {  	[tilespmem:s29], [sflag:$0x2] =	stream.indirect_vreg.gather [hbm4b:s4+s2], $0x80, v20, vm0, $0xb8;
	[tilespmem:$0x8400] =	vst v63  }
0x244: {  	s30 =	simm.s32 $0x7580;
	v59 =	vperm.xlane v17, v8;
	v58 =	vadd.s32 v3, v57  }
0x245: {  	[tilespmem:s30], [sflag:$0x2] =	stream.indirect_vreg.gather [hbm4b:s4+s2], $0x80, v18, vm0, $0xb8;
	[tilespmem:$0x8400] =	vst v63  }
0x246: {  	s31 =	simm.s32 $0x7600;
	v60 =	vperm.xlane v17, v0;
	v18 =	vadd.s32 v3, v59  }
0x247: {  	[tilespmem:s31], [sflag:$0x2] =	stream.indirect_vreg.gather [hbm4b:s4+s2], $0x80, v19, vm0, $0xb8;
	[tilespmem:$0x8400] =	vst v63  }
0x248: {  	s0 =	simm.s32 $0x7680;
	v61 =	vperm.xlane v17, v9;
	v19 =	vadd.s32 v3, v60  }
0x249: {  	[tilespmem:s0], [sflag:$0x2] =	stream.indirect_vreg.gather [hbm4b:s4+s2], $0x80, v58, vm0, $0xb8;
	[tilespmem:$0x8400] =	vst v63  }
0x24a: {  	s1 =	simm.s32 $0x7700;
	v63 =	vperm.xlane v17, v10;
	v62 =	vadd.s32 v3, v61  }
0x24b: {  	[tilespmem:s1], [sflag:$0x2] =	stream.indirect_vreg.gather [hbm4b:s4+s2], $0x80, v18, vm0, $0xb8;
	[tilespmem:$0x8400] =	vst v63  }
0x24c: {  	s24 =	simm.s32 $0x7780;
	v24 =	vperm.xlane v17, v11;
	v18 =	vadd.s32 v3, v63  }
0x24d: {  	[tilespmem:s24], [sflag:$0x2] =	stream.indirect_vreg.gather [hbm4b:s4+s2], $0x80, v19, vm0, $0xb8;
	[tilespmem:$0x8400] =	vst v63  }
0x24e: {  	s25 =	simm.s32 $0x7800;
	v25 =	vperm.xlane v17, v12;
	v19 =	vadd.s32 v3, v24  }
0x24f: {  	[tilespmem:s25], [sflag:$0x2] =	stream.indirect_vreg.gather [hbm4b:s4+s2], $0x80, v62, vm0, $0xb8;
	[tilespmem:$0x8400] =	vst v63  }
0x250: {  	v27 =	vperm.xlane v17, v13;
	v26 =	vadd.s32 v3, v25;
	s26 =	simm.s32 $0x7880  }
0x251: {  	[tilespmem:s26], [sflag:$0x2] =	stream.indirect_vreg.gather [hbm4b:s4+s2], $0x80, v18, vm0, $0xb8;
	[tilespmem:$0x8400] =	vst v63  }
0x252: {  	v28 =	vperm.xlane v17, v14;
	s28 =	simm.s32 $0x7900;
	v18 =	vadd.s32 v3, v27  }
0x253: {  	[tilespmem:s28], [sflag:$0x2] =	stream.indirect_vreg.gather [hbm4b:s4+s2], $0x80, v19, vm0, $0xb8;
	[tilespmem:$0x8400] =	vst v63  }
0x254: {  	v29 =	vperm.xlane v17, v15;
	s29 =	simm.s32 $0x7980;
	v19 =	vadd.s32 v3, v28  }
0x255: {  	[tilespmem:s29], [sflag:$0x2] =	stream.indirect_vreg.gather [hbm4b:s4+s2], $0x80, v26, vm0, $0xb8;
	[tilespmem:$0x8400] =	vst v63  }
0x256: {  	v17 =	vperm.xlane v17, v16;
	v30 =	vadd.s32 v3, v29;
	s30 =	simm.s32 $0x7A00  }
0x257: {  	[tilespmem:s30], [sflag:$0x2] =	stream.indirect_vreg.gather [hbm4b:s4+s2], $0x80, v18, vm0, $0xb8;
	[tilespmem:$0x8400] =	vst v63  }
0x258: {  	v17 =	vadd.s32 v3, v17;
	s31 =	simm.s32 $0x7A80  }
0x259: {  	[tilespmem:s31], [sflag:$0x2] =	stream.indirect_vreg.gather [hbm4b:s4+s2], $0x80, v19, vm0, $0xb8;
	[tilespmem:$0x8400] =	vst v63  }
0x25a: {  	s0 =	simm.s32 $0x7B00  }
0x25b: {  	[tilespmem:s0], [sflag:$0x2] =	stream.indirect_vreg.gather [hbm4b:s4+s2], $0x80, v30, vm0, $0xb8;
	[tilespmem:$0x8400] =	vst v63  }
0x25c: {  	s1 =	simm.s32 $0x7B80  }
0x25d: {  	[tilespmem:s1], [sflag:$0x2] =	stream.indirect_vreg.gather [hbm4b:s4+s2], $0x80, v17, vm0, $0xb8;
	[tilespmem:$0x8400] =	vst v63  }
0x25e: {  	v17 =	vld [tilespmem:$0xF0];
	_ =	sdelay $0x4  }
0x25f: {  	v18 =	vshll.u32 v17, $0x4  }
0x260: {  	v17 =	vand.u32 $0x7, v17;
	v18 =	vand.u32 $0xFFFFFF80, v18  }
0x261: {  	v17 =	vor.u32 v17, v18  }
0x262: {  	v18 =	vperm.xlane v17, v2;
	_ =	sdelay $0x1  }
0x263: {  	v19 =	vperm.xlane v17, v4;
	v18 =	vadd.s32 v3, v18;
	_ =	sdelay $0x1  }
0x264: {  	v31 =	vperm.xlane v17, v5;
	v19 =	vadd.s32 v3, v19;
	_ =	sdelay $0x1  }
0x265: {  	s24 =	simm.s32 $0x7C00;
	v32 =	vperm.xlane v17, v6;
	v20 =	vadd.s32 v3, v31  }
0x266: {  	[tilespmem:s24], [sflag:$0x2] =	stream.indirect_vreg.gather [hbm4b:s4+s2], $0x80, v18, vm0, $0xb8;
	[tilespmem:$0x8400] =	vst v63  }
0x267: {  	s25 =	simm.s32 $0x7C80;
	v33 =	vperm.xlane v17, v1;
	v18 =	vadd.s32 v3, v32  }
0x268: {  	[tilespmem:s25], [sflag:$0x2] =	stream.indirect_vreg.gather [hbm4b:s4+s2], $0x80, v19, vm0, $0xb8;
	[tilespmem:$0x8400] =	vst v63  }
0x269: {  	s26 =	simm.s32 $0x7D00;
	v34 =	vperm.xlane v17, v7;
	v19 =	vadd.s32 v3, v33  }
0x26a: {  	[tilespmem:s26], [sflag:$0x2] =	stream.indirect_vreg.gather [hbm4b:s4+s2], $0x80, v20, vm0, $0xb8;
	[tilespmem:$0x8400] =	vst v63  }
0x26b: {  	s28 =	simm.s32 $0x7D80;
	v36 =	vperm.xlane v17, v8;
	v35 =	vadd.s32 v3, v34  }
0x26c: {  	[tilespmem:s28], [sflag:$0x2] =	stream.indirect_vreg.gather [hbm4b:s4+s2], $0x80, v18, vm0, $0xb8;
	[tilespmem:$0x8400] =	vst v63  }
0x26d: {  	s29 =	simm.s32 $0x7E00;
	v37 =	vperm.xlane v17, v0;
	v18 =	vadd.s32 v3, v36  }
0x26e: {  	[tilespmem:s29], [sflag:$0x2] =	stream.indirect_vreg.gather [hbm4b:s4+s2], $0x80, v19, vm0, $0xb8;
	[tilespmem:$0x8400] =	vst v63  }
0x26f: {  	s30 =	simm.s32 $0x7E80;
	v38 =	vperm.xlane v17, v9;
	v19 =	vadd.s32 v3, v37  }
0x270: {  	[tilespmem:s30], [sflag:$0x2] =	stream.indirect_vreg.gather [hbm4b:s4+s2], $0x80, v35, vm0, $0xb8;
	[tilespmem:$0x8400] =	vst v63  }
0x271: {  	s31 =	simm.s32 $0x7F00;
	v40 =	vperm.xlane v17, v10;
	v39 =	vadd.s32 v3, v38  }
0x272: {  	[tilespmem:s31], [sflag:$0x2] =	stream.indirect_vreg.gather [hbm4b:s4+s2], $0x80, v18, vm0, $0xb8;
	[tilespmem:$0x8400] =	vst v63  }
0x273: {  	s0 =	simm.s32 $0x7F80;
	v41 =	vperm.xlane v17, v11;
	v18 =	vadd.s32 v3, v40  }
0x274: {  	[tilespmem:s0], [sflag:$0x2] =	stream.indirect_vreg.gather [hbm4b:s4+s2], $0x80, v19, vm0, $0xb8;
	[tilespmem:$0x8400] =	vst v63  }
0x275: {  	s1 =	simm.s32 $0x8000;
	v42 =	vperm.xlane v17, v12;
	v19 =	vadd.s32 v3, v41  }
0x276: {  	[tilespmem:s1], [sflag:$0x2] =	stream.indirect_vreg.gather [hbm4b:s4+s2], $0x80, v39, vm0, $0xb8;
	[tilespmem:$0x8400] =	vst v63  }
0x277: {  	v44 =	vperm.xlane v17, v13;
	v43 =	vadd.s32 v3, v42;
	s24 =	simm.s32 $0x8080  }
0x278: {  	[tilespmem:s24], [sflag:$0x2] =	stream.indirect_vreg.gather [hbm4b:s4+s2], $0x80, v18, vm0, $0xb8;
	[tilespmem:$0x8400] =	vst v63  }
0x279: {  	v45 =	vperm.xlane v17, v14;
	s25 =	simm.s32 $0x8100;
	v18 =	vadd.s32 v3, v44  }
0x27a: {  	[tilespmem:s25], [sflag:$0x2] =	stream.indirect_vreg.gather [hbm4b:s4+s2], $0x80, v19, vm0, $0xb8;
	[tilespmem:$0x8400] =	vst v63  }
0x27b: {  	v46 =	vperm.xlane v17, v15;
	s26 =	simm.s32 $0x8180;
	v19 =	vadd.s32 v3, v45  }
0x27c: {  	[tilespmem:s26], [sflag:$0x2] =	stream.indirect_vreg.gather [hbm4b:s4+s2], $0x80, v43, vm0, $0xb8;
	[tilespmem:$0x8400] =	vst v63  }
0x27d: {  	v17 =	vperm.xlane v17, v16;
	v47 =	vadd.s32 v3, v46;
	s28 =	simm.s32 $0x8200  }
0x27e: {  	[tilespmem:s28], [sflag:$0x2] =	stream.indirect_vreg.gather [hbm4b:s4+s2], $0x80, v18, vm0, $0xb8;
	[tilespmem:$0x8400] =	vst v63  }
0x27f: {  	v17 =	vadd.s32 v3, v17;
	s29 =	simm.s32 $0x8280  }
0x280: {  	[tilespmem:s29], [sflag:$0x2] =	stream.indirect_vreg.gather [hbm4b:s4+s2], $0x80, v19, vm0, $0xb8;
	[tilespmem:$0x8400] =	vst v63  }
0x281: {  	s30 =	simm.s32 $0x8300  }
0x282: {  	[tilespmem:s30], [sflag:$0x2] =	stream.indirect_vreg.gather [hbm4b:s4+s2], $0x80, v47, vm0, $0xb8;
	[tilespmem:$0x8400] =	vst v63  }
0x283: {  	s31 =	simm.s32 $0x8380  }
0x284: {  	[tilespmem:s31], [sflag:$0x2] =	stream.indirect_vreg.gather [hbm4b:s4+s2], $0x80, v17, vm0, $0xb8;
	[tilespmem:$0x8400] =	vst v63  }
0x285: {  	_ =	swait.ge [sflag:s8], $0x4000  }
0x286: {  	[sflag:s8] =	ssyncset.done $0x0  }
0x287: {  	s1 =	simm.s32 $0x400;
	s0 =	rddreg [dreg:$0xb];
	[sflag:s8] =	ssyncadd.s32 $0xFFFFC000  }
0x288: {  	[hbm4b:s0+s2] =	stream.linear.scatter [tilespmem:s1], [sflag:$0x3], $0x4000, $0x38;
	[tilespmem:$0x8400] =	vst v63  }
0x289: {  	_ =	swait.ge [sflag:s6], $0x4000  }
0x28a: {  	[sflag:s6] =	ssyncset.done $0x0  }
0x28b: {  	[sflag:s6] =	ssyncadd.s32 $0xFFFFC000  }
0x28c: {  	v17 =	vld [tilespmem:$0x100];
	_ =	sdelay $0x4  }
0x28d: {  	v18 =	vshll.u32 v17, $0x4  }
0x28e: {  	v17 =	vand.u32 $0x7, v17;
	v18 =	vand.u32 $0xFFFFFF80, v18  }
0x28f: {  	v17 =	vor.u32 v17, v18  }
0x290: {  	v18 =	vperm.xlane v17, v2;
	_ =	sdelay $0x1  }
0x291: {  	v19 =	vperm.xlane v17, v4;
	v18 =	vadd.s32 v3, v18;
	_ =	sdelay $0x1  }
0x292: {  	v48 =	vperm.xlane v17, v5;
	v19 =	vadd.s32 v3, v19;
	_ =	sdelay $0x1  }
0x293: {  	v49 =	vperm.xlane v17, v6;
	v20 =	vadd.s32 v3, v48  }
0x294: {  	[tilespmem:s1], [sflag:$0x1] =	stream.indirect_vreg.gather [hbm4b:s4+s2], $0x80, v18, vm0, $0xb8;
	[tilespmem:$0x8400] =	vst v63  }
0x295: {  	s23 =	simm.s32 $0x480;
	v50 =	vperm.xlane v17, v1;
	v18 =	vadd.s32 v3, v49  }
0x296: {  	[tilespmem:s23], [sflag:$0x1] =	stream.indirect_vreg.gather [hbm4b:s4+s2], $0x80, v19, vm0, $0xb8;
	[tilespmem:$0x8400] =	vst v63  }
0x297: {  	s3 =	simm.s32 $0x500;
	v51 =	vperm.xlane v17, v7;
	v19 =	vadd.s32 v3, v50  }
0x298: {  	[tilespmem:s3], [sflag:$0x1] =	stream.indirect_vreg.gather [hbm4b:s4+s2], $0x80, v20, vm0, $0xb8;
	[tilespmem:$0x8400] =	vst v63  }
0x299: {  	s7 =	simm.s32 $0x580;
	v53 =	vperm.xlane v17, v8;
	v52 =	vadd.s32 v3, v51  }
0x29a: {  	[tilespmem:s7], [sflag:$0x1] =	stream.indirect_vreg.gather [hbm4b:s4+s2], $0x80, v18, vm0, $0xb8;
	[tilespmem:$0x8400] =	vst v63  }
0x29b: {  	s11 =	simm.s32 $0x600;
	v54 =	vperm.xlane v17, v0;
	v18 =	vadd.s32 v3, v53  }
0x29c: {  	[tilespmem:s11], [sflag:$0x1] =	stream.indirect_vreg.gather [hbm4b:s4+s2], $0x80, v19, vm0, $0xb8;
	[tilespmem:$0x8400] =	vst v63  }
0x29d: {  	s12 =	simm.s32 $0x680;
	v55 =	vperm.xlane v17, v9;
	v19 =	vadd.s32 v3, v54  }
0x29e: {  	[tilespmem:s12], [sflag:$0x1] =	stream.indirect_vreg.gather [hbm4b:s4+s2], $0x80, v52, vm0, $0xb8;
	[tilespmem:$0x8400] =	vst v63  }
0x29f: {  	s13 =	simm.s32 $0x700;
	v57 =	vperm.xlane v17, v10;
	v56 =	vadd.s32 v3, v55  }
0x2a0: {  	[tilespmem:s13], [sflag:$0x1] =	stream.indirect_vreg.gather [hbm4b:s4+s2], $0x80, v18, vm0, $0xb8;
	[tilespmem:$0x8400] =	vst v63  }
0x2a1: {  	s14 =	simm.s32 $0x780;
	v58 =	vperm.xlane v17, v11;
	v18 =	vadd.s32 v3, v57  }
0x2a2: {  	[tilespmem:s14], [sflag:$0x1] =	stream.indirect_vreg.gather [hbm4b:s4+s2], $0x80, v19, vm0, $0xb8;
	[tilespmem:$0x8400] =	vst v63  }
0x2a3: {  	s15 =	simm.s32 $0x800;
	v59 =	vperm.xlane v17, v12;
	v19 =	vadd.s32 v3, v58  }
0x2a4: {  	[tilespmem:s15], [sflag:$0x1] =	stream.indirect_vreg.gather [hbm4b:s4+s2], $0x80, v56, vm0, $0xb8;
	[tilespmem:$0x8400] =	vst v63  }
0x2a5: {  	s16 =	simm.s32 $0x880;
	v61 =	vperm.xlane v17, v13;
	v60 =	vadd.s32 v3, v59  }
0x2a6: {  	[tilespmem:s16], [sflag:$0x1] =	stream.indirect_vreg.gather [hbm4b:s4+s2], $0x80, v18, vm0, $0xb8;
	[tilespmem:$0x8400] =	vst v63  }
0x2a7: {  	s17 =	simm.s32 $0x900;
	v62 =	vperm.xlane v17, v14;
	v18 =	vadd.s32 v3, v61  }
0x2a8: {  	[tilespmem:s17], [sflag:$0x1] =	stream.indirect_vreg.gather [hbm4b:s4+s2], $0x80, v19, vm0, $0xb8;
	[tilespmem:$0x8400] =	vst v63  }
0x2a9: {  	s18 =	simm.s32 $0x980;
	v63 =	vperm.xlane v17, v15;
	v19 =	vadd.s32 v3, v62  }
0x2aa: {  	[tilespmem:s18], [sflag:$0x1] =	stream.indirect_vreg.gather [hbm4b:s4+s2], $0x80, v60, vm0, $0xb8;
	[tilespmem:$0x8400] =	vst v63  }
0x2ab: {  	s19 =	simm.s32 $0xA00;
	v17 =	vperm.xlane v17, v16;
	v24 =	vadd.s32 v3, v63  }
0x2ac: {  	[tilespmem:s19], [sflag:$0x1] =	stream.indirect_vreg.gather [hbm4b:s4+s2], $0x80, v18, vm0, $0xb8;
	[tilespmem:$0x8400] =	vst v63  }
0x2ad: {  	s10 =	simm.s32 $0xA80;
	v17 =	vadd.s32 v3, v17  }
0x2ae: {  	[tilespmem:s10], [sflag:$0x1] =	stream.indirect_vreg.gather [hbm4b:s4+s2], $0x80, v19, vm0, $0xb8;
	[tilespmem:$0x8400] =	vst v63  }
0x2af: {  	s11 =	simm.s32 $0xB00  }
0x2b0: {  	[tilespmem:s11], [sflag:$0x1] =	stream.indirect_vreg.gather [hbm4b:s4+s2], $0x80, v24, vm0, $0xb8;
	[tilespmem:$0x8400] =	vst v63  }
0x2b1: {  	s20 =	simm.s32 $0xB80  }
0x2b2: {  	[tilespmem:s20], [sflag:$0x1] =	stream.indirect_vreg.gather [hbm4b:s4+s2], $0x80, v17, vm0, $0xb8;
	[tilespmem:$0x8400] =	vst v63  }
0x2b3: {  	v17 =	vld [tilespmem:$0x110];
	_ =	sdelay $0x4  }
0x2b4: {  	v18 =	vshll.u32 v17, $0x4  }
0x2b5: {  	v17 =	vand.u32 $0x7, v17;
	v18 =	vand.u32 $0xFFFFFF80, v18  }
0x2b6: {  	v17 =	vor.u32 v17, v18  }
0x2b7: {  	v18 =	vperm.xlane v17, v2;
	_ =	sdelay $0x1  }
0x2b8: {  	v19 =	vperm.xlane v17, v4;
	v18 =	vadd.s32 v3, v18;
	_ =	sdelay $0x1  }
0x2b9: {  	v25 =	vperm.xlane v17, v5;
	v19 =	vadd.s32 v3, v19;
	_ =	sdelay $0x1  }
0x2ba: {  	s21 =	simm.s32 $0xC00;
	v26 =	vperm.xlane v17, v6;
	v20 =	vadd.s32 v3, v25  }
0x2bb: {  	[tilespmem:s21], [sflag:$0x1] =	stream.indirect_vreg.gather [hbm4b:s4+s2], $0x80, v18, vm0, $0xb8;
	[tilespmem:$0x8400] =	vst v63  }
0x2bc: {  	s22 =	simm.s32 $0xC80;
	v27 =	vperm.xlane v17, v1;
	v18 =	vadd.s32 v3, v26  }
0x2bd: {  	[tilespmem:s22], [sflag:$0x1] =	stream.indirect_vreg.gather [hbm4b:s4+s2], $0x80, v19, vm0, $0xb8;
	[tilespmem:$0x8400] =	vst v63  }
0x2be: {  	s23 =	simm.s32 $0xD00;
	v28 =	vperm.xlane v17, v7;
	v19 =	vadd.s32 v3, v27  }
0x2bf: {  	[tilespmem:s23], [sflag:$0x1] =	stream.indirect_vreg.gather [hbm4b:s4+s2], $0x80, v20, vm0, $0xb8;
	[tilespmem:$0x8400] =	vst v63  }
0x2c0: {  	s24 =	simm.s32 $0xD80;
	v30 =	vperm.xlane v17, v8;
	v29 =	vadd.s32 v3, v28  }
0x2c1: {  	[tilespmem:s24], [sflag:$0x1] =	stream.indirect_vreg.gather [hbm4b:s4+s2], $0x80, v18, vm0, $0xb8;
	[tilespmem:$0x8400] =	vst v63  }
0x2c2: {  	s25 =	simm.s32 $0xE00;
	v31 =	vperm.xlane v17, v0;
	v18 =	vadd.s32 v3, v30  }
0x2c3: {  	[tilespmem:s25], [sflag:$0x1] =	stream.indirect_vreg.gather [hbm4b:s4+s2], $0x80, v19, vm0, $0xb8;
	[tilespmem:$0x8400] =	vst v63  }
0x2c4: {  	s26 =	simm.s32 $0xE80;
	v32 =	vperm.xlane v17, v9;
	v19 =	vadd.s32 v3, v31  }
0x2c5: {  	[tilespmem:s26], [sflag:$0x1] =	stream.indirect_vreg.gather [hbm4b:s4+s2], $0x80, v29, vm0, $0xb8;
	[tilespmem:$0x8400] =	vst v63  }
0x2c6: {  	s28 =	simm.s32 $0xF00;
	v34 =	vperm.xlane v17, v10;
	v33 =	vadd.s32 v3, v32  }
0x2c7: {  	[tilespmem:s28], [sflag:$0x1] =	stream.indirect_vreg.gather [hbm4b:s4+s2], $0x80, v18, vm0, $0xb8;
	[tilespmem:$0x8400] =	vst v63  }
0x2c8: {  	s29 =	simm.s32 $0xF80;
	v35 =	vperm.xlane v17, v11;
	v18 =	vadd.s32 v3, v34  }
0x2c9: {  	[tilespmem:s29], [sflag:$0x1] =	stream.indirect_vreg.gather [hbm4b:s4+s2], $0x80, v19, vm0, $0xb8;
	[tilespmem:$0x8400] =	vst v63  }
0x2ca: {  	s30 =	simm.s32 $0x1000;
	v36 =	vperm.xlane v17, v12;
	v19 =	vadd.s32 v3, v35  }
0x2cb: {  	[tilespmem:s30], [sflag:$0x1] =	stream.indirect_vreg.gather [hbm4b:s4+s2], $0x80, v33, vm0, $0xb8;
	[tilespmem:$0x8400] =	vst v63  }
0x2cc: {  	s31 =	simm.s32 $0x1080;
	v38 =	vperm.xlane v17, v13;
	v37 =	vadd.s32 v3, v36  }
0x2cd: {  	[tilespmem:s31], [sflag:$0x1] =	stream.indirect_vreg.gather [hbm4b:s4+s2], $0x80, v18, vm0, $0xb8;
	[tilespmem:$0x8400] =	vst v63  }
0x2ce: {  	s12 =	simm.s32 $0x1100;
	v39 =	vperm.xlane v17, v14;
	v18 =	vadd.s32 v3, v38  }
0x2cf: {  	[tilespmem:s12], [sflag:$0x1] =	stream.indirect_vreg.gather [hbm4b:s4+s2], $0x80, v19, vm0, $0xb8;
	[tilespmem:$0x8400] =	vst v63  }
0x2d0: {  	s13 =	simm.s32 $0x1180;
	v40 =	vperm.xlane v17, v15;
	v19 =	vadd.s32 v3, v39  }
0x2d1: {  	[tilespmem:s13], [sflag:$0x1] =	stream.indirect_vreg.gather [hbm4b:s4+s2], $0x80, v37, vm0, $0xb8;
	[tilespmem:$0x8400] =	vst v63  }
0x2d2: {  	s14 =	simm.s32 $0x1200;
	v17 =	vperm.xlane v17, v16;
	v41 =	vadd.s32 v3, v40  }
0x2d3: {  	[tilespmem:s14], [sflag:$0x1] =	stream.indirect_vreg.gather [hbm4b:s4+s2], $0x80, v18, vm0, $0xb8;
	[tilespmem:$0x8400] =	vst v63  }
0x2d4: {  	s15 =	simm.s32 $0x1280;
	v17 =	vadd.s32 v3, v17  }
0x2d5: {  	[tilespmem:s15], [sflag:$0x1] =	stream.indirect_vreg.gather [hbm4b:s4+s2], $0x80, v19, vm0, $0xb8;
	[tilespmem:$0x8400] =	vst v63  }
0x2d6: {  	s7 =	simm.s32 $0x1300  }
0x2d7: {  	[tilespmem:s7], [sflag:$0x1] =	stream.indirect_vreg.gather [hbm4b:s4+s2], $0x80, v41, vm0, $0xb8;
	[tilespmem:$0x8400] =	vst v63  }
0x2d8: {  	s16 =	simm.s32 $0x1380  }
0x2d9: {  	[tilespmem:s16], [sflag:$0x1] =	stream.indirect_vreg.gather [hbm4b:s4+s2], $0x80, v17, vm0, $0xb8;
	[tilespmem:$0x8400] =	vst v63  }
0x2da: {  	v17 =	vld [tilespmem:$0x120];
	_ =	sdelay $0x4  }
0x2db: {  	v18 =	vshll.u32 v17, $0x4  }
0x2dc: {  	v17 =	vand.u32 $0x7, v17;
	v18 =	vand.u32 $0xFFFFFF80, v18  }
0x2dd: {  	v17 =	vor.u32 v17, v18  }
0x2de: {  	v18 =	vperm.xlane v17, v2;
	_ =	sdelay $0x1  }
0x2df: {  	v19 =	vperm.xlane v17, v4;
	v18 =	vadd.s32 v3, v18;
	_ =	sdelay $0x1  }
0x2e0: {  	v42 =	vperm.xlane v17, v5;
	v19 =	vadd.s32 v3, v19;
	_ =	sdelay $0x1  }
0x2e1: {  	s17 =	simm.s32 $0x1400;
	v43 =	vperm.xlane v17, v6;
	v20 =	vadd.s32 v3, v42  }
0x2e2: {  	[tilespmem:s17], [sflag:$0x1] =	stream.indirect_vreg.gather [hbm4b:s4+s2], $0x80, v18, vm0, $0xb8;
	[tilespmem:$0x8400] =	vst v63  }
0x2e3: {  	s18 =	simm.s32 $0x1480;
	v44 =	vperm.xlane v17, v1;
	v18 =	vadd.s32 v3, v43  }
0x2e4: {  	[tilespmem:s18], [sflag:$0x1] =	stream.indirect_vreg.gather [hbm4b:s4+s2], $0x80, v19, vm0, $0xb8;
	[tilespmem:$0x8400] =	vst v63  }
0x2e5: {  	s19 =	simm.s32 $0x1500;
	v45 =	vperm.xlane v17, v7;
	v19 =	vadd.s32 v3, v44  }
0x2e6: {  	[tilespmem:s19], [sflag:$0x1] =	stream.indirect_vreg.gather [hbm4b:s4+s2], $0x80, v20, vm0, $0xb8;
	[tilespmem:$0x8400] =	vst v63  }
0x2e7: {  	s20 =	simm.s32 $0x1580;
	v47 =	vperm.xlane v17, v8;
	v46 =	vadd.s32 v3, v45  }
0x2e8: {  	[tilespmem:s20], [sflag:$0x1] =	stream.indirect_vreg.gather [hbm4b:s4+s2], $0x80, v18, vm0, $0xb8;
	[tilespmem:$0x8400] =	vst v63  }
0x2e9: {  	s21 =	simm.s32 $0x1600;
	v48 =	vperm.xlane v17, v0;
	v18 =	vadd.s32 v3, v47  }
0x2ea: {  	[tilespmem:s21], [sflag:$0x1] =	stream.indirect_vreg.gather [hbm4b:s4+s2], $0x80, v19, vm0, $0xb8;
	[tilespmem:$0x8400] =	vst v63  }
0x2eb: {  	s22 =	simm.s32 $0x1680;
	v49 =	vperm.xlane v17, v9;
	v19 =	vadd.s32 v3, v48  }
0x2ec: {  	[tilespmem:s22], [sflag:$0x1] =	stream.indirect_vreg.gather [hbm4b:s4+s2], $0x80, v46, vm0, $0xb8;
	[tilespmem:$0x8400] =	vst v63  }
0x2ed: {  	s3 =	simm.s32 $0x1700;
	v51 =	vperm.xlane v17, v10;
	v50 =	vadd.s32 v3, v49  }
0x2ee: {  	[tilespmem:s3], [sflag:$0x1] =	stream.indirect_vreg.gather [hbm4b:s4+s2], $0x80, v18, vm0, $0xb8;
	[tilespmem:$0x8400] =	vst v63  }
0x2ef: {  	s10 =	simm.s32 $0x1780;
	v52 =	vperm.xlane v17, v11;
	v18 =	vadd.s32 v3, v51  }
0x2f0: {  	[tilespmem:s10], [sflag:$0x1] =	stream.indirect_vreg.gather [hbm4b:s4+s2], $0x80, v19, vm0, $0xb8;
	[tilespmem:$0x8400] =	vst v63  }
0x2f1: {  	s11 =	simm.s32 $0x1800;
	v53 =	vperm.xlane v17, v12;
	v19 =	vadd.s32 v3, v52  }
0x2f2: {  	[tilespmem:s11], [sflag:$0x1] =	stream.indirect_vreg.gather [hbm4b:s4+s2], $0x80, v50, vm0, $0xb8;
	[tilespmem:$0x8400] =	vst v63  }
0x2f3: {  	s12 =	simm.s32 $0x1880;
	v55 =	vperm.xlane v17, v13;
	v54 =	vadd.s32 v3, v53  }
0x2f4: {  	[tilespmem:s12], [sflag:$0x1] =	stream.indirect_vreg.gather [hbm4b:s4+s2], $0x80, v18, vm0, $0xb8;
	[tilespmem:$0x8400] =	vst v63  }
0x2f5: {  	s13 =	simm.s32 $0x1900;
	v56 =	vperm.xlane v17, v14;
	v18 =	vadd.s32 v3, v55  }
0x2f6: {  	[tilespmem:s13], [sflag:$0x1] =	stream.indirect_vreg.gather [hbm4b:s4+s2], $0x80, v19, vm0, $0xb8;
	[tilespmem:$0x8400] =	vst v63  }
0x2f7: {  	s14 =	simm.s32 $0x1980;
	v57 =	vperm.xlane v17, v15;
	v19 =	vadd.s32 v3, v56  }
0x2f8: {  	[tilespmem:s14], [sflag:$0x1] =	stream.indirect_vreg.gather [hbm4b:s4+s2], $0x80, v54, vm0, $0xb8;
	[tilespmem:$0x8400] =	vst v63  }
0x2f9: {  	s15 =	simm.s32 $0x1A00;
	v17 =	vperm.xlane v17, v16;
	v58 =	vadd.s32 v3, v57  }
0x2fa: {  	[tilespmem:s15], [sflag:$0x1] =	stream.indirect_vreg.gather [hbm4b:s4+s2], $0x80, v18, vm0, $0xb8;
	[tilespmem:$0x8400] =	vst v63  }
0x2fb: {  	v17 =	vadd.s32 v3, v17;
	s11 =	simm.s32 $0x1A80  }
0x2fc: {  	[tilespmem:s11], [sflag:$0x1] =	stream.indirect_vreg.gather [hbm4b:s4+s2], $0x80, v19, vm0, $0xb8;
	[tilespmem:$0x8400] =	vst v63  }
0x2fd: {  	s12 =	simm.s32 $0x1B00  }
0x2fe: {  	[tilespmem:s12], [sflag:$0x1] =	stream.indirect_vreg.gather [hbm4b:s4+s2], $0x80, v58, vm0, $0xb8;
	[tilespmem:$0x8400] =	vst v63  }
0x2ff: {  	s16 =	simm.s32 $0x1B80  }
0x300: {  	[tilespmem:s16], [sflag:$0x1] =	stream.indirect_vreg.gather [hbm4b:s4+s2], $0x80, v17, vm0, $0xb8;
	[tilespmem:$0x8400] =	vst v63  }
0x301: {  	v17 =	vld [tilespmem:$0x130];
	_ =	sdelay $0x4  }
0x302: {  	v18 =	vshll.u32 v17, $0x4  }
0x303: {  	v17 =	vand.u32 $0x7, v17;
	v18 =	vand.u32 $0xFFFFFF80, v18  }
0x304: {  	v17 =	vor.u32 v17, v18  }
0x305: {  	v18 =	vperm.xlane v17, v2;
	_ =	sdelay $0x1  }
0x306: {  	v19 =	vperm.xlane v17, v4;
	v18 =	vadd.s32 v3, v18;
	_ =	sdelay $0x1  }
0x307: {  	v59 =	vperm.xlane v17, v5;
	v19 =	vadd.s32 v3, v19;
	_ =	sdelay $0x1  }
0x308: {  	s17 =	simm.s32 $0x1C00;
	v60 =	vperm.xlane v17, v6;
	v20 =	vadd.s32 v3, v59  }
0x309: {  	[tilespmem:s17], [sflag:$0x1] =	stream.indirect_vreg.gather [hbm4b:s4+s2], $0x80, v18, vm0, $0xb8;
	[tilespmem:$0x8400] =	vst v63  }
0x30a: {  	s18 =	simm.s32 $0x1C80;
	v61 =	vperm.xlane v17, v1;
	v18 =	vadd.s32 v3, v60  }
0x30b: {  	[tilespmem:s18], [sflag:$0x1] =	stream.indirect_vreg.gather [hbm4b:s4+s2], $0x80, v19, vm0, $0xb8;
	[tilespmem:$0x8400] =	vst v63  }
0x30c: {  	s19 =	simm.s32 $0x1D00;
	v62 =	vperm.xlane v17, v7;
	v19 =	vadd.s32 v3, v61  }
0x30d: {  	[tilespmem:s19], [sflag:$0x1] =	stream.indirect_vreg.gather [hbm4b:s4+s2], $0x80, v20, vm0, $0xb8;
	[tilespmem:$0x8400] =	vst v63  }
0x30e: {  	s20 =	simm.s32 $0x1D80;
	v24 =	vperm.xlane v17, v8;
	v63 =	vadd.s32 v3, v62  }
0x30f: {  	[tilespmem:s20], [sflag:$0x1] =	stream.indirect_vreg.gather [hbm4b:s4+s2], $0x80, v18, vm0, $0xb8;
	[tilespmem:$0x8400] =	vst v63  }
0x310: {  	s21 =	simm.s32 $0x1E00;
	v25 =	vperm.xlane v17, v0;
	v18 =	vadd.s32 v3, v24  }
0x311: {  	[tilespmem:s21], [sflag:$0x1] =	stream.indirect_vreg.gather [hbm4b:s4+s2], $0x80, v19, vm0, $0xb8;
	[tilespmem:$0x8400] =	vst v63  }
0x312: {  	s22 =	simm.s32 $0x1E80;
	v26 =	vperm.xlane v17, v9;
	v19 =	vadd.s32 v3, v25  }
0x313: {  	[tilespmem:s22], [sflag:$0x1] =	stream.indirect_vreg.gather [hbm4b:s4+s2], $0x80, v63, vm0, $0xb8;
	[tilespmem:$0x8400] =	vst v63  }
0x314: {  	s3 =	simm.s32 $0x1F00;
	v28 =	vperm.xlane v17, v10;
	v27 =	vadd.s32 v3, v26  }
0x315: {  	[tilespmem:s3], [sflag:$0x1] =	stream.indirect_vreg.gather [hbm4b:s4+s2], $0x80, v18, vm0, $0xb8;
	[tilespmem:$0x8400] =	vst v63  }
0x316: {  	s10 =	simm.s32 $0x1F80;
	v29 =	vperm.xlane v17, v11;
	v18 =	vadd.s32 v3, v28  }
0x317: {  	[tilespmem:s10], [sflag:$0x1] =	stream.indirect_vreg.gather [hbm4b:s4+s2], $0x80, v19, vm0, $0xb8;
	[tilespmem:$0x8400] =	vst v63  }
0x318: {  	s13 =	simm.s32 $0x2000;
	v30 =	vperm.xlane v17, v12;
	v19 =	vadd.s32 v3, v29  }
0x319: {  	[tilespmem:s13], [sflag:$0x1] =	stream.indirect_vreg.gather [hbm4b:s4+s2], $0x80, v27, vm0, $0xb8;
	[tilespmem:$0x8400] =	vst v63  }
0x31a: {  	s14 =	simm.s32 $0x2080;
	v32 =	vperm.xlane v17, v13;
	v31 =	vadd.s32 v3, v30  }
0x31b: {  	[tilespmem:s14], [sflag:$0x1] =	stream.indirect_vreg.gather [hbm4b:s4+s2], $0x80, v18, vm0, $0xb8;
	[tilespmem:$0x8400] =	vst v63  }
0x31c: {  	s15 =	simm.s32 $0x2100;
	v33 =	vperm.xlane v17, v14;
	v18 =	vadd.s32 v3, v32  }
0x31d: {  	[tilespmem:s15], [sflag:$0x1] =	stream.indirect_vreg.gather [hbm4b:s4+s2], $0x80, v19, vm0, $0xb8;
	[tilespmem:$0x8400] =	vst v63  }
0x31e: {  	s16 =	simm.s32 $0x2180;
	v34 =	vperm.xlane v17, v15;
	v19 =	vadd.s32 v3, v33  }
0x31f: {  	[tilespmem:s16], [sflag:$0x1] =	stream.indirect_vreg.gather [hbm4b:s4+s2], $0x80, v31, vm0, $0xb8;
	[tilespmem:$0x8400] =	vst v63  }
0x320: {  	v17 =	vperm.xlane v17, v16;
	v35 =	vadd.s32 v3, v34;
	s17 =	simm.s32 $0x2200  }
0x321: {  	[tilespmem:s17], [sflag:$0x1] =	stream.indirect_vreg.gather [hbm4b:s4+s2], $0x80, v18, vm0, $0xb8;
	[tilespmem:$0x8400] =	vst v63  }
0x322: {  	v17 =	vadd.s32 v3, v17;
	s13 =	simm.s32 $0x2280  }
0x323: {  	[tilespmem:s13], [sflag:$0x1] =	stream.indirect_vreg.gather [hbm4b:s4+s2], $0x80, v19, vm0, $0xb8;
	[tilespmem:$0x8400] =	vst v63  }
0x324: {  	s14 =	simm.s32 $0x2300  }
0x325: {  	[tilespmem:s14], [sflag:$0x1] =	stream.indirect_vreg.gather [hbm4b:s4+s2], $0x80, v35, vm0, $0xb8;
	[tilespmem:$0x8400] =	vst v63  }
0x326: {  	s18 =	simm.s32 $0x2380  }
0x327: {  	[tilespmem:s18], [sflag:$0x1] =	stream.indirect_vreg.gather [hbm4b:s4+s2], $0x80, v17, vm0, $0xb8;
	[tilespmem:$0x8400] =	vst v63  }
0x328: {  	v17 =	vld [tilespmem:$0x140];
	_ =	sdelay $0x4  }
0x329: {  	v18 =	vshll.u32 v17, $0x4  }
0x32a: {  	v17 =	vand.u32 $0x7, v17;
	v18 =	vand.u32 $0xFFFFFF80, v18  }
0x32b: {  	v17 =	vor.u32 v17, v18  }
0x32c: {  	v18 =	vperm.xlane v17, v2;
	_ =	sdelay $0x1  }
0x32d: {  	v19 =	vperm.xlane v17, v4;
	v18 =	vadd.s32 v3, v18;
	_ =	sdelay $0x1  }
0x32e: {  	v36 =	vperm.xlane v17, v5;
	v19 =	vadd.s32 v3, v19;
	_ =	sdelay $0x1  }
0x32f: {  	s19 =	simm.s32 $0x2400;
	v37 =	vperm.xlane v17, v6;
	v20 =	vadd.s32 v3, v36  }
0x330: {  	[tilespmem:s19], [sflag:$0x1] =	stream.indirect_vreg.gather [hbm4b:s4+s2], $0x80, v18, vm0, $0xb8;
	[tilespmem:$0x8400] =	vst v63  }
0x331: {  	s20 =	simm.s32 $0x2480;
	v38 =	vperm.xlane v17, v1;
	v18 =	vadd.s32 v3, v37  }
0x332: {  	[tilespmem:s20], [sflag:$0x1] =	stream.indirect_vreg.gather [hbm4b:s4+s2], $0x80, v19, vm0, $0xb8;
	[tilespmem:$0x8400] =	vst v63  }
0x333: {  	s21 =	simm.s32 $0x2500;
	v39 =	vperm.xlane v17, v7;
	v19 =	vadd.s32 v3, v38  }
0x334: {  	[tilespmem:s21], [sflag:$0x1] =	stream.indirect_vreg.gather [hbm4b:s4+s2], $0x80, v20, vm0, $0xb8;
	[tilespmem:$0x8400] =	vst v63  }
0x335: {  	s22 =	simm.s32 $0x2580;
	v41 =	vperm.xlane v17, v8;
	v40 =	vadd.s32 v3, v39  }
0x336: {  	[tilespmem:s22], [sflag:$0x1] =	stream.indirect_vreg.gather [hbm4b:s4+s2], $0x80, v18, vm0, $0xb8;
	[tilespmem:$0x8400] =	vst v63  }
0x337: {  	s3 =	simm.s32 $0x2600;
	v42 =	vperm.xlane v17, v0;
	v18 =	vadd.s32 v3, v41  }
0x338: {  	[tilespmem:s3], [sflag:$0x1] =	stream.indirect_vreg.gather [hbm4b:s4+s2], $0x80, v19, vm0, $0xb8;
	[tilespmem:$0x8400] =	vst v63  }
0x339: {  	s10 =	simm.s32 $0x2680;
	v43 =	vperm.xlane v17, v9;
	v19 =	vadd.s32 v3, v42  }
0x33a: {  	[tilespmem:s10], [sflag:$0x1] =	stream.indirect_vreg.gather [hbm4b:s4+s2], $0x80, v40, vm0, $0xb8;
	[tilespmem:$0x8400] =	vst v63  }
0x33b: {  	s15 =	simm.s32 $0x2700;
	v45 =	vperm.xlane v17, v10;
	v44 =	vadd.s32 v3, v43  }
0x33c: {  	[tilespmem:s15], [sflag:$0x1] =	stream.indirect_vreg.gather [hbm4b:s4+s2], $0x80, v18, vm0, $0xb8;
	[tilespmem:$0x8400] =	vst v63  }
0x33d: {  	s16 =	simm.s32 $0x2780;
	v46 =	vperm.xlane v17, v11;
	v18 =	vadd.s32 v3, v45  }
0x33e: {  	[tilespmem:s16], [sflag:$0x1] =	stream.indirect_vreg.gather [hbm4b:s4+s2], $0x80, v19, vm0, $0xb8;
	[tilespmem:$0x8400] =	vst v63  }
0x33f: {  	s17 =	simm.s32 $0x2800;
	v47 =	vperm.xlane v17, v12;
	v19 =	vadd.s32 v3, v46  }
0x340: {  	[tilespmem:s17], [sflag:$0x1] =	stream.indirect_vreg.gather [hbm4b:s4+s2], $0x80, v44, vm0, $0xb8;
	[tilespmem:$0x8400] =	vst v63  }
0x341: {  	s18 =	simm.s32 $0x2880;
	v49 =	vperm.xlane v17, v13;
	v48 =	vadd.s32 v3, v47  }
0x342: {  	[tilespmem:s18], [sflag:$0x1] =	stream.indirect_vreg.gather [hbm4b:s4+s2], $0x80, v18, vm0, $0xb8;
	[tilespmem:$0x8400] =	vst v63  }
0x343: {  	v50 =	vperm.xlane v17, v14;
	s19 =	simm.s32 $0x2900;
	v18 =	vadd.s32 v3, v49  }
0x344: {  	[tilespmem:s19], [sflag:$0x1] =	stream.indirect_vreg.gather [hbm4b:s4+s2], $0x80, v19, vm0, $0xb8;
	[tilespmem:$0x8400] =	vst v63  }
0x345: {  	v51 =	vperm.xlane v17, v15;
	s20 =	simm.s32 $0x2980;
	v19 =	vadd.s32 v3, v50  }
0x346: {  	[tilespmem:s20], [sflag:$0x1] =	stream.indirect_vreg.gather [hbm4b:s4+s2], $0x80, v48, vm0, $0xb8;
	[tilespmem:$0x8400] =	vst v63  }
0x347: {  	v17 =	vperm.xlane v17, v16;
	v52 =	vadd.s32 v3, v51;
	s21 =	simm.s32 $0x2A00  }
0x348: {  	[tilespmem:s21], [sflag:$0x1] =	stream.indirect_vreg.gather [hbm4b:s4+s2], $0x80, v18, vm0, $0xb8;
	[tilespmem:$0x8400] =	vst v63  }
0x349: {  	v17 =	vadd.s32 v3, v17;
	s15 =	simm.s32 $0x2A80  }
0x34a: {  	[tilespmem:s15], [sflag:$0x1] =	stream.indirect_vreg.gather [hbm4b:s4+s2], $0x80, v19, vm0, $0xb8;
	[tilespmem:$0x8400] =	vst v63  }
0x34b: {  	s16 =	simm.s32 $0x2B00  }
0x34c: {  	[tilespmem:s16], [sflag:$0x1] =	stream.indirect_vreg.gather [hbm4b:s4+s2], $0x80, v52, vm0, $0xb8;
	[tilespmem:$0x8400] =	vst v63  }
0x34d: {  	s22 =	simm.s32 $0x2B80  }
0x34e: {  	[tilespmem:s22], [sflag:$0x1] =	stream.indirect_vreg.gather [hbm4b:s4+s2], $0x80, v17, vm0, $0xb8;
	[tilespmem:$0x8400] =	vst v63  }
0x34f: {  	v17 =	vld [tilespmem:$0x150];
	_ =	sdelay $0x4  }
0x350: {  	v18 =	vshll.u32 v17, $0x4  }
0x351: {  	v17 =	vand.u32 $0x7, v17;
	v18 =	vand.u32 $0xFFFFFF80, v18  }
0x352: {  	v17 =	vor.u32 v17, v18  }
0x353: {  	v18 =	vperm.xlane v17, v2;
	_ =	sdelay $0x1  }
0x354: {  	v19 =	vperm.xlane v17, v4;
	v18 =	vadd.s32 v3, v18;
	_ =	sdelay $0x1  }
0x355: {  	v53 =	vperm.xlane v17, v5;
	v19 =	vadd.s32 v3, v19;
	_ =	sdelay $0x1  }
0x356: {  	s3 =	simm.s32 $0x2C00;
	v54 =	vperm.xlane v17, v6;
	v20 =	vadd.s32 v3, v53  }
0x357: {  	[tilespmem:s3], [sflag:$0x1] =	stream.indirect_vreg.gather [hbm4b:s4+s2], $0x80, v18, vm0, $0xb8;
	[tilespmem:$0x8400] =	vst v63  }
0x358: {  	s10 =	simm.s32 $0x2C80;
	v55 =	vperm.xlane v17, v1;
	v18 =	vadd.s32 v3, v54  }
0x359: {  	[tilespmem:s10], [sflag:$0x1] =	stream.indirect_vreg.gather [hbm4b:s4+s2], $0x80, v19, vm0, $0xb8;
	[tilespmem:$0x8400] =	vst v63  }
0x35a: {  	s17 =	simm.s32 $0x2D00;
	v56 =	vperm.xlane v17, v7;
	v19 =	vadd.s32 v3, v55  }
0x35b: {  	[tilespmem:s17], [sflag:$0x1] =	stream.indirect_vreg.gather [hbm4b:s4+s2], $0x80, v20, vm0, $0xb8;
	[tilespmem:$0x8400] =	vst v63  }
0x35c: {  	s18 =	simm.s32 $0x2D80;
	v58 =	vperm.xlane v17, v8;
	v57 =	vadd.s32 v3, v56  }
0x35d: {  	[tilespmem:s18], [sflag:$0x1] =	stream.indirect_vreg.gather [hbm4b:s4+s2], $0x80, v18, vm0, $0xb8;
	[tilespmem:$0x8400] =	vst v63  }
0x35e: {  	s19 =	simm.s32 $0x2E00;
	v59 =	vperm.xlane v17, v0;
	v18 =	vadd.s32 v3, v58  }
0x35f: {  	[tilespmem:s19], [sflag:$0x1] =	stream.indirect_vreg.gather [hbm4b:s4+s2], $0x80, v19, vm0, $0xb8;
	[tilespmem:$0x8400] =	vst v63  }
0x360: {  	s20 =	simm.s32 $0x2E80;
	v60 =	vperm.xlane v17, v9;
	v19 =	vadd.s32 v3, v59  }
0x361: {  	[tilespmem:s20], [sflag:$0x1] =	stream.indirect_vreg.gather [hbm4b:s4+s2], $0x80, v57, vm0, $0xb8;
	[tilespmem:$0x8400] =	vst v63  }
0x362: {  	s21 =	simm.s32 $0x2F00;
	v62 =	vperm.xlane v17, v10;
	v61 =	vadd.s32 v3, v60  }
0x363: {  	[tilespmem:s21], [sflag:$0x1] =	stream.indirect_vreg.gather [hbm4b:s4+s2], $0x80, v18, vm0, $0xb8;
	[tilespmem:$0x8400] =	vst v63  }
0x364: {  	s22 =	simm.s32 $0x2F80;
	v63 =	vperm.xlane v17, v11;
	v18 =	vadd.s32 v3, v62  }
0x365: {  	[tilespmem:s22], [sflag:$0x1] =	stream.indirect_vreg.gather [hbm4b:s4+s2], $0x80, v19, vm0, $0xb8;
	[tilespmem:$0x8400] =	vst v63  }
0x366: {  	v24 =	vperm.xlane v17, v12;
	s3 =	simm.s32 $0x3000;
	v19 =	vadd.s32 v3, v63  }
0x367: {  	[tilespmem:s3], [sflag:$0x1] =	stream.indirect_vreg.gather [hbm4b:s4+s2], $0x80, v61, vm0, $0xb8;
	[tilespmem:$0x8400] =	vst v63  }
0x368: {  	v26 =	vperm.xlane v17, v13;
	v25 =	vadd.s32 v3, v24;
	s10 =	simm.s32 $0x3080  }
0x369: {  	[tilespmem:s10], [sflag:$0x1] =	stream.indirect_vreg.gather [hbm4b:s4+s2], $0x80, v18, vm0, $0xb8;
	[tilespmem:$0x8400] =	vst v63  }
0x36a: {  	v27 =	vperm.xlane v17, v14;
	s17 =	simm.s32 $0x3100;
	v18 =	vadd.s32 v3, v26  }
0x36b: {  	[tilespmem:s17], [sflag:$0x1] =	stream.indirect_vreg.gather [hbm4b:s4+s2], $0x80, v19, vm0, $0xb8;
	[tilespmem:$0x8400] =	vst v63  }
0x36c: {  	v28 =	vperm.xlane v17, v15;
	s18 =	simm.s32 $0x3180;
	v19 =	vadd.s32 v3, v27  }
0x36d: {  	[tilespmem:s18], [sflag:$0x1] =	stream.indirect_vreg.gather [hbm4b:s4+s2], $0x80, v25, vm0, $0xb8;
	[tilespmem:$0x8400] =	vst v63  }
0x36e: {  	v17 =	vperm.xlane v17, v16;
	v29 =	vadd.s32 v3, v28;
	s19 =	simm.s32 $0x3200  }
0x36f: {  	[tilespmem:s19], [sflag:$0x1] =	stream.indirect_vreg.gather [hbm4b:s4+s2], $0x80, v18, vm0, $0xb8;
	[tilespmem:$0x8400] =	vst v63  }
0x370: {  	v17 =	vadd.s32 v3, v17;
	s17 =	simm.s32 $0x3280  }
0x371: {  	[tilespmem:s17], [sflag:$0x1] =	stream.indirect_vreg.gather [hbm4b:s4+s2], $0x80, v19, vm0, $0xb8;
	[tilespmem:$0x8400] =	vst v63  }
0x372: {  	s18 =	simm.s32 $0x3300  }
0x373: {  	[tilespmem:s18], [sflag:$0x1] =	stream.indirect_vreg.gather [hbm4b:s4+s2], $0x80, v29, vm0, $0xb8;
	[tilespmem:$0x8400] =	vst v63  }
0x374: {  	s20 =	simm.s32 $0x3380  }
0x375: {  	[tilespmem:s20], [sflag:$0x1] =	stream.indirect_vreg.gather [hbm4b:s4+s2], $0x80, v17, vm0, $0xb8;
	[tilespmem:$0x8400] =	vst v63  }
0x376: {  	v17 =	vld [tilespmem:$0x160];
	_ =	sdelay $0x4  }
0x377: {  	v18 =	vshll.u32 v17, $0x4  }
0x378: {  	v17 =	vand.u32 $0x7, v17;
	v18 =	vand.u32 $0xFFFFFF80, v18  }
0x379: {  	v17 =	vor.u32 v17, v18  }
0x37a: {  	v18 =	vperm.xlane v17, v2;
	_ =	sdelay $0x1  }
0x37b: {  	v19 =	vperm.xlane v17, v4;
	v18 =	vadd.s32 v3, v18;
	_ =	sdelay $0x1  }
0x37c: {  	v30 =	vperm.xlane v17, v5;
	v19 =	vadd.s32 v3, v19;
	_ =	sdelay $0x1  }
0x37d: {  	s21 =	simm.s32 $0x3400;
	v31 =	vperm.xlane v17, v6;
	v20 =	vadd.s32 v3, v30  }
0x37e: {  	[tilespmem:s21], [sflag:$0x1] =	stream.indirect_vreg.gather [hbm4b:s4+s2], $0x80, v18, vm0, $0xb8;
	[tilespmem:$0x8400] =	vst v63  }
0x37f: {  	s22 =	simm.s32 $0x3480;
	v32 =	vperm.xlane v17, v1;
	v18 =	vadd.s32 v3, v31  }
0x380: {  	[tilespmem:s22], [sflag:$0x1] =	stream.indirect_vreg.gather [hbm4b:s4+s2], $0x80, v19, vm0, $0xb8;
	[tilespmem:$0x8400] =	vst v63  }
0x381: {  	s3 =	simm.s32 $0x3500;
	v33 =	vperm.xlane v17, v7;
	v19 =	vadd.s32 v3, v32  }
0x382: {  	[tilespmem:s3], [sflag:$0x1] =	stream.indirect_vreg.gather [hbm4b:s4+s2], $0x80, v20, vm0, $0xb8;
	[tilespmem:$0x8400] =	vst v63  }
0x383: {  	s10 =	simm.s32 $0x3580;
	v35 =	vperm.xlane v17, v8;
	v34 =	vadd.s32 v3, v33  }
0x384: {  	[tilespmem:s10], [sflag:$0x1] =	stream.indirect_vreg.gather [hbm4b:s4+s2], $0x80, v18, vm0, $0xb8;
	[tilespmem:$0x8400] =	vst v63  }
0x385: {  	s19 =	simm.s32 $0x3600;
	v36 =	vperm.xlane v17, v0;
	v18 =	vadd.s32 v3, v35  }
0x386: {  	[tilespmem:s19], [sflag:$0x1] =	stream.indirect_vreg.gather [hbm4b:s4+s2], $0x80, v19, vm0, $0xb8;
	[tilespmem:$0x8400] =	vst v63  }
0x387: {  	s20 =	simm.s32 $0x3680;
	v37 =	vperm.xlane v17, v9;
	v19 =	vadd.s32 v3, v36  }
0x388: {  	[tilespmem:s20], [sflag:$0x1] =	stream.indirect_vreg.gather [hbm4b:s4+s2], $0x80, v34, vm0, $0xb8;
	[tilespmem:$0x8400] =	vst v63  }
0x389: {  	v39 =	vperm.xlane v17, v10;
	v38 =	vadd.s32 v3, v37;
	s21 =	simm.s32 $0x3700  }
0x38a: {  	[tilespmem:s21], [sflag:$0x1] =	stream.indirect_vreg.gather [hbm4b:s4+s2], $0x80, v18, vm0, $0xb8;
	[tilespmem:$0x8400] =	vst v63  }
0x38b: {  	v40 =	vperm.xlane v17, v11;
	s22 =	simm.s32 $0x3780;
	v18 =	vadd.s32 v3, v39  }
0x38c: {  	[tilespmem:s22], [sflag:$0x1] =	stream.indirect_vreg.gather [hbm4b:s4+s2], $0x80, v19, vm0, $0xb8;
	[tilespmem:$0x8400] =	vst v63  }
0x38d: {  	v41 =	vperm.xlane v17, v12;
	s3 =	simm.s32 $0x3800;
	v19 =	vadd.s32 v3, v40  }
0x38e: {  	[tilespmem:s3], [sflag:$0x1] =	stream.indirect_vreg.gather [hbm4b:s4+s2], $0x80, v38, vm0, $0xb8;
	[tilespmem:$0x8400] =	vst v63  }
0x38f: {  	v43 =	vperm.xlane v17, v13;
	v42 =	vadd.s32 v3, v41;
	s10 =	simm.s32 $0x3880  }
0x390: {  	[tilespmem:s10], [sflag:$0x1] =	stream.indirect_vreg.gather [hbm4b:s4+s2], $0x80, v18, vm0, $0xb8;
	[tilespmem:$0x8400] =	vst v63  }
0x391: {  	v44 =	vperm.xlane v17, v14;
	s19 =	simm.s32 $0x3900;
	v18 =	vadd.s32 v3, v43  }
0x392: {  	[tilespmem:s19], [sflag:$0x1] =	stream.indirect_vreg.gather [hbm4b:s4+s2], $0x80, v19, vm0, $0xb8;
	[tilespmem:$0x8400] =	vst v63  }
0x393: {  	v45 =	vperm.xlane v17, v15;
	s20 =	simm.s32 $0x3980;
	v19 =	vadd.s32 v3, v44  }
0x394: {  	[tilespmem:s20], [sflag:$0x1] =	stream.indirect_vreg.gather [hbm4b:s4+s2], $0x80, v42, vm0, $0xb8;
	[tilespmem:$0x8400] =	vst v63  }
0x395: {  	v17 =	vperm.xlane v17, v16;
	v46 =	vadd.s32 v3, v45;
	s21 =	simm.s32 $0x3A00  }
0x396: {  	[tilespmem:s21], [sflag:$0x1] =	stream.indirect_vreg.gather [hbm4b:s4+s2], $0x80, v18, vm0, $0xb8;
	[tilespmem:$0x8400] =	vst v63  }
0x397: {  	v17 =	vadd.s32 v3, v17;
	s19 =	simm.s32 $0x3A80  }
0x398: {  	[tilespmem:s19], [sflag:$0x1] =	stream.indirect_vreg.gather [hbm4b:s4+s2], $0x80, v19, vm0, $0xb8;
	[tilespmem:$0x8400] =	vst v63  }
0x399: {  	s20 =	simm.s32 $0x3B00  }
0x39a: {  	[tilespmem:s20], [sflag:$0x1] =	stream.indirect_vreg.gather [hbm4b:s4+s2], $0x80, v46, vm0, $0xb8;
	[tilespmem:$0x8400] =	vst v63  }
0x39b: {  	s22 =	simm.s32 $0x3B80  }
0x39c: {  	[tilespmem:s22], [sflag:$0x1] =	stream.indirect_vreg.gather [hbm4b:s4+s2], $0x80, v17, vm0, $0xb8;
	[tilespmem:$0x8400] =	vst v63  }
0x39d: {  	v17 =	vld [tilespmem:$0x170];
	_ =	sdelay $0x4  }
0x39e: {  	v18 =	vshll.u32 v17, $0x4  }
0x39f: {  	v17 =	vand.u32 $0x7, v17;
	v18 =	vand.u32 $0xFFFFFF80, v18  }
0x3a0: {  	v17 =	vor.u32 v17, v18  }
0x3a1: {  	v18 =	vperm.xlane v17, v2;
	_ =	sdelay $0x1  }
0x3a2: {  	v19 =	vperm.xlane v17, v4;
	v18 =	vadd.s32 v3, v18;
	_ =	sdelay $0x1  }
0x3a3: {  	v47 =	vperm.xlane v17, v5;
	v19 =	vadd.s32 v3, v19;
	_ =	sdelay $0x1  }
0x3a4: {  	s3 =	simm.s32 $0x3C00;
	v48 =	vperm.xlane v17, v6;
	v20 =	vadd.s32 v3, v47  }
0x3a5: {  	[tilespmem:s3], [sflag:$0x1] =	stream.indirect_vreg.gather [hbm4b:s4+s2], $0x80, v18, vm0, $0xb8;
	[tilespmem:$0x8400] =	vst v63  }
0x3a6: {  	s10 =	simm.s32 $0x3C80;
	v49 =	vperm.xlane v17, v1;
	v18 =	vadd.s32 v3, v48  }
0x3a7: {  	[tilespmem:s10], [sflag:$0x1] =	stream.indirect_vreg.gather [hbm4b:s4+s2], $0x80, v19, vm0, $0xb8;
	[tilespmem:$0x8400] =	vst v63  }
0x3a8: {  	s21 =	simm.s32 $0x3D00;
	v50 =	vperm.xlane v17, v7;
	v19 =	vadd.s32 v3, v49  }
0x3a9: {  	[tilespmem:s21], [sflag:$0x1] =	stream.indirect_vreg.gather [hbm4b:s4+s2], $0x80, v20, vm0, $0xb8;
	[tilespmem:$0x8400] =	vst v63  }
0x3aa: {  	s22 =	simm.s32 $0x3D80;
	v52 =	vperm.xlane v17, v8;
	v51 =	vadd.s32 v3, v50  }
0x3ab: {  	[tilespmem:s22], [sflag:$0x1] =	stream.indirect_vreg.gather [hbm4b:s4+s2], $0x80, v18, vm0, $0xb8;
	[tilespmem:$0x8400] =	vst v63  }
0x3ac: {  	v53 =	vperm.xlane v17, v0;
	s3 =	simm.s32 $0x3E00;
	v18 =	vadd.s32 v3, v52  }
0x3ad: {  	[tilespmem:s3], [sflag:$0x1] =	stream.indirect_vreg.gather [hbm4b:s4+s2], $0x80, v19, vm0, $0xb8;
	[tilespmem:$0x8400] =	vst v63  }
0x3ae: {  	v54 =	vperm.xlane v17, v9;
	s10 =	simm.s32 $0x3E80;
	v19 =	vadd.s32 v3, v53  }
0x3af: {  	[tilespmem:s10], [sflag:$0x1] =	stream.indirect_vreg.gather [hbm4b:s4+s2], $0x80, v51, vm0, $0xb8;
	[tilespmem:$0x8400] =	vst v63  }
0x3b0: {  	v56 =	vperm.xlane v17, v10;
	v55 =	vadd.s32 v3, v54;
	s21 =	simm.s32 $0x3F00  }
0x3b1: {  	[tilespmem:s21], [sflag:$0x1] =	stream.indirect_vreg.gather [hbm4b:s4+s2], $0x80, v18, vm0, $0xb8;
	[tilespmem:$0x8400] =	vst v63  }
0x3b2: {  	v57 =	vperm.xlane v17, v11;
	s22 =	simm.s32 $0x3F80;
	v18 =	vadd.s32 v3, v56  }
0x3b3: {  	[tilespmem:s22], [sflag:$0x1] =	stream.indirect_vreg.gather [hbm4b:s4+s2], $0x80, v19, vm0, $0xb8;
	[tilespmem:$0x8400] =	vst v63  }
0x3b4: {  	v58 =	vperm.xlane v17, v12;
	s3 =	simm.s32 $0x4000;
	v19 =	vadd.s32 v3, v57  }
0x3b5: {  	[tilespmem:s3], [sflag:$0x1] =	stream.indirect_vreg.gather [hbm4b:s4+s2], $0x80, v55, vm0, $0xb8;
	[tilespmem:$0x8400] =	vst v63  }
0x3b6: {  	v60 =	vperm.xlane v17, v13;
	v59 =	vadd.s32 v3, v58;
	s10 =	simm.s32 $0x4080  }
0x3b7: {  	[tilespmem:s10], [sflag:$0x1] =	stream.indirect_vreg.gather [hbm4b:s4+s2], $0x80, v18, vm0, $0xb8;
	[tilespmem:$0x8400] =	vst v63  }
0x3b8: {  	v61 =	vperm.xlane v17, v14;
	s21 =	simm.s32 $0x4100;
	v18 =	vadd.s32 v3, v60  }
0x3b9: {  	[tilespmem:s21], [sflag:$0x1] =	stream.indirect_vreg.gather [hbm4b:s4+s2], $0x80, v19, vm0, $0xb8;
	[tilespmem:$0x8400] =	vst v63  }
0x3ba: {  	v62 =	vperm.xlane v17, v15;
	s22 =	simm.s32 $0x4180;
	v19 =	vadd.s32 v3, v61  }
0x3bb: {  	[tilespmem:s22], [sflag:$0x1] =	stream.indirect_vreg.gather [hbm4b:s4+s2], $0x80, v59, vm0, $0xb8;
	[tilespmem:$0x8400] =	vst v63  }
0x3bc: {  	v17 =	vperm.xlane v17, v16;
	v63 =	vadd.s32 v3, v62;
	s3 =	simm.s32 $0x4200  }
0x3bd: {  	[tilespmem:s3], [sflag:$0x1] =	stream.indirect_vreg.gather [hbm4b:s4+s2], $0x80, v18, vm0, $0xb8;
	[tilespmem:$0x8400] =	vst v63  }
0x3be: {  	v17 =	vadd.s32 v3, v17;
	s21 =	simm.s32 $0x4280  }
0x3bf: {  	[tilespmem:s21], [sflag:$0x1] =	stream.indirect_vreg.gather [hbm4b:s4+s2], $0x80, v19, vm0, $0xb8;
	[tilespmem:$0x8400] =	vst v63  }
0x3c0: {  	s22 =	simm.s32 $0x4300  }
0x3c1: {  	[tilespmem:s22], [sflag:$0x1] =	stream.indirect_vreg.gather [hbm4b:s4+s2], $0x80, v63, vm0, $0xb8;
	[tilespmem:$0x8400] =	vst v63  }
0x3c2: {  	s10 =	simm.s32 $0x4380  }
0x3c3: {  	[tilespmem:s10], [sflag:$0x1] =	stream.indirect_vreg.gather [hbm4b:s4+s2], $0x80, v17, vm0, $0xb8;
	[tilespmem:$0x8400] =	vst v63  }
0x3c4: {  	_ =	swait.ge [sflag:s9], $0x4000  }
0x3c5: {  	[sflag:s9] =	ssyncset.done $0x0  }
0x3c6: {  	s3 =	simm.s32 $0x4400;
	s0 =	rddreg [dreg:$0x4];
	[sflag:s9] =	ssyncadd.s32 $0xFFFFC000  }
0x3c7: {  	[hbm4b:s0+s2] =	stream.linear.scatter [tilespmem:s3], [sflag:$0x3], $0x4000, $0x38;
	[tilespmem:$0x8400] =	vst v63  }
0x3c8: {  	_ =	swait.ge [sflag:s6], $0x4000  }
0x3c9: {  	[sflag:s6] =	ssyncset.done $0x0  }
0x3ca: {  	[sflag:s6] =	ssyncadd.s32 $0xFFFFC000  }
0x3cb: {  	v17 =	vld [tilespmem:$0x180];
	_ =	sdelay $0x4  }
0x3cc: {  	v18 =	vshll.u32 v17, $0x4  }
0x3cd: {  	v17 =	vand.u32 $0x7, v17;
	v18 =	vand.u32 $0xFFFFFF80, v18  }
0x3ce: {  	v17 =	vor.u32 v17, v18  }
0x3cf: {  	v18 =	vperm.xlane v17, v2;
	_ =	sdelay $0x1  }
0x3d0: {  	v19 =	vperm.xlane v17, v4;
	v18 =	vadd.s32 v3, v18;
	_ =	sdelay $0x1  }
0x3d1: {  	v24 =	vperm.xlane v17, v5;
	v19 =	vadd.s32 v3, v19;
	_ =	sdelay $0x1  }
0x3d2: {  	v25 =	vperm.xlane v17, v6;
	v20 =	vadd.s32 v3, v24  }
0x3d3: {  	[tilespmem:s3], [sflag:$0x2] =	stream.indirect_vreg.gather [hbm4b:s4+s2], $0x80, v18, vm0, $0xb8;
	[tilespmem:$0x8400] =	vst v63  }
0x3d4: {  	s10 =	simm.s32 $0x4480;
	v26 =	vperm.xlane v17, v1;
	v18 =	vadd.s32 v3, v25  }
0x3d5: {  	[tilespmem:s10], [sflag:$0x2] =	stream.indirect_vreg.gather [hbm4b:s4+s2], $0x80, v19, vm0, $0xb8;
	[tilespmem:$0x8400] =	vst v63  }
0x3d6: {  	v27 =	vperm.xlane v17, v7;
	v19 =	vadd.s32 v3, v26;
	s10 =	simm.s32 $0x4500  }
0x3d7: {  	[tilespmem:s10], [sflag:$0x2] =	stream.indirect_vreg.gather [hbm4b:s4+s2], $0x80, v20, vm0, $0xb8;
	[tilespmem:$0x8400] =	vst v63  }
0x3d8: {  	v29 =	vperm.xlane v17, v8;
	v28 =	vadd.s32 v3, v27;
	s10 =	simm.s32 $0x4580  }
0x3d9: {  	[tilespmem:s10], [sflag:$0x2] =	stream.indirect_vreg.gather [hbm4b:s4+s2], $0x80, v18, vm0, $0xb8;
	[tilespmem:$0x8400] =	vst v63  }
0x3da: {  	v30 =	vperm.xlane v17, v0;
	v18 =	vadd.s32 v3, v29;
	s10 =	simm.s32 $0x4600  }
0x3db: {  	[tilespmem:s10], [sflag:$0x2] =	stream.indirect_vreg.gather [hbm4b:s4+s2], $0x80, v19, vm0, $0xb8;
	[tilespmem:$0x8400] =	vst v63  }
0x3dc: {  	v31 =	vperm.xlane v17, v9;
	v19 =	vadd.s32 v3, v30;
	s10 =	simm.s32 $0x4680  }
0x3dd: {  	[tilespmem:s10], [sflag:$0x2] =	stream.indirect_vreg.gather [hbm4b:s4+s2], $0x80, v28, vm0, $0xb8;
	[tilespmem:$0x8400] =	vst v63  }
0x3de: {  	v33 =	vperm.xlane v17, v10;
	v32 =	vadd.s32 v3, v31;
	s10 =	simm.s32 $0x4700  }
0x3df: {  	[tilespmem:s10], [sflag:$0x2] =	stream.indirect_vreg.gather [hbm4b:s4+s2], $0x80, v18, vm0, $0xb8;
	[tilespmem:$0x8400] =	vst v63  }
0x3e0: {  	v34 =	vperm.xlane v17, v11;
	v18 =	vadd.s32 v3, v33;
	s10 =	simm.s32 $0x4780  }
0x3e1: {  	[tilespmem:s10], [sflag:$0x2] =	stream.indirect_vreg.gather [hbm4b:s4+s2], $0x80, v19, vm0, $0xb8;
	[tilespmem:$0x8400] =	vst v63  }
0x3e2: {  	v35 =	vperm.xlane v17, v12;
	v19 =	vadd.s32 v3, v34;
	s10 =	simm.s32 $0x4800  }
0x3e3: {  	[tilespmem:s10], [sflag:$0x2] =	stream.indirect_vreg.gather [hbm4b:s4+s2], $0x80, v32, vm0, $0xb8;
	[tilespmem:$0x8400] =	vst v63  }
0x3e4: {  	v37 =	vperm.xlane v17, v13;
	v36 =	vadd.s32 v3, v35;
	s10 =	simm.s32 $0x4880  }
0x3e5: {  	[tilespmem:s10], [sflag:$0x2] =	stream.indirect_vreg.gather [hbm4b:s4+s2], $0x80, v18, vm0, $0xb8;
	[tilespmem:$0x8400] =	vst v63  }
0x3e6: {  	v38 =	vperm.xlane v17, v14;
	v18 =	vadd.s32 v3, v37;
	s10 =	simm.s32 $0x4900  }
0x3e7: {  	[tilespmem:s10], [sflag:$0x2] =	stream.indirect_vreg.gather [hbm4b:s4+s2], $0x80, v19, vm0, $0xb8;
	[tilespmem:$0x8400] =	vst v63  }
0x3e8: {  	v39 =	vperm.xlane v17, v15;
	v19 =	vadd.s32 v3, v38;
	s10 =	simm.s32 $0x4980  }
0x3e9: {  	[tilespmem:s10], [sflag:$0x2] =	stream.indirect_vreg.gather [hbm4b:s4+s2], $0x80, v36, vm0, $0xb8;
	[tilespmem:$0x8400] =	vst v63  }
0x3ea: {  	v17 =	vperm.xlane v17, v16;
	v40 =	vadd.s32 v3, v39;
	s10 =	simm.s32 $0x4A00  }
0x3eb: {  	[tilespmem:s10], [sflag:$0x2] =	stream.indirect_vreg.gather [hbm4b:s4+s2], $0x80, v18, vm0, $0xb8;
	[tilespmem:$0x8400] =	vst v63  }
0x3ec: {  	v17 =	vadd.s32 v3, v17;
	s10 =	simm.s32 $0x4A80  }
0x3ed: {  	[tilespmem:s10], [sflag:$0x2] =	stream.indirect_vreg.gather [hbm4b:s4+s2], $0x80, v19, vm0, $0xb8;
	[tilespmem:$0x8400] =	vst v63  }
0x3ee: {  	s10 =	simm.s32 $0x4B00  }
0x3ef: {  	[tilespmem:s10], [sflag:$0x2] =	stream.indirect_vreg.gather [hbm4b:s4+s2], $0x80, v40, vm0, $0xb8;
	[tilespmem:$0x8400] =	vst v63  }
0x3f0: {  	s10 =	simm.s32 $0x4B80  }
0x3f1: {  	[tilespmem:s10], [sflag:$0x2] =	stream.indirect_vreg.gather [hbm4b:s4+s2], $0x80, v17, vm0, $0xb8;
	[tilespmem:$0x8400] =	vst v63  }
0x3f2: {  	v17 =	vld [tilespmem:$0x190];
	_ =	sdelay $0x4  }
0x3f3: {  	v18 =	vshll.u32 v17, $0x4  }
0x3f4: {  	v17 =	vand.u32 $0x7, v17;
	v18 =	vand.u32 $0xFFFFFF80, v18  }
0x3f5: {  	v17 =	vor.u32 v17, v18  }
0x3f6: {  	v18 =	vperm.xlane v17, v2;
	_ =	sdelay $0x1  }
0x3f7: {  	v19 =	vperm.xlane v17, v4;
	v18 =	vadd.s32 v3, v18;
	_ =	sdelay $0x1  }
0x3f8: {  	v41 =	vperm.xlane v17, v5;
	v19 =	vadd.s32 v3, v19;
	_ =	sdelay $0x1  }
0x3f9: {  	s10 =	simm.s32 $0x4C00;
	v42 =	vperm.xlane v17, v6;
	v20 =	vadd.s32 v3, v41  }
0x3fa: {  	[tilespmem:s10], [sflag:$0x2] =	stream.indirect_vreg.gather [hbm4b:s4+s2], $0x80, v18, vm0, $0xb8;
	[tilespmem:$0x8400] =	vst v63  }
0x3fb: {  	v43 =	vperm.xlane v17, v1;
	v18 =	vadd.s32 v3, v42;
	s10 =	simm.s32 $0x4C80  }
0x3fc: {  	[tilespmem:s10], [sflag:$0x2] =	stream.indirect_vreg.gather [hbm4b:s4+s2], $0x80, v19, vm0, $0xb8;
	[tilespmem:$0x8400] =	vst v63  }
0x3fd: {  	v44 =	vperm.xlane v17, v7;
	v19 =	vadd.s32 v3, v43;
	s10 =	simm.s32 $0x4D00  }
0x3fe: {  	[tilespmem:s10], [sflag:$0x2] =	stream.indirect_vreg.gather [hbm4b:s4+s2], $0x80, v20, vm0, $0xb8;
	[tilespmem:$0x8400] =	vst v63  }
0x3ff: {  	v46 =	vperm.xlane v17, v8;
	v45 =	vadd.s32 v3, v44;
	s10 =	simm.s32 $0x4D80  }
0x400: {  	[tilespmem:s10], [sflag:$0x2] =	stream.indirect_vreg.gather [hbm4b:s4+s2], $0x80, v18, vm0, $0xb8;
	[tilespmem:$0x8400] =	vst v63  }
0x401: {  	v47 =	vperm.xlane v17, v0;
	v18 =	vadd.s32 v3, v46;
	s10 =	simm.s32 $0x4E00  }
0x402: {  	[tilespmem:s10], [sflag:$0x2] =	stream.indirect_vreg.gather [hbm4b:s4+s2], $0x80, v19, vm0, $0xb8;
	[tilespmem:$0x8400] =	vst v63  }
0x403: {  	v48 =	vperm.xlane v17, v9;
	v19 =	vadd.s32 v3, v47;
	s10 =	simm.s32 $0x4E80  }
0x404: {  	[tilespmem:s10], [sflag:$0x2] =	stream.indirect_vreg.gather [hbm4b:s4+s2], $0x80, v45, vm0, $0xb8;
	[tilespmem:$0x8400] =	vst v63  }
0x405: {  	v50 =	vperm.xlane v17, v10;
	v49 =	vadd.s32 v3, v48;
	s10 =	simm.s32 $0x4F00  }
0x406: {  	[tilespmem:s10], [sflag:$0x2] =	stream.indirect_vreg.gather [hbm4b:s4+s2], $0x80, v18, vm0, $0xb8;
	[tilespmem:$0x8400] =	vst v63  }
0x407: {  	v51 =	vperm.xlane v17, v11;
	v18 =	vadd.s32 v3, v50;
	s10 =	simm.s32 $0x4F80  }
0x408: {  	[tilespmem:s10], [sflag:$0x2] =	stream.indirect_vreg.gather [hbm4b:s4+s2], $0x80, v19, vm0, $0xb8;
	[tilespmem:$0x8400] =	vst v63  }
0x409: {  	v52 =	vperm.xlane v17, v12;
	v19 =	vadd.s32 v3, v51;
	s10 =	simm.s32 $0x5000  }
0x40a: {  	[tilespmem:s10], [sflag:$0x2] =	stream.indirect_vreg.gather [hbm4b:s4+s2], $0x80, v49, vm0, $0xb8;
	[tilespmem:$0x8400] =	vst v63  }
0x40b: {  	v54 =	vperm.xlane v17, v13;
	v53 =	vadd.s32 v3, v52;
	s10 =	simm.s32 $0x5080  }
0x40c: {  	[tilespmem:s10], [sflag:$0x2] =	stream.indirect_vreg.gather [hbm4b:s4+s2], $0x80, v18, vm0, $0xb8;
	[tilespmem:$0x8400] =	vst v63  }
0x40d: {  	v55 =	vperm.xlane v17, v14;
	v18 =	vadd.s32 v3, v54;
	s10 =	simm.s32 $0x5100  }
0x40e: {  	[tilespmem:s10], [sflag:$0x2] =	stream.indirect_vreg.gather [hbm4b:s4+s2], $0x80, v19, vm0, $0xb8;
	[tilespmem:$0x8400] =	vst v63  }
0x40f: {  	v56 =	vperm.xlane v17, v15;
	v19 =	vadd.s32 v3, v55;
	s10 =	simm.s32 $0x5180  }
0x410: {  	[tilespmem:s10], [sflag:$0x2] =	stream.indirect_vreg.gather [hbm4b:s4+s2], $0x80, v53, vm0, $0xb8;
	[tilespmem:$0x8400] =	vst v63  }
0x411: {  	v17 =	vperm.xlane v17, v16;
	v57 =	vadd.s32 v3, v56;
	s10 =	simm.s32 $0x5200  }
0x412: {  	[tilespmem:s10], [sflag:$0x2] =	stream.indirect_vreg.gather [hbm4b:s4+s2], $0x80, v18, vm0, $0xb8;
	[tilespmem:$0x8400] =	vst v63  }
0x413: {  	v17 =	vadd.s32 v3, v17;
	s10 =	simm.s32 $0x5280  }
0x414: {  	[tilespmem:s10], [sflag:$0x2] =	stream.indirect_vreg.gather [hbm4b:s4+s2], $0x80, v19, vm0, $0xb8;
	[tilespmem:$0x8400] =	vst v63  }
0x415: {  	s10 =	simm.s32 $0x5300  }
0x416: {  	[tilespmem:s10], [sflag:$0x2] =	stream.indirect_vreg.gather [hbm4b:s4+s2], $0x80, v57, vm0, $0xb8;
	[tilespmem:$0x8400] =	vst v63  }
0x417: {  	s10 =	simm.s32 $0x5380  }
0x418: {  	[tilespmem:s10], [sflag:$0x2] =	stream.indirect_vreg.gather [hbm4b:s4+s2], $0x80, v17, vm0, $0xb8;
	[tilespmem:$0x8400] =	vst v63  }
0x419: {  	v17 =	vld [tilespmem:$0x1A0];
	_ =	sdelay $0x4  }
0x41a: {  	v18 =	vshll.u32 v17, $0x4  }
0x41b: {  	v17 =	vand.u32 $0x7, v17;
	v18 =	vand.u32 $0xFFFFFF80, v18  }
0x41c: {  	v17 =	vor.u32 v17, v18  }
0x41d: {  	v18 =	vperm.xlane v17, v2;
	_ =	sdelay $0x1  }
0x41e: {  	v19 =	vperm.xlane v17, v4;
	v18 =	vadd.s32 v3, v18;
	_ =	sdelay $0x1  }
0x41f: {  	v58 =	vperm.xlane v17, v5;
	v19 =	vadd.s32 v3, v19;
	_ =	sdelay $0x1  }
0x420: {  	s10 =	simm.s32 $0x5400;
	v59 =	vperm.xlane v17, v6;
	v20 =	vadd.s32 v3, v58  }
0x421: {  	[tilespmem:s10], [sflag:$0x2] =	stream.indirect_vreg.gather [hbm4b:s4+s2], $0x80, v18, vm0, $0xb8;
	[tilespmem:$0x8400] =	vst v63  }
0x422: {  	v60 =	vperm.xlane v17, v1;
	v18 =	vadd.s32 v3, v59;
	s10 =	simm.s32 $0x5480  }
0x423: {  	[tilespmem:s10], [sflag:$0x2] =	stream.indirect_vreg.gather [hbm4b:s4+s2], $0x80, v19, vm0, $0xb8;
	[tilespmem:$0x8400] =	vst v63  }
0x424: {  	v61 =	vperm.xlane v17, v7;
	v19 =	vadd.s32 v3, v60;
	s10 =	simm.s32 $0x5500  }
0x425: {  	[tilespmem:s10], [sflag:$0x2] =	stream.indirect_vreg.gather [hbm4b:s4+s2], $0x80, v20, vm0, $0xb8;
	[tilespmem:$0x8400] =	vst v63  }
0x426: {  	v63 =	vperm.xlane v17, v8;
	v62 =	vadd.s32 v3, v61;
	s10 =	simm.s32 $0x5580  }
0x427: {  	[tilespmem:s10], [sflag:$0x2] =	stream.indirect_vreg.gather [hbm4b:s4+s2], $0x80, v18, vm0, $0xb8;
	[tilespmem:$0x8400] =	vst v63  }
0x428: {  	v24 =	vperm.xlane v17, v0;
	v18 =	vadd.s32 v3, v63;
	s10 =	simm.s32 $0x5600  }
0x429: {  	[tilespmem:s10], [sflag:$0x2] =	stream.indirect_vreg.gather [hbm4b:s4+s2], $0x80, v19, vm0, $0xb8;
	[tilespmem:$0x8400] =	vst v63  }
0x42a: {  	v25 =	vperm.xlane v17, v9;
	v19 =	vadd.s32 v3, v24;
	s10 =	simm.s32 $0x5680  }
0x42b: {  	[tilespmem:s10], [sflag:$0x2] =	stream.indirect_vreg.gather [hbm4b:s4+s2], $0x80, v62, vm0, $0xb8;
	[tilespmem:$0x8400] =	vst v63  }
0x42c: {  	v27 =	vperm.xlane v17, v10;
	v26 =	vadd.s32 v3, v25;
	s10 =	simm.s32 $0x5700  }
0x42d: {  	[tilespmem:s10], [sflag:$0x2] =	stream.indirect_vreg.gather [hbm4b:s4+s2], $0x80, v18, vm0, $0xb8;
	[tilespmem:$0x8400] =	vst v63  }
0x42e: {  	v28 =	vperm.xlane v17, v11;
	v18 =	vadd.s32 v3, v27;
	s10 =	simm.s32 $0x5780  }
0x42f: {  	[tilespmem:s10], [sflag:$0x2] =	stream.indirect_vreg.gather [hbm4b:s4+s2], $0x80, v19, vm0, $0xb8;
	[tilespmem:$0x8400] =	vst v63  }
0x430: {  	v29 =	vperm.xlane v17, v12;
	v19 =	vadd.s32 v3, v28;
	s10 =	simm.s32 $0x5800  }
0x431: {  	[tilespmem:s10], [sflag:$0x2] =	stream.indirect_vreg.gather [hbm4b:s4+s2], $0x80, v26, vm0, $0xb8;
	[tilespmem:$0x8400] =	vst v63  }
0x432: {  	v31 =	vperm.xlane v17, v13;
	v30 =	vadd.s32 v3, v29;
	s10 =	simm.s32 $0x5880  }
0x433: {  	[tilespmem:s10], [sflag:$0x2] =	stream.indirect_vreg.gather [hbm4b:s4+s2], $0x80, v18, vm0, $0xb8;
	[tilespmem:$0x8400] =	vst v63  }
0x434: {  	v32 =	vperm.xlane v17, v14;
	v18 =	vadd.s32 v3, v31;
	s10 =	simm.s32 $0x5900  }
0x435: {  	[tilespmem:s10], [sflag:$0x2] =	stream.indirect_vreg.gather [hbm4b:s4+s2], $0x80, v19, vm0, $0xb8;
	[tilespmem:$0x8400] =	vst v63  }
0x436: {  	v33 =	vperm.xlane v17, v15;
	v19 =	vadd.s32 v3, v32;
	s10 =	simm.s32 $0x5980  }
0x437: {  	[tilespmem:s10], [sflag:$0x2] =	stream.indirect_vreg.gather [hbm4b:s4+s2], $0x80, v30, vm0, $0xb8;
	[tilespmem:$0x8400] =	vst v63  }
0x438: {  	v17 =	vperm.xlane v17, v16;
	v34 =	vadd.s32 v3, v33;
	s10 =	simm.s32 $0x5A00  }
0x439: {  	[tilespmem:s10], [sflag:$0x2] =	stream.indirect_vreg.gather [hbm4b:s4+s2], $0x80, v18, vm0, $0xb8;
	[tilespmem:$0x8400] =	vst v63  }
0x43a: {  	v17 =	vadd.s32 v3, v17;
	s10 =	simm.s32 $0x5A80  }
0x43b: {  	[tilespmem:s10], [sflag:$0x2] =	stream.indirect_vreg.gather [hbm4b:s4+s2], $0x80, v19, vm0, $0xb8;
	[tilespmem:$0x8400] =	vst v63  }
0x43c: {  	s10 =	simm.s32 $0x5B00  }
0x43d: {  	[tilespmem:s10], [sflag:$0x2] =	stream.indirect_vreg.gather [hbm4b:s4+s2], $0x80, v34, vm0, $0xb8;
	[tilespmem:$0x8400] =	vst v63  }
0x43e: {  	s10 =	simm.s32 $0x5B80  }
0x43f: {  	[tilespmem:s10], [sflag:$0x2] =	stream.indirect_vreg.gather [hbm4b:s4+s2], $0x80, v17, vm0, $0xb8;
	[tilespmem:$0x8400] =	vst v63  }
0x440: {  	v17 =	vld [tilespmem:$0x1B0];
	_ =	sdelay $0x4  }
0x441: {  	v18 =	vshll.u32 v17, $0x4  }
0x442: {  	v17 =	vand.u32 $0x7, v17;
	v18 =	vand.u32 $0xFFFFFF80, v18  }
0x443: {  	v17 =	vor.u32 v17, v18  }
0x444: {  	v18 =	vperm.xlane v17, v2;
	_ =	sdelay $0x1  }
0x445: {  	v19 =	vperm.xlane v17, v4;
	v18 =	vadd.s32 v3, v18;
	_ =	sdelay $0x1  }
0x446: {  	v35 =	vperm.xlane v17, v5;
	v19 =	vadd.s32 v3, v19;
	_ =	sdelay $0x1  }
0x447: {  	s10 =	simm.s32 $0x5C00;
	v36 =	vperm.xlane v17, v6;
	v20 =	vadd.s32 v3, v35  }
0x448: {  	[tilespmem:s10], [sflag:$0x2] =	stream.indirect_vreg.gather [hbm4b:s4+s2], $0x80, v18, vm0, $0xb8;
	[tilespmem:$0x8400] =	vst v63  }
0x449: {  	v37 =	vperm.xlane v17, v1;
	v18 =	vadd.s32 v3, v36;
	s10 =	simm.s32 $0x5C80  }
0x44a: {  	[tilespmem:s10], [sflag:$0x2] =	stream.indirect_vreg.gather [hbm4b:s4+s2], $0x80, v19, vm0, $0xb8;
	[tilespmem:$0x8400] =	vst v63  }
0x44b: {  	v38 =	vperm.xlane v17, v7;
	v19 =	vadd.s32 v3, v37;
	s10 =	simm.s32 $0x5D00  }
0x44c: {  	[tilespmem:s10], [sflag:$0x2] =	stream.indirect_vreg.gather [hbm4b:s4+s2], $0x80, v20, vm0, $0xb8;
	[tilespmem:$0x8400] =	vst v63  }
0x44d: {  	v40 =	vperm.xlane v17, v8;
	v39 =	vadd.s32 v3, v38;
	s10 =	simm.s32 $0x5D80  }
0x44e: {  	[tilespmem:s10], [sflag:$0x2] =	stream.indirect_vreg.gather [hbm4b:s4+s2], $0x80, v18, vm0, $0xb8;
	[tilespmem:$0x8400] =	vst v63  }
0x44f: {  	v41 =	vperm.xlane v17, v0;
	v18 =	vadd.s32 v3, v40;
	s10 =	simm.s32 $0x5E00  }
0x450: {  	[tilespmem:s10], [sflag:$0x2] =	stream.indirect_vreg.gather [hbm4b:s4+s2], $0x80, v19, vm0, $0xb8;
	[tilespmem:$0x8400] =	vst v63  }
0x451: {  	v42 =	vperm.xlane v17, v9;
	v19 =	vadd.s32 v3, v41;
	s10 =	simm.s32 $0x5E80  }
0x452: {  	[tilespmem:s10], [sflag:$0x2] =	stream.indirect_vreg.gather [hbm4b:s4+s2], $0x80, v39, vm0, $0xb8;
	[tilespmem:$0x8400] =	vst v63  }
0x453: {  	v44 =	vperm.xlane v17, v10;
	v43 =	vadd.s32 v3, v42;
	s10 =	simm.s32 $0x5F00  }
0x454: {  	[tilespmem:s10], [sflag:$0x2] =	stream.indirect_vreg.gather [hbm4b:s4+s2], $0x80, v18, vm0, $0xb8;
	[tilespmem:$0x8400] =	vst v63  }
0x455: {  	v45 =	vperm.xlane v17, v11;
	v18 =	vadd.s32 v3, v44;
	s10 =	simm.s32 $0x5F80  }
0x456: {  	[tilespmem:s10], [sflag:$0x2] =	stream.indirect_vreg.gather [hbm4b:s4+s2], $0x80, v19, vm0, $0xb8;
	[tilespmem:$0x8400] =	vst v63  }
0x457: {  	v46 =	vperm.xlane v17, v12;
	v19 =	vadd.s32 v3, v45;
	s10 =	simm.s32 $0x6000  }
0x458: {  	[tilespmem:s10], [sflag:$0x2] =	stream.indirect_vreg.gather [hbm4b:s4+s2], $0x80, v43, vm0, $0xb8;
	[tilespmem:$0x8400] =	vst v63  }
0x459: {  	v48 =	vperm.xlane v17, v13;
	v47 =	vadd.s32 v3, v46;
	s10 =	simm.s32 $0x6080  }
0x45a: {  	[tilespmem:s10], [sflag:$0x2] =	stream.indirect_vreg.gather [hbm4b:s4+s2], $0x80, v18, vm0, $0xb8;
	[tilespmem:$0x8400] =	vst v63  }
0x45b: {  	v49 =	vperm.xlane v17, v14;
	v18 =	vadd.s32 v3, v48;
	s10 =	simm.s32 $0x6100  }
0x45c: {  	[tilespmem:s10], [sflag:$0x2] =	stream.indirect_vreg.gather [hbm4b:s4+s2], $0x80, v19, vm0, $0xb8;
	[tilespmem:$0x8400] =	vst v63  }
0x45d: {  	v50 =	vperm.xlane v17, v15;
	v19 =	vadd.s32 v3, v49;
	s10 =	simm.s32 $0x6180  }
0x45e: {  	[tilespmem:s10], [sflag:$0x2] =	stream.indirect_vreg.gather [hbm4b:s4+s2], $0x80, v47, vm0, $0xb8;
	[tilespmem:$0x8400] =	vst v63  }
0x45f: {  	v17 =	vperm.xlane v17, v16;
	v51 =	vadd.s32 v3, v50;
	s10 =	simm.s32 $0x6200  }
0x460: {  	[tilespmem:s10], [sflag:$0x2] =	stream.indirect_vreg.gather [hbm4b:s4+s2], $0x80, v18, vm0, $0xb8;
	[tilespmem:$0x8400] =	vst v63  }
0x461: {  	v17 =	vadd.s32 v3, v17;
	s10 =	simm.s32 $0x6280  }
0x462: {  	[tilespmem:s10], [sflag:$0x2] =	stream.indirect_vreg.gather [hbm4b:s4+s2], $0x80, v19, vm0, $0xb8;
	[tilespmem:$0x8400] =	vst v63  }
0x463: {  	s10 =	simm.s32 $0x6300  }
0x464: {  	[tilespmem:s10], [sflag:$0x2] =	stream.indirect_vreg.gather [hbm4b:s4+s2], $0x80, v51, vm0, $0xb8;
	[tilespmem:$0x8400] =	vst v63  }
0x465: {  	s10 =	simm.s32 $0x6380  }
0x466: {  	[tilespmem:s10], [sflag:$0x2] =	stream.indirect_vreg.gather [hbm4b:s4+s2], $0x80, v17, vm0, $0xb8;
	[tilespmem:$0x8400] =	vst v63  }
0x467: {  	v17 =	vld [tilespmem:$0x1C0];
	_ =	sdelay $0x4  }
0x468: {  	v18 =	vshll.u32 v17, $0x4  }
0x469: {  	v17 =	vand.u32 $0x7, v17;
	v18 =	vand.u32 $0xFFFFFF80, v18  }
0x46a: {  	v17 =	vor.u32 v17, v18  }
0x46b: {  	v18 =	vperm.xlane v17, v2;
	_ =	sdelay $0x1  }
0x46c: {  	v19 =	vperm.xlane v17, v4;
	v18 =	vadd.s32 v3, v18;
	_ =	sdelay $0x1  }
0x46d: {  	v52 =	vperm.xlane v17, v5;
	v19 =	vadd.s32 v3, v19;
	_ =	sdelay $0x1  }
0x46e: {  	s10 =	simm.s32 $0x6400;
	v53 =	vperm.xlane v17, v6;
	v20 =	vadd.s32 v3, v52  }
0x46f: {  	[tilespmem:s10], [sflag:$0x2] =	stream.indirect_vreg.gather [hbm4b:s4+s2], $0x80, v18, vm0, $0xb8;
	[tilespmem:$0x8400] =	vst v63  }
0x470: {  	v54 =	vperm.xlane v17, v1;
	v18 =	vadd.s32 v3, v53;
	s10 =	simm.s32 $0x6480  }
0x471: {  	[tilespmem:s10], [sflag:$0x2] =	stream.indirect_vreg.gather [hbm4b:s4+s2], $0x80, v19, vm0, $0xb8;
	[tilespmem:$0x8400] =	vst v63  }
0x472: {  	v55 =	vperm.xlane v17, v7;
	v19 =	vadd.s32 v3, v54;
	s10 =	simm.s32 $0x6500  }
0x473: {  	[tilespmem:s10], [sflag:$0x2] =	stream.indirect_vreg.gather [hbm4b:s4+s2], $0x80, v20, vm0, $0xb8;
	[tilespmem:$0x8400] =	vst v63  }
0x474: {  	v57 =	vperm.xlane v17, v8;
	v56 =	vadd.s32 v3, v55;
	s10 =	simm.s32 $0x6580  }
0x475: {  	[tilespmem:s10], [sflag:$0x2] =	stream.indirect_vreg.gather [hbm4b:s4+s2], $0x80, v18, vm0, $0xb8;
	[tilespmem:$0x8400] =	vst v63  }
0x476: {  	v58 =	vperm.xlane v17, v0;
	v18 =	vadd.s32 v3, v57;
	s10 =	simm.s32 $0x6600  }
0x477: {  	[tilespmem:s10], [sflag:$0x2] =	stream.indirect_vreg.gather [hbm4b:s4+s2], $0x80, v19, vm0, $0xb8;
	[tilespmem:$0x8400] =	vst v63  }
0x478: {  	v59 =	vperm.xlane v17, v9;
	v19 =	vadd.s32 v3, v58;
	s10 =	simm.s32 $0x6680  }
0x479: {  	[tilespmem:s10], [sflag:$0x2] =	stream.indirect_vreg.gather [hbm4b:s4+s2], $0x80, v56, vm0, $0xb8;
	[tilespmem:$0x8400] =	vst v63  }
0x47a: {  	v61 =	vperm.xlane v17, v10;
	v60 =	vadd.s32 v3, v59;
	s10 =	simm.s32 $0x6700  }
0x47b: {  	[tilespmem:s10], [sflag:$0x2] =	stream.indirect_vreg.gather [hbm4b:s4+s2], $0x80, v18, vm0, $0xb8;
	[tilespmem:$0x8400] =	vst v63  }
0x47c: {  	v62 =	vperm.xlane v17, v11;
	v18 =	vadd.s32 v3, v61;
	s10 =	simm.s32 $0x6780  }
0x47d: {  	[tilespmem:s10], [sflag:$0x2] =	stream.indirect_vreg.gather [hbm4b:s4+s2], $0x80, v19, vm0, $0xb8;
	[tilespmem:$0x8400] =	vst v63  }
0x47e: {  	v63 =	vperm.xlane v17, v12;
	v19 =	vadd.s32 v3, v62;
	s10 =	simm.s32 $0x6800  }
0x47f: {  	[tilespmem:s10], [sflag:$0x2] =	stream.indirect_vreg.gather [hbm4b:s4+s2], $0x80, v60, vm0, $0xb8;
	[tilespmem:$0x8400] =	vst v63  }
0x480: {  	v25 =	vperm.xlane v17, v13;
	v24 =	vadd.s32 v3, v63;
	s10 =	simm.s32 $0x6880  }
0x481: {  	[tilespmem:s10], [sflag:$0x2] =	stream.indirect_vreg.gather [hbm4b:s4+s2], $0x80, v18, vm0, $0xb8;
	[tilespmem:$0x8400] =	vst v63  }
0x482: {  	v26 =	vperm.xlane v17, v14;
	v18 =	vadd.s32 v3, v25;
	s10 =	simm.s32 $0x6900  }
0x483: {  	[tilespmem:s10], [sflag:$0x2] =	stream.indirect_vreg.gather [hbm4b:s4+s2], $0x80, v19, vm0, $0xb8;
	[tilespmem:$0x8400] =	vst v63  }
0x484: {  	v27 =	vperm.xlane v17, v15;
	v19 =	vadd.s32 v3, v26;
	s10 =	simm.s32 $0x6980  }
0x485: {  	[tilespmem:s10], [sflag:$0x2] =	stream.indirect_vreg.gather [hbm4b:s4+s2], $0x80, v24, vm0, $0xb8;
	[tilespmem:$0x8400] =	vst v63  }
0x486: {  	v17 =	vperm.xlane v17, v16;
	v28 =	vadd.s32 v3, v27;
	s10 =	simm.s32 $0x6A00  }
0x487: {  	[tilespmem:s10], [sflag:$0x2] =	stream.indirect_vreg.gather [hbm4b:s4+s2], $0x80, v18, vm0, $0xb8;
	[tilespmem:$0x8400] =	vst v63  }
0x488: {  	v17 =	vadd.s32 v3, v17;
	s10 =	simm.s32 $0x6A80  }
0x489: {  	[tilespmem:s10], [sflag:$0x2] =	stream.indirect_vreg.gather [hbm4b:s4+s2], $0x80, v19, vm0, $0xb8;
	[tilespmem:$0x8400] =	vst v63  }
0x48a: {  	s10 =	simm.s32 $0x6B00  }
0x48b: {  	[tilespmem:s10], [sflag:$0x2] =	stream.indirect_vreg.gather [hbm4b:s4+s2], $0x80, v28, vm0, $0xb8;
	[tilespmem:$0x8400] =	vst v63  }
0x48c: {  	s10 =	simm.s32 $0x6B80  }
0x48d: {  	[tilespmem:s10], [sflag:$0x2] =	stream.indirect_vreg.gather [hbm4b:s4+s2], $0x80, v17, vm0, $0xb8;
	[tilespmem:$0x8400] =	vst v63  }
0x48e: {  	v17 =	vld [tilespmem:$0x1D0];
	_ =	sdelay $0x4  }
0x48f: {  	v18 =	vshll.u32 v17, $0x4  }
0x490: {  	v17 =	vand.u32 $0x7, v17;
	v18 =	vand.u32 $0xFFFFFF80, v18  }
0x491: {  	v17 =	vor.u32 v17, v18  }
0x492: {  	v18 =	vperm.xlane v17, v2;
	_ =	sdelay $0x1  }
0x493: {  	v19 =	vperm.xlane v17, v4;
	v18 =	vadd.s32 v3, v18;
	_ =	sdelay $0x1  }
0x494: {  	v29 =	vperm.xlane v17, v5;
	v19 =	vadd.s32 v3, v19;
	_ =	sdelay $0x1  }
0x495: {  	s10 =	simm.s32 $0x6C00;
	v30 =	vperm.xlane v17, v6;
	v20 =	vadd.s32 v3, v29  }
0x496: {  	[tilespmem:s10], [sflag:$0x2] =	stream.indirect_vreg.gather [hbm4b:s4+s2], $0x80, v18, vm0, $0xb8;
	[tilespmem:$0x8400] =	vst v63  }
0x497: {  	v31 =	vperm.xlane v17, v1;
	v18 =	vadd.s32 v3, v30;
	s10 =	simm.s32 $0x6C80  }
0x498: {  	[tilespmem:s10], [sflag:$0x2] =	stream.indirect_vreg.gather [hbm4b:s4+s2], $0x80, v19, vm0, $0xb8;
	[tilespmem:$0x8400] =	vst v63  }
0x499: {  	v32 =	vperm.xlane v17, v7;
	v19 =	vadd.s32 v3, v31;
	s10 =	simm.s32 $0x6D00  }
0x49a: {  	[tilespmem:s10], [sflag:$0x2] =	stream.indirect_vreg.gather [hbm4b:s4+s2], $0x80, v20, vm0, $0xb8;
	[tilespmem:$0x8400] =	vst v63  }
0x49b: {  	v34 =	vperm.xlane v17, v8;
	v33 =	vadd.s32 v3, v32;
	s10 =	simm.s32 $0x6D80  }
0x49c: {  	[tilespmem:s10], [sflag:$0x2] =	stream.indirect_vreg.gather [hbm4b:s4+s2], $0x80, v18, vm0, $0xb8;
	[tilespmem:$0x8400] =	vst v63  }
0x49d: {  	v35 =	vperm.xlane v17, v0;
	v18 =	vadd.s32 v3, v34;
	s10 =	simm.s32 $0x6E00  }
0x49e: {  	[tilespmem:s10], [sflag:$0x2] =	stream.indirect_vreg.gather [hbm4b:s4+s2], $0x80, v19, vm0, $0xb8;
	[tilespmem:$0x8400] =	vst v63  }
0x49f: {  	v36 =	vperm.xlane v17, v9;
	v19 =	vadd.s32 v3, v35;
	s10 =	simm.s32 $0x6E80  }
0x4a0: {  	[tilespmem:s10], [sflag:$0x2] =	stream.indirect_vreg.gather [hbm4b:s4+s2], $0x80, v33, vm0, $0xb8;
	[tilespmem:$0x8400] =	vst v63  }
0x4a1: {  	v38 =	vperm.xlane v17, v10;
	v37 =	vadd.s32 v3, v36;
	s10 =	simm.s32 $0x6F00  }
0x4a2: {  	[tilespmem:s10], [sflag:$0x2] =	stream.indirect_vreg.gather [hbm4b:s4+s2], $0x80, v18, vm0, $0xb8;
	[tilespmem:$0x8400] =	vst v63  }
0x4a3: {  	v39 =	vperm.xlane v17, v11;
	v18 =	vadd.s32 v3, v38;
	s10 =	simm.s32 $0x6F80  }
0x4a4: {  	[tilespmem:s10], [sflag:$0x2] =	stream.indirect_vreg.gather [hbm4b:s4+s2], $0x80, v19, vm0, $0xb8;
	[tilespmem:$0x8400] =	vst v63  }
0x4a5: {  	v40 =	vperm.xlane v17, v12;
	v19 =	vadd.s32 v3, v39;
	s10 =	simm.s32 $0x7000  }
0x4a6: {  	[tilespmem:s10], [sflag:$0x2] =	stream.indirect_vreg.gather [hbm4b:s4+s2], $0x80, v37, vm0, $0xb8;
	[tilespmem:$0x8400] =	vst v63  }
0x4a7: {  	v42 =	vperm.xlane v17, v13;
	v41 =	vadd.s32 v3, v40;
	s10 =	simm.s32 $0x7080  }
0x4a8: {  	[tilespmem:s10], [sflag:$0x2] =	stream.indirect_vreg.gather [hbm4b:s4+s2], $0x80, v18, vm0, $0xb8;
	[tilespmem:$0x8400] =	vst v63  }
0x4a9: {  	v43 =	vperm.xlane v17, v14;
	v18 =	vadd.s32 v3, v42;
	s10 =	simm.s32 $0x7100  }
0x4aa: {  	[tilespmem:s10], [sflag:$0x2] =	stream.indirect_vreg.gather [hbm4b:s4+s2], $0x80, v19, vm0, $0xb8;
	[tilespmem:$0x8400] =	vst v63  }
0x4ab: {  	v44 =	vperm.xlane v17, v15;
	v19 =	vadd.s32 v3, v43;
	s10 =	simm.s32 $0x7180  }
0x4ac: {  	[tilespmem:s10], [sflag:$0x2] =	stream.indirect_vreg.gather [hbm4b:s4+s2], $0x80, v41, vm0, $0xb8;
	[tilespmem:$0x8400] =	vst v63  }
0x4ad: {  	v17 =	vperm.xlane v17, v16;
	v45 =	vadd.s32 v3, v44;
	s10 =	simm.s32 $0x7200  }
0x4ae: {  	[tilespmem:s10], [sflag:$0x2] =	stream.indirect_vreg.gather [hbm4b:s4+s2], $0x80, v18, vm0, $0xb8;
	[tilespmem:$0x8400] =	vst v63  }
0x4af: {  	v17 =	vadd.s32 v3, v17;
	s10 =	simm.s32 $0x7280  }
0x4b0: {  	[tilespmem:s10], [sflag:$0x2] =	stream.indirect_vreg.gather [hbm4b:s4+s2], $0x80, v19, vm0, $0xb8;
	[tilespmem:$0x8400] =	vst v63  }
0x4b1: {  	s10 =	simm.s32 $0x7300  }
0x4b2: {  	[tilespmem:s10], [sflag:$0x2] =	stream.indirect_vreg.gather [hbm4b:s4+s2], $0x80, v45, vm0, $0xb8;
	[tilespmem:$0x8400] =	vst v63  }
0x4b3: {  	s10 =	simm.s32 $0x7380  }
0x4b4: {  	[tilespmem:s10], [sflag:$0x2] =	stream.indirect_vreg.gather [hbm4b:s4+s2], $0x80, v17, vm0, $0xb8;
	[tilespmem:$0x8400] =	vst v63  }
0x4b5: {  	v17 =	vld [tilespmem:$0x1E0];
	_ =	sdelay $0x4  }
0x4b6: {  	v18 =	vshll.u32 v17, $0x4  }
0x4b7: {  	v17 =	vand.u32 $0x7, v17;
	v18 =	vand.u32 $0xFFFFFF80, v18  }
0x4b8: {  	v17 =	vor.u32 v17, v18  }
0x4b9: {  	v18 =	vperm.xlane v17, v2;
	_ =	sdelay $0x1  }
0x4ba: {  	v19 =	vperm.xlane v17, v4;
	v18 =	vadd.s32 v3, v18;
	_ =	sdelay $0x1  }
0x4bb: {  	v46 =	vperm.xlane v17, v5;
	v19 =	vadd.s32 v3, v19;
	_ =	sdelay $0x1  }
0x4bc: {  	s10 =	simm.s32 $0x7400;
	v47 =	vperm.xlane v17, v6;
	v20 =	vadd.s32 v3, v46  }
0x4bd: {  	[tilespmem:s10], [sflag:$0x2] =	stream.indirect_vreg.gather [hbm4b:s4+s2], $0x80, v18, vm0, $0xb8;
	[tilespmem:$0x8400] =	vst v63  }
0x4be: {  	v48 =	vperm.xlane v17, v1;
	v18 =	vadd.s32 v3, v47;
	s10 =	simm.s32 $0x7480  }
0x4bf: {  	[tilespmem:s10], [sflag:$0x2] =	stream.indirect_vreg.gather [hbm4b:s4+s2], $0x80, v19, vm0, $0xb8;
	[tilespmem:$0x8400] =	vst v63  }
0x4c0: {  	v49 =	vperm.xlane v17, v7;
	v19 =	vadd.s32 v3, v48;
	s10 =	simm.s32 $0x7500  }
0x4c1: {  	[tilespmem:s10], [sflag:$0x2] =	stream.indirect_vreg.gather [hbm4b:s4+s2], $0x80, v20, vm0, $0xb8;
	[tilespmem:$0x8400] =	vst v63  }
0x4c2: {  	v51 =	vperm.xlane v17, v8;
	v50 =	vadd.s32 v3, v49;
	s10 =	simm.s32 $0x7580  }
0x4c3: {  	[tilespmem:s10], [sflag:$0x2] =	stream.indirect_vreg.gather [hbm4b:s4+s2], $0x80, v18, vm0, $0xb8;
	[tilespmem:$0x8400] =	vst v63  }
0x4c4: {  	v52 =	vperm.xlane v17, v0;
	v18 =	vadd.s32 v3, v51;
	s10 =	simm.s32 $0x7600  }
0x4c5: {  	[tilespmem:s10], [sflag:$0x2] =	stream.indirect_vreg.gather [hbm4b:s4+s2], $0x80, v19, vm0, $0xb8;
	[tilespmem:$0x8400] =	vst v63  }
0x4c6: {  	v53 =	vperm.xlane v17, v9;
	v19 =	vadd.s32 v3, v52;
	s10 =	simm.s32 $0x7680  }
0x4c7: {  	[tilespmem:s10], [sflag:$0x2] =	stream.indirect_vreg.gather [hbm4b:s4+s2], $0x80, v50, vm0, $0xb8;
	[tilespmem:$0x8400] =	vst v63  }
0x4c8: {  	v55 =	vperm.xlane v17, v10;
	v54 =	vadd.s32 v3, v53;
	s10 =	simm.s32 $0x7700  }
0x4c9: {  	[tilespmem:s10], [sflag:$0x2] =	stream.indirect_vreg.gather [hbm4b:s4+s2], $0x80, v18, vm0, $0xb8;
	[tilespmem:$0x8400] =	vst v63  }
0x4ca: {  	v56 =	vperm.xlane v17, v11;
	v18 =	vadd.s32 v3, v55;
	s10 =	simm.s32 $0x7780  }
0x4cb: {  	[tilespmem:s10], [sflag:$0x2] =	stream.indirect_vreg.gather [hbm4b:s4+s2], $0x80, v19, vm0, $0xb8;
	[tilespmem:$0x8400] =	vst v63  }
0x4cc: {  	v57 =	vperm.xlane v17, v12;
	v19 =	vadd.s32 v3, v56;
	s10 =	simm.s32 $0x7800  }
0x4cd: {  	[tilespmem:s10], [sflag:$0x2] =	stream.indirect_vreg.gather [hbm4b:s4+s2], $0x80, v54, vm0, $0xb8;
	[tilespmem:$0x8400] =	vst v63  }
0x4ce: {  	v59 =	vperm.xlane v17, v13;
	v58 =	vadd.s32 v3, v57;
	s10 =	simm.s32 $0x7880  }
0x4cf: {  	[tilespmem:s10], [sflag:$0x2] =	stream.indirect_vreg.gather [hbm4b:s4+s2], $0x80, v18, vm0, $0xb8;
	[tilespmem:$0x8400] =	vst v63  }
0x4d0: {  	v60 =	vperm.xlane v17, v14;
	v18 =	vadd.s32 v3, v59;
	s10 =	simm.s32 $0x7900  }
0x4d1: {  	[tilespmem:s10], [sflag:$0x2] =	stream.indirect_vreg.gather [hbm4b:s4+s2], $0x80, v19, vm0, $0xb8;
	[tilespmem:$0x8400] =	vst v63  }
0x4d2: {  	v61 =	vperm.xlane v17, v15;
	v19 =	vadd.s32 v3, v60;
	s10 =	simm.s32 $0x7980  }
0x4d3: {  	[tilespmem:s10], [sflag:$0x2] =	stream.indirect_vreg.gather [hbm4b:s4+s2], $0x80, v58, vm0, $0xb8;
	[tilespmem:$0x8400] =	vst v63  }
0x4d4: {  	v17 =	vperm.xlane v17, v16;
	v62 =	vadd.s32 v3, v61;
	s10 =	simm.s32 $0x7A00  }
0x4d5: {  	[tilespmem:s10], [sflag:$0x2] =	stream.indirect_vreg.gather [hbm4b:s4+s2], $0x80, v18, vm0, $0xb8;
	[tilespmem:$0x8400] =	vst v63  }
0x4d6: {  	v17 =	vadd.s32 v3, v17;
	s10 =	simm.s32 $0x7A80  }
0x4d7: {  	[tilespmem:s10], [sflag:$0x2] =	stream.indirect_vreg.gather [hbm4b:s4+s2], $0x80, v19, vm0, $0xb8;
	[tilespmem:$0x8400] =	vst v63  }
0x4d8: {  	s10 =	simm.s32 $0x7B00  }
0x4d9: {  	[tilespmem:s10], [sflag:$0x2] =	stream.indirect_vreg.gather [hbm4b:s4+s2], $0x80, v62, vm0, $0xb8;
	[tilespmem:$0x8400] =	vst v63  }
0x4da: {  	s10 =	simm.s32 $0x7B80  }
0x4db: {  	[tilespmem:s10], [sflag:$0x2] =	stream.indirect_vreg.gather [hbm4b:s4+s2], $0x80, v17, vm0, $0xb8;
	[tilespmem:$0x8400] =	vst v63  }
0x4dc: {  	v17 =	vld [tilespmem:$0x1F0];
	_ =	sdelay $0x4  }
0x4dd: {  	v18 =	vshll.u32 v17, $0x4  }
0x4de: {  	v17 =	vand.u32 $0x7, v17;
	v18 =	vand.u32 $0xFFFFFF80, v18  }
0x4df: {  	v17 =	vor.u32 v17, v18  }
0x4e0: {  	v18 =	vperm.xlane v17, v2;
	_ =	sdelay $0x1  }
0x4e1: {  	v19 =	vperm.xlane v17, v4;
	v18 =	vadd.s32 v3, v18;
	_ =	sdelay $0x1  }
0x4e2: {  	v63 =	vperm.xlane v17, v5;
	v19 =	vadd.s32 v3, v19;
	_ =	sdelay $0x1  }
0x4e3: {  	s10 =	simm.s32 $0x7C00;
	v24 =	vperm.xlane v17, v6;
	v20 =	vadd.s32 v3, v63  }
0x4e4: {  	[tilespmem:s10], [sflag:$0x2] =	stream.indirect_vreg.gather [hbm4b:s4+s2], $0x80, v18, vm0, $0xb8;
	[tilespmem:$0x8400] =	vst v63  }
0x4e5: {  	v25 =	vperm.xlane v17, v1;
	v18 =	vadd.s32 v3, v24;
	s10 =	simm.s32 $0x7C80  }
0x4e6: {  	[tilespmem:s10], [sflag:$0x2] =	stream.indirect_vreg.gather [hbm4b:s4+s2], $0x80, v19, vm0, $0xb8;
	[tilespmem:$0x8400] =	vst v63  }
0x4e7: {  	v26 =	vperm.xlane v17, v7;
	v19 =	vadd.s32 v3, v25;
	s10 =	simm.s32 $0x7D00  }
0x4e8: {  	[tilespmem:s10], [sflag:$0x2] =	stream.indirect_vreg.gather [hbm4b:s4+s2], $0x80, v20, vm0, $0xb8;
	[tilespmem:$0x8400] =	vst v63  }
0x4e9: {  	v28 =	vperm.xlane v17, v8;
	v27 =	vadd.s32 v3, v26;
	s10 =	simm.s32 $0x7D80  }
0x4ea: {  	[tilespmem:s10], [sflag:$0x2] =	stream.indirect_vreg.gather [hbm4b:s4+s2], $0x80, v18, vm0, $0xb8;
	[tilespmem:$0x8400] =	vst v63  }
0x4eb: {  	v29 =	vperm.xlane v17, v0;
	v18 =	vadd.s32 v3, v28;
	s10 =	simm.s32 $0x7E00  }
0x4ec: {  	[tilespmem:s10], [sflag:$0x2] =	stream.indirect_vreg.gather [hbm4b:s4+s2], $0x80, v19, vm0, $0xb8;
	[tilespmem:$0x8400] =	vst v63  }
0x4ed: {  	v30 =	vperm.xlane v17, v9;
	v19 =	vadd.s32 v3, v29;
	s10 =	simm.s32 $0x7E80  }
0x4ee: {  	[tilespmem:s10], [sflag:$0x2] =	stream.indirect_vreg.gather [hbm4b:s4+s2], $0x80, v27, vm0, $0xb8;
	[tilespmem:$0x8400] =	vst v63  }
0x4ef: {  	v32 =	vperm.xlane v17, v10;
	v31 =	vadd.s32 v3, v30;
	s10 =	simm.s32 $0x7F00  }
0x4f0: {  	[tilespmem:s10], [sflag:$0x2] =	stream.indirect_vreg.gather [hbm4b:s4+s2], $0x80, v18, vm0, $0xb8;
	[tilespmem:$0x8400] =	vst v63  }
0x4f1: {  	v33 =	vperm.xlane v17, v11;
	v18 =	vadd.s32 v3, v32;
	s10 =	simm.s32 $0x7F80  }
0x4f2: {  	[tilespmem:s10], [sflag:$0x2] =	stream.indirect_vreg.gather [hbm4b:s4+s2], $0x80, v19, vm0, $0xb8;
	[tilespmem:$0x8400] =	vst v63  }
0x4f3: {  	v34 =	vperm.xlane v17, v12;
	v19 =	vadd.s32 v3, v33;
	s10 =	simm.s32 $0x8000  }
0x4f4: {  	[tilespmem:s10], [sflag:$0x2] =	stream.indirect_vreg.gather [hbm4b:s4+s2], $0x80, v31, vm0, $0xb8;
	[tilespmem:$0x8400] =	vst v63  }
0x4f5: {  	v36 =	vperm.xlane v17, v13;
	v35 =	vadd.s32 v3, v34;
	s10 =	simm.s32 $0x8080  }
0x4f6: {  	[tilespmem:s10], [sflag:$0x2] =	stream.indirect_vreg.gather [hbm4b:s4+s2], $0x80, v18, vm0, $0xb8;
	[tilespmem:$0x8400] =	vst v63  }
0x4f7: {  	v37 =	vperm.xlane v17, v14;
	v18 =	vadd.s32 v3, v36;
	s10 =	simm.s32 $0x8100  }
0x4f8: {  	[tilespmem:s10], [sflag:$0x2] =	stream.indirect_vreg.gather [hbm4b:s4+s2], $0x80, v19, vm0, $0xb8;
	[tilespmem:$0x8400] =	vst v63  }
0x4f9: {  	v38 =	vperm.xlane v17, v15;
	v19 =	vadd.s32 v3, v37;
	s10 =	simm.s32 $0x8180  }
0x4fa: {  	[tilespmem:s10], [sflag:$0x2] =	stream.indirect_vreg.gather [hbm4b:s4+s2], $0x80, v35, vm0, $0xb8;
	[tilespmem:$0x8400] =	vst v63  }
0x4fb: {  	v17 =	vperm.xlane v17, v16;
	v39 =	vadd.s32 v3, v38;
	s10 =	simm.s32 $0x8200  }
0x4fc: {  	[tilespmem:s10], [sflag:$0x2] =	stream.indirect_vreg.gather [hbm4b:s4+s2], $0x80, v18, vm0, $0xb8;
	[tilespmem:$0x8400] =	vst v63  }
0x4fd: {  	v17 =	vadd.s32 v3, v17;
	s10 =	simm.s32 $0x8280  }
0x4fe: {  	[tilespmem:s10], [sflag:$0x2] =	stream.indirect_vreg.gather [hbm4b:s4+s2], $0x80, v19, vm0, $0xb8;
	[tilespmem:$0x8400] =	vst v63  }
0x4ff: {  	s10 =	simm.s32 $0x8300  }
0x500: {  	[tilespmem:s10], [sflag:$0x2] =	stream.indirect_vreg.gather [hbm4b:s4+s2], $0x80, v39, vm0, $0xb8;
	[tilespmem:$0x8400] =	vst v63  }
0x501: {  	s10 =	simm.s32 $0x8380  }
0x502: {  	[tilespmem:s10], [sflag:$0x2] =	stream.indirect_vreg.gather [hbm4b:s4+s2], $0x80, v17, vm0, $0xb8;
	[tilespmem:$0x8400] =	vst v63  }
0x503: {  	_ =	swait.ge [sflag:s8], $0x4000  }
0x504: {  	[sflag:s8] =	ssyncset.done $0x0  }
0x505: {  	s1 =	simm.s32 $0x400;
	s0 =	rddreg [dreg:$0x5];
	[sflag:s8] =	ssyncadd.s32 $0xFFFFC000  }
0x506: {  	[hbm4b:s0+s2] =	stream.linear.scatter [tilespmem:s1], [sflag:$0x3], $0x4000, $0x38;
	[tilespmem:$0x8400] =	vst v63  }
0x507: {  	_ =	swait.ge [sflag:s6], $0x4000  }
0x508: {  	[sflag:s6] =	ssyncset.done $0x0  }
0x509: {  	[sflag:s6] =	ssyncadd.s32 $0xFFFFC000  }
0x50a: {  	v17 =	vld [tilespmem:$0x200];
	_ =	sdelay $0x4  }
0x50b: {  	v18 =	vshll.u32 v17, $0x4  }
0x50c: {  	v17 =	vand.u32 $0x7, v17;
	v18 =	vand.u32 $0xFFFFFF80, v18  }
0x50d: {  	v17 =	vor.u32 v17, v18  }
0x50e: {  	v18 =	vperm.xlane v17, v2;
	_ =	sdelay $0x1  }
0x50f: {  	v19 =	vperm.xlane v17, v4;
	v18 =	vadd.s32 v3, v18;
	_ =	sdelay $0x1  }
0x510: {  	v40 =	vperm.xlane v17, v5;
	v19 =	vadd.s32 v3, v19;
	_ =	sdelay $0x1  }
0x511: {  	v41 =	vperm.xlane v17, v6;
	v20 =	vadd.s32 v3, v40  }
0x512: {  	[tilespmem:s1], [sflag:$0x1] =	stream.indirect_vreg.gather [hbm4b:s4+s2], $0x80, v18, vm0, $0xb8;
	[tilespmem:$0x8400] =	vst v63  }
0x513: {  	s10 =	simm.s32 $0x480;
	v42 =	vperm.xlane v17, v1;
	v18 =	vadd.s32 v3, v41  }
0x514: {  	[tilespmem:s10], [sflag:$0x1] =	stream.indirect_vreg.gather [hbm4b:s4+s2], $0x80, v19, vm0, $0xb8;
	[tilespmem:$0x8400] =	vst v63  }
0x515: {  	v43 =	vperm.xlane v17, v7;
	s1 =	simm.s32 $0x500;
	v19 =	vadd.s32 v3, v42  }
0x516: {  	[tilespmem:s1], [sflag:$0x1] =	stream.indirect_vreg.gather [hbm4b:s4+s2], $0x80, v20, vm0, $0xb8;
	[tilespmem:$0x8400] =	vst v63  }
0x517: {  	v45 =	vperm.xlane v17, v8;
	v44 =	vadd.s32 v3, v43;
	s10 =	simm.s32 $0x580  }
0x518: {  	[tilespmem:s10], [sflag:$0x1] =	stream.indirect_vreg.gather [hbm4b:s4+s2], $0x80, v18, vm0, $0xb8;
	[tilespmem:$0x8400] =	vst v63  }
0x519: {  	v46 =	vperm.xlane v17, v0;
	s1 =	simm.s32 $0x600;
	v18 =	vadd.s32 v3, v45  }
0x51a: {  	[tilespmem:s1], [sflag:$0x1] =	stream.indirect_vreg.gather [hbm4b:s4+s2], $0x80, v19, vm0, $0xb8;
	[tilespmem:$0x8400] =	vst v63  }
0x51b: {  	v47 =	vperm.xlane v17, v9;
	s10 =	simm.s32 $0x680;
	v19 =	vadd.s32 v3, v46  }
0x51c: {  	[tilespmem:s10], [sflag:$0x1] =	stream.indirect_vreg.gather [hbm4b:s4+s2], $0x80, v44, vm0, $0xb8;
	[tilespmem:$0x8400] =	vst v63  }
0x51d: {  	v49 =	vperm.xlane v17, v10;
	v48 =	vadd.s32 v3, v47;
	s1 =	simm.s32 $0x700  }
0x51e: {  	[tilespmem:s1], [sflag:$0x1] =	stream.indirect_vreg.gather [hbm4b:s4+s2], $0x80, v18, vm0, $0xb8;
	[tilespmem:$0x8400] =	vst v63  }
0x51f: {  	v50 =	vperm.xlane v17, v11;
	s10 =	simm.s32 $0x780;
	v18 =	vadd.s32 v3, v49  }
0x520: {  	[tilespmem:s10], [sflag:$0x1] =	stream.indirect_vreg.gather [hbm4b:s4+s2], $0x80, v19, vm0, $0xb8;
	[tilespmem:$0x8400] =	vst v63  }
0x521: {  	v51 =	vperm.xlane v17, v12;
	s1 =	simm.s32 $0x800;
	v19 =	vadd.s32 v3, v50  }
0x522: {  	[tilespmem:s1], [sflag:$0x1] =	stream.indirect_vreg.gather [hbm4b:s4+s2], $0x80, v48, vm0, $0xb8;
	[tilespmem:$0x8400] =	vst v63  }
0x523: {  	v53 =	vperm.xlane v17, v13;
	v52 =	vadd.s32 v3, v51;
	s10 =	simm.s32 $0x880  }
0x524: {  	[tilespmem:s10], [sflag:$0x1] =	stream.indirect_vreg.gather [hbm4b:s4+s2], $0x80, v18, vm0, $0xb8;
	[tilespmem:$0x8400] =	vst v63  }
0x525: {  	v54 =	vperm.xlane v17, v14;
	s1 =	simm.s32 $0x900;
	v18 =	vadd.s32 v3, v53  }
0x526: {  	[tilespmem:s1], [sflag:$0x1] =	stream.indirect_vreg.gather [hbm4b:s4+s2], $0x80, v19, vm0, $0xb8;
	[tilespmem:$0x8400] =	vst v63  }
0x527: {  	v55 =	vperm.xlane v17, v15;
	s10 =	simm.s32 $0x980;
	v19 =	vadd.s32 v3, v54  }
0x528: {  	[tilespmem:s10], [sflag:$0x1] =	stream.indirect_vreg.gather [hbm4b:s4+s2], $0x80, v52, vm0, $0xb8;
	[tilespmem:$0x8400] =	vst v63  }
0x529: {  	v17 =	vperm.xlane v17, v16;
	v56 =	vadd.s32 v3, v55;
	s1 =	simm.s32 $0xA00  }
0x52a: {  	[tilespmem:s1], [sflag:$0x1] =	stream.indirect_vreg.gather [hbm4b:s4+s2], $0x80, v18, vm0, $0xb8;
	[tilespmem:$0x8400] =	vst v63  }
0x52b: {  	v17 =	vadd.s32 v3, v17;
	s10 =	simm.s32 $0xA80  }
0x52c: {  	[tilespmem:s10], [sflag:$0x1] =	stream.indirect_vreg.gather [hbm4b:s4+s2], $0x80, v19, vm0, $0xb8;
	[tilespmem:$0x8400] =	vst v63  }
0x52d: {  	s1 =	simm.s32 $0xB00  }
0x52e: {  	[tilespmem:s1], [sflag:$0x1] =	stream.indirect_vreg.gather [hbm4b:s4+s2], $0x80, v56, vm0, $0xb8;
	[tilespmem:$0x8400] =	vst v63  }
0x52f: {  	s10 =	simm.s32 $0xB80  }
0x530: {  	[tilespmem:s10], [sflag:$0x1] =	stream.indirect_vreg.gather [hbm4b:s4+s2], $0x80, v17, vm0, $0xb8;
	[tilespmem:$0x8400] =	vst v63  }
0x531: {  	v17 =	vld [tilespmem:$0x210];
	_ =	sdelay $0x4  }
0x532: {  	v18 =	vshll.u32 v17, $0x4  }
0x533: {  	v17 =	vand.u32 $0x7, v17;
	v18 =	vand.u32 $0xFFFFFF80, v18  }
0x534: {  	v17 =	vor.u32 v17, v18  }
0x535: {  	v18 =	vperm.xlane v17, v2;
	_ =	sdelay $0x1  }
0x536: {  	v19 =	vperm.xlane v17, v4;
	v18 =	vadd.s32 v3, v18;
	_ =	sdelay $0x1  }
0x537: {  	v57 =	vperm.xlane v17, v5;
	v19 =	vadd.s32 v3, v19;
	_ =	sdelay $0x1  }
0x538: {  	s1 =	simm.s32 $0xC00;
	v58 =	vperm.xlane v17, v6;
	v20 =	vadd.s32 v3, v57  }
0x539: {  	[tilespmem:s1], [sflag:$0x1] =	stream.indirect_vreg.gather [hbm4b:s4+s2], $0x80, v18, vm0, $0xb8;
	[tilespmem:$0x8400] =	vst v63  }
0x53a: {  	s10 =	simm.s32 $0xC80;
	v59 =	vperm.xlane v17, v1;
	v18 =	vadd.s32 v3, v58  }
0x53b: {  	[tilespmem:s10], [sflag:$0x1] =	stream.indirect_vreg.gather [hbm4b:s4+s2], $0x80, v19, vm0, $0xb8;
	[tilespmem:$0x8400] =	vst v63  }
0x53c: {  	v60 =	vperm.xlane v17, v7;
	v19 =	vadd.s32 v3, v59  }
0x53d: {  	[tilespmem:s23], [sflag:$0x1] =	stream.indirect_vreg.gather [hbm4b:s4+s2], $0x80, v20, vm0, $0xb8;
	[tilespmem:$0x8400] =	vst v63  }
0x53e: {  	v62 =	vperm.xlane v17, v8;
	v61 =	vadd.s32 v3, v60  }
0x53f: {  	[tilespmem:s24], [sflag:$0x1] =	stream.indirect_vreg.gather [hbm4b:s4+s2], $0x80, v18, vm0, $0xb8;
	[tilespmem:$0x8400] =	vst v63  }
0x540: {  	v63 =	vperm.xlane v17, v0;
	v18 =	vadd.s32 v3, v62  }
0x541: {  	[tilespmem:s25], [sflag:$0x1] =	stream.indirect_vreg.gather [hbm4b:s4+s2], $0x80, v19, vm0, $0xb8;
	[tilespmem:$0x8400] =	vst v63  }
0x542: {  	v24 =	vperm.xlane v17, v9;
	v19 =	vadd.s32 v3, v63  }
0x543: {  	[tilespmem:s26], [sflag:$0x1] =	stream.indirect_vreg.gather [hbm4b:s4+s2], $0x80, v61, vm0, $0xb8;
	[tilespmem:$0x8400] =	vst v63  }
0x544: {  	v26 =	vperm.xlane v17, v10;
	v25 =	vadd.s32 v3, v24  }
0x545: {  	[tilespmem:s28], [sflag:$0x1] =	stream.indirect_vreg.gather [hbm4b:s4+s2], $0x80, v18, vm0, $0xb8;
	[tilespmem:$0x8400] =	vst v63  }
0x546: {  	v27 =	vperm.xlane v17, v11;
	v18 =	vadd.s32 v3, v26  }
0x547: {  	[tilespmem:s29], [sflag:$0x1] =	stream.indirect_vreg.gather [hbm4b:s4+s2], $0x80, v19, vm0, $0xb8;
	[tilespmem:$0x8400] =	vst v63  }
0x548: {  	v28 =	vperm.xlane v17, v12;
	v19 =	vadd.s32 v3, v27  }
0x549: {  	[tilespmem:s30], [sflag:$0x1] =	stream.indirect_vreg.gather [hbm4b:s4+s2], $0x80, v25, vm0, $0xb8;
	[tilespmem:$0x8400] =	vst v63  }
0x54a: {  	v30 =	vperm.xlane v17, v13;
	v29 =	vadd.s32 v3, v28  }
0x54b: {  	[tilespmem:s31], [sflag:$0x1] =	stream.indirect_vreg.gather [hbm4b:s4+s2], $0x80, v18, vm0, $0xb8;
	[tilespmem:$0x8400] =	vst v63  }
0x54c: {  	v31 =	vperm.xlane v17, v14;
	s1 =	simm.s32 $0x1100;
	v18 =	vadd.s32 v3, v30  }
0x54d: {  	[tilespmem:s1], [sflag:$0x1] =	stream.indirect_vreg.gather [hbm4b:s4+s2], $0x80, v19, vm0, $0xb8;
	[tilespmem:$0x8400] =	vst v63  }
0x54e: {  	v32 =	vperm.xlane v17, v15;
	s10 =	simm.s32 $0x1180;
	v19 =	vadd.s32 v3, v31  }
0x54f: {  	[tilespmem:s10], [sflag:$0x1] =	stream.indirect_vreg.gather [hbm4b:s4+s2], $0x80, v29, vm0, $0xb8;
	[tilespmem:$0x8400] =	vst v63  }
0x550: {  	v17 =	vperm.xlane v17, v16;
	v33 =	vadd.s32 v3, v32;
	s1 =	simm.s32 $0x1200  }
0x551: {  	[tilespmem:s1], [sflag:$0x1] =	stream.indirect_vreg.gather [hbm4b:s4+s2], $0x80, v18, vm0, $0xb8;
	[tilespmem:$0x8400] =	vst v63  }
0x552: {  	v17 =	vadd.s32 v3, v17;
	s10 =	simm.s32 $0x1280  }
0x553: {  	[tilespmem:s10], [sflag:$0x1] =	stream.indirect_vreg.gather [hbm4b:s4+s2], $0x80, v19, vm0, $0xb8;
	[tilespmem:$0x8400] =	vst v63  }
0x554: {  	_ = 	snop  }
0x555: {  	[tilespmem:s7], [sflag:$0x1] =	stream.indirect_vreg.gather [hbm4b:s4+s2], $0x80, v33, vm0, $0xb8;
	[tilespmem:$0x8400] =	vst v63  }
0x556: {  	s1 =	simm.s32 $0x1380  }
0x557: {  	[tilespmem:s1], [sflag:$0x1] =	stream.indirect_vreg.gather [hbm4b:s4+s2], $0x80, v17, vm0, $0xb8;
	[tilespmem:$0x8400] =	vst v63  }
0x558: {  	v17 =	vld [tilespmem:$0x220];
	_ =	sdelay $0x4  }
0x559: {  	v18 =	vshll.u32 v17, $0x4  }
0x55a: {  	v17 =	vand.u32 $0x7, v17;
	v18 =	vand.u32 $0xFFFFFF80, v18  }
0x55b: {  	v17 =	vor.u32 v17, v18  }
0x55c: {  	v18 =	vperm.xlane v17, v2;
	_ =	sdelay $0x1  }
0x55d: {  	v19 =	vperm.xlane v17, v4;
	v18 =	vadd.s32 v3, v18;
	_ =	sdelay $0x1  }
0x55e: {  	v34 =	vperm.xlane v17, v5;
	v19 =	vadd.s32 v3, v19;
	_ =	sdelay $0x1  }
0x55f: {  	s10 =	simm.s32 $0x1400;
	v35 =	vperm.xlane v17, v6;
	v20 =	vadd.s32 v3, v34  }
0x560: {  	[tilespmem:s10], [sflag:$0x1] =	stream.indirect_vreg.gather [hbm4b:s4+s2], $0x80, v18, vm0, $0xb8;
	[tilespmem:$0x8400] =	vst v63  }
0x561: {  	s1 =	simm.s32 $0x1480;
	v36 =	vperm.xlane v17, v1;
	v18 =	vadd.s32 v3, v35  }
0x562: {  	[tilespmem:s1], [sflag:$0x1] =	stream.indirect_vreg.gather [hbm4b:s4+s2], $0x80, v19, vm0, $0xb8;
	[tilespmem:$0x8400] =	vst v63  }
0x563: {  	v37 =	vperm.xlane v17, v7;
	s10 =	simm.s32 $0x1500;
	v19 =	vadd.s32 v3, v36  }
0x564: {  	[tilespmem:s10], [sflag:$0x1] =	stream.indirect_vreg.gather [hbm4b:s4+s2], $0x80, v20, vm0, $0xb8;
	[tilespmem:$0x8400] =	vst v63  }
0x565: {  	v39 =	vperm.xlane v17, v8;
	v38 =	vadd.s32 v3, v37;
	s1 =	simm.s32 $0x1580  }
0x566: {  	[tilespmem:s1], [sflag:$0x1] =	stream.indirect_vreg.gather [hbm4b:s4+s2], $0x80, v18, vm0, $0xb8;
	[tilespmem:$0x8400] =	vst v63  }
0x567: {  	v40 =	vperm.xlane v17, v0;
	s10 =	simm.s32 $0x1600;
	v18 =	vadd.s32 v3, v39  }
0x568: {  	[tilespmem:s10], [sflag:$0x1] =	stream.indirect_vreg.gather [hbm4b:s4+s2], $0x80, v19, vm0, $0xb8;
	[tilespmem:$0x8400] =	vst v63  }
0x569: {  	v41 =	vperm.xlane v17, v9;
	s1 =	simm.s32 $0x1680;
	v19 =	vadd.s32 v3, v40  }
0x56a: {  	[tilespmem:s1], [sflag:$0x1] =	stream.indirect_vreg.gather [hbm4b:s4+s2], $0x80, v38, vm0, $0xb8;
	[tilespmem:$0x8400] =	vst v63  }
0x56b: {  	v43 =	vperm.xlane v17, v10;
	v42 =	vadd.s32 v3, v41;
	s10 =	simm.s32 $0x1700  }
0x56c: {  	[tilespmem:s10], [sflag:$0x1] =	stream.indirect_vreg.gather [hbm4b:s4+s2], $0x80, v18, vm0, $0xb8;
	[tilespmem:$0x8400] =	vst v63  }
0x56d: {  	v44 =	vperm.xlane v17, v11;
	s1 =	simm.s32 $0x1780;
	v18 =	vadd.s32 v3, v43  }
0x56e: {  	[tilespmem:s1], [sflag:$0x1] =	stream.indirect_vreg.gather [hbm4b:s4+s2], $0x80, v19, vm0, $0xb8;
	[tilespmem:$0x8400] =	vst v63  }
0x56f: {  	v45 =	vperm.xlane v17, v12;
	s10 =	simm.s32 $0x1800;
	v19 =	vadd.s32 v3, v44  }
0x570: {  	[tilespmem:s10], [sflag:$0x1] =	stream.indirect_vreg.gather [hbm4b:s4+s2], $0x80, v42, vm0, $0xb8;
	[tilespmem:$0x8400] =	vst v63  }
0x571: {  	v47 =	vperm.xlane v17, v13;
	v46 =	vadd.s32 v3, v45;
	s1 =	simm.s32 $0x1880  }
0x572: {  	[tilespmem:s1], [sflag:$0x1] =	stream.indirect_vreg.gather [hbm4b:s4+s2], $0x80, v18, vm0, $0xb8;
	[tilespmem:$0x8400] =	vst v63  }
0x573: {  	v48 =	vperm.xlane v17, v14;
	s10 =	simm.s32 $0x1900;
	v18 =	vadd.s32 v3, v47  }
0x574: {  	[tilespmem:s10], [sflag:$0x1] =	stream.indirect_vreg.gather [hbm4b:s4+s2], $0x80, v19, vm0, $0xb8;
	[tilespmem:$0x8400] =	vst v63  }
0x575: {  	v49 =	vperm.xlane v17, v15;
	s1 =	simm.s32 $0x1980;
	v19 =	vadd.s32 v3, v48  }
0x576: {  	[tilespmem:s1], [sflag:$0x1] =	stream.indirect_vreg.gather [hbm4b:s4+s2], $0x80, v46, vm0, $0xb8;
	[tilespmem:$0x8400] =	vst v63  }
0x577: {  	v17 =	vperm.xlane v17, v16;
	v50 =	vadd.s32 v3, v49;
	s10 =	simm.s32 $0x1A00  }
0x578: {  	[tilespmem:s10], [sflag:$0x1] =	stream.indirect_vreg.gather [hbm4b:s4+s2], $0x80, v18, vm0, $0xb8;
	[tilespmem:$0x8400] =	vst v63  }
0x579: {  	v17 =	vadd.s32 v3, v17  }
0x57a: {  	[tilespmem:s11], [sflag:$0x1] =	stream.indirect_vreg.gather [hbm4b:s4+s2], $0x80, v19, vm0, $0xb8;
	[tilespmem:$0x8400] =	vst v63  }
0x57b: {  	_ = 	snop  }
0x57c: {  	[tilespmem:s12], [sflag:$0x1] =	stream.indirect_vreg.gather [hbm4b:s4+s2], $0x80, v50, vm0, $0xb8;
	[tilespmem:$0x8400] =	vst v63  }
0x57d: {  	s1 =	simm.s32 $0x1B80  }
0x57e: {  	[tilespmem:s1], [sflag:$0x1] =	stream.indirect_vreg.gather [hbm4b:s4+s2], $0x80, v17, vm0, $0xb8;
	[tilespmem:$0x8400] =	vst v63  }
0x57f: {  	v17 =	vld [tilespmem:$0x230];
	_ =	sdelay $0x4  }
0x580: {  	v18 =	vshll.u32 v17, $0x4  }
0x581: {  	v17 =	vand.u32 $0x7, v17;
	v18 =	vand.u32 $0xFFFFFF80, v18  }
0x582: {  	v17 =	vor.u32 v17, v18  }
0x583: {  	v18 =	vperm.xlane v17, v2;
	_ =	sdelay $0x1  }
0x584: {  	v19 =	vperm.xlane v17, v4;
	v18 =	vadd.s32 v3, v18;
	_ =	sdelay $0x1  }
0x585: {  	v51 =	vperm.xlane v17, v5;
	v19 =	vadd.s32 v3, v19;
	_ =	sdelay $0x1  }
0x586: {  	s10 =	simm.s32 $0x1C00;
	v52 =	vperm.xlane v17, v6;
	v20 =	vadd.s32 v3, v51  }
0x587: {  	[tilespmem:s10], [sflag:$0x1] =	stream.indirect_vreg.gather [hbm4b:s4+s2], $0x80, v18, vm0, $0xb8;
	[tilespmem:$0x8400] =	vst v63  }
0x588: {  	s1 =	simm.s32 $0x1C80;
	v53 =	vperm.xlane v17, v1;
	v18 =	vadd.s32 v3, v52  }
0x589: {  	[tilespmem:s1], [sflag:$0x1] =	stream.indirect_vreg.gather [hbm4b:s4+s2], $0x80, v19, vm0, $0xb8;
	[tilespmem:$0x8400] =	vst v63  }
0x58a: {  	v54 =	vperm.xlane v17, v7;
	s10 =	simm.s32 $0x1D00;
	v19 =	vadd.s32 v3, v53  }
0x58b: {  	[tilespmem:s10], [sflag:$0x1] =	stream.indirect_vreg.gather [hbm4b:s4+s2], $0x80, v20, vm0, $0xb8;
	[tilespmem:$0x8400] =	vst v63  }
0x58c: {  	v56 =	vperm.xlane v17, v8;
	v55 =	vadd.s32 v3, v54;
	s1 =	simm.s32 $0x1D80  }
0x58d: {  	[tilespmem:s1], [sflag:$0x1] =	stream.indirect_vreg.gather [hbm4b:s4+s2], $0x80, v18, vm0, $0xb8;
	[tilespmem:$0x8400] =	vst v63  }
0x58e: {  	v57 =	vperm.xlane v17, v0;
	s10 =	simm.s32 $0x1E00;
	v18 =	vadd.s32 v3, v56  }
0x58f: {  	[tilespmem:s10], [sflag:$0x1] =	stream.indirect_vreg.gather [hbm4b:s4+s2], $0x80, v19, vm0, $0xb8;
	[tilespmem:$0x8400] =	vst v63  }
0x590: {  	v58 =	vperm.xlane v17, v9;
	s1 =	simm.s32 $0x1E80;
	v19 =	vadd.s32 v3, v57  }
0x591: {  	[tilespmem:s1], [sflag:$0x1] =	stream.indirect_vreg.gather [hbm4b:s4+s2], $0x80, v55, vm0, $0xb8;
	[tilespmem:$0x8400] =	vst v63  }
0x592: {  	v60 =	vperm.xlane v17, v10;
	v59 =	vadd.s32 v3, v58;
	s10 =	simm.s32 $0x1F00  }
0x593: {  	[tilespmem:s10], [sflag:$0x1] =	stream.indirect_vreg.gather [hbm4b:s4+s2], $0x80, v18, vm0, $0xb8;
	[tilespmem:$0x8400] =	vst v63  }
0x594: {  	v61 =	vperm.xlane v17, v11;
	s1 =	simm.s32 $0x1F80;
	v18 =	vadd.s32 v3, v60  }
0x595: {  	[tilespmem:s1], [sflag:$0x1] =	stream.indirect_vreg.gather [hbm4b:s4+s2], $0x80, v19, vm0, $0xb8;
	[tilespmem:$0x8400] =	vst v63  }
0x596: {  	v62 =	vperm.xlane v17, v12;
	s10 =	simm.s32 $0x2000;
	v19 =	vadd.s32 v3, v61  }
0x597: {  	[tilespmem:s10], [sflag:$0x1] =	stream.indirect_vreg.gather [hbm4b:s4+s2], $0x80, v59, vm0, $0xb8;
	[tilespmem:$0x8400] =	vst v63  }
0x598: {  	v24 =	vperm.xlane v17, v13;
	v63 =	vadd.s32 v3, v62;
	s1 =	simm.s32 $0x2080  }
0x599: {  	[tilespmem:s1], [sflag:$0x1] =	stream.indirect_vreg.gather [hbm4b:s4+s2], $0x80, v18, vm0, $0xb8;
	[tilespmem:$0x8400] =	vst v63  }
0x59a: {  	v25 =	vperm.xlane v17, v14;
	s10 =	simm.s32 $0x2100;
	v18 =	vadd.s32 v3, v24  }
0x59b: {  	[tilespmem:s10], [sflag:$0x1] =	stream.indirect_vreg.gather [hbm4b:s4+s2], $0x80, v19, vm0, $0xb8;
	[tilespmem:$0x8400] =	vst v63  }
0x59c: {  	v26 =	vperm.xlane v17, v15;
	s1 =	simm.s32 $0x2180;
	v19 =	vadd.s32 v3, v25  }
0x59d: {  	[tilespmem:s1], [sflag:$0x1] =	stream.indirect_vreg.gather [hbm4b:s4+s2], $0x80, v63, vm0, $0xb8;
	[tilespmem:$0x8400] =	vst v63  }
0x59e: {  	v17 =	vperm.xlane v17, v16;
	v27 =	vadd.s32 v3, v26;
	s10 =	simm.s32 $0x2200  }
0x59f: {  	[tilespmem:s10], [sflag:$0x1] =	stream.indirect_vreg.gather [hbm4b:s4+s2], $0x80, v18, vm0, $0xb8;
	[tilespmem:$0x8400] =	vst v63  }
0x5a0: {  	v17 =	vadd.s32 v3, v17  }
0x5a1: {  	[tilespmem:s13], [sflag:$0x1] =	stream.indirect_vreg.gather [hbm4b:s4+s2], $0x80, v19, vm0, $0xb8;
	[tilespmem:$0x8400] =	vst v63  }
0x5a2: {  	_ = 	snop  }
0x5a3: {  	[tilespmem:s14], [sflag:$0x1] =	stream.indirect_vreg.gather [hbm4b:s4+s2], $0x80, v27, vm0, $0xb8;
	[tilespmem:$0x8400] =	vst v63  }
0x5a4: {  	s1 =	simm.s32 $0x2380  }
0x5a5: {  	[tilespmem:s1], [sflag:$0x1] =	stream.indirect_vreg.gather [hbm4b:s4+s2], $0x80, v17, vm0, $0xb8;
	[tilespmem:$0x8400] =	vst v63  }
0x5a6: {  	v17 =	vld [tilespmem:$0x240];
	_ =	sdelay $0x4  }
0x5a7: {  	v18 =	vshll.u32 v17, $0x4  }
0x5a8: {  	v17 =	vand.u32 $0x7, v17;
	v18 =	vand.u32 $0xFFFFFF80, v18  }
0x5a9: {  	v17 =	vor.u32 v17, v18  }
0x5aa: {  	v18 =	vperm.xlane v17, v2;
	_ =	sdelay $0x1  }
0x5ab: {  	v19 =	vperm.xlane v17, v4;
	v18 =	vadd.s32 v3, v18;
	_ =	sdelay $0x1  }
0x5ac: {  	v28 =	vperm.xlane v17, v5;
	v19 =	vadd.s32 v3, v19;
	_ =	sdelay $0x1  }
0x5ad: {  	s10 =	simm.s32 $0x2400;
	v29 =	vperm.xlane v17, v6;
	v20 =	vadd.s32 v3, v28  }
0x5ae: {  	[tilespmem:s10], [sflag:$0x1] =	stream.indirect_vreg.gather [hbm4b:s4+s2], $0x80, v18, vm0, $0xb8;
	[tilespmem:$0x8400] =	vst v63  }
0x5af: {  	s1 =	simm.s32 $0x2480;
	v30 =	vperm.xlane v17, v1;
	v18 =	vadd.s32 v3, v29  }
0x5b0: {  	[tilespmem:s1], [sflag:$0x1] =	stream.indirect_vreg.gather [hbm4b:s4+s2], $0x80, v19, vm0, $0xb8;
	[tilespmem:$0x8400] =	vst v63  }
0x5b1: {  	v31 =	vperm.xlane v17, v7;
	s10 =	simm.s32 $0x2500;
	v19 =	vadd.s32 v3, v30  }
0x5b2: {  	[tilespmem:s10], [sflag:$0x1] =	stream.indirect_vreg.gather [hbm4b:s4+s2], $0x80, v20, vm0, $0xb8;
	[tilespmem:$0x8400] =	vst v63  }
0x5b3: {  	v33 =	vperm.xlane v17, v8;
	v32 =	vadd.s32 v3, v31;
	s1 =	simm.s32 $0x2580  }
0x5b4: {  	[tilespmem:s1], [sflag:$0x1] =	stream.indirect_vreg.gather [hbm4b:s4+s2], $0x80, v18, vm0, $0xb8;
	[tilespmem:$0x8400] =	vst v63  }
0x5b5: {  	v34 =	vperm.xlane v17, v0;
	s10 =	simm.s32 $0x2600;
	v18 =	vadd.s32 v3, v33  }
0x5b6: {  	[tilespmem:s10], [sflag:$0x1] =	stream.indirect_vreg.gather [hbm4b:s4+s2], $0x80, v19, vm0, $0xb8;
	[tilespmem:$0x8400] =	vst v63  }
0x5b7: {  	v35 =	vperm.xlane v17, v9;
	s1 =	simm.s32 $0x2680;
	v19 =	vadd.s32 v3, v34  }
0x5b8: {  	[tilespmem:s1], [sflag:$0x1] =	stream.indirect_vreg.gather [hbm4b:s4+s2], $0x80, v32, vm0, $0xb8;
	[tilespmem:$0x8400] =	vst v63  }
0x5b9: {  	v37 =	vperm.xlane v17, v10;
	v36 =	vadd.s32 v3, v35;
	s10 =	simm.s32 $0x2700  }
0x5ba: {  	[tilespmem:s10], [sflag:$0x1] =	stream.indirect_vreg.gather [hbm4b:s4+s2], $0x80, v18, vm0, $0xb8;
	[tilespmem:$0x8400] =	vst v63  }
0x5bb: {  	v38 =	vperm.xlane v17, v11;
	s1 =	simm.s32 $0x2780;
	v18 =	vadd.s32 v3, v37  }
0x5bc: {  	[tilespmem:s1], [sflag:$0x1] =	stream.indirect_vreg.gather [hbm4b:s4+s2], $0x80, v19, vm0, $0xb8;
	[tilespmem:$0x8400] =	vst v63  }
0x5bd: {  	v39 =	vperm.xlane v17, v12;
	s10 =	simm.s32 $0x2800;
	v19 =	vadd.s32 v3, v38  }
0x5be: {  	[tilespmem:s10], [sflag:$0x1] =	stream.indirect_vreg.gather [hbm4b:s4+s2], $0x80, v36, vm0, $0xb8;
	[tilespmem:$0x8400] =	vst v63  }
0x5bf: {  	v41 =	vperm.xlane v17, v13;
	v40 =	vadd.s32 v3, v39;
	s1 =	simm.s32 $0x2880  }
0x5c0: {  	[tilespmem:s1], [sflag:$0x1] =	stream.indirect_vreg.gather [hbm4b:s4+s2], $0x80, v18, vm0, $0xb8;
	[tilespmem:$0x8400] =	vst v63  }
0x5c1: {  	v42 =	vperm.xlane v17, v14;
	s10 =	simm.s32 $0x2900;
	v18 =	vadd.s32 v3, v41  }
0x5c2: {  	[tilespmem:s10], [sflag:$0x1] =	stream.indirect_vreg.gather [hbm4b:s4+s2], $0x80, v19, vm0, $0xb8;
	[tilespmem:$0x8400] =	vst v63  }
0x5c3: {  	v43 =	vperm.xlane v17, v15;
	s1 =	simm.s32 $0x2980;
	v19 =	vadd.s32 v3, v42  }
0x5c4: {  	[tilespmem:s1], [sflag:$0x1] =	stream.indirect_vreg.gather [hbm4b:s4+s2], $0x80, v40, vm0, $0xb8;
	[tilespmem:$0x8400] =	vst v63  }
0x5c5: {  	v17 =	vperm.xlane v17, v16;
	v44 =	vadd.s32 v3, v43;
	s10 =	simm.s32 $0x2A00  }
0x5c6: {  	[tilespmem:s10], [sflag:$0x1] =	stream.indirect_vreg.gather [hbm4b:s4+s2], $0x80, v18, vm0, $0xb8;
	[tilespmem:$0x8400] =	vst v63  }
0x5c7: {  	v17 =	vadd.s32 v3, v17  }
0x5c8: {  	[tilespmem:s15], [sflag:$0x1] =	stream.indirect_vreg.gather [hbm4b:s4+s2], $0x80, v19, vm0, $0xb8;
	[tilespmem:$0x8400] =	vst v63  }
0x5c9: {  	_ = 	snop  }
0x5ca: {  	[tilespmem:s16], [sflag:$0x1] =	stream.indirect_vreg.gather [hbm4b:s4+s2], $0x80, v44, vm0, $0xb8;
	[tilespmem:$0x8400] =	vst v63  }
0x5cb: {  	s1 =	simm.s32 $0x2B80  }
0x5cc: {  	[tilespmem:s1], [sflag:$0x1] =	stream.indirect_vreg.gather [hbm4b:s4+s2], $0x80, v17, vm0, $0xb8;
	[tilespmem:$0x8400] =	vst v63  }
0x5cd: {  	v17 =	vld [tilespmem:$0x250];
	_ =	sdelay $0x4  }
0x5ce: {  	v18 =	vshll.u32 v17, $0x4  }
0x5cf: {  	v17 =	vand.u32 $0x7, v17;
	v18 =	vand.u32 $0xFFFFFF80, v18  }
0x5d0: {  	v17 =	vor.u32 v17, v18  }
0x5d1: {  	v18 =	vperm.xlane v17, v2;
	_ =	sdelay $0x1  }
0x5d2: {  	v19 =	vperm.xlane v17, v4;
	v18 =	vadd.s32 v3, v18;
	_ =	sdelay $0x1  }
0x5d3: {  	v45 =	vperm.xlane v17, v5;
	v19 =	vadd.s32 v3, v19;
	_ =	sdelay $0x1  }
0x5d4: {  	s10 =	simm.s32 $0x2C00;
	v46 =	vperm.xlane v17, v6;
	v20 =	vadd.s32 v3, v45  }
0x5d5: {  	[tilespmem:s10], [sflag:$0x1] =	stream.indirect_vreg.gather [hbm4b:s4+s2], $0x80, v18, vm0, $0xb8;
	[tilespmem:$0x8400] =	vst v63  }
0x5d6: {  	s1 =	simm.s32 $0x2C80;
	v47 =	vperm.xlane v17, v1;
	v18 =	vadd.s32 v3, v46  }
0x5d7: {  	[tilespmem:s1], [sflag:$0x1] =	stream.indirect_vreg.gather [hbm4b:s4+s2], $0x80, v19, vm0, $0xb8;
	[tilespmem:$0x8400] =	vst v63  }
0x5d8: {  	v48 =	vperm.xlane v17, v7;
	s10 =	simm.s32 $0x2D00;
	v19 =	vadd.s32 v3, v47  }
0x5d9: {  	[tilespmem:s10], [sflag:$0x1] =	stream.indirect_vreg.gather [hbm4b:s4+s2], $0x80, v20, vm0, $0xb8;
	[tilespmem:$0x8400] =	vst v63  }
0x5da: {  	v50 =	vperm.xlane v17, v8;
	v49 =	vadd.s32 v3, v48;
	s1 =	simm.s32 $0x2D80  }
0x5db: {  	[tilespmem:s1], [sflag:$0x1] =	stream.indirect_vreg.gather [hbm4b:s4+s2], $0x80, v18, vm0, $0xb8;
	[tilespmem:$0x8400] =	vst v63  }
0x5dc: {  	v51 =	vperm.xlane v17, v0;
	s10 =	simm.s32 $0x2E00;
	v18 =	vadd.s32 v3, v50  }
0x5dd: {  	[tilespmem:s10], [sflag:$0x1] =	stream.indirect_vreg.gather [hbm4b:s4+s2], $0x80, v19, vm0, $0xb8;
	[tilespmem:$0x8400] =	vst v63  }
0x5de: {  	v52 =	vperm.xlane v17, v9;
	s1 =	simm.s32 $0x2E80;
	v19 =	vadd.s32 v3, v51  }
0x5df: {  	[tilespmem:s1], [sflag:$0x1] =	stream.indirect_vreg.gather [hbm4b:s4+s2], $0x80, v49, vm0, $0xb8;
	[tilespmem:$0x8400] =	vst v63  }
0x5e0: {  	v54 =	vperm.xlane v17, v10;
	v53 =	vadd.s32 v3, v52;
	s10 =	simm.s32 $0x2F00  }
0x5e1: {  	[tilespmem:s10], [sflag:$0x1] =	stream.indirect_vreg.gather [hbm4b:s4+s2], $0x80, v18, vm0, $0xb8;
	[tilespmem:$0x8400] =	vst v63  }
0x5e2: {  	v55 =	vperm.xlane v17, v11;
	s1 =	simm.s32 $0x2F80;
	v18 =	vadd.s32 v3, v54  }
0x5e3: {  	[tilespmem:s1], [sflag:$0x1] =	stream.indirect_vreg.gather [hbm4b:s4+s2], $0x80, v19, vm0, $0xb8;
	[tilespmem:$0x8400] =	vst v63  }
0x5e4: {  	v56 =	vperm.xlane v17, v12;
	s10 =	simm.s32 $0x3000;
	v19 =	vadd.s32 v3, v55  }
0x5e5: {  	[tilespmem:s10], [sflag:$0x1] =	stream.indirect_vreg.gather [hbm4b:s4+s2], $0x80, v53, vm0, $0xb8;
	[tilespmem:$0x8400] =	vst v63  }
0x5e6: {  	v58 =	vperm.xlane v17, v13;
	v57 =	vadd.s32 v3, v56;
	s1 =	simm.s32 $0x3080  }
0x5e7: {  	[tilespmem:s1], [sflag:$0x1] =	stream.indirect_vreg.gather [hbm4b:s4+s2], $0x80, v18, vm0, $0xb8;
	[tilespmem:$0x8400] =	vst v63  }
0x5e8: {  	v59 =	vperm.xlane v17, v14;
	s10 =	simm.s32 $0x3100;
	v18 =	vadd.s32 v3, v58  }
0x5e9: {  	[tilespmem:s10], [sflag:$0x1] =	stream.indirect_vreg.gather [hbm4b:s4+s2], $0x80, v19, vm0, $0xb8;
	[tilespmem:$0x8400] =	vst v63  }
0x5ea: {  	v60 =	vperm.xlane v17, v15;
	s1 =	simm.s32 $0x3180;
	v19 =	vadd.s32 v3, v59  }
0x5eb: {  	[tilespmem:s1], [sflag:$0x1] =	stream.indirect_vreg.gather [hbm4b:s4+s2], $0x80, v57, vm0, $0xb8;
	[tilespmem:$0x8400] =	vst v63  }
0x5ec: {  	v17 =	vperm.xlane v17, v16;
	v61 =	vadd.s32 v3, v60;
	s10 =	simm.s32 $0x3200  }
0x5ed: {  	[tilespmem:s10], [sflag:$0x1] =	stream.indirect_vreg.gather [hbm4b:s4+s2], $0x80, v18, vm0, $0xb8;
	[tilespmem:$0x8400] =	vst v63  }
0x5ee: {  	v17 =	vadd.s32 v3, v17  }
0x5ef: {  	[tilespmem:s17], [sflag:$0x1] =	stream.indirect_vreg.gather [hbm4b:s4+s2], $0x80, v19, vm0, $0xb8;
	[tilespmem:$0x8400] =	vst v63  }
0x5f0: {  	_ = 	snop  }
0x5f1: {  	[tilespmem:s18], [sflag:$0x1] =	stream.indirect_vreg.gather [hbm4b:s4+s2], $0x80, v61, vm0, $0xb8;
	[tilespmem:$0x8400] =	vst v63  }
0x5f2: {  	s1 =	simm.s32 $0x3380  }
0x5f3: {  	[tilespmem:s1], [sflag:$0x1] =	stream.indirect_vreg.gather [hbm4b:s4+s2], $0x80, v17, vm0, $0xb8;
	[tilespmem:$0x8400] =	vst v63  }
0x5f4: {  	v17 =	vld [tilespmem:$0x260];
	_ =	sdelay $0x4  }
0x5f5: {  	v18 =	vshll.u32 v17, $0x4  }
0x5f6: {  	v17 =	vand.u32 $0x7, v17;
	v18 =	vand.u32 $0xFFFFFF80, v18  }
0x5f7: {  	v17 =	vor.u32 v17, v18  }
0x5f8: {  	v18 =	vperm.xlane v17, v2;
	_ =	sdelay $0x1  }
0x5f9: {  	v19 =	vperm.xlane v17, v4;
	v18 =	vadd.s32 v3, v18;
	_ =	sdelay $0x1  }
0x5fa: {  	v62 =	vperm.xlane v17, v5;
	v19 =	vadd.s32 v3, v19;
	_ =	sdelay $0x1  }
0x5fb: {  	s10 =	simm.s32 $0x3400;
	v63 =	vperm.xlane v17, v6;
	v20 =	vadd.s32 v3, v62  }
0x5fc: {  	[tilespmem:s10], [sflag:$0x1] =	stream.indirect_vreg.gather [hbm4b:s4+s2], $0x80, v18, vm0, $0xb8;
	[tilespmem:$0x8400] =	vst v63  }
0x5fd: {  	s1 =	simm.s32 $0x3480;
	v24 =	vperm.xlane v17, v1;
	v18 =	vadd.s32 v3, v63  }
0x5fe: {  	[tilespmem:s1], [sflag:$0x1] =	stream.indirect_vreg.gather [hbm4b:s4+s2], $0x80, v19, vm0, $0xb8;
	[tilespmem:$0x8400] =	vst v63  }
0x5ff: {  	v25 =	vperm.xlane v17, v7;
	s10 =	simm.s32 $0x3500;
	v19 =	vadd.s32 v3, v24  }
0x600: {  	[tilespmem:s10], [sflag:$0x1] =	stream.indirect_vreg.gather [hbm4b:s4+s2], $0x80, v20, vm0, $0xb8;
	[tilespmem:$0x8400] =	vst v63  }
0x601: {  	v27 =	vperm.xlane v17, v8;
	v26 =	vadd.s32 v3, v25;
	s1 =	simm.s32 $0x3580  }
0x602: {  	[tilespmem:s1], [sflag:$0x1] =	stream.indirect_vreg.gather [hbm4b:s4+s2], $0x80, v18, vm0, $0xb8;
	[tilespmem:$0x8400] =	vst v63  }
0x603: {  	v28 =	vperm.xlane v17, v0;
	s10 =	simm.s32 $0x3600;
	v18 =	vadd.s32 v3, v27  }
0x604: {  	[tilespmem:s10], [sflag:$0x1] =	stream.indirect_vreg.gather [hbm4b:s4+s2], $0x80, v19, vm0, $0xb8;
	[tilespmem:$0x8400] =	vst v63  }
0x605: {  	v29 =	vperm.xlane v17, v9;
	s1 =	simm.s32 $0x3680;
	v19 =	vadd.s32 v3, v28  }
0x606: {  	[tilespmem:s1], [sflag:$0x1] =	stream.indirect_vreg.gather [hbm4b:s4+s2], $0x80, v26, vm0, $0xb8;
	[tilespmem:$0x8400] =	vst v63  }
0x607: {  	v31 =	vperm.xlane v17, v10;
	v30 =	vadd.s32 v3, v29;
	s10 =	simm.s32 $0x3700  }
0x608: {  	[tilespmem:s10], [sflag:$0x1] =	stream.indirect_vreg.gather [hbm4b:s4+s2], $0x80, v18, vm0, $0xb8;
	[tilespmem:$0x8400] =	vst v63  }
0x609: {  	v32 =	vperm.xlane v17, v11;
	s1 =	simm.s32 $0x3780;
	v18 =	vadd.s32 v3, v31  }
0x60a: {  	[tilespmem:s1], [sflag:$0x1] =	stream.indirect_vreg.gather [hbm4b:s4+s2], $0x80, v19, vm0, $0xb8;
	[tilespmem:$0x8400] =	vst v63  }
0x60b: {  	v33 =	vperm.xlane v17, v12;
	s10 =	simm.s32 $0x3800;
	v19 =	vadd.s32 v3, v32  }
0x60c: {  	[tilespmem:s10], [sflag:$0x1] =	stream.indirect_vreg.gather [hbm4b:s4+s2], $0x80, v30, vm0, $0xb8;
	[tilespmem:$0x8400] =	vst v63  }
0x60d: {  	v35 =	vperm.xlane v17, v13;
	v34 =	vadd.s32 v3, v33;
	s1 =	simm.s32 $0x3880  }
0x60e: {  	[tilespmem:s1], [sflag:$0x1] =	stream.indirect_vreg.gather [hbm4b:s4+s2], $0x80, v18, vm0, $0xb8;
	[tilespmem:$0x8400] =	vst v63  }
0x60f: {  	v36 =	vperm.xlane v17, v14;
	s10 =	simm.s32 $0x3900;
	v18 =	vadd.s32 v3, v35  }
0x610: {  	[tilespmem:s10], [sflag:$0x1] =	stream.indirect_vreg.gather [hbm4b:s4+s2], $0x80, v19, vm0, $0xb8;
	[tilespmem:$0x8400] =	vst v63  }
0x611: {  	v37 =	vperm.xlane v17, v15;
	s1 =	simm.s32 $0x3980;
	v19 =	vadd.s32 v3, v36  }
0x612: {  	[tilespmem:s1], [sflag:$0x1] =	stream.indirect_vreg.gather [hbm4b:s4+s2], $0x80, v34, vm0, $0xb8;
	[tilespmem:$0x8400] =	vst v63  }
0x613: {  	v17 =	vperm.xlane v17, v16;
	v38 =	vadd.s32 v3, v37;
	s10 =	simm.s32 $0x3A00  }
0x614: {  	[tilespmem:s10], [sflag:$0x1] =	stream.indirect_vreg.gather [hbm4b:s4+s2], $0x80, v18, vm0, $0xb8;
	[tilespmem:$0x8400] =	vst v63  }
0x615: {  	v17 =	vadd.s32 v3, v17  }
0x616: {  	[tilespmem:s19], [sflag:$0x1] =	stream.indirect_vreg.gather [hbm4b:s4+s2], $0x80, v19, vm0, $0xb8;
	[tilespmem:$0x8400] =	vst v63  }
0x617: {  	_ = 	snop  }
0x618: {  	[tilespmem:s20], [sflag:$0x1] =	stream.indirect_vreg.gather [hbm4b:s4+s2], $0x80, v38, vm0, $0xb8;
	[tilespmem:$0x8400] =	vst v63  }
0x619: {  	s1 =	simm.s32 $0x3B80  }
0x61a: {  	[tilespmem:s1], [sflag:$0x1] =	stream.indirect_vreg.gather [hbm4b:s4+s2], $0x80, v17, vm0, $0xb8;
	[tilespmem:$0x8400] =	vst v63  }
0x61b: {  	v17 =	vld [tilespmem:$0x270];
	_ =	sdelay $0x4  }
0x61c: {  	v18 =	vshll.u32 v17, $0x4  }
0x61d: {  	v17 =	vand.u32 $0x7, v17;
	v18 =	vand.u32 $0xFFFFFF80, v18  }
0x61e: {  	v17 =	vor.u32 v17, v18  }
0x61f: {  	v18 =	vperm.xlane v17, v2;
	_ =	sdelay $0x1  }
0x620: {  	v19 =	vperm.xlane v17, v4;
	v18 =	vadd.s32 v3, v18;
	_ =	sdelay $0x1  }
0x621: {  	v39 =	vperm.xlane v17, v5;
	v19 =	vadd.s32 v3, v19;
	_ =	sdelay $0x1  }
0x622: {  	s10 =	simm.s32 $0x3C00;
	v40 =	vperm.xlane v17, v6;
	v20 =	vadd.s32 v3, v39  }
0x623: {  	[tilespmem:s10], [sflag:$0x1] =	stream.indirect_vreg.gather [hbm4b:s4+s2], $0x80, v18, vm0, $0xb8;
	[tilespmem:$0x8400] =	vst v63  }
0x624: {  	s1 =	simm.s32 $0x3C80;
	v41 =	vperm.xlane v17, v1;
	v18 =	vadd.s32 v3, v40  }
0x625: {  	[tilespmem:s1], [sflag:$0x1] =	stream.indirect_vreg.gather [hbm4b:s4+s2], $0x80, v19, vm0, $0xb8;
	[tilespmem:$0x8400] =	vst v63  }
0x626: {  	v42 =	vperm.xlane v17, v7;
	s10 =	simm.s32 $0x3D00;
	v19 =	vadd.s32 v3, v41  }
0x627: {  	[tilespmem:s10], [sflag:$0x1] =	stream.indirect_vreg.gather [hbm4b:s4+s2], $0x80, v20, vm0, $0xb8;
	[tilespmem:$0x8400] =	vst v63  }
0x628: {  	v44 =	vperm.xlane v17, v8;
	v43 =	vadd.s32 v3, v42;
	s1 =	simm.s32 $0x3D80  }
0x629: {  	[tilespmem:s1], [sflag:$0x1] =	stream.indirect_vreg.gather [hbm4b:s4+s2], $0x80, v18, vm0, $0xb8;
	[tilespmem:$0x8400] =	vst v63  }
0x62a: {  	v45 =	vperm.xlane v17, v0;
	s10 =	simm.s32 $0x3E00;
	v18 =	vadd.s32 v3, v44  }
0x62b: {  	[tilespmem:s10], [sflag:$0x1] =	stream.indirect_vreg.gather [hbm4b:s4+s2], $0x80, v19, vm0, $0xb8;
	[tilespmem:$0x8400] =	vst v63  }
0x62c: {  	v46 =	vperm.xlane v17, v9;
	s1 =	simm.s32 $0x3E80;
	v19 =	vadd.s32 v3, v45  }
0x62d: {  	[tilespmem:s1], [sflag:$0x1] =	stream.indirect_vreg.gather [hbm4b:s4+s2], $0x80, v43, vm0, $0xb8;
	[tilespmem:$0x8400] =	vst v63  }
0x62e: {  	v48 =	vperm.xlane v17, v10;
	v47 =	vadd.s32 v3, v46;
	s10 =	simm.s32 $0x3F00  }
0x62f: {  	[tilespmem:s10], [sflag:$0x1] =	stream.indirect_vreg.gather [hbm4b:s4+s2], $0x80, v18, vm0, $0xb8;
	[tilespmem:$0x8400] =	vst v63  }
0x630: {  	v49 =	vperm.xlane v17, v11;
	s1 =	simm.s32 $0x3F80;
	v18 =	vadd.s32 v3, v48  }
0x631: {  	[tilespmem:s1], [sflag:$0x1] =	stream.indirect_vreg.gather [hbm4b:s4+s2], $0x80, v19, vm0, $0xb8;
	[tilespmem:$0x8400] =	vst v63  }
0x632: {  	v50 =	vperm.xlane v17, v12;
	s10 =	simm.s32 $0x4000;
	v19 =	vadd.s32 v3, v49  }
0x633: {  	[tilespmem:s10], [sflag:$0x1] =	stream.indirect_vreg.gather [hbm4b:s4+s2], $0x80, v47, vm0, $0xb8;
	[tilespmem:$0x8400] =	vst v63  }
0x634: {  	v52 =	vperm.xlane v17, v13;
	v51 =	vadd.s32 v3, v50;
	s1 =	simm.s32 $0x4080  }
0x635: {  	[tilespmem:s1], [sflag:$0x1] =	stream.indirect_vreg.gather [hbm4b:s4+s2], $0x80, v18, vm0, $0xb8;
	[tilespmem:$0x8400] =	vst v63  }
0x636: {  	v53 =	vperm.xlane v17, v14;
	s10 =	simm.s32 $0x4100;
	v18 =	vadd.s32 v3, v52  }
0x637: {  	[tilespmem:s10], [sflag:$0x1] =	stream.indirect_vreg.gather [hbm4b:s4+s2], $0x80, v19, vm0, $0xb8;
	[tilespmem:$0x8400] =	vst v63  }
0x638: {  	v54 =	vperm.xlane v17, v15;
	s1 =	simm.s32 $0x4180;
	v19 =	vadd.s32 v3, v53  }
0x639: {  	[tilespmem:s1], [sflag:$0x1] =	stream.indirect_vreg.gather [hbm4b:s4+s2], $0x80, v51, vm0, $0xb8;
	[tilespmem:$0x8400] =	vst v63  }
0x63a: {  	v17 =	vperm.xlane v17, v16;
	v55 =	vadd.s32 v3, v54;
	s10 =	simm.s32 $0x4200  }
0x63b: {  	[tilespmem:s10], [sflag:$0x1] =	stream.indirect_vreg.gather [hbm4b:s4+s2], $0x80, v18, vm0, $0xb8;
	[tilespmem:$0x8400] =	vst v63  }
0x63c: {  	v17 =	vadd.s32 v3, v17  }
0x63d: {  	[tilespmem:s21], [sflag:$0x1] =	stream.indirect_vreg.gather [hbm4b:s4+s2], $0x80, v19, vm0, $0xb8;
	[tilespmem:$0x8400] =	vst v63  }
0x63e: {  	_ = 	snop  }
0x63f: {  	[tilespmem:s22], [sflag:$0x1] =	stream.indirect_vreg.gather [hbm4b:s4+s2], $0x80, v55, vm0, $0xb8;
	[tilespmem:$0x8400] =	vst v63  }
0x640: {  	s0 =	simm.s32 $0x4380  }
0x641: {  	[tilespmem:s0], [sflag:$0x1] =	stream.indirect_vreg.gather [hbm4b:s4+s2], $0x80, v17, vm0, $0xb8;
	[tilespmem:$0x8400] =	vst v63  }
0x642: {  	_ =	swait.ge [sflag:s9], $0x4000  }
0x643: {  	[sflag:s9] =	ssyncset.done $0x0  }
0x644: {  	s3 =	simm.s32 $0x4400;
	s1 =	rddreg [dreg:$0x6];
	[sflag:s9] =	ssyncadd.s32 $0xFFFFC000  }
0x645: {  	[hbm4b:s1+s2] =	stream.linear.scatter [tilespmem:s3], [sflag:$0x3], $0x4000, $0x38;
	[tilespmem:$0x8400] =	vst v63  }
0x646: {  	_ =	swait.ge [sflag:s6], $0x4000  }
0x647: {  	[sflag:s6] =	ssyncset.done $0x0  }
0x648: {  	[sflag:s6] =	ssyncadd.s32 $0xFFFFC000  }
0x649: {  	v17 =	vld [tilespmem:$0x280];
	_ =	sdelay $0x4  }
0x64a: {  	v18 =	vshll.u32 v17, $0x4  }
0x64b: {  	v17 =	vand.u32 $0x7, v17;
	v18 =	vand.u32 $0xFFFFFF80, v18  }
0x64c: {  	v17 =	vor.u32 v17, v18  }
0x64d: {  	v18 =	vperm.xlane v17, v2;
	_ =	sdelay $0x1  }
0x64e: {  	v19 =	vperm.xlane v17, v4;
	v18 =	vadd.s32 v3, v18;
	_ =	sdelay $0x1  }
0x64f: {  	v56 =	vperm.xlane v17, v5;
	v19 =	vadd.s32 v3, v19;
	_ =	sdelay $0x1  }
0x650: {  	v57 =	vperm.xlane v17, v6;
	v20 =	vadd.s32 v3, v56  }
0x651: {  	[tilespmem:s3], [sflag:$0x2] =	stream.indirect_vreg.gather [hbm4b:s4+s2], $0x80, v18, vm0, $0xb8;
	[tilespmem:$0x8400] =	vst v63  }
0x652: {  	v58 =	vperm.xlane v17, v1;
	v18 =	vadd.s32 v3, v57;
	s3 =	simm.s32 $0x4480  }
0x653: {  	[tilespmem:s3], [sflag:$0x2] =	stream.indirect_vreg.gather [hbm4b:s4+s2], $0x80, v19, vm0, $0xb8;
	[tilespmem:$0x8400] =	vst v63  }
0x654: {  	s10 =	simm.s32 $0x4500;
	v59 =	vperm.xlane v17, v7;
	v19 =	vadd.s32 v3, v58  }
0x655: {  	[tilespmem:s10], [sflag:$0x2] =	stream.indirect_vreg.gather [hbm4b:s4+s2], $0x80, v20, vm0, $0xb8;
	[tilespmem:$0x8400] =	vst v63  }
0x656: {  	v61 =	vperm.xlane v17, v8;
	v60 =	vadd.s32 v3, v59;
	s3 =	simm.s32 $0x4580  }
0x657: {  	[tilespmem:s3], [sflag:$0x2] =	stream.indirect_vreg.gather [hbm4b:s4+s2], $0x80, v18, vm0, $0xb8;
	[tilespmem:$0x8400] =	vst v63  }
0x658: {  	v62 =	vperm.xlane v17, v0;
	s10 =	simm.s32 $0x4600;
	v18 =	vadd.s32 v3, v61  }
0x659: {  	[tilespmem:s10], [sflag:$0x2] =	stream.indirect_vreg.gather [hbm4b:s4+s2], $0x80, v19, vm0, $0xb8;
	[tilespmem:$0x8400] =	vst v63  }
0x65a: {  	v63 =	vperm.xlane v17, v9;
	s3 =	simm.s32 $0x4680;
	v19 =	vadd.s32 v3, v62  }
0x65b: {  	[tilespmem:s3], [sflag:$0x2] =	stream.indirect_vreg.gather [hbm4b:s4+s2], $0x80, v60, vm0, $0xb8;
	[tilespmem:$0x8400] =	vst v63  }
0x65c: {  	v25 =	vperm.xlane v17, v10;
	v24 =	vadd.s32 v3, v63;
	s10 =	simm.s32 $0x4700  }
0x65d: {  	[tilespmem:s10], [sflag:$0x2] =	stream.indirect_vreg.gather [hbm4b:s4+s2], $0x80, v18, vm0, $0xb8;
	[tilespmem:$0x8400] =	vst v63  }
0x65e: {  	v26 =	vperm.xlane v17, v11;
	s3 =	simm.s32 $0x4780;
	v18 =	vadd.s32 v3, v25  }
0x65f: {  	[tilespmem:s3], [sflag:$0x2] =	stream.indirect_vreg.gather [hbm4b:s4+s2], $0x80, v19, vm0, $0xb8;
	[tilespmem:$0x8400] =	vst v63  }
0x660: {  	v27 =	vperm.xlane v17, v12;
	s10 =	simm.s32 $0x4800;
	v19 =	vadd.s32 v3, v26  }
0x661: {  	[tilespmem:s10], [sflag:$0x2] =	stream.indirect_vreg.gather [hbm4b:s4+s2], $0x80, v24, vm0, $0xb8;
	[tilespmem:$0x8400] =	vst v63  }
0x662: {  	v29 =	vperm.xlane v17, v13;
	v28 =	vadd.s32 v3, v27;
	s3 =	simm.s32 $0x4880  }
0x663: {  	[tilespmem:s3], [sflag:$0x2] =	stream.indirect_vreg.gather [hbm4b:s4+s2], $0x80, v18, vm0, $0xb8;
	[tilespmem:$0x8400] =	vst v63  }
0x664: {  	v30 =	vperm.xlane v17, v14;
	s10 =	simm.s32 $0x4900;
	v18 =	vadd.s32 v3, v29  }
0x665: {  	[tilespmem:s10], [sflag:$0x2] =	stream.indirect_vreg.gather [hbm4b:s4+s2], $0x80, v19, vm0, $0xb8;
	[tilespmem:$0x8400] =	vst v63  }
0x666: {  	v31 =	vperm.xlane v17, v15;
	s3 =	simm.s32 $0x4980;
	v19 =	vadd.s32 v3, v30  }
0x667: {  	[tilespmem:s3], [sflag:$0x2] =	stream.indirect_vreg.gather [hbm4b:s4+s2], $0x80, v28, vm0, $0xb8;
	[tilespmem:$0x8400] =	vst v63  }
0x668: {  	v17 =	vperm.xlane v17, v16;
	v32 =	vadd.s32 v3, v31;
	s10 =	simm.s32 $0x4A00  }
0x669: {  	[tilespmem:s10], [sflag:$0x2] =	stream.indirect_vreg.gather [hbm4b:s4+s2], $0x80, v18, vm0, $0xb8;
	[tilespmem:$0x8400] =	vst v63  }
0x66a: {  	v17 =	vadd.s32 v3, v17;
	s3 =	simm.s32 $0x4A80  }
0x66b: {  	[tilespmem:s3], [sflag:$0x2] =	stream.indirect_vreg.gather [hbm4b:s4+s2], $0x80, v19, vm0, $0xb8;
	[tilespmem:$0x8400] =	vst v63  }
0x66c: {  	s10 =	simm.s32 $0x4B00  }
0x66d: {  	[tilespmem:s10], [sflag:$0x2] =	stream.indirect_vreg.gather [hbm4b:s4+s2], $0x80, v32, vm0, $0xb8;
	[tilespmem:$0x8400] =	vst v63  }
0x66e: {  	s10 =	simm.s32 $0x4B80  }
0x66f: {  	[tilespmem:s10], [sflag:$0x2] =	stream.indirect_vreg.gather [hbm4b:s4+s2], $0x80, v17, vm0, $0xb8;
	[tilespmem:$0x8400] =	vst v63  }
0x670: {  	v17 =	vld [tilespmem:$0x290];
	_ =	sdelay $0x4  }
0x671: {  	v18 =	vshll.u32 v17, $0x4  }
0x672: {  	v17 =	vand.u32 $0x7, v17;
	v18 =	vand.u32 $0xFFFFFF80, v18  }
0x673: {  	v17 =	vor.u32 v17, v18  }
0x674: {  	v18 =	vperm.xlane v17, v2;
	_ =	sdelay $0x1  }
0x675: {  	v19 =	vperm.xlane v17, v4;
	v18 =	vadd.s32 v3, v18;
	_ =	sdelay $0x1  }
0x676: {  	v33 =	vperm.xlane v17, v5;
	v19 =	vadd.s32 v3, v19;
	_ =	sdelay $0x1  }
0x677: {  	s10 =	simm.s32 $0x4C00;
	v34 =	vperm.xlane v17, v6;
	v20 =	vadd.s32 v3, v33  }
0x678: {  	[tilespmem:s10], [sflag:$0x2] =	stream.indirect_vreg.gather [hbm4b:s4+s2], $0x80, v18, vm0, $0xb8;
	[tilespmem:$0x8400] =	vst v63  }
0x679: {  	v35 =	vperm.xlane v17, v1;
	v18 =	vadd.s32 v3, v34;
	s10 =	simm.s32 $0x4C80  }
0x67a: {  	[tilespmem:s10], [sflag:$0x2] =	stream.indirect_vreg.gather [hbm4b:s4+s2], $0x80, v19, vm0, $0xb8;
	[tilespmem:$0x8400] =	vst v63  }
0x67b: {  	v36 =	vperm.xlane v17, v7;
	v19 =	vadd.s32 v3, v35;
	s10 =	simm.s32 $0x4D00  }
0x67c: {  	[tilespmem:s10], [sflag:$0x2] =	stream.indirect_vreg.gather [hbm4b:s4+s2], $0x80, v20, vm0, $0xb8;
	[tilespmem:$0x8400] =	vst v63  }
0x67d: {  	v38 =	vperm.xlane v17, v8;
	v37 =	vadd.s32 v3, v36;
	s10 =	simm.s32 $0x4D80  }
0x67e: {  	[tilespmem:s10], [sflag:$0x2] =	stream.indirect_vreg.gather [hbm4b:s4+s2], $0x80, v18, vm0, $0xb8;
	[tilespmem:$0x8400] =	vst v63  }
0x67f: {  	v39 =	vperm.xlane v17, v0;
	v18 =	vadd.s32 v3, v38;
	s10 =	simm.s32 $0x4E00  }
0x680: {  	[tilespmem:s10], [sflag:$0x2] =	stream.indirect_vreg.gather [hbm4b:s4+s2], $0x80, v19, vm0, $0xb8;
	[tilespmem:$0x8400] =	vst v63  }
0x681: {  	v40 =	vperm.xlane v17, v9;
	v19 =	vadd.s32 v3, v39;
	s10 =	simm.s32 $0x4E80  }
0x682: {  	[tilespmem:s10], [sflag:$0x2] =	stream.indirect_vreg.gather [hbm4b:s4+s2], $0x80, v37, vm0, $0xb8;
	[tilespmem:$0x8400] =	vst v63  }
0x683: {  	v42 =	vperm.xlane v17, v10;
	v41 =	vadd.s32 v3, v40;
	s10 =	simm.s32 $0x4F00  }
0x684: {  	[tilespmem:s10], [sflag:$0x2] =	stream.indirect_vreg.gather [hbm4b:s4+s2], $0x80, v18, vm0, $0xb8;
	[tilespmem:$0x8400] =	vst v63  }
0x685: {  	v43 =	vperm.xlane v17, v11;
	v18 =	vadd.s32 v3, v42;
	s10 =	simm.s32 $0x4F80  }
0x686: {  	[tilespmem:s10], [sflag:$0x2] =	stream.indirect_vreg.gather [hbm4b:s4+s2], $0x80, v19, vm0, $0xb8;
	[tilespmem:$0x8400] =	vst v63  }
0x687: {  	v44 =	vperm.xlane v17, v12;
	v19 =	vadd.s32 v3, v43;
	s10 =	simm.s32 $0x5000  }
0x688: {  	[tilespmem:s10], [sflag:$0x2] =	stream.indirect_vreg.gather [hbm4b:s4+s2], $0x80, v41, vm0, $0xb8;
	[tilespmem:$0x8400] =	vst v63  }
0x689: {  	v46 =	vperm.xlane v17, v13;
	v45 =	vadd.s32 v3, v44;
	s10 =	simm.s32 $0x5080  }
0x68a: {  	[tilespmem:s10], [sflag:$0x2] =	stream.indirect_vreg.gather [hbm4b:s4+s2], $0x80, v18, vm0, $0xb8;
	[tilespmem:$0x8400] =	vst v63  }
0x68b: {  	v47 =	vperm.xlane v17, v14;
	v18 =	vadd.s32 v3, v46;
	s10 =	simm.s32 $0x5100  }
0x68c: {  	[tilespmem:s10], [sflag:$0x2] =	stream.indirect_vreg.gather [hbm4b:s4+s2], $0x80, v19, vm0, $0xb8;
	[tilespmem:$0x8400] =	vst v63  }
0x68d: {  	v48 =	vperm.xlane v17, v15;
	v19 =	vadd.s32 v3, v47;
	s10 =	simm.s32 $0x5180  }
0x68e: {  	[tilespmem:s10], [sflag:$0x2] =	stream.indirect_vreg.gather [hbm4b:s4+s2], $0x80, v45, vm0, $0xb8;
	[tilespmem:$0x8400] =	vst v63  }
0x68f: {  	v17 =	vperm.xlane v17, v16;
	v49 =	vadd.s32 v3, v48;
	s10 =	simm.s32 $0x5200  }
0x690: {  	[tilespmem:s10], [sflag:$0x2] =	stream.indirect_vreg.gather [hbm4b:s4+s2], $0x80, v18, vm0, $0xb8;
	[tilespmem:$0x8400] =	vst v63  }
0x691: {  	v17 =	vadd.s32 v3, v17;
	s10 =	simm.s32 $0x5280  }
0x692: {  	[tilespmem:s10], [sflag:$0x2] =	stream.indirect_vreg.gather [hbm4b:s4+s2], $0x80, v19, vm0, $0xb8;
	[tilespmem:$0x8400] =	vst v63  }
0x693: {  	s10 =	simm.s32 $0x5300  }
0x694: {  	[tilespmem:s10], [sflag:$0x2] =	stream.indirect_vreg.gather [hbm4b:s4+s2], $0x80, v49, vm0, $0xb8;
	[tilespmem:$0x8400] =	vst v63  }
0x695: {  	s10 =	simm.s32 $0x5380  }
0x696: {  	[tilespmem:s10], [sflag:$0x2] =	stream.indirect_vreg.gather [hbm4b:s4+s2], $0x80, v17, vm0, $0xb8;
	[tilespmem:$0x8400] =	vst v63  }
0x697: {  	v17 =	vld [tilespmem:$0x2A0];
	_ =	sdelay $0x4  }
0x698: {  	v18 =	vshll.u32 v17, $0x4  }
0x699: {  	v17 =	vand.u32 $0x7, v17;
	v18 =	vand.u32 $0xFFFFFF80, v18  }
0x69a: {  	v17 =	vor.u32 v17, v18  }
0x69b: {  	v18 =	vperm.xlane v17, v2;
	_ =	sdelay $0x1  }
0x69c: {  	v19 =	vperm.xlane v17, v4;
	v18 =	vadd.s32 v3, v18;
	_ =	sdelay $0x1  }
0x69d: {  	v50 =	vperm.xlane v17, v5;
	v19 =	vadd.s32 v3, v19;
	_ =	sdelay $0x1  }
0x69e: {  	s10 =	simm.s32 $0x5400;
	v51 =	vperm.xlane v17, v6;
	v20 =	vadd.s32 v3, v50  }
0x69f: {  	[tilespmem:s10], [sflag:$0x2] =	stream.indirect_vreg.gather [hbm4b:s4+s2], $0x80, v18, vm0, $0xb8;
	[tilespmem:$0x8400] =	vst v63  }
0x6a0: {  	v52 =	vperm.xlane v17, v1;
	v18 =	vadd.s32 v3, v51;
	s10 =	simm.s32 $0x5480  }
0x6a1: {  	[tilespmem:s10], [sflag:$0x2] =	stream.indirect_vreg.gather [hbm4b:s4+s2], $0x80, v19, vm0, $0xb8;
	[tilespmem:$0x8400] =	vst v63  }
0x6a2: {  	v53 =	vperm.xlane v17, v7;
	v19 =	vadd.s32 v3, v52;
	s10 =	simm.s32 $0x5500  }
0x6a3: {  	[tilespmem:s10], [sflag:$0x2] =	stream.indirect_vreg.gather [hbm4b:s4+s2], $0x80, v20, vm0, $0xb8;
	[tilespmem:$0x8400] =	vst v63  }
0x6a4: {  	v55 =	vperm.xlane v17, v8;
	v54 =	vadd.s32 v3, v53;
	s10 =	simm.s32 $0x5580  }
0x6a5: {  	[tilespmem:s10], [sflag:$0x2] =	stream.indirect_vreg.gather [hbm4b:s4+s2], $0x80, v18, vm0, $0xb8;
	[tilespmem:$0x8400] =	vst v63  }
0x6a6: {  	v56 =	vperm.xlane v17, v0;
	v18 =	vadd.s32 v3, v55;
	s10 =	simm.s32 $0x5600  }
0x6a7: {  	[tilespmem:s10], [sflag:$0x2] =	stream.indirect_vreg.gather [hbm4b:s4+s2], $0x80, v19, vm0, $0xb8;
	[tilespmem:$0x8400] =	vst v63  }
0x6a8: {  	v57 =	vperm.xlane v17, v9;
	v19 =	vadd.s32 v3, v56;
	s10 =	simm.s32 $0x5680  }
0x6a9: {  	[tilespmem:s10], [sflag:$0x2] =	stream.indirect_vreg.gather [hbm4b:s4+s2], $0x80, v54, vm0, $0xb8;
	[tilespmem:$0x8400] =	vst v63  }
0x6aa: {  	v59 =	vperm.xlane v17, v10;
	v58 =	vadd.s32 v3, v57;
	s10 =	simm.s32 $0x5700  }
0x6ab: {  	[tilespmem:s10], [sflag:$0x2] =	stream.indirect_vreg.gather [hbm4b:s4+s2], $0x80, v18, vm0, $0xb8;
	[tilespmem:$0x8400] =	vst v63  }
0x6ac: {  	v60 =	vperm.xlane v17, v11;
	v18 =	vadd.s32 v3, v59;
	s10 =	simm.s32 $0x5780  }
0x6ad: {  	[tilespmem:s10], [sflag:$0x2] =	stream.indirect_vreg.gather [hbm4b:s4+s2], $0x80, v19, vm0, $0xb8;
	[tilespmem:$0x8400] =	vst v63  }
0x6ae: {  	v61 =	vperm.xlane v17, v12;
	v19 =	vadd.s32 v3, v60;
	s10 =	simm.s32 $0x5800  }
0x6af: {  	[tilespmem:s10], [sflag:$0x2] =	stream.indirect_vreg.gather [hbm4b:s4+s2], $0x80, v58, vm0, $0xb8;
	[tilespmem:$0x8400] =	vst v63  }
0x6b0: {  	v63 =	vperm.xlane v17, v13;
	v62 =	vadd.s32 v3, v61;
	s10 =	simm.s32 $0x5880  }
0x6b1: {  	[tilespmem:s10], [sflag:$0x2] =	stream.indirect_vreg.gather [hbm4b:s4+s2], $0x80, v18, vm0, $0xb8;
	[tilespmem:$0x8400] =	vst v63  }
0x6b2: {  	v24 =	vperm.xlane v17, v14;
	v18 =	vadd.s32 v3, v63;
	s10 =	simm.s32 $0x5900  }
0x6b3: {  	[tilespmem:s10], [sflag:$0x2] =	stream.indirect_vreg.gather [hbm4b:s4+s2], $0x80, v19, vm0, $0xb8;
	[tilespmem:$0x8400] =	vst v63  }
0x6b4: {  	v25 =	vperm.xlane v17, v15;
	v19 =	vadd.s32 v3, v24;
	s10 =	simm.s32 $0x5980  }
0x6b5: {  	[tilespmem:s10], [sflag:$0x2] =	stream.indirect_vreg.gather [hbm4b:s4+s2], $0x80, v62, vm0, $0xb8;
	[tilespmem:$0x8400] =	vst v63  }
0x6b6: {  	v17 =	vperm.xlane v17, v16;
	v26 =	vadd.s32 v3, v25;
	s10 =	simm.s32 $0x5A00  }
0x6b7: {  	[tilespmem:s10], [sflag:$0x2] =	stream.indirect_vreg.gather [hbm4b:s4+s2], $0x80, v18, vm0, $0xb8;
	[tilespmem:$0x8400] =	vst v63  }
0x6b8: {  	v17 =	vadd.s32 v3, v17;
	s10 =	simm.s32 $0x5A80  }
0x6b9: {  	[tilespmem:s10], [sflag:$0x2] =	stream.indirect_vreg.gather [hbm4b:s4+s2], $0x80, v19, vm0, $0xb8;
	[tilespmem:$0x8400] =	vst v63  }
0x6ba: {  	s10 =	simm.s32 $0x5B00  }
0x6bb: {  	[tilespmem:s10], [sflag:$0x2] =	stream.indirect_vreg.gather [hbm4b:s4+s2], $0x80, v26, vm0, $0xb8;
	[tilespmem:$0x8400] =	vst v63  }
0x6bc: {  	s10 =	simm.s32 $0x5B80  }
0x6bd: {  	[tilespmem:s10], [sflag:$0x2] =	stream.indirect_vreg.gather [hbm4b:s4+s2], $0x80, v17, vm0, $0xb8;
	[tilespmem:$0x8400] =	vst v63  }
0x6be: {  	v17 =	vld [tilespmem:$0x2B0];
	_ =	sdelay $0x4  }
0x6bf: {  	v18 =	vshll.u32 v17, $0x4  }
0x6c0: {  	v17 =	vand.u32 $0x7, v17;
	v18 =	vand.u32 $0xFFFFFF80, v18  }
0x6c1: {  	v17 =	vor.u32 v17, v18  }
0x6c2: {  	v18 =	vperm.xlane v17, v2;
	_ =	sdelay $0x1  }
0x6c3: {  	v19 =	vperm.xlane v17, v4;
	v18 =	vadd.s32 v3, v18;
	_ =	sdelay $0x1  }
0x6c4: {  	v27 =	vperm.xlane v17, v5;
	v19 =	vadd.s32 v3, v19;
	_ =	sdelay $0x1  }
0x6c5: {  	s10 =	simm.s32 $0x5C00;
	v28 =	vperm.xlane v17, v6;
	v20 =	vadd.s32 v3, v27  }
0x6c6: {  	[tilespmem:s10], [sflag:$0x2] =	stream.indirect_vreg.gather [hbm4b:s4+s2], $0x80, v18, vm0, $0xb8;
	[tilespmem:$0x8400] =	vst v63  }
0x6c7: {  	v29 =	vperm.xlane v17, v1;
	v18 =	vadd.s32 v3, v28;
	s10 =	simm.s32 $0x5C80  }
0x6c8: {  	[tilespmem:s10], [sflag:$0x2] =	stream.indirect_vreg.gather [hbm4b:s4+s2], $0x80, v19, vm0, $0xb8;
	[tilespmem:$0x8400] =	vst v63  }
0x6c9: {  	v30 =	vperm.xlane v17, v7;
	v19 =	vadd.s32 v3, v29;
	s10 =	simm.s32 $0x5D00  }
0x6ca: {  	[tilespmem:s10], [sflag:$0x2] =	stream.indirect_vreg.gather [hbm4b:s4+s2], $0x80, v20, vm0, $0xb8;
	[tilespmem:$0x8400] =	vst v63  }
0x6cb: {  	v32 =	vperm.xlane v17, v8;
	v31 =	vadd.s32 v3, v30;
	s10 =	simm.s32 $0x5D80  }
0x6cc: {  	[tilespmem:s10], [sflag:$0x2] =	stream.indirect_vreg.gather [hbm4b:s4+s2], $0x80, v18, vm0, $0xb8;
	[tilespmem:$0x8400] =	vst v63  }
0x6cd: {  	v33 =	vperm.xlane v17, v0;
	v18 =	vadd.s32 v3, v32;
	s10 =	simm.s32 $0x5E00  }
0x6ce: {  	[tilespmem:s10], [sflag:$0x2] =	stream.indirect_vreg.gather [hbm4b:s4+s2], $0x80, v19, vm0, $0xb8;
	[tilespmem:$0x8400] =	vst v63  }
0x6cf: {  	v34 =	vperm.xlane v17, v9;
	v19 =	vadd.s32 v3, v33;
	s10 =	simm.s32 $0x5E80  }
0x6d0: {  	[tilespmem:s10], [sflag:$0x2] =	stream.indirect_vreg.gather [hbm4b:s4+s2], $0x80, v31, vm0, $0xb8;
	[tilespmem:$0x8400] =	vst v63  }
0x6d1: {  	v36 =	vperm.xlane v17, v10;
	v35 =	vadd.s32 v3, v34;
	s10 =	simm.s32 $0x5F00  }
0x6d2: {  	[tilespmem:s10], [sflag:$0x2] =	stream.indirect_vreg.gather [hbm4b:s4+s2], $0x80, v18, vm0, $0xb8;
	[tilespmem:$0x8400] =	vst v63  }
0x6d3: {  	v37 =	vperm.xlane v17, v11;
	v18 =	vadd.s32 v3, v36;
	s10 =	simm.s32 $0x5F80  }
0x6d4: {  	[tilespmem:s10], [sflag:$0x2] =	stream.indirect_vreg.gather [hbm4b:s4+s2], $0x80, v19, vm0, $0xb8;
	[tilespmem:$0x8400] =	vst v63  }
0x6d5: {  	v38 =	vperm.xlane v17, v12;
	v19 =	vadd.s32 v3, v37;
	s10 =	simm.s32 $0x6000  }
0x6d6: {  	[tilespmem:s10], [sflag:$0x2] =	stream.indirect_vreg.gather [hbm4b:s4+s2], $0x80, v35, vm0, $0xb8;
	[tilespmem:$0x8400] =	vst v63  }
0x6d7: {  	v40 =	vperm.xlane v17, v13;
	v39 =	vadd.s32 v3, v38;
	s10 =	simm.s32 $0x6080  }
0x6d8: {  	[tilespmem:s10], [sflag:$0x2] =	stream.indirect_vreg.gather [hbm4b:s4+s2], $0x80, v18, vm0, $0xb8;
	[tilespmem:$0x8400] =	vst v63  }
0x6d9: {  	v41 =	vperm.xlane v17, v14;
	v18 =	vadd.s32 v3, v40;
	s10 =	simm.s32 $0x6100  }
0x6da: {  	[tilespmem:s10], [sflag:$0x2] =	stream.indirect_vreg.gather [hbm4b:s4+s2], $0x80, v19, vm0, $0xb8;
	[tilespmem:$0x8400] =	vst v63  }
0x6db: {  	v42 =	vperm.xlane v17, v15;
	v19 =	vadd.s32 v3, v41;
	s10 =	simm.s32 $0x6180  }
0x6dc: {  	[tilespmem:s10], [sflag:$0x2] =	stream.indirect_vreg.gather [hbm4b:s4+s2], $0x80, v39, vm0, $0xb8;
	[tilespmem:$0x8400] =	vst v63  }
0x6dd: {  	v17 =	vperm.xlane v17, v16;
	v43 =	vadd.s32 v3, v42;
	s10 =	simm.s32 $0x6200  }
0x6de: {  	[tilespmem:s10], [sflag:$0x2] =	stream.indirect_vreg.gather [hbm4b:s4+s2], $0x80, v18, vm0, $0xb8;
	[tilespmem:$0x8400] =	vst v63  }
0x6df: {  	v17 =	vadd.s32 v3, v17;
	s10 =	simm.s32 $0x6280  }
0x6e0: {  	[tilespmem:s10], [sflag:$0x2] =	stream.indirect_vreg.gather [hbm4b:s4+s2], $0x80, v19, vm0, $0xb8;
	[tilespmem:$0x8400] =	vst v63  }
0x6e1: {  	s10 =	simm.s32 $0x6300  }
0x6e2: {  	[tilespmem:s10], [sflag:$0x2] =	stream.indirect_vreg.gather [hbm4b:s4+s2], $0x80, v43, vm0, $0xb8;
	[tilespmem:$0x8400] =	vst v63  }
0x6e3: {  	s10 =	simm.s32 $0x6380  }
0x6e4: {  	[tilespmem:s10], [sflag:$0x2] =	stream.indirect_vreg.gather [hbm4b:s4+s2], $0x80, v17, vm0, $0xb8;
	[tilespmem:$0x8400] =	vst v63  }
0x6e5: {  	v17 =	vld [tilespmem:$0x2C0];
	_ =	sdelay $0x4  }
0x6e6: {  	v18 =	vshll.u32 v17, $0x4  }
0x6e7: {  	v17 =	vand.u32 $0x7, v17;
	v18 =	vand.u32 $0xFFFFFF80, v18  }
0x6e8: {  	v17 =	vor.u32 v17, v18  }
0x6e9: {  	v18 =	vperm.xlane v17, v2;
	_ =	sdelay $0x1  }
0x6ea: {  	v19 =	vperm.xlane v17, v4;
	v18 =	vadd.s32 v3, v18;
	_ =	sdelay $0x1  }
0x6eb: {  	v44 =	vperm.xlane v17, v5;
	v19 =	vadd.s32 v3, v19;
	_ =	sdelay $0x1  }
0x6ec: {  	s10 =	simm.s32 $0x6400;
	v45 =	vperm.xlane v17, v6;
	v20 =	vadd.s32 v3, v44  }
0x6ed: {  	[tilespmem:s10], [sflag:$0x2] =	stream.indirect_vreg.gather [hbm4b:s4+s2], $0x80, v18, vm0, $0xb8;
	[tilespmem:$0x8400] =	vst v63  }
0x6ee: {  	v46 =	vperm.xlane v17, v1;
	v18 =	vadd.s32 v3, v45;
	s10 =	simm.s32 $0x6480  }
0x6ef: {  	[tilespmem:s10], [sflag:$0x2] =	stream.indirect_vreg.gather [hbm4b:s4+s2], $0x80, v19, vm0, $0xb8;
	[tilespmem:$0x8400] =	vst v63  }
0x6f0: {  	v47 =	vperm.xlane v17, v7;
	v19 =	vadd.s32 v3, v46;
	s10 =	simm.s32 $0x6500  }
0x6f1: {  	[tilespmem:s10], [sflag:$0x2] =	stream.indirect_vreg.gather [hbm4b:s4+s2], $0x80, v20, vm0, $0xb8;
	[tilespmem:$0x8400] =	vst v63  }
0x6f2: {  	v49 =	vperm.xlane v17, v8;
	v48 =	vadd.s32 v3, v47;
	s10 =	simm.s32 $0x6580  }
0x6f3: {  	[tilespmem:s10], [sflag:$0x2] =	stream.indirect_vreg.gather [hbm4b:s4+s2], $0x80, v18, vm0, $0xb8;
	[tilespmem:$0x8400] =	vst v63  }
0x6f4: {  	v50 =	vperm.xlane v17, v0;
	v18 =	vadd.s32 v3, v49;
	s10 =	simm.s32 $0x6600  }
0x6f5: {  	[tilespmem:s10], [sflag:$0x2] =	stream.indirect_vreg.gather [hbm4b:s4+s2], $0x80, v19, vm0, $0xb8;
	[tilespmem:$0x8400] =	vst v63  }
0x6f6: {  	v51 =	vperm.xlane v17, v9;
	v19 =	vadd.s32 v3, v50;
	s10 =	simm.s32 $0x6680  }
0x6f7: {  	[tilespmem:s10], [sflag:$0x2] =	stream.indirect_vreg.gather [hbm4b:s4+s2], $0x80, v48, vm0, $0xb8;
	[tilespmem:$0x8400] =	vst v63  }
0x6f8: {  	v53 =	vperm.xlane v17, v10;
	v52 =	vadd.s32 v3, v51;
	s10 =	simm.s32 $0x6700  }
0x6f9: {  	[tilespmem:s10], [sflag:$0x2] =	stream.indirect_vreg.gather [hbm4b:s4+s2], $0x80, v18, vm0, $0xb8;
	[tilespmem:$0x8400] =	vst v63  }
0x6fa: {  	v54 =	vperm.xlane v17, v11;
	v18 =	vadd.s32 v3, v53;
	s10 =	simm.s32 $0x6780  }
0x6fb: {  	[tilespmem:s10], [sflag:$0x2] =	stream.indirect_vreg.gather [hbm4b:s4+s2], $0x80, v19, vm0, $0xb8;
	[tilespmem:$0x8400] =	vst v63  }
0x6fc: {  	v55 =	vperm.xlane v17, v12;
	v19 =	vadd.s32 v3, v54;
	s10 =	simm.s32 $0x6800  }
0x6fd: {  	[tilespmem:s10], [sflag:$0x2] =	stream.indirect_vreg.gather [hbm4b:s4+s2], $0x80, v52, vm0, $0xb8;
	[tilespmem:$0x8400] =	vst v63  }
0x6fe: {  	v57 =	vperm.xlane v17, v13;
	v56 =	vadd.s32 v3, v55;
	s10 =	simm.s32 $0x6880  }
0x6ff: {  	[tilespmem:s10], [sflag:$0x2] =	stream.indirect_vreg.gather [hbm4b:s4+s2], $0x80, v18, vm0, $0xb8;
	[tilespmem:$0x8400] =	vst v63  }
0x700: {  	v58 =	vperm.xlane v17, v14;
	v18 =	vadd.s32 v3, v57;
	s10 =	simm.s32 $0x6900  }
0x701: {  	[tilespmem:s10], [sflag:$0x2] =	stream.indirect_vreg.gather [hbm4b:s4+s2], $0x80, v19, vm0, $0xb8;
	[tilespmem:$0x8400] =	vst v63  }
0x702: {  	v59 =	vperm.xlane v17, v15;
	v19 =	vadd.s32 v3, v58;
	s10 =	simm.s32 $0x6980  }
0x703: {  	[tilespmem:s10], [sflag:$0x2] =	stream.indirect_vreg.gather [hbm4b:s4+s2], $0x80, v56, vm0, $0xb8;
	[tilespmem:$0x8400] =	vst v63  }
0x704: {  	v17 =	vperm.xlane v17, v16;
	v60 =	vadd.s32 v3, v59;
	s10 =	simm.s32 $0x6A00  }
0x705: {  	[tilespmem:s10], [sflag:$0x2] =	stream.indirect_vreg.gather [hbm4b:s4+s2], $0x80, v18, vm0, $0xb8;
	[tilespmem:$0x8400] =	vst v63  }
0x706: {  	v17 =	vadd.s32 v3, v17;
	s10 =	simm.s32 $0x6A80  }
0x707: {  	[tilespmem:s10], [sflag:$0x2] =	stream.indirect_vreg.gather [hbm4b:s4+s2], $0x80, v19, vm0, $0xb8;
	[tilespmem:$0x8400] =	vst v63  }
0x708: {  	s10 =	simm.s32 $0x6B00  }
0x709: {  	[tilespmem:s10], [sflag:$0x2] =	stream.indirect_vreg.gather [hbm4b:s4+s2], $0x80, v60, vm0, $0xb8;
	[tilespmem:$0x8400] =	vst v63  }
0x70a: {  	s10 =	simm.s32 $0x6B80  }
0x70b: {  	[tilespmem:s10], [sflag:$0x2] =	stream.indirect_vreg.gather [hbm4b:s4+s2], $0x80, v17, vm0, $0xb8;
	[tilespmem:$0x8400] =	vst v63  }
0x70c: {  	v17 =	vld [tilespmem:$0x2D0];
	_ =	sdelay $0x4  }
0x70d: {  	v18 =	vshll.u32 v17, $0x4  }
0x70e: {  	v17 =	vand.u32 $0x7, v17;
	v18 =	vand.u32 $0xFFFFFF80, v18  }
0x70f: {  	v17 =	vor.u32 v17, v18  }
0x710: {  	v18 =	vperm.xlane v17, v2;
	_ =	sdelay $0x1  }
0x711: {  	v19 =	vperm.xlane v17, v4;
	v18 =	vadd.s32 v3, v18;
	_ =	sdelay $0x1  }
0x712: {  	v61 =	vperm.xlane v17, v5;
	v19 =	vadd.s32 v3, v19;
	_ =	sdelay $0x1  }
0x713: {  	s10 =	simm.s32 $0x6C00;
	v62 =	vperm.xlane v17, v6;
	v20 =	vadd.s32 v3, v61  }
0x714: {  	[tilespmem:s10], [sflag:$0x2] =	stream.indirect_vreg.gather [hbm4b:s4+s2], $0x80, v18, vm0, $0xb8;
	[tilespmem:$0x8400] =	vst v63  }
0x715: {  	v63 =	vperm.xlane v17, v1;
	v18 =	vadd.s32 v3, v62;
	s10 =	simm.s32 $0x6C80  }
0x716: {  	[tilespmem:s10], [sflag:$0x2] =	stream.indirect_vreg.gather [hbm4b:s4+s2], $0x80, v19, vm0, $0xb8;
	[tilespmem:$0x8400] =	vst v63  }
0x717: {  	v24 =	vperm.xlane v17, v7;
	v19 =	vadd.s32 v3, v63;
	s10 =	simm.s32 $0x6D00  }
0x718: {  	[tilespmem:s10], [sflag:$0x2] =	stream.indirect_vreg.gather [hbm4b:s4+s2], $0x80, v20, vm0, $0xb8;
	[tilespmem:$0x8400] =	vst v63  }
0x719: {  	v26 =	vperm.xlane v17, v8;
	v25 =	vadd.s32 v3, v24;
	s10 =	simm.s32 $0x6D80  }
0x71a: {  	[tilespmem:s10], [sflag:$0x2] =	stream.indirect_vreg.gather [hbm4b:s4+s2], $0x80, v18, vm0, $0xb8;
	[tilespmem:$0x8400] =	vst v63  }
0x71b: {  	v27 =	vperm.xlane v17, v0;
	v18 =	vadd.s32 v3, v26;
	s10 =	simm.s32 $0x6E00  }
0x71c: {  	[tilespmem:s10], [sflag:$0x2] =	stream.indirect_vreg.gather [hbm4b:s4+s2], $0x80, v19, vm0, $0xb8;
	[tilespmem:$0x8400] =	vst v63  }
0x71d: {  	v28 =	vperm.xlane v17, v9;
	v19 =	vadd.s32 v3, v27;
	s10 =	simm.s32 $0x6E80  }
0x71e: {  	[tilespmem:s10], [sflag:$0x2] =	stream.indirect_vreg.gather [hbm4b:s4+s2], $0x80, v25, vm0, $0xb8;
	[tilespmem:$0x8400] =	vst v63  }
0x71f: {  	v30 =	vperm.xlane v17, v10;
	v29 =	vadd.s32 v3, v28;
	s10 =	simm.s32 $0x6F00  }
0x720: {  	[tilespmem:s10], [sflag:$0x2] =	stream.indirect_vreg.gather [hbm4b:s4+s2], $0x80, v18, vm0, $0xb8;
	[tilespmem:$0x8400] =	vst v63  }
0x721: {  	v31 =	vperm.xlane v17, v11;
	v18 =	vadd.s32 v3, v30;
	s10 =	simm.s32 $0x6F80  }
0x722: {  	[tilespmem:s10], [sflag:$0x2] =	stream.indirect_vreg.gather [hbm4b:s4+s2], $0x80, v19, vm0, $0xb8;
	[tilespmem:$0x8400] =	vst v63  }
0x723: {  	v32 =	vperm.xlane v17, v12;
	v19 =	vadd.s32 v3, v31;
	s10 =	simm.s32 $0x7000  }
0x724: {  	[tilespmem:s10], [sflag:$0x2] =	stream.indirect_vreg.gather [hbm4b:s4+s2], $0x80, v29, vm0, $0xb8;
	[tilespmem:$0x8400] =	vst v63  }
0x725: {  	v34 =	vperm.xlane v17, v13;
	v33 =	vadd.s32 v3, v32;
	s10 =	simm.s32 $0x7080  }
0x726: {  	[tilespmem:s10], [sflag:$0x2] =	stream.indirect_vreg.gather [hbm4b:s4+s2], $0x80, v18, vm0, $0xb8;
	[tilespmem:$0x8400] =	vst v63  }
0x727: {  	v35 =	vperm.xlane v17, v14;
	v18 =	vadd.s32 v3, v34;
	s10 =	simm.s32 $0x7100  }
0x728: {  	[tilespmem:s10], [sflag:$0x2] =	stream.indirect_vreg.gather [hbm4b:s4+s2], $0x80, v19, vm0, $0xb8;
	[tilespmem:$0x8400] =	vst v63  }
0x729: {  	v36 =	vperm.xlane v17, v15;
	v19 =	vadd.s32 v3, v35;
	s10 =	simm.s32 $0x7180  }
0x72a: {  	[tilespmem:s10], [sflag:$0x2] =	stream.indirect_vreg.gather [hbm4b:s4+s2], $0x80, v33, vm0, $0xb8;
	[tilespmem:$0x8400] =	vst v63  }
0x72b: {  	v17 =	vperm.xlane v17, v16;
	v37 =	vadd.s32 v3, v36;
	s10 =	simm.s32 $0x7200  }
0x72c: {  	[tilespmem:s10], [sflag:$0x2] =	stream.indirect_vreg.gather [hbm4b:s4+s2], $0x80, v18, vm0, $0xb8;
	[tilespmem:$0x8400] =	vst v63  }
0x72d: {  	v17 =	vadd.s32 v3, v17;
	s10 =	simm.s32 $0x7280  }
0x72e: {  	[tilespmem:s10], [sflag:$0x2] =	stream.indirect_vreg.gather [hbm4b:s4+s2], $0x80, v19, vm0, $0xb8;
	[tilespmem:$0x8400] =	vst v63  }
0x72f: {  	s10 =	simm.s32 $0x7300  }
0x730: {  	[tilespmem:s10], [sflag:$0x2] =	stream.indirect_vreg.gather [hbm4b:s4+s2], $0x80, v37, vm0, $0xb8;
	[tilespmem:$0x8400] =	vst v63  }
0x731: {  	s10 =	simm.s32 $0x7380  }
0x732: {  	[tilespmem:s10], [sflag:$0x2] =	stream.indirect_vreg.gather [hbm4b:s4+s2], $0x80, v17, vm0, $0xb8;
	[tilespmem:$0x8400] =	vst v63  }
0x733: {  	v17 =	vld [tilespmem:$0x2E0];
	_ =	sdelay $0x4  }
0x734: {  	v18 =	vshll.u32 v17, $0x4  }
0x735: {  	v17 =	vand.u32 $0x7, v17;
	v18 =	vand.u32 $0xFFFFFF80, v18  }
0x736: {  	v17 =	vor.u32 v17, v18  }
0x737: {  	v18 =	vperm.xlane v17, v2;
	_ =	sdelay $0x1  }
0x738: {  	v19 =	vperm.xlane v17, v4;
	v18 =	vadd.s32 v3, v18;
	_ =	sdelay $0x1  }
0x739: {  	v38 =	vperm.xlane v17, v5;
	v19 =	vadd.s32 v3, v19;
	_ =	sdelay $0x1  }
0x73a: {  	s10 =	simm.s32 $0x7400;
	v39 =	vperm.xlane v17, v6;
	v20 =	vadd.s32 v3, v38  }
0x73b: {  	[tilespmem:s10], [sflag:$0x2] =	stream.indirect_vreg.gather [hbm4b:s4+s2], $0x80, v18, vm0, $0xb8;
	[tilespmem:$0x8400] =	vst v63  }
0x73c: {  	v40 =	vperm.xlane v17, v1;
	v18 =	vadd.s32 v3, v39;
	s10 =	simm.s32 $0x7480  }
0x73d: {  	[tilespmem:s10], [sflag:$0x2] =	stream.indirect_vreg.gather [hbm4b:s4+s2], $0x80, v19, vm0, $0xb8;
	[tilespmem:$0x8400] =	vst v63  }
0x73e: {  	v41 =	vperm.xlane v17, v7;
	v19 =	vadd.s32 v3, v40;
	s10 =	simm.s32 $0x7500  }
0x73f: {  	[tilespmem:s10], [sflag:$0x2] =	stream.indirect_vreg.gather [hbm4b:s4+s2], $0x80, v20, vm0, $0xb8;
	[tilespmem:$0x8400] =	vst v63  }
0x740: {  	v43 =	vperm.xlane v17, v8;
	v42 =	vadd.s32 v3, v41;
	s10 =	simm.s32 $0x7580  }
0x741: {  	[tilespmem:s10], [sflag:$0x2] =	stream.indirect_vreg.gather [hbm4b:s4+s2], $0x80, v18, vm0, $0xb8;
	[tilespmem:$0x8400] =	vst v63  }
0x742: {  	v44 =	vperm.xlane v17, v0;
	v18 =	vadd.s32 v3, v43;
	s10 =	simm.s32 $0x7600  }
0x743: {  	[tilespmem:s10], [sflag:$0x2] =	stream.indirect_vreg.gather [hbm4b:s4+s2], $0x80, v19, vm0, $0xb8;
	[tilespmem:$0x8400] =	vst v63  }
0x744: {  	v45 =	vperm.xlane v17, v9;
	v19 =	vadd.s32 v3, v44;
	s10 =	simm.s32 $0x7680  }
0x745: {  	[tilespmem:s10], [sflag:$0x2] =	stream.indirect_vreg.gather [hbm4b:s4+s2], $0x80, v42, vm0, $0xb8;
	[tilespmem:$0x8400] =	vst v63  }
0x746: {  	v47 =	vperm.xlane v17, v10;
	v46 =	vadd.s32 v3, v45;
	s10 =	simm.s32 $0x7700  }
0x747: {  	[tilespmem:s10], [sflag:$0x2] =	stream.indirect_vreg.gather [hbm4b:s4+s2], $0x80, v18, vm0, $0xb8;
	[tilespmem:$0x8400] =	vst v63  }
0x748: {  	v48 =	vperm.xlane v17, v11;
	v18 =	vadd.s32 v3, v47;
	s10 =	simm.s32 $0x7780  }
0x749: {  	[tilespmem:s10], [sflag:$0x2] =	stream.indirect_vreg.gather [hbm4b:s4+s2], $0x80, v19, vm0, $0xb8;
	[tilespmem:$0x8400] =	vst v63  }
0x74a: {  	v49 =	vperm.xlane v17, v12;
	v19 =	vadd.s32 v3, v48;
	s10 =	simm.s32 $0x7800  }
0x74b: {  	[tilespmem:s10], [sflag:$0x2] =	stream.indirect_vreg.gather [hbm4b:s4+s2], $0x80, v46, vm0, $0xb8;
	[tilespmem:$0x8400] =	vst v63  }
0x74c: {  	v51 =	vperm.xlane v17, v13;
	v50 =	vadd.s32 v3, v49;
	s10 =	simm.s32 $0x7880  }
0x74d: {  	[tilespmem:s10], [sflag:$0x2] =	stream.indirect_vreg.gather [hbm4b:s4+s2], $0x80, v18, vm0, $0xb8;
	[tilespmem:$0x8400] =	vst v63  }
0x74e: {  	v52 =	vperm.xlane v17, v14;
	v18 =	vadd.s32 v3, v51;
	s10 =	simm.s32 $0x7900  }
0x74f: {  	[tilespmem:s10], [sflag:$0x2] =	stream.indirect_vreg.gather [hbm4b:s4+s2], $0x80, v19, vm0, $0xb8;
	[tilespmem:$0x8400] =	vst v63  }
0x750: {  	v53 =	vperm.xlane v17, v15;
	v19 =	vadd.s32 v3, v52;
	s10 =	simm.s32 $0x7980  }
0x751: {  	[tilespmem:s10], [sflag:$0x2] =	stream.indirect_vreg.gather [hbm4b:s4+s2], $0x80, v50, vm0, $0xb8;
	[tilespmem:$0x8400] =	vst v63  }
0x752: {  	v17 =	vperm.xlane v17, v16;
	v54 =	vadd.s32 v3, v53;
	s10 =	simm.s32 $0x7A00  }
0x753: {  	[tilespmem:s10], [sflag:$0x2] =	stream.indirect_vreg.gather [hbm4b:s4+s2], $0x80, v18, vm0, $0xb8;
	[tilespmem:$0x8400] =	vst v63  }
0x754: {  	v17 =	vadd.s32 v3, v17;
	s10 =	simm.s32 $0x7A80  }
0x755: {  	[tilespmem:s10], [sflag:$0x2] =	stream.indirect_vreg.gather [hbm4b:s4+s2], $0x80, v19, vm0, $0xb8;
	[tilespmem:$0x8400] =	vst v63  }
0x756: {  	s10 =	simm.s32 $0x7B00  }
0x757: {  	[tilespmem:s10], [sflag:$0x2] =	stream.indirect_vreg.gather [hbm4b:s4+s2], $0x80, v54, vm0, $0xb8;
	[tilespmem:$0x8400] =	vst v63  }
0x758: {  	s10 =	simm.s32 $0x7B80  }
0x759: {  	[tilespmem:s10], [sflag:$0x2] =	stream.indirect_vreg.gather [hbm4b:s4+s2], $0x80, v17, vm0, $0xb8;
	[tilespmem:$0x8400] =	vst v63  }
0x75a: {  	v17 =	vld [tilespmem:$0x2F0];
	_ =	sdelay $0x4  }
0x75b: {  	v18 =	vshll.u32 v17, $0x4  }
0x75c: {  	v17 =	vand.u32 $0x7, v17;
	v18 =	vand.u32 $0xFFFFFF80, v18  }
0x75d: {  	v17 =	vor.u32 v17, v18  }
0x75e: {  	v18 =	vperm.xlane v17, v2;
	_ =	sdelay $0x1  }
0x75f: {  	v19 =	vperm.xlane v17, v4;
	v18 =	vadd.s32 v3, v18;
	_ =	sdelay $0x1  }
0x760: {  	v55 =	vperm.xlane v17, v5;
	v19 =	vadd.s32 v3, v19;
	_ =	sdelay $0x1  }
0x761: {  	s10 =	simm.s32 $0x7C00;
	v56 =	vperm.xlane v17, v6;
	v20 =	vadd.s32 v3, v55  }
0x762: {  	[tilespmem:s10], [sflag:$0x2] =	stream.indirect_vreg.gather [hbm4b:s4+s2], $0x80, v18, vm0, $0xb8;
	[tilespmem:$0x8400] =	vst v63  }
0x763: {  	v57 =	vperm.xlane v17, v1;
	v18 =	vadd.s32 v3, v56;
	s10 =	simm.s32 $0x7C80  }
0x764: {  	[tilespmem:s10], [sflag:$0x2] =	stream.indirect_vreg.gather [hbm4b:s4+s2], $0x80, v19, vm0, $0xb8;
	[tilespmem:$0x8400] =	vst v63  }
0x765: {  	v58 =	vperm.xlane v17, v7;
	v19 =	vadd.s32 v3, v57;
	s10 =	simm.s32 $0x7D00  }
0x766: {  	[tilespmem:s10], [sflag:$0x2] =	stream.indirect_vreg.gather [hbm4b:s4+s2], $0x80, v20, vm0, $0xb8;
	[tilespmem:$0x8400] =	vst v63  }
0x767: {  	v60 =	vperm.xlane v17, v8;
	v59 =	vadd.s32 v3, v58;
	s10 =	simm.s32 $0x7D80  }
0x768: {  	[tilespmem:s10], [sflag:$0x2] =	stream.indirect_vreg.gather [hbm4b:s4+s2], $0x80, v18, vm0, $0xb8;
	[tilespmem:$0x8400] =	vst v63  }
0x769: {  	v61 =	vperm.xlane v17, v0;
	v18 =	vadd.s32 v3, v60;
	s10 =	simm.s32 $0x7E00  }
0x76a: {  	[tilespmem:s10], [sflag:$0x2] =	stream.indirect_vreg.gather [hbm4b:s4+s2], $0x80, v19, vm0, $0xb8;
	[tilespmem:$0x8400] =	vst v63  }
0x76b: {  	v62 =	vperm.xlane v17, v9;
	v19 =	vadd.s32 v3, v61;
	s10 =	simm.s32 $0x7E80  }
0x76c: {  	[tilespmem:s10], [sflag:$0x2] =	stream.indirect_vreg.gather [hbm4b:s4+s2], $0x80, v59, vm0, $0xb8;
	[tilespmem:$0x8400] =	vst v63  }
0x76d: {  	v24 =	vperm.xlane v17, v10;
	v63 =	vadd.s32 v3, v62;
	s10 =	simm.s32 $0x7F00  }
0x76e: {  	[tilespmem:s10], [sflag:$0x2] =	stream.indirect_vreg.gather [hbm4b:s4+s2], $0x80, v18, vm0, $0xb8;
	[tilespmem:$0x8400] =	vst v63  }
0x76f: {  	v25 =	vperm.xlane v17, v11;
	v18 =	vadd.s32 v3, v24;
	s10 =	simm.s32 $0x7F80  }
0x770: {  	[tilespmem:s10], [sflag:$0x2] =	stream.indirect_vreg.gather [hbm4b:s4+s2], $0x80, v19, vm0, $0xb8;
	[tilespmem:$0x8400] =	vst v63  }
0x771: {  	v26 =	vperm.xlane v17, v12;
	v19 =	vadd.s32 v3, v25;
	s10 =	simm.s32 $0x8000  }
0x772: {  	[tilespmem:s10], [sflag:$0x2] =	stream.indirect_vreg.gather [hbm4b:s4+s2], $0x80, v63, vm0, $0xb8;
	[tilespmem:$0x8400] =	vst v63  }
0x773: {  	v28 =	vperm.xlane v17, v13;
	v27 =	vadd.s32 v3, v26;
	s10 =	simm.s32 $0x8080  }
0x774: {  	[tilespmem:s10], [sflag:$0x2] =	stream.indirect_vreg.gather [hbm4b:s4+s2], $0x80, v18, vm0, $0xb8;
	[tilespmem:$0x8400] =	vst v63  }
0x775: {  	v29 =	vperm.xlane v17, v14;
	v18 =	vadd.s32 v3, v28;
	s10 =	simm.s32 $0x8100  }
0x776: {  	[tilespmem:s10], [sflag:$0x2] =	stream.indirect_vreg.gather [hbm4b:s4+s2], $0x80, v19, vm0, $0xb8;
	[tilespmem:$0x8400] =	vst v63  }
0x777: {  	v30 =	vperm.xlane v17, v15;
	v19 =	vadd.s32 v3, v29;
	s10 =	simm.s32 $0x8180  }
0x778: {  	[tilespmem:s10], [sflag:$0x2] =	stream.indirect_vreg.gather [hbm4b:s4+s2], $0x80, v27, vm0, $0xb8;
	[tilespmem:$0x8400] =	vst v63  }
0x779: {  	v17 =	vperm.xlane v17, v16;
	v31 =	vadd.s32 v3, v30;
	s10 =	simm.s32 $0x8200  }
0x77a: {  	[tilespmem:s10], [sflag:$0x2] =	stream.indirect_vreg.gather [hbm4b:s4+s2], $0x80, v18, vm0, $0xb8;
	[tilespmem:$0x8400] =	vst v63  }
0x77b: {  	v17 =	vadd.s32 v3, v17;
	s10 =	simm.s32 $0x8280  }
0x77c: {  	[tilespmem:s10], [sflag:$0x2] =	stream.indirect_vreg.gather [hbm4b:s4+s2], $0x80, v19, vm0, $0xb8;
	[tilespmem:$0x8400] =	vst v63  }
0x77d: {  	s10 =	simm.s32 $0x8300  }
0x77e: {  	[tilespmem:s10], [sflag:$0x2] =	stream.indirect_vreg.gather [hbm4b:s4+s2], $0x80, v31, vm0, $0xb8;
	[tilespmem:$0x8400] =	vst v63  }
0x77f: {  	s10 =	simm.s32 $0x8380  }
0x780: {  	[tilespmem:s10], [sflag:$0x2] =	stream.indirect_vreg.gather [hbm4b:s4+s2], $0x80, v17, vm0, $0xb8;
	[tilespmem:$0x8400] =	vst v63  }
0x781: {  	_ =	swait.ge [sflag:s8], $0x4000  }
0x782: {  	[sflag:s8] =	ssyncset.done $0x0  }
0x783: {  	s1 =	simm.s32 $0x400;
	s10 =	rddreg [dreg:$0x7];
	[sflag:s8] =	ssyncadd.s32 $0xFFFFC000  }
0x784: {  	[hbm4b:s10+s2] =	stream.linear.scatter [tilespmem:s1], [sflag:$0x3], $0x4000, $0x38;
	[tilespmem:$0x8400] =	vst v63  }
0x785: {  	_ =	swait.ge [sflag:s6], $0x4000  }
0x786: {  	[sflag:s6] =	ssyncset.done $0x0  }
0x787: {  	[sflag:s6] =	ssyncadd.s32 $0xFFFFC000  }
0x788: {  	v17 =	vld [tilespmem:$0x300];
	_ =	sdelay $0x4  }
0x789: {  	v18 =	vshll.u32 v17, $0x4  }
0x78a: {  	v17 =	vand.u32 $0x7, v17;
	v18 =	vand.u32 $0xFFFFFF80, v18  }
0x78b: {  	v17 =	vor.u32 v17, v18  }
0x78c: {  	v18 =	vperm.xlane v17, v2;
	_ =	sdelay $0x1  }
0x78d: {  	v19 =	vperm.xlane v17, v4;
	v18 =	vadd.s32 v3, v18;
	_ =	sdelay $0x1  }
0x78e: {  	v32 =	vperm.xlane v17, v5;
	v19 =	vadd.s32 v3, v19;
	_ =	sdelay $0x1  }
0x78f: {  	v33 =	vperm.xlane v17, v6;
	v20 =	vadd.s32 v3, v32  }
0x790: {  	[tilespmem:s1], [sflag:$0x1] =	stream.indirect_vreg.gather [hbm4b:s4+s2], $0x80, v18, vm0, $0xb8;
	[tilespmem:$0x8400] =	vst v63  }
0x791: {  	s10 =	simm.s32 $0x480;
	v34 =	vperm.xlane v17, v1;
	v18 =	vadd.s32 v3, v33  }
0x792: {  	[tilespmem:s10], [sflag:$0x1] =	stream.indirect_vreg.gather [hbm4b:s4+s2], $0x80, v19, vm0, $0xb8;
	[tilespmem:$0x8400] =	vst v63  }
0x793: {  	v35 =	vperm.xlane v17, v7;
	v19 =	vadd.s32 v3, v34;
	s10 =	simm.s32 $0x500  }
0x794: {  	[tilespmem:s10], [sflag:$0x1] =	stream.indirect_vreg.gather [hbm4b:s4+s2], $0x80, v20, vm0, $0xb8;
	[tilespmem:$0x8400] =	vst v63  }
0x795: {  	v37 =	vperm.xlane v17, v8;
	v36 =	vadd.s32 v3, v35;
	s10 =	simm.s32 $0x580  }
0x796: {  	[tilespmem:s10], [sflag:$0x1] =	stream.indirect_vreg.gather [hbm4b:s4+s2], $0x80, v18, vm0, $0xb8;
	[tilespmem:$0x8400] =	vst v63  }
0x797: {  	v38 =	vperm.xlane v17, v0;
	v18 =	vadd.s32 v3, v37;
	s10 =	simm.s32 $0x600  }
0x798: {  	[tilespmem:s10], [sflag:$0x1] =	stream.indirect_vreg.gather [hbm4b:s4+s2], $0x80, v19, vm0, $0xb8;
	[tilespmem:$0x8400] =	vst v63  }
0x799: {  	v39 =	vperm.xlane v17, v9;
	v19 =	vadd.s32 v3, v38;
	s10 =	simm.s32 $0x680  }
0x79a: {  	[tilespmem:s10], [sflag:$0x1] =	stream.indirect_vreg.gather [hbm4b:s4+s2], $0x80, v36, vm0, $0xb8;
	[tilespmem:$0x8400] =	vst v63  }
0x79b: {  	v41 =	vperm.xlane v17, v10;
	v40 =	vadd.s32 v3, v39;
	s10 =	simm.s32 $0x700  }
0x79c: {  	[tilespmem:s10], [sflag:$0x1] =	stream.indirect_vreg.gather [hbm4b:s4+s2], $0x80, v18, vm0, $0xb8;
	[tilespmem:$0x8400] =	vst v63  }
0x79d: {  	v42 =	vperm.xlane v17, v11;
	v18 =	vadd.s32 v3, v41;
	s10 =	simm.s32 $0x780  }
0x79e: {  	[tilespmem:s10], [sflag:$0x1] =	stream.indirect_vreg.gather [hbm4b:s4+s2], $0x80, v19, vm0, $0xb8;
	[tilespmem:$0x8400] =	vst v63  }
0x79f: {  	v43 =	vperm.xlane v17, v12;
	v19 =	vadd.s32 v3, v42;
	s10 =	simm.s32 $0x800  }
0x7a0: {  	[tilespmem:s10], [sflag:$0x1] =	stream.indirect_vreg.gather [hbm4b:s4+s2], $0x80, v40, vm0, $0xb8;
	[tilespmem:$0x8400] =	vst v63  }
0x7a1: {  	v45 =	vperm.xlane v17, v13;
	v44 =	vadd.s32 v3, v43;
	s10 =	simm.s32 $0x880  }
0x7a2: {  	[tilespmem:s10], [sflag:$0x1] =	stream.indirect_vreg.gather [hbm4b:s4+s2], $0x80, v18, vm0, $0xb8;
	[tilespmem:$0x8400] =	vst v63  }
0x7a3: {  	v46 =	vperm.xlane v17, v14;
	v18 =	vadd.s32 v3, v45;
	s10 =	simm.s32 $0x900  }
0x7a4: {  	[tilespmem:s10], [sflag:$0x1] =	stream.indirect_vreg.gather [hbm4b:s4+s2], $0x80, v19, vm0, $0xb8;
	[tilespmem:$0x8400] =	vst v63  }
0x7a5: {  	v47 =	vperm.xlane v17, v15;
	v19 =	vadd.s32 v3, v46;
	s10 =	simm.s32 $0x980  }
0x7a6: {  	[tilespmem:s10], [sflag:$0x1] =	stream.indirect_vreg.gather [hbm4b:s4+s2], $0x80, v44, vm0, $0xb8;
	[tilespmem:$0x8400] =	vst v63  }
0x7a7: {  	v17 =	vperm.xlane v17, v16;
	v48 =	vadd.s32 v3, v47;
	s10 =	simm.s32 $0xA00  }
0x7a8: {  	[tilespmem:s10], [sflag:$0x1] =	stream.indirect_vreg.gather [hbm4b:s4+s2], $0x80, v18, vm0, $0xb8;
	[tilespmem:$0x8400] =	vst v63  }
0x7a9: {  	v17 =	vadd.s32 v3, v17;
	s10 =	simm.s32 $0xA80  }
0x7aa: {  	[tilespmem:s10], [sflag:$0x1] =	stream.indirect_vreg.gather [hbm4b:s4+s2], $0x80, v19, vm0, $0xb8;
	[tilespmem:$0x8400] =	vst v63  }
0x7ab: {  	s10 =	simm.s32 $0xB00  }
0x7ac: {  	[tilespmem:s10], [sflag:$0x1] =	stream.indirect_vreg.gather [hbm4b:s4+s2], $0x80, v48, vm0, $0xb8;
	[tilespmem:$0x8400] =	vst v63  }
0x7ad: {  	s10 =	simm.s32 $0xB80  }
0x7ae: {  	[tilespmem:s10], [sflag:$0x1] =	stream.indirect_vreg.gather [hbm4b:s4+s2], $0x80, v17, vm0, $0xb8;
	[tilespmem:$0x8400] =	vst v63  }
0x7af: {  	v17 =	vld [tilespmem:$0x310];
	_ =	sdelay $0x4  }
0x7b0: {  	v18 =	vshll.u32 v17, $0x4  }
0x7b1: {  	v17 =	vand.u32 $0x7, v17;
	v18 =	vand.u32 $0xFFFFFF80, v18  }
0x7b2: {  	v17 =	vor.u32 v17, v18  }
0x7b3: {  	v18 =	vperm.xlane v17, v2;
	_ =	sdelay $0x1  }
0x7b4: {  	v19 =	vperm.xlane v17, v4;
	v18 =	vadd.s32 v3, v18;
	_ =	sdelay $0x1  }
0x7b5: {  	v49 =	vperm.xlane v17, v5;
	v19 =	vadd.s32 v3, v19;
	_ =	sdelay $0x1  }
0x7b6: {  	s10 =	simm.s32 $0xC00;
	v50 =	vperm.xlane v17, v6;
	v20 =	vadd.s32 v3, v49  }
0x7b7: {  	[tilespmem:s10], [sflag:$0x1] =	stream.indirect_vreg.gather [hbm4b:s4+s2], $0x80, v18, vm0, $0xb8;
	[tilespmem:$0x8400] =	vst v63  }
0x7b8: {  	v51 =	vperm.xlane v17, v1;
	v18 =	vadd.s32 v3, v50;
	s10 =	simm.s32 $0xC80  }
0x7b9: {  	[tilespmem:s10], [sflag:$0x1] =	stream.indirect_vreg.gather [hbm4b:s4+s2], $0x80, v19, vm0, $0xb8;
	[tilespmem:$0x8400] =	vst v63  }
0x7ba: {  	s23 =	simm.s32 $0xD00;
	v52 =	vperm.xlane v17, v7;
	v19 =	vadd.s32 v3, v51  }
0x7bb: {  	[tilespmem:s23], [sflag:$0x1] =	stream.indirect_vreg.gather [hbm4b:s4+s2], $0x80, v20, vm0, $0xb8;
	[tilespmem:$0x8400] =	vst v63  }
0x7bc: {  	s24 =	simm.s32 $0xD80;
	v54 =	vperm.xlane v17, v8;
	v53 =	vadd.s32 v3, v52  }
0x7bd: {  	[tilespmem:s24], [sflag:$0x1] =	stream.indirect_vreg.gather [hbm4b:s4+s2], $0x80, v18, vm0, $0xb8;
	[tilespmem:$0x8400] =	vst v63  }
0x7be: {  	s25 =	simm.s32 $0xE00;
	v55 =	vperm.xlane v17, v0;
	v18 =	vadd.s32 v3, v54  }
0x7bf: {  	[tilespmem:s25], [sflag:$0x1] =	stream.indirect_vreg.gather [hbm4b:s4+s2], $0x80, v19, vm0, $0xb8;
	[tilespmem:$0x8400] =	vst v63  }
0x7c0: {  	s26 =	simm.s32 $0xE80;
	v56 =	vperm.xlane v17, v9;
	v19 =	vadd.s32 v3, v55  }
0x7c1: {  	[tilespmem:s26], [sflag:$0x1] =	stream.indirect_vreg.gather [hbm4b:s4+s2], $0x80, v53, vm0, $0xb8;
	[tilespmem:$0x8400] =	vst v63  }
0x7c2: {  	s28 =	simm.s32 $0xF00;
	v58 =	vperm.xlane v17, v10;
	v57 =	vadd.s32 v3, v56  }
0x7c3: {  	[tilespmem:s28], [sflag:$0x1] =	stream.indirect_vreg.gather [hbm4b:s4+s2], $0x80, v18, vm0, $0xb8;
	[tilespmem:$0x8400] =	vst v63  }
0x7c4: {  	s29 =	simm.s32 $0xF80;
	v59 =	vperm.xlane v17, v11;
	v18 =	vadd.s32 v3, v58  }
0x7c5: {  	[tilespmem:s29], [sflag:$0x1] =	stream.indirect_vreg.gather [hbm4b:s4+s2], $0x80, v19, vm0, $0xb8;
	[tilespmem:$0x8400] =	vst v63  }
0x7c6: {  	s30 =	simm.s32 $0x1000;
	v60 =	vperm.xlane v17, v12;
	v19 =	vadd.s32 v3, v59  }
0x7c7: {  	[tilespmem:s30], [sflag:$0x1] =	stream.indirect_vreg.gather [hbm4b:s4+s2], $0x80, v57, vm0, $0xb8;
	[tilespmem:$0x8400] =	vst v63  }
0x7c8: {  	s31 =	simm.s32 $0x1080;
	v62 =	vperm.xlane v17, v13;
	v61 =	vadd.s32 v3, v60  }
0x7c9: {  	[tilespmem:s31], [sflag:$0x1] =	stream.indirect_vreg.gather [hbm4b:s4+s2], $0x80, v18, vm0, $0xb8;
	[tilespmem:$0x8400] =	vst v63  }
0x7ca: {  	v63 =	vperm.xlane v17, v14;
	v18 =	vadd.s32 v3, v62;
	s31 =	simm.s32 $0x1100  }
0x7cb: {  	[tilespmem:s31], [sflag:$0x1] =	stream.indirect_vreg.gather [hbm4b:s4+s2], $0x80, v19, vm0, $0xb8;
	[tilespmem:$0x8400] =	vst v63  }
0x7cc: {  	v24 =	vperm.xlane v17, v15;
	s23 =	simm.s32 $0x1180;
	v19 =	vadd.s32 v3, v63  }
0x7cd: {  	[tilespmem:s23], [sflag:$0x1] =	stream.indirect_vreg.gather [hbm4b:s4+s2], $0x80, v61, vm0, $0xb8;
	[tilespmem:$0x8400] =	vst v63  }
0x7ce: {  	v17 =	vperm.xlane v17, v16;
	v25 =	vadd.s32 v3, v24;
	s24 =	simm.s32 $0x1200  }
0x7cf: {  	[tilespmem:s24], [sflag:$0x1] =	stream.indirect_vreg.gather [hbm4b:s4+s2], $0x80, v18, vm0, $0xb8;
	[tilespmem:$0x8400] =	vst v63  }
0x7d0: {  	v17 =	vadd.s32 v3, v17;
	s25 =	simm.s32 $0x1280  }
0x7d1: {  	[tilespmem:s25], [sflag:$0x1] =	stream.indirect_vreg.gather [hbm4b:s4+s2], $0x80, v19, vm0, $0xb8;
	[tilespmem:$0x8400] =	vst v63  }
0x7d2: {  	s7 =	simm.s32 $0x1300  }
0x7d3: {  	[tilespmem:s7], [sflag:$0x1] =	stream.indirect_vreg.gather [hbm4b:s4+s2], $0x80, v25, vm0, $0xb8;
	[tilespmem:$0x8400] =	vst v63  }
0x7d4: {  	s26 =	simm.s32 $0x1380  }
0x7d5: {  	[tilespmem:s26], [sflag:$0x1] =	stream.indirect_vreg.gather [hbm4b:s4+s2], $0x80, v17, vm0, $0xb8;
	[tilespmem:$0x8400] =	vst v63  }
0x7d6: {  	v17 =	vld [tilespmem:$0x320];
	_ =	sdelay $0x4  }
0x7d7: {  	v18 =	vshll.u32 v17, $0x4  }
0x7d8: {  	v17 =	vand.u32 $0x7, v17;
	v18 =	vand.u32 $0xFFFFFF80, v18  }
0x7d9: {  	v17 =	vor.u32 v17, v18  }
0x7da: {  	v18 =	vperm.xlane v17, v2;
	_ =	sdelay $0x1  }
0x7db: {  	v19 =	vperm.xlane v17, v4;
	v18 =	vadd.s32 v3, v18;
	_ =	sdelay $0x1  }
0x7dc: {  	v26 =	vperm.xlane v17, v5;
	v19 =	vadd.s32 v3, v19;
	_ =	sdelay $0x1  }
0x7dd: {  	s28 =	simm.s32 $0x1400;
	v27 =	vperm.xlane v17, v6;
	v20 =	vadd.s32 v3, v26  }
0x7de: {  	[tilespmem:s28], [sflag:$0x1] =	stream.indirect_vreg.gather [hbm4b:s4+s2], $0x80, v18, vm0, $0xb8;
	[tilespmem:$0x8400] =	vst v63  }
0x7df: {  	s29 =	simm.s32 $0x1480;
	v28 =	vperm.xlane v17, v1;
	v18 =	vadd.s32 v3, v27  }
0x7e0: {  	[tilespmem:s29], [sflag:$0x1] =	stream.indirect_vreg.gather [hbm4b:s4+s2], $0x80, v19, vm0, $0xb8;
	[tilespmem:$0x8400] =	vst v63  }
0x7e1: {  	s30 =	simm.s32 $0x1500;
	v29 =	vperm.xlane v17, v7;
	v19 =	vadd.s32 v3, v28  }
0x7e2: {  	[tilespmem:s30], [sflag:$0x1] =	stream.indirect_vreg.gather [hbm4b:s4+s2], $0x80, v20, vm0, $0xb8;
	[tilespmem:$0x8400] =	vst v63  }
0x7e3: {  	s31 =	simm.s32 $0x1580;
	v31 =	vperm.xlane v17, v8;
	v30 =	vadd.s32 v3, v29  }
0x7e4: {  	[tilespmem:s31], [sflag:$0x1] =	stream.indirect_vreg.gather [hbm4b:s4+s2], $0x80, v18, vm0, $0xb8;
	[tilespmem:$0x8400] =	vst v63  }
0x7e5: {  	s10 =	simm.s32 $0x1600;
	v32 =	vperm.xlane v17, v0;
	v18 =	vadd.s32 v3, v31  }
0x7e6: {  	[tilespmem:s10], [sflag:$0x1] =	stream.indirect_vreg.gather [hbm4b:s4+s2], $0x80, v19, vm0, $0xb8;
	[tilespmem:$0x8400] =	vst v63  }
0x7e7: {  	s23 =	simm.s32 $0x1680;
	v33 =	vperm.xlane v17, v9;
	v19 =	vadd.s32 v3, v32  }
0x7e8: {  	[tilespmem:s23], [sflag:$0x1] =	stream.indirect_vreg.gather [hbm4b:s4+s2], $0x80, v30, vm0, $0xb8;
	[tilespmem:$0x8400] =	vst v63  }
0x7e9: {  	s24 =	simm.s32 $0x1700;
	v35 =	vperm.xlane v17, v10;
	v34 =	vadd.s32 v3, v33  }
0x7ea: {  	[tilespmem:s24], [sflag:$0x1] =	stream.indirect_vreg.gather [hbm4b:s4+s2], $0x80, v18, vm0, $0xb8;
	[tilespmem:$0x8400] =	vst v63  }
0x7eb: {  	s25 =	simm.s32 $0x1780;
	v36 =	vperm.xlane v17, v11;
	v18 =	vadd.s32 v3, v35  }
0x7ec: {  	[tilespmem:s25], [sflag:$0x1] =	stream.indirect_vreg.gather [hbm4b:s4+s2], $0x80, v19, vm0, $0xb8;
	[tilespmem:$0x8400] =	vst v63  }
0x7ed: {  	s26 =	simm.s32 $0x1800;
	v37 =	vperm.xlane v17, v12;
	v19 =	vadd.s32 v3, v36  }
0x7ee: {  	[tilespmem:s26], [sflag:$0x1] =	stream.indirect_vreg.gather [hbm4b:s4+s2], $0x80, v34, vm0, $0xb8;
	[tilespmem:$0x8400] =	vst v63  }
0x7ef: {  	v39 =	vperm.xlane v17, v13;
	v38 =	vadd.s32 v3, v37;
	s28 =	simm.s32 $0x1880  }
0x7f0: {  	[tilespmem:s28], [sflag:$0x1] =	stream.indirect_vreg.gather [hbm4b:s4+s2], $0x80, v18, vm0, $0xb8;
	[tilespmem:$0x8400] =	vst v63  }
0x7f1: {  	v40 =	vperm.xlane v17, v14;
	s29 =	simm.s32 $0x1900;
	v18 =	vadd.s32 v3, v39  }
0x7f2: {  	[tilespmem:s29], [sflag:$0x1] =	stream.indirect_vreg.gather [hbm4b:s4+s2], $0x80, v19, vm0, $0xb8;
	[tilespmem:$0x8400] =	vst v63  }
0x7f3: {  	v41 =	vperm.xlane v17, v15;
	s30 =	simm.s32 $0x1980;
	v19 =	vadd.s32 v3, v40  }
0x7f4: {  	[tilespmem:s30], [sflag:$0x1] =	stream.indirect_vreg.gather [hbm4b:s4+s2], $0x80, v38, vm0, $0xb8;
	[tilespmem:$0x8400] =	vst v63  }
0x7f5: {  	v17 =	vperm.xlane v17, v16;
	v42 =	vadd.s32 v3, v41;
	s31 =	simm.s32 $0x1A00  }
0x7f6: {  	[tilespmem:s31], [sflag:$0x1] =	stream.indirect_vreg.gather [hbm4b:s4+s2], $0x80, v18, vm0, $0xb8;
	[tilespmem:$0x8400] =	vst v63  }
0x7f7: {  	s11 =	simm.s32 $0x1A80;
	v17 =	vadd.s32 v3, v17  }
0x7f8: {  	[tilespmem:s11], [sflag:$0x1] =	stream.indirect_vreg.gather [hbm4b:s4+s2], $0x80, v19, vm0, $0xb8;
	[tilespmem:$0x8400] =	vst v63  }
0x7f9: {  	s12 =	simm.s32 $0x1B00  }
0x7fa: {  	[tilespmem:s12], [sflag:$0x1] =	stream.indirect_vreg.gather [hbm4b:s4+s2], $0x80, v42, vm0, $0xb8;
	[tilespmem:$0x8400] =	vst v63  }
0x7fb: {  	s10 =	simm.s32 $0x1B80  }
0x7fc: {  	[tilespmem:s10], [sflag:$0x1] =	stream.indirect_vreg.gather [hbm4b:s4+s2], $0x80, v17, vm0, $0xb8;
	[tilespmem:$0x8400] =	vst v63  }
0x7fd: {  	v17 =	vld [tilespmem:$0x330];
	_ =	sdelay $0x4  }
0x7fe: {  	v18 =	vshll.u32 v17, $0x4  }
0x7ff: {  	v17 =	vand.u32 $0x7, v17;
	v18 =	vand.u32 $0xFFFFFF80, v18  }
0x800: {  	v17 =	vor.u32 v17, v18  }
0x801: {  	v18 =	vperm.xlane v17, v2;
	_ =	sdelay $0x1  }
0x802: {  	v19 =	vperm.xlane v17, v4;
	v18 =	vadd.s32 v3, v18;
	_ =	sdelay $0x1  }
0x803: {  	v43 =	vperm.xlane v17, v5;
	v19 =	vadd.s32 v3, v19;
	_ =	sdelay $0x1  }
0x804: {  	s11 =	simm.s32 $0x1C00;
	v44 =	vperm.xlane v17, v6;
	v20 =	vadd.s32 v3, v43  }
0x805: {  	[tilespmem:s11], [sflag:$0x1] =	stream.indirect_vreg.gather [hbm4b:s4+s2], $0x80, v18, vm0, $0xb8;
	[tilespmem:$0x8400] =	vst v63  }
0x806: {  	s12 =	simm.s32 $0x1C80;
	v45 =	vperm.xlane v17, v1;
	v18 =	vadd.s32 v3, v44  }
0x807: {  	[tilespmem:s12], [sflag:$0x1] =	stream.indirect_vreg.gather [hbm4b:s4+s2], $0x80, v19, vm0, $0xb8;
	[tilespmem:$0x8400] =	vst v63  }
0x808: {  	s23 =	simm.s32 $0x1D00;
	v46 =	vperm.xlane v17, v7;
	v19 =	vadd.s32 v3, v45  }
0x809: {  	[tilespmem:s23], [sflag:$0x1] =	stream.indirect_vreg.gather [hbm4b:s4+s2], $0x80, v20, vm0, $0xb8;
	[tilespmem:$0x8400] =	vst v63  }
0x80a: {  	s24 =	simm.s32 $0x1D80;
	v48 =	vperm.xlane v17, v8;
	v47 =	vadd.s32 v3, v46  }
0x80b: {  	[tilespmem:s24], [sflag:$0x1] =	stream.indirect_vreg.gather [hbm4b:s4+s2], $0x80, v18, vm0, $0xb8;
	[tilespmem:$0x8400] =	vst v63  }
0x80c: {  	s25 =	simm.s32 $0x1E00;
	v49 =	vperm.xlane v17, v0;
	v18 =	vadd.s32 v3, v48  }
0x80d: {  	[tilespmem:s25], [sflag:$0x1] =	stream.indirect_vreg.gather [hbm4b:s4+s2], $0x80, v19, vm0, $0xb8;
	[tilespmem:$0x8400] =	vst v63  }
0x80e: {  	s26 =	simm.s32 $0x1E80;
	v50 =	vperm.xlane v17, v9;
	v19 =	vadd.s32 v3, v49  }
0x80f: {  	[tilespmem:s26], [sflag:$0x1] =	stream.indirect_vreg.gather [hbm4b:s4+s2], $0x80, v47, vm0, $0xb8;
	[tilespmem:$0x8400] =	vst v63  }
0x810: {  	s28 =	simm.s32 $0x1F00;
	v52 =	vperm.xlane v17, v10;
	v51 =	vadd.s32 v3, v50  }
0x811: {  	[tilespmem:s28], [sflag:$0x1] =	stream.indirect_vreg.gather [hbm4b:s4+s2], $0x80, v18, vm0, $0xb8;
	[tilespmem:$0x8400] =	vst v63  }
0x812: {  	s29 =	simm.s32 $0x1F80;
	v53 =	vperm.xlane v17, v11;
	v18 =	vadd.s32 v3, v52  }
0x813: {  	[tilespmem:s29], [sflag:$0x1] =	stream.indirect_vreg.gather [hbm4b:s4+s2], $0x80, v19, vm0, $0xb8;
	[tilespmem:$0x8400] =	vst v63  }
0x814: {  	s30 =	simm.s32 $0x2000;
	v54 =	vperm.xlane v17, v12;
	v19 =	vadd.s32 v3, v53  }
0x815: {  	[tilespmem:s30], [sflag:$0x1] =	stream.indirect_vreg.gather [hbm4b:s4+s2], $0x80, v51, vm0, $0xb8;
	[tilespmem:$0x8400] =	vst v63  }
0x816: {  	s31 =	simm.s32 $0x2080;
	v56 =	vperm.xlane v17, v13;
	v55 =	vadd.s32 v3, v54  }
0x817: {  	[tilespmem:s31], [sflag:$0x1] =	stream.indirect_vreg.gather [hbm4b:s4+s2], $0x80, v18, vm0, $0xb8;
	[tilespmem:$0x8400] =	vst v63  }
0x818: {  	s10 =	simm.s32 $0x2100;
	v57 =	vperm.xlane v17, v14;
	v18 =	vadd.s32 v3, v56  }
0x819: {  	[tilespmem:s10], [sflag:$0x1] =	stream.indirect_vreg.gather [hbm4b:s4+s2], $0x80, v19, vm0, $0xb8;
	[tilespmem:$0x8400] =	vst v63  }
0x81a: {  	v58 =	vperm.xlane v17, v15;
	s11 =	simm.s32 $0x2180;
	v19 =	vadd.s32 v3, v57  }
0x81b: {  	[tilespmem:s11], [sflag:$0x1] =	stream.indirect_vreg.gather [hbm4b:s4+s2], $0x80, v55, vm0, $0xb8;
	[tilespmem:$0x8400] =	vst v63  }
0x81c: {  	v17 =	vperm.xlane v17, v16;
	v59 =	vadd.s32 v3, v58;
	s12 =	simm.s32 $0x2200  }
0x81d: {  	[tilespmem:s12], [sflag:$0x1] =	stream.indirect_vreg.gather [hbm4b:s4+s2], $0x80, v18, vm0, $0xb8;
	[tilespmem:$0x8400] =	vst v63  }
0x81e: {  	s13 =	simm.s32 $0x2280;
	v17 =	vadd.s32 v3, v17  }
0x81f: {  	[tilespmem:s13], [sflag:$0x1] =	stream.indirect_vreg.gather [hbm4b:s4+s2], $0x80, v19, vm0, $0xb8;
	[tilespmem:$0x8400] =	vst v63  }
0x820: {  	s14 =	simm.s32 $0x2300  }
0x821: {  	[tilespmem:s14], [sflag:$0x1] =	stream.indirect_vreg.gather [hbm4b:s4+s2], $0x80, v59, vm0, $0xb8;
	[tilespmem:$0x8400] =	vst v63  }
0x822: {  	s23 =	simm.s32 $0x2380  }
0x823: {  	[tilespmem:s23], [sflag:$0x1] =	stream.indirect_vreg.gather [hbm4b:s4+s2], $0x80, v17, vm0, $0xb8;
	[tilespmem:$0x8400] =	vst v63  }
0x824: {  	v17 =	vld [tilespmem:$0x340];
	_ =	sdelay $0x4  }
0x825: {  	v18 =	vshll.u32 v17, $0x4  }
0x826: {  	v17 =	vand.u32 $0x7, v17;
	v18 =	vand.u32 $0xFFFFFF80, v18  }
0x827: {  	v17 =	vor.u32 v17, v18  }
0x828: {  	v18 =	vperm.xlane v17, v2;
	_ =	sdelay $0x1  }
0x829: {  	v19 =	vperm.xlane v17, v4;
	v18 =	vadd.s32 v3, v18;
	_ =	sdelay $0x1  }
0x82a: {  	v60 =	vperm.xlane v17, v5;
	v19 =	vadd.s32 v3, v19;
	_ =	sdelay $0x1  }
0x82b: {  	s24 =	simm.s32 $0x2400;
	v61 =	vperm.xlane v17, v6;
	v20 =	vadd.s32 v3, v60  }
0x82c: {  	[tilespmem:s24], [sflag:$0x1] =	stream.indirect_vreg.gather [hbm4b:s4+s2], $0x80, v18, vm0, $0xb8;
	[tilespmem:$0x8400] =	vst v63  }
0x82d: {  	s25 =	simm.s32 $0x2480;
	v62 =	vperm.xlane v17, v1;
	v18 =	vadd.s32 v3, v61  }
0x82e: {  	[tilespmem:s25], [sflag:$0x1] =	stream.indirect_vreg.gather [hbm4b:s4+s2], $0x80, v19, vm0, $0xb8;
	[tilespmem:$0x8400] =	vst v63  }
0x82f: {  	s26 =	simm.s32 $0x2500;
	v63 =	vperm.xlane v17, v7;
	v19 =	vadd.s32 v3, v62  }
0x830: {  	[tilespmem:s26], [sflag:$0x1] =	stream.indirect_vreg.gather [hbm4b:s4+s2], $0x80, v20, vm0, $0xb8;
	[tilespmem:$0x8400] =	vst v63  }
0x831: {  	s28 =	simm.s32 $0x2580;
	v25 =	vperm.xlane v17, v8;
	v24 =	vadd.s32 v3, v63  }
0x832: {  	[tilespmem:s28], [sflag:$0x1] =	stream.indirect_vreg.gather [hbm4b:s4+s2], $0x80, v18, vm0, $0xb8;
	[tilespmem:$0x8400] =	vst v63  }
0x833: {  	s29 =	simm.s32 $0x2600;
	v26 =	vperm.xlane v17, v0;
	v18 =	vadd.s32 v3, v25  }
0x834: {  	[tilespmem:s29], [sflag:$0x1] =	stream.indirect_vreg.gather [hbm4b:s4+s2], $0x80, v19, vm0, $0xb8;
	[tilespmem:$0x8400] =	vst v63  }
0x835: {  	s30 =	simm.s32 $0x2680;
	v27 =	vperm.xlane v17, v9;
	v19 =	vadd.s32 v3, v26  }
0x836: {  	[tilespmem:s30], [sflag:$0x1] =	stream.indirect_vreg.gather [hbm4b:s4+s2], $0x80, v24, vm0, $0xb8;
	[tilespmem:$0x8400] =	vst v63  }
0x837: {  	s31 =	simm.s32 $0x2700;
	v29 =	vperm.xlane v17, v10;
	v28 =	vadd.s32 v3, v27  }
0x838: {  	[tilespmem:s31], [sflag:$0x1] =	stream.indirect_vreg.gather [hbm4b:s4+s2], $0x80, v18, vm0, $0xb8;
	[tilespmem:$0x8400] =	vst v63  }
0x839: {  	s10 =	simm.s32 $0x2780;
	v30 =	vperm.xlane v17, v11;
	v18 =	vadd.s32 v3, v29  }
0x83a: {  	[tilespmem:s10], [sflag:$0x1] =	stream.indirect_vreg.gather [hbm4b:s4+s2], $0x80, v19, vm0, $0xb8;
	[tilespmem:$0x8400] =	vst v63  }
0x83b: {  	s11 =	simm.s32 $0x2800;
	v31 =	vperm.xlane v17, v12;
	v19 =	vadd.s32 v3, v30  }
0x83c: {  	[tilespmem:s11], [sflag:$0x1] =	stream.indirect_vreg.gather [hbm4b:s4+s2], $0x80, v28, vm0, $0xb8;
	[tilespmem:$0x8400] =	vst v63  }
0x83d: {  	s12 =	simm.s32 $0x2880;
	v33 =	vperm.xlane v17, v13;
	v32 =	vadd.s32 v3, v31  }
0x83e: {  	[tilespmem:s12], [sflag:$0x1] =	stream.indirect_vreg.gather [hbm4b:s4+s2], $0x80, v18, vm0, $0xb8;
	[tilespmem:$0x8400] =	vst v63  }
0x83f: {  	s13 =	simm.s32 $0x2900;
	v34 =	vperm.xlane v17, v14;
	v18 =	vadd.s32 v3, v33  }
0x840: {  	[tilespmem:s13], [sflag:$0x1] =	stream.indirect_vreg.gather [hbm4b:s4+s2], $0x80, v19, vm0, $0xb8;
	[tilespmem:$0x8400] =	vst v63  }
0x841: {  	s14 =	simm.s32 $0x2980;
	v35 =	vperm.xlane v17, v15;
	v19 =	vadd.s32 v3, v34  }
0x842: {  	[tilespmem:s14], [sflag:$0x1] =	stream.indirect_vreg.gather [hbm4b:s4+s2], $0x80, v32, vm0, $0xb8;
	[tilespmem:$0x8400] =	vst v63  }
0x843: {  	s23 =	simm.s32 $0x2A00;
	v17 =	vperm.xlane v17, v16;
	v36 =	vadd.s32 v3, v35  }
0x844: {  	[tilespmem:s23], [sflag:$0x1] =	stream.indirect_vreg.gather [hbm4b:s4+s2], $0x80, v18, vm0, $0xb8;
	[tilespmem:$0x8400] =	vst v63  }
0x845: {  	s15 =	simm.s32 $0x2A80;
	v17 =	vadd.s32 v3, v17  }
0x846: {  	[tilespmem:s15], [sflag:$0x1] =	stream.indirect_vreg.gather [hbm4b:s4+s2], $0x80, v19, vm0, $0xb8;
	[tilespmem:$0x8400] =	vst v63  }
0x847: {  	s16 =	simm.s32 $0x2B00  }
0x848: {  	[tilespmem:s16], [sflag:$0x1] =	stream.indirect_vreg.gather [hbm4b:s4+s2], $0x80, v36, vm0, $0xb8;
	[tilespmem:$0x8400] =	vst v63  }
0x849: {  	s24 =	simm.s32 $0x2B80  }
0x84a: {  	[tilespmem:s24], [sflag:$0x1] =	stream.indirect_vreg.gather [hbm4b:s4+s2], $0x80, v17, vm0, $0xb8;
	[tilespmem:$0x8400] =	vst v63  }
0x84b: {  	v17 =	vld [tilespmem:$0x350];
	_ =	sdelay $0x4  }
0x84c: {  	v18 =	vshll.u32 v17, $0x4  }
0x84d: {  	v17 =	vand.u32 $0x7, v17;
	v18 =	vand.u32 $0xFFFFFF80, v18  }
0x84e: {  	v17 =	vor.u32 v17, v18  }
0x84f: {  	v18 =	vperm.xlane v17, v2;
	_ =	sdelay $0x1  }
0x850: {  	v19 =	vperm.xlane v17, v4;
	v18 =	vadd.s32 v3, v18;
	_ =	sdelay $0x1  }
0x851: {  	v37 =	vperm.xlane v17, v5;
	v19 =	vadd.s32 v3, v19;
	_ =	sdelay $0x1  }
0x852: {  	s25 =	simm.s32 $0x2C00;
	v38 =	vperm.xlane v17, v6;
	v20 =	vadd.s32 v3, v37  }
0x853: {  	[tilespmem:s25], [sflag:$0x1] =	stream.indirect_vreg.gather [hbm4b:s4+s2], $0x80, v18, vm0, $0xb8;
	[tilespmem:$0x8400] =	vst v63  }
0x854: {  	s26 =	simm.s32 $0x2C80;
	v39 =	vperm.xlane v17, v1;
	v18 =	vadd.s32 v3, v38  }
0x855: {  	[tilespmem:s26], [sflag:$0x1] =	stream.indirect_vreg.gather [hbm4b:s4+s2], $0x80, v19, vm0, $0xb8;
	[tilespmem:$0x8400] =	vst v63  }
0x856: {  	s28 =	simm.s32 $0x2D00;
	v40 =	vperm.xlane v17, v7;
	v19 =	vadd.s32 v3, v39  }
0x857: {  	[tilespmem:s28], [sflag:$0x1] =	stream.indirect_vreg.gather [hbm4b:s4+s2], $0x80, v20, vm0, $0xb8;
	[tilespmem:$0x8400] =	vst v63  }
0x858: {  	s29 =	simm.s32 $0x2D80;
	v42 =	vperm.xlane v17, v8;
	v41 =	vadd.s32 v3, v40  }
0x859: {  	[tilespmem:s29], [sflag:$0x1] =	stream.indirect_vreg.gather [hbm4b:s4+s2], $0x80, v18, vm0, $0xb8;
	[tilespmem:$0x8400] =	vst v63  }
0x85a: {  	s30 =	simm.s32 $0x2E00;
	v43 =	vperm.xlane v17, v0;
	v18 =	vadd.s32 v3, v42  }
0x85b: {  	[tilespmem:s30], [sflag:$0x1] =	stream.indirect_vreg.gather [hbm4b:s4+s2], $0x80, v19, vm0, $0xb8;
	[tilespmem:$0x8400] =	vst v63  }
0x85c: {  	s31 =	simm.s32 $0x2E80;
	v44 =	vperm.xlane v17, v9;
	v19 =	vadd.s32 v3, v43  }
0x85d: {  	[tilespmem:s31], [sflag:$0x1] =	stream.indirect_vreg.gather [hbm4b:s4+s2], $0x80, v41, vm0, $0xb8;
	[tilespmem:$0x8400] =	vst v63  }
0x85e: {  	s10 =	simm.s32 $0x2F00;
	v46 =	vperm.xlane v17, v10;
	v45 =	vadd.s32 v3, v44  }
0x85f: {  	[tilespmem:s10], [sflag:$0x1] =	stream.indirect_vreg.gather [hbm4b:s4+s2], $0x80, v18, vm0, $0xb8;
	[tilespmem:$0x8400] =	vst v63  }
0x860: {  	s11 =	simm.s32 $0x2F80;
	v47 =	vperm.xlane v17, v11;
	v18 =	vadd.s32 v3, v46  }
0x861: {  	[tilespmem:s11], [sflag:$0x1] =	stream.indirect_vreg.gather [hbm4b:s4+s2], $0x80, v19, vm0, $0xb8;
	[tilespmem:$0x8400] =	vst v63  }
0x862: {  	s12 =	simm.s32 $0x3000;
	v48 =	vperm.xlane v17, v12;
	v19 =	vadd.s32 v3, v47  }
0x863: {  	[tilespmem:s12], [sflag:$0x1] =	stream.indirect_vreg.gather [hbm4b:s4+s2], $0x80, v45, vm0, $0xb8;
	[tilespmem:$0x8400] =	vst v63  }
0x864: {  	s13 =	simm.s32 $0x3080;
	v50 =	vperm.xlane v17, v13;
	v49 =	vadd.s32 v3, v48  }
0x865: {  	[tilespmem:s13], [sflag:$0x1] =	stream.indirect_vreg.gather [hbm4b:s4+s2], $0x80, v18, vm0, $0xb8;
	[tilespmem:$0x8400] =	vst v63  }
0x866: {  	s14 =	simm.s32 $0x3100;
	v51 =	vperm.xlane v17, v14;
	v18 =	vadd.s32 v3, v50  }
0x867: {  	[tilespmem:s14], [sflag:$0x1] =	stream.indirect_vreg.gather [hbm4b:s4+s2], $0x80, v19, vm0, $0xb8;
	[tilespmem:$0x8400] =	vst v63  }
0x868: {  	s15 =	simm.s32 $0x3180;
	v52 =	vperm.xlane v17, v15;
	v19 =	vadd.s32 v3, v51  }
0x869: {  	[tilespmem:s15], [sflag:$0x1] =	stream.indirect_vreg.gather [hbm4b:s4+s2], $0x80, v49, vm0, $0xb8;
	[tilespmem:$0x8400] =	vst v63  }
0x86a: {  	s16 =	simm.s32 $0x3200;
	v17 =	vperm.xlane v17, v16;
	v53 =	vadd.s32 v3, v52  }
0x86b: {  	[tilespmem:s16], [sflag:$0x1] =	stream.indirect_vreg.gather [hbm4b:s4+s2], $0x80, v18, vm0, $0xb8;
	[tilespmem:$0x8400] =	vst v63  }
0x86c: {  	s17 =	simm.s32 $0x3280;
	v17 =	vadd.s32 v3, v17  }
0x86d: {  	[tilespmem:s17], [sflag:$0x1] =	stream.indirect_vreg.gather [hbm4b:s4+s2], $0x80, v19, vm0, $0xb8;
	[tilespmem:$0x8400] =	vst v63  }
0x86e: {  	s18 =	simm.s32 $0x3300  }
0x86f: {  	[tilespmem:s18], [sflag:$0x1] =	stream.indirect_vreg.gather [hbm4b:s4+s2], $0x80, v53, vm0, $0xb8;
	[tilespmem:$0x8400] =	vst v63  }
0x870: {  	s23 =	simm.s32 $0x3380  }
0x871: {  	[tilespmem:s23], [sflag:$0x1] =	stream.indirect_vreg.gather [hbm4b:s4+s2], $0x80, v17, vm0, $0xb8;
	[tilespmem:$0x8400] =	vst v63  }
0x872: {  	v17 =	vld [tilespmem:$0x360];
	_ =	sdelay $0x4  }
0x873: {  	v18 =	vshll.u32 v17, $0x4  }
0x874: {  	v17 =	vand.u32 $0x7, v17;
	v18 =	vand.u32 $0xFFFFFF80, v18  }
0x875: {  	v17 =	vor.u32 v17, v18  }
0x876: {  	v18 =	vperm.xlane v17, v2;
	_ =	sdelay $0x1  }
0x877: {  	v19 =	vperm.xlane v17, v4;
	v18 =	vadd.s32 v3, v18;
	_ =	sdelay $0x1  }
0x878: {  	v54 =	vperm.xlane v17, v5;
	v19 =	vadd.s32 v3, v19;
	_ =	sdelay $0x1  }
0x879: {  	s24 =	simm.s32 $0x3400;
	v55 =	vperm.xlane v17, v6;
	v20 =	vadd.s32 v3, v54  }
0x87a: {  	[tilespmem:s24], [sflag:$0x1] =	stream.indirect_vreg.gather [hbm4b:s4+s2], $0x80, v18, vm0, $0xb8;
	[tilespmem:$0x8400] =	vst v63  }
0x87b: {  	s25 =	simm.s32 $0x3480;
	v56 =	vperm.xlane v17, v1;
	v18 =	vadd.s32 v3, v55  }
0x87c: {  	[tilespmem:s25], [sflag:$0x1] =	stream.indirect_vreg.gather [hbm4b:s4+s2], $0x80, v19, vm0, $0xb8;
	[tilespmem:$0x8400] =	vst v63  }
0x87d: {  	s26 =	simm.s32 $0x3500;
	v57 =	vperm.xlane v17, v7;
	v19 =	vadd.s32 v3, v56  }
0x87e: {  	[tilespmem:s26], [sflag:$0x1] =	stream.indirect_vreg.gather [hbm4b:s4+s2], $0x80, v20, vm0, $0xb8;
	[tilespmem:$0x8400] =	vst v63  }
0x87f: {  	s28 =	simm.s32 $0x3580;
	v59 =	vperm.xlane v17, v8;
	v58 =	vadd.s32 v3, v57  }
0x880: {  	[tilespmem:s28], [sflag:$0x1] =	stream.indirect_vreg.gather [hbm4b:s4+s2], $0x80, v18, vm0, $0xb8;
	[tilespmem:$0x8400] =	vst v63  }
0x881: {  	s29 =	simm.s32 $0x3600;
	v60 =	vperm.xlane v17, v0;
	v18 =	vadd.s32 v3, v59  }
0x882: {  	[tilespmem:s29], [sflag:$0x1] =	stream.indirect_vreg.gather [hbm4b:s4+s2], $0x80, v19, vm0, $0xb8;
	[tilespmem:$0x8400] =	vst v63  }
0x883: {  	s30 =	simm.s32 $0x3680;
	v61 =	vperm.xlane v17, v9;
	v19 =	vadd.s32 v3, v60  }
0x884: {  	[tilespmem:s30], [sflag:$0x1] =	stream.indirect_vreg.gather [hbm4b:s4+s2], $0x80, v58, vm0, $0xb8;
	[tilespmem:$0x8400] =	vst v63  }
0x885: {  	s31 =	simm.s32 $0x3700;
	v63 =	vperm.xlane v17, v10;
	v62 =	vadd.s32 v3, v61  }
0x886: {  	[tilespmem:s31], [sflag:$0x1] =	stream.indirect_vreg.gather [hbm4b:s4+s2], $0x80, v18, vm0, $0xb8;
	[tilespmem:$0x8400] =	vst v63  }
0x887: {  	s10 =	simm.s32 $0x3780;
	v24 =	vperm.xlane v17, v11;
	v18 =	vadd.s32 v3, v63  }
0x888: {  	[tilespmem:s10], [sflag:$0x1] =	stream.indirect_vreg.gather [hbm4b:s4+s2], $0x80, v19, vm0, $0xb8;
	[tilespmem:$0x8400] =	vst v63  }
0x889: {  	s11 =	simm.s32 $0x3800;
	v25 =	vperm.xlane v17, v12;
	v19 =	vadd.s32 v3, v24  }
0x88a: {  	[tilespmem:s11], [sflag:$0x1] =	stream.indirect_vreg.gather [hbm4b:s4+s2], $0x80, v62, vm0, $0xb8;
	[tilespmem:$0x8400] =	vst v63  }
0x88b: {  	s12 =	simm.s32 $0x3880;
	v27 =	vperm.xlane v17, v13;
	v26 =	vadd.s32 v3, v25  }
0x88c: {  	[tilespmem:s12], [sflag:$0x1] =	stream.indirect_vreg.gather [hbm4b:s4+s2], $0x80, v18, vm0, $0xb8;
	[tilespmem:$0x8400] =	vst v63  }
0x88d: {  	s13 =	simm.s32 $0x3900;
	v28 =	vperm.xlane v17, v14;
	v18 =	vadd.s32 v3, v27  }
0x88e: {  	[tilespmem:s13], [sflag:$0x1] =	stream.indirect_vreg.gather [hbm4b:s4+s2], $0x80, v19, vm0, $0xb8;
	[tilespmem:$0x8400] =	vst v63  }
0x88f: {  	s14 =	simm.s32 $0x3980;
	v29 =	vperm.xlane v17, v15;
	v19 =	vadd.s32 v3, v28  }
0x890: {  	[tilespmem:s14], [sflag:$0x1] =	stream.indirect_vreg.gather [hbm4b:s4+s2], $0x80, v26, vm0, $0xb8;
	[tilespmem:$0x8400] =	vst v63  }
0x891: {  	s15 =	simm.s32 $0x3A00;
	v17 =	vperm.xlane v17, v16;
	v30 =	vadd.s32 v3, v29  }
0x892: {  	[tilespmem:s15], [sflag:$0x1] =	stream.indirect_vreg.gather [hbm4b:s4+s2], $0x80, v18, vm0, $0xb8;
	[tilespmem:$0x8400] =	vst v63  }
0x893: {  	s19 =	simm.s32 $0x3A80;
	v17 =	vadd.s32 v3, v17  }
0x894: {  	[tilespmem:s19], [sflag:$0x1] =	stream.indirect_vreg.gather [hbm4b:s4+s2], $0x80, v19, vm0, $0xb8;
	[tilespmem:$0x8400] =	vst v63  }
0x895: {  	s20 =	simm.s32 $0x3B00  }
0x896: {  	[tilespmem:s20], [sflag:$0x1] =	stream.indirect_vreg.gather [hbm4b:s4+s2], $0x80, v30, vm0, $0xb8;
	[tilespmem:$0x8400] =	vst v63  }
0x897: {  	s16 =	simm.s32 $0x3B80  }
0x898: {  	[tilespmem:s16], [sflag:$0x1] =	stream.indirect_vreg.gather [hbm4b:s4+s2], $0x80, v17, vm0, $0xb8;
	[tilespmem:$0x8400] =	vst v63  }
0x899: {  	v17 =	vld [tilespmem:$0x370];
	_ =	sdelay $0x4  }
0x89a: {  	v18 =	vshll.u32 v17, $0x4  }
0x89b: {  	v17 =	vand.u32 $0x7, v17;
	v18 =	vand.u32 $0xFFFFFF80, v18  }
0x89c: {  	v17 =	vor.u32 v17, v18  }
0x89d: {  	v18 =	vperm.xlane v17, v2;
	_ =	sdelay $0x1  }
0x89e: {  	v19 =	vperm.xlane v17, v4;
	v18 =	vadd.s32 v3, v18;
	_ =	sdelay $0x1  }
0x89f: {  	v31 =	vperm.xlane v17, v5;
	v19 =	vadd.s32 v3, v19;
	_ =	sdelay $0x1  }
0x8a0: {  	s17 =	simm.s32 $0x3C00;
	v32 =	vperm.xlane v17, v6;
	v20 =	vadd.s32 v3, v31  }
0x8a1: {  	[tilespmem:s17], [sflag:$0x1] =	stream.indirect_vreg.gather [hbm4b:s4+s2], $0x80, v18, vm0, $0xb8;
	[tilespmem:$0x8400] =	vst v63  }
0x8a2: {  	s18 =	simm.s32 $0x3C80;
	v33 =	vperm.xlane v17, v1;
	v18 =	vadd.s32 v3, v32  }
0x8a3: {  	[tilespmem:s18], [sflag:$0x1] =	stream.indirect_vreg.gather [hbm4b:s4+s2], $0x80, v19, vm0, $0xb8;
	[tilespmem:$0x8400] =	vst v63  }
0x8a4: {  	s19 =	simm.s32 $0x3D00;
	v34 =	vperm.xlane v17, v7;
	v19 =	vadd.s32 v3, v33  }
0x8a5: {  	[tilespmem:s19], [sflag:$0x1] =	stream.indirect_vreg.gather [hbm4b:s4+s2], $0x80, v20, vm0, $0xb8;
	[tilespmem:$0x8400] =	vst v63  }
0x8a6: {  	s20 =	simm.s32 $0x3D80;
	v36 =	vperm.xlane v17, v8;
	v35 =	vadd.s32 v3, v34  }
0x8a7: {  	[tilespmem:s20], [sflag:$0x1] =	stream.indirect_vreg.gather [hbm4b:s4+s2], $0x80, v18, vm0, $0xb8;
	[tilespmem:$0x8400] =	vst v63  }
0x8a8: {  	s23 =	simm.s32 $0x3E00;
	v37 =	vperm.xlane v17, v0;
	v18 =	vadd.s32 v3, v36  }
0x8a9: {  	[tilespmem:s23], [sflag:$0x1] =	stream.indirect_vreg.gather [hbm4b:s4+s2], $0x80, v19, vm0, $0xb8;
	[tilespmem:$0x8400] =	vst v63  }
0x8aa: {  	s24 =	simm.s32 $0x3E80;
	v38 =	vperm.xlane v17, v9;
	v19 =	vadd.s32 v3, v37  }
0x8ab: {  	[tilespmem:s24], [sflag:$0x1] =	stream.indirect_vreg.gather [hbm4b:s4+s2], $0x80, v35, vm0, $0xb8;
	[tilespmem:$0x8400] =	vst v63  }
0x8ac: {  	s25 =	simm.s32 $0x3F00;
	v40 =	vperm.xlane v17, v10;
	v39 =	vadd.s32 v3, v38  }
0x8ad: {  	[tilespmem:s25], [sflag:$0x1] =	stream.indirect_vreg.gather [hbm4b:s4+s2], $0x80, v18, vm0, $0xb8;
	[tilespmem:$0x8400] =	vst v63  }
0x8ae: {  	s26 =	simm.s32 $0x3F80;
	v41 =	vperm.xlane v17, v11;
	v18 =	vadd.s32 v3, v40  }
0x8af: {  	[tilespmem:s26], [sflag:$0x1] =	stream.indirect_vreg.gather [hbm4b:s4+s2], $0x80, v19, vm0, $0xb8;
	[tilespmem:$0x8400] =	vst v63  }
0x8b0: {  	s28 =	simm.s32 $0x4000;
	v42 =	vperm.xlane v17, v12;
	v19 =	vadd.s32 v3, v41  }
0x8b1: {  	[tilespmem:s28], [sflag:$0x1] =	stream.indirect_vreg.gather [hbm4b:s4+s2], $0x80, v39, vm0, $0xb8;
	[tilespmem:$0x8400] =	vst v63  }
0x8b2: {  	s29 =	simm.s32 $0x4080;
	v44 =	vperm.xlane v17, v13;
	v43 =	vadd.s32 v3, v42  }
0x8b3: {  	[tilespmem:s29], [sflag:$0x1] =	stream.indirect_vreg.gather [hbm4b:s4+s2], $0x80, v18, vm0, $0xb8;
	[tilespmem:$0x8400] =	vst v63  }
0x8b4: {  	s30 =	simm.s32 $0x4100;
	v45 =	vperm.xlane v17, v14;
	v18 =	vadd.s32 v3, v44  }
0x8b5: {  	[tilespmem:s30], [sflag:$0x1] =	stream.indirect_vreg.gather [hbm4b:s4+s2], $0x80, v19, vm0, $0xb8;
	[tilespmem:$0x8400] =	vst v63  }
0x8b6: {  	s31 =	simm.s32 $0x4180;
	v46 =	vperm.xlane v17, v15;
	v19 =	vadd.s32 v3, v45  }
0x8b7: {  	[tilespmem:s31], [sflag:$0x1] =	stream.indirect_vreg.gather [hbm4b:s4+s2], $0x80, v43, vm0, $0xb8;
	[tilespmem:$0x8400] =	vst v63  }
0x8b8: {  	s10 =	simm.s32 $0x4200;
	v17 =	vperm.xlane v17, v16;
	v47 =	vadd.s32 v3, v46  }
0x8b9: {  	[tilespmem:s10], [sflag:$0x1] =	stream.indirect_vreg.gather [hbm4b:s4+s2], $0x80, v18, vm0, $0xb8;
	[tilespmem:$0x8400] =	vst v63  }
0x8ba: {  	s21 =	simm.s32 $0x4280;
	v17 =	vadd.s32 v3, v17  }
0x8bb: {  	[tilespmem:s21], [sflag:$0x1] =	stream.indirect_vreg.gather [hbm4b:s4+s2], $0x80, v19, vm0, $0xb8;
	[tilespmem:$0x8400] =	vst v63  }
0x8bc: {  	s22 =	simm.s32 $0x4300  }
0x8bd: {  	[tilespmem:s22], [sflag:$0x1] =	stream.indirect_vreg.gather [hbm4b:s4+s2], $0x80, v47, vm0, $0xb8;
	[tilespmem:$0x8400] =	vst v63  }
0x8be: {  	_ = 	snop  }
0x8bf: {  	[tilespmem:s0], [sflag:$0x1] =	stream.indirect_vreg.gather [hbm4b:s4+s2], $0x80, v17, vm0, $0xb8;
	[tilespmem:$0x8400] =	vst v63  }
0x8c0: {  	_ =	swait.ge [sflag:s9], $0x4000  }
0x8c1: {  	[sflag:s9] =	ssyncset.done $0x0  }
0x8c2: {  	s12 =	simm.s32 $0x4400;
	s11 =	rddreg [dreg:$0x8];
	[sflag:s9] =	ssyncadd.s32 $0xFFFFC000  }
0x8c3: {  	[hbm4b:s11+s2] =	stream.linear.scatter [tilespmem:s12], [sflag:$0x3], $0x4000, $0x38;
	[tilespmem:$0x8400] =	vst v63  }
0x8c4: {  	_ =	swait.ge [sflag:s6], $0x4000  }
0x8c5: {  	[sflag:s6] =	ssyncset.done $0x0  }
0x8c6: {  	[sflag:s6] =	ssyncadd.s32 $0xFFFFC000  }
0x8c7: {  	v17 =	vld [tilespmem:$0x380];
	_ =	sdelay $0x4  }
0x8c8: {  	v18 =	vshll.u32 v17, $0x4  }
0x8c9: {  	v17 =	vand.u32 $0x7, v17;
	v18 =	vand.u32 $0xFFFFFF80, v18  }
0x8ca: {  	v17 =	vor.u32 v17, v18  }
0x8cb: {  	v18 =	vperm.xlane v17, v2;
	_ =	sdelay $0x1  }
0x8cc: {  	v19 =	vperm.xlane v17, v4;
	v18 =	vadd.s32 v3, v18;
	_ =	sdelay $0x1  }
0x8cd: {  	v48 =	vperm.xlane v17, v5;
	v19 =	vadd.s32 v3, v19;
	_ =	sdelay $0x1  }
0x8ce: {  	v49 =	vperm.xlane v17, v6;
	v20 =	vadd.s32 v3, v48  }
0x8cf: {  	[tilespmem:s12], [sflag:$0x2] =	stream.indirect_vreg.gather [hbm4b:s4+s2], $0x80, v18, vm0, $0xb8;
	[tilespmem:$0x8400] =	vst v63  }
0x8d0: {  	s13 =	simm.s32 $0x4480;
	v50 =	vperm.xlane v17, v1;
	v18 =	vadd.s32 v3, v49  }
0x8d1: {  	[tilespmem:s13], [sflag:$0x2] =	stream.indirect_vreg.gather [hbm4b:s4+s2], $0x80, v19, vm0, $0xb8;
	[tilespmem:$0x8400] =	vst v63  }
0x8d2: {  	s14 =	simm.s32 $0x4500;
	v51 =	vperm.xlane v17, v7;
	v19 =	vadd.s32 v3, v50  }
0x8d3: {  	[tilespmem:s14], [sflag:$0x2] =	stream.indirect_vreg.gather [hbm4b:s4+s2], $0x80, v20, vm0, $0xb8;
	[tilespmem:$0x8400] =	vst v63  }
0x8d4: {  	s15 =	simm.s32 $0x4580;
	v53 =	vperm.xlane v17, v8;
	v52 =	vadd.s32 v3, v51  }
0x8d5: {  	[tilespmem:s15], [sflag:$0x2] =	stream.indirect_vreg.gather [hbm4b:s4+s2], $0x80, v18, vm0, $0xb8;
	[tilespmem:$0x8400] =	vst v63  }
0x8d6: {  	s16 =	simm.s32 $0x4600;
	v54 =	vperm.xlane v17, v0;
	v18 =	vadd.s32 v3, v53  }
0x8d7: {  	[tilespmem:s16], [sflag:$0x2] =	stream.indirect_vreg.gather [hbm4b:s4+s2], $0x80, v19, vm0, $0xb8;
	[tilespmem:$0x8400] =	vst v63  }
0x8d8: {  	s17 =	simm.s32 $0x4680;
	v55 =	vperm.xlane v17, v9;
	v19 =	vadd.s32 v3, v54  }
0x8d9: {  	[tilespmem:s17], [sflag:$0x2] =	stream.indirect_vreg.gather [hbm4b:s4+s2], $0x80, v52, vm0, $0xb8;
	[tilespmem:$0x8400] =	vst v63  }
0x8da: {  	s18 =	simm.s32 $0x4700;
	v57 =	vperm.xlane v17, v10;
	v56 =	vadd.s32 v3, v55  }
0x8db: {  	[tilespmem:s18], [sflag:$0x2] =	stream.indirect_vreg.gather [hbm4b:s4+s2], $0x80, v18, vm0, $0xb8;
	[tilespmem:$0x8400] =	vst v63  }
0x8dc: {  	s19 =	simm.s32 $0x4780;
	v58 =	vperm.xlane v17, v11;
	v18 =	vadd.s32 v3, v57  }
0x8dd: {  	[tilespmem:s19], [sflag:$0x2] =	stream.indirect_vreg.gather [hbm4b:s4+s2], $0x80, v19, vm0, $0xb8;
	[tilespmem:$0x8400] =	vst v63  }
0x8de: {  	s20 =	simm.s32 $0x4800;
	v59 =	vperm.xlane v17, v12;
	v19 =	vadd.s32 v3, v58  }
0x8df: {  	[tilespmem:s20], [sflag:$0x2] =	stream.indirect_vreg.gather [hbm4b:s4+s2], $0x80, v56, vm0, $0xb8;
	[tilespmem:$0x8400] =	vst v63  }
0x8e0: {  	s21 =	simm.s32 $0x4880;
	v61 =	vperm.xlane v17, v13;
	v60 =	vadd.s32 v3, v59  }
0x8e1: {  	[tilespmem:s21], [sflag:$0x2] =	stream.indirect_vreg.gather [hbm4b:s4+s2], $0x80, v18, vm0, $0xb8;
	[tilespmem:$0x8400] =	vst v63  }
0x8e2: {  	s22 =	simm.s32 $0x4900;
	v62 =	vperm.xlane v17, v14;
	v18 =	vadd.s32 v3, v61  }
0x8e3: {  	[tilespmem:s22], [sflag:$0x2] =	stream.indirect_vreg.gather [hbm4b:s4+s2], $0x80, v19, vm0, $0xb8;
	[tilespmem:$0x8400] =	vst v63  }
0x8e4: {  	s23 =	simm.s32 $0x4980;
	v63 =	vperm.xlane v17, v15;
	v19 =	vadd.s32 v3, v62  }
0x8e5: {  	[tilespmem:s23], [sflag:$0x2] =	stream.indirect_vreg.gather [hbm4b:s4+s2], $0x80, v60, vm0, $0xb8;
	[tilespmem:$0x8400] =	vst v63  }
0x8e6: {  	s24 =	simm.s32 $0x4A00;
	v17 =	vperm.xlane v17, v16;
	v24 =	vadd.s32 v3, v63  }
0x8e7: {  	[tilespmem:s24], [sflag:$0x2] =	stream.indirect_vreg.gather [hbm4b:s4+s2], $0x80, v18, vm0, $0xb8;
	[tilespmem:$0x8400] =	vst v63  }
0x8e8: {  	s3 =	simm.s32 $0x4A80;
	v17 =	vadd.s32 v3, v17  }
0x8e9: {  	[tilespmem:s3], [sflag:$0x2] =	stream.indirect_vreg.gather [hbm4b:s4+s2], $0x80, v19, vm0, $0xb8;
	[tilespmem:$0x8400] =	vst v63  }
0x8ea: {  	s25 =	simm.s32 $0x4B00  }
0x8eb: {  	[tilespmem:s25], [sflag:$0x2] =	stream.indirect_vreg.gather [hbm4b:s4+s2], $0x80, v24, vm0, $0xb8;
	[tilespmem:$0x8400] =	vst v63  }
0x8ec: {  	s26 =	simm.s32 $0x4B80  }
0x8ed: {  	[tilespmem:s26], [sflag:$0x2] =	stream.indirect_vreg.gather [hbm4b:s4+s2], $0x80, v17, vm0, $0xb8;
	[tilespmem:$0x8400] =	vst v63  }
0x8ee: {  	v17 =	vld [tilespmem:$0x390];
	_ =	sdelay $0x4  }
0x8ef: {  	v18 =	vshll.u32 v17, $0x4  }
0x8f0: {  	v17 =	vand.u32 $0x7, v17;
	v18 =	vand.u32 $0xFFFFFF80, v18  }
0x8f1: {  	v17 =	vor.u32 v17, v18  }
0x8f2: {  	v18 =	vperm.xlane v17, v2;
	_ =	sdelay $0x1  }
0x8f3: {  	v19 =	vperm.xlane v17, v4;
	v18 =	vadd.s32 v3, v18;
	_ =	sdelay $0x1  }
0x8f4: {  	v25 =	vperm.xlane v17, v5;
	v19 =	vadd.s32 v3, v19;
	_ =	sdelay $0x1  }
0x8f5: {  	s28 =	simm.s32 $0x4C00;
	v26 =	vperm.xlane v17, v6;
	v20 =	vadd.s32 v3, v25  }
0x8f6: {  	[tilespmem:s28], [sflag:$0x2] =	stream.indirect_vreg.gather [hbm4b:s4+s2], $0x80, v18, vm0, $0xb8;
	[tilespmem:$0x8400] =	vst v63  }
0x8f7: {  	s29 =	simm.s32 $0x4C80;
	v27 =	vperm.xlane v17, v1;
	v18 =	vadd.s32 v3, v26  }
0x8f8: {  	[tilespmem:s29], [sflag:$0x2] =	stream.indirect_vreg.gather [hbm4b:s4+s2], $0x80, v19, vm0, $0xb8;
	[tilespmem:$0x8400] =	vst v63  }
0x8f9: {  	s30 =	simm.s32 $0x4D00;
	v28 =	vperm.xlane v17, v7;
	v19 =	vadd.s32 v3, v27  }
0x8fa: {  	[tilespmem:s30], [sflag:$0x2] =	stream.indirect_vreg.gather [hbm4b:s4+s2], $0x80, v20, vm0, $0xb8;
	[tilespmem:$0x8400] =	vst v63  }
0x8fb: {  	s31 =	simm.s32 $0x4D80;
	v30 =	vperm.xlane v17, v8;
	v29 =	vadd.s32 v3, v28  }
0x8fc: {  	[tilespmem:s31], [sflag:$0x2] =	stream.indirect_vreg.gather [hbm4b:s4+s2], $0x80, v18, vm0, $0xb8;
	[tilespmem:$0x8400] =	vst v63  }
0x8fd: {  	s7 =	simm.s32 $0x4E00;
	v31 =	vperm.xlane v17, v0;
	v18 =	vadd.s32 v3, v30  }
0x8fe: {  	[tilespmem:s7], [sflag:$0x2] =	stream.indirect_vreg.gather [hbm4b:s4+s2], $0x80, v19, vm0, $0xb8;
	[tilespmem:$0x8400] =	vst v63  }
0x8ff: {  	s10 =	simm.s32 $0x4E80;
	v32 =	vperm.xlane v17, v9;
	v19 =	vadd.s32 v3, v31  }
0x900: {  	[tilespmem:s10], [sflag:$0x2] =	stream.indirect_vreg.gather [hbm4b:s4+s2], $0x80, v29, vm0, $0xb8;
	[tilespmem:$0x8400] =	vst v63  }
0x901: {  	s11 =	simm.s32 $0x4F00;
	v34 =	vperm.xlane v17, v10;
	v33 =	vadd.s32 v3, v32  }
0x902: {  	[tilespmem:s11], [sflag:$0x2] =	stream.indirect_vreg.gather [hbm4b:s4+s2], $0x80, v18, vm0, $0xb8;
	[tilespmem:$0x8400] =	vst v63  }
0x903: {  	s12 =	simm.s32 $0x4F80;
	v35 =	vperm.xlane v17, v11;
	v18 =	vadd.s32 v3, v34  }
0x904: {  	[tilespmem:s12], [sflag:$0x2] =	stream.indirect_vreg.gather [hbm4b:s4+s2], $0x80, v19, vm0, $0xb8;
	[tilespmem:$0x8400] =	vst v63  }
0x905: {  	s13 =	simm.s32 $0x5000;
	v36 =	vperm.xlane v17, v12;
	v19 =	vadd.s32 v3, v35  }
0x906: {  	[tilespmem:s13], [sflag:$0x2] =	stream.indirect_vreg.gather [hbm4b:s4+s2], $0x80, v33, vm0, $0xb8;
	[tilespmem:$0x8400] =	vst v63  }
0x907: {  	s14 =	simm.s32 $0x5080;
	v38 =	vperm.xlane v17, v13;
	v37 =	vadd.s32 v3, v36  }
0x908: {  	[tilespmem:s14], [sflag:$0x2] =	stream.indirect_vreg.gather [hbm4b:s4+s2], $0x80, v18, vm0, $0xb8;
	[tilespmem:$0x8400] =	vst v63  }
0x909: {  	s15 =	simm.s32 $0x5100;
	v39 =	vperm.xlane v17, v14;
	v18 =	vadd.s32 v3, v38  }
0x90a: {  	[tilespmem:s15], [sflag:$0x2] =	stream.indirect_vreg.gather [hbm4b:s4+s2], $0x80, v19, vm0, $0xb8;
	[tilespmem:$0x8400] =	vst v63  }
0x90b: {  	s16 =	simm.s32 $0x5180;
	v40 =	vperm.xlane v17, v15;
	v19 =	vadd.s32 v3, v39  }
0x90c: {  	[tilespmem:s16], [sflag:$0x2] =	stream.indirect_vreg.gather [hbm4b:s4+s2], $0x80, v37, vm0, $0xb8;
	[tilespmem:$0x8400] =	vst v63  }
0x90d: {  	s17 =	simm.s32 $0x5200;
	v17 =	vperm.xlane v17, v16;
	v41 =	vadd.s32 v3, v40  }
0x90e: {  	[tilespmem:s17], [sflag:$0x2] =	stream.indirect_vreg.gather [hbm4b:s4+s2], $0x80, v18, vm0, $0xb8;
	[tilespmem:$0x8400] =	vst v63  }
0x90f: {  	s18 =	simm.s32 $0x5280;
	v17 =	vadd.s32 v3, v17  }
0x910: {  	[tilespmem:s18], [sflag:$0x2] =	stream.indirect_vreg.gather [hbm4b:s4+s2], $0x80, v19, vm0, $0xb8;
	[tilespmem:$0x8400] =	vst v63  }
0x911: {  	s19 =	simm.s32 $0x5300  }
0x912: {  	[tilespmem:s19], [sflag:$0x2] =	stream.indirect_vreg.gather [hbm4b:s4+s2], $0x80, v41, vm0, $0xb8;
	[tilespmem:$0x8400] =	vst v63  }
0x913: {  	s20 =	simm.s32 $0x5380  }
0x914: {  	[tilespmem:s20], [sflag:$0x2] =	stream.indirect_vreg.gather [hbm4b:s4+s2], $0x80, v17, vm0, $0xb8;
	[tilespmem:$0x8400] =	vst v63  }
0x915: {  	v17 =	vld [tilespmem:$0x3A0];
	_ =	sdelay $0x4  }
0x916: {  	v18 =	vshll.u32 v17, $0x4  }
0x917: {  	v17 =	vand.u32 $0x7, v17;
	v18 =	vand.u32 $0xFFFFFF80, v18  }
0x918: {  	v17 =	vor.u32 v17, v18  }
0x919: {  	v18 =	vperm.xlane v17, v2;
	_ =	sdelay $0x1  }
0x91a: {  	v19 =	vperm.xlane v17, v4;
	v18 =	vadd.s32 v3, v18;
	_ =	sdelay $0x1  }
0x91b: {  	v42 =	vperm.xlane v17, v5;
	v19 =	vadd.s32 v3, v19;
	_ =	sdelay $0x1  }
0x91c: {  	s21 =	simm.s32 $0x5400;
	v43 =	vperm.xlane v17, v6;
	v20 =	vadd.s32 v3, v42  }
0x91d: {  	[tilespmem:s21], [sflag:$0x2] =	stream.indirect_vreg.gather [hbm4b:s4+s2], $0x80, v18, vm0, $0xb8;
	[tilespmem:$0x8400] =	vst v63  }
0x91e: {  	s22 =	simm.s32 $0x5480;
	v44 =	vperm.xlane v17, v1;
	v18 =	vadd.s32 v3, v43  }
0x91f: {  	[tilespmem:s22], [sflag:$0x2] =	stream.indirect_vreg.gather [hbm4b:s4+s2], $0x80, v19, vm0, $0xb8;
	[tilespmem:$0x8400] =	vst v63  }
0x920: {  	s23 =	simm.s32 $0x5500;
	v45 =	vperm.xlane v17, v7;
	v19 =	vadd.s32 v3, v44  }
0x921: {  	[tilespmem:s23], [sflag:$0x2] =	stream.indirect_vreg.gather [hbm4b:s4+s2], $0x80, v20, vm0, $0xb8;
	[tilespmem:$0x8400] =	vst v63  }
0x922: {  	s24 =	simm.s32 $0x5580;
	v47 =	vperm.xlane v17, v8;
	v46 =	vadd.s32 v3, v45  }
0x923: {  	[tilespmem:s24], [sflag:$0x2] =	stream.indirect_vreg.gather [hbm4b:s4+s2], $0x80, v18, vm0, $0xb8;
	[tilespmem:$0x8400] =	vst v63  }
0x924: {  	s25 =	simm.s32 $0x5600;
	v48 =	vperm.xlane v17, v0;
	v18 =	vadd.s32 v3, v47  }
0x925: {  	[tilespmem:s25], [sflag:$0x2] =	stream.indirect_vreg.gather [hbm4b:s4+s2], $0x80, v19, vm0, $0xb8;
	[tilespmem:$0x8400] =	vst v63  }
0x926: {  	s26 =	simm.s32 $0x5680;
	v49 =	vperm.xlane v17, v9;
	v19 =	vadd.s32 v3, v48  }
0x927: {  	[tilespmem:s26], [sflag:$0x2] =	stream.indirect_vreg.gather [hbm4b:s4+s2], $0x80, v46, vm0, $0xb8;
	[tilespmem:$0x8400] =	vst v63  }
0x928: {  	s28 =	simm.s32 $0x5700;
	v51 =	vperm.xlane v17, v10;
	v50 =	vadd.s32 v3, v49  }
0x929: {  	[tilespmem:s28], [sflag:$0x2] =	stream.indirect_vreg.gather [hbm4b:s4+s2], $0x80, v18, vm0, $0xb8;
	[tilespmem:$0x8400] =	vst v63  }
0x92a: {  	s29 =	simm.s32 $0x5780;
	v52 =	vperm.xlane v17, v11;
	v18 =	vadd.s32 v3, v51  }
0x92b: {  	[tilespmem:s29], [sflag:$0x2] =	stream.indirect_vreg.gather [hbm4b:s4+s2], $0x80, v19, vm0, $0xb8;
	[tilespmem:$0x8400] =	vst v63  }
0x92c: {  	s30 =	simm.s32 $0x5800;
	v53 =	vperm.xlane v17, v12;
	v19 =	vadd.s32 v3, v52  }
0x92d: {  	[tilespmem:s30], [sflag:$0x2] =	stream.indirect_vreg.gather [hbm4b:s4+s2], $0x80, v50, vm0, $0xb8;
	[tilespmem:$0x8400] =	vst v63  }
0x92e: {  	s31 =	simm.s32 $0x5880;
	v55 =	vperm.xlane v17, v13;
	v54 =	vadd.s32 v3, v53  }
0x92f: {  	[tilespmem:s31], [sflag:$0x2] =	stream.indirect_vreg.gather [hbm4b:s4+s2], $0x80, v18, vm0, $0xb8;
	[tilespmem:$0x8400] =	vst v63  }
0x930: {  	s7 =	simm.s32 $0x5900;
	v56 =	vperm.xlane v17, v14;
	v18 =	vadd.s32 v3, v55  }
0x931: {  	[tilespmem:s7], [sflag:$0x2] =	stream.indirect_vreg.gather [hbm4b:s4+s2], $0x80, v19, vm0, $0xb8;
	[tilespmem:$0x8400] =	vst v63  }
0x932: {  	s10 =	simm.s32 $0x5980;
	v57 =	vperm.xlane v17, v15;
	v19 =	vadd.s32 v3, v56  }
0x933: {  	[tilespmem:s10], [sflag:$0x2] =	stream.indirect_vreg.gather [hbm4b:s4+s2], $0x80, v54, vm0, $0xb8;
	[tilespmem:$0x8400] =	vst v63  }
0x934: {  	s11 =	simm.s32 $0x5A00;
	v17 =	vperm.xlane v17, v16;
	v58 =	vadd.s32 v3, v57  }
0x935: {  	[tilespmem:s11], [sflag:$0x2] =	stream.indirect_vreg.gather [hbm4b:s4+s2], $0x80, v18, vm0, $0xb8;
	[tilespmem:$0x8400] =	vst v63  }
0x936: {  	s12 =	simm.s32 $0x5A80;
	v17 =	vadd.s32 v3, v17  }
0x937: {  	[tilespmem:s12], [sflag:$0x2] =	stream.indirect_vreg.gather [hbm4b:s4+s2], $0x80, v19, vm0, $0xb8;
	[tilespmem:$0x8400] =	vst v63  }
0x938: {  	s13 =	simm.s32 $0x5B00  }
0x939: {  	[tilespmem:s13], [sflag:$0x2] =	stream.indirect_vreg.gather [hbm4b:s4+s2], $0x80, v58, vm0, $0xb8;
	[tilespmem:$0x8400] =	vst v63  }
0x93a: {  	s14 =	simm.s32 $0x5B80  }
0x93b: {  	[tilespmem:s14], [sflag:$0x2] =	stream.indirect_vreg.gather [hbm4b:s4+s2], $0x80, v17, vm0, $0xb8;
	[tilespmem:$0x8400] =	vst v63  }
0x93c: {  	v17 =	vld [tilespmem:$0x3B0];
	_ =	sdelay $0x4  }
0x93d: {  	v18 =	vshll.u32 v17, $0x4  }
0x93e: {  	v17 =	vand.u32 $0x7, v17;
	v18 =	vand.u32 $0xFFFFFF80, v18  }
0x93f: {  	v17 =	vor.u32 v17, v18  }
0x940: {  	v18 =	vperm.xlane v17, v2;
	_ =	sdelay $0x1  }
0x941: {  	v19 =	vperm.xlane v17, v4;
	v18 =	vadd.s32 v3, v18;
	_ =	sdelay $0x1  }
0x942: {  	v59 =	vperm.xlane v17, v5;
	v19 =	vadd.s32 v3, v19;
	_ =	sdelay $0x1  }
0x943: {  	s15 =	simm.s32 $0x5C00;
	v60 =	vperm.xlane v17, v6;
	v20 =	vadd.s32 v3, v59  }
0x944: {  	[tilespmem:s15], [sflag:$0x2] =	stream.indirect_vreg.gather [hbm4b:s4+s2], $0x80, v18, vm0, $0xb8;
	[tilespmem:$0x8400] =	vst v63  }
0x945: {  	s16 =	simm.s32 $0x5C80;
	v61 =	vperm.xlane v17, v1;
	v18 =	vadd.s32 v3, v60  }
0x946: {  	[tilespmem:s16], [sflag:$0x2] =	stream.indirect_vreg.gather [hbm4b:s4+s2], $0x80, v19, vm0, $0xb8;
	[tilespmem:$0x8400] =	vst v63  }
0x947: {  	s17 =	simm.s32 $0x5D00;
	v62 =	vperm.xlane v17, v7;
	v19 =	vadd.s32 v3, v61  }
0x948: {  	[tilespmem:s17], [sflag:$0x2] =	stream.indirect_vreg.gather [hbm4b:s4+s2], $0x80, v20, vm0, $0xb8;
	[tilespmem:$0x8400] =	vst v63  }
0x949: {  	s18 =	simm.s32 $0x5D80;
	v24 =	vperm.xlane v17, v8;
	v63 =	vadd.s32 v3, v62  }
0x94a: {  	[tilespmem:s18], [sflag:$0x2] =	stream.indirect_vreg.gather [hbm4b:s4+s2], $0x80, v18, vm0, $0xb8;
	[tilespmem:$0x8400] =	vst v63  }
0x94b: {  	s19 =	simm.s32 $0x5E00;
	v25 =	vperm.xlane v17, v0;
	v18 =	vadd.s32 v3, v24  }
0x94c: {  	[tilespmem:s19], [sflag:$0x2] =	stream.indirect_vreg.gather [hbm4b:s4+s2], $0x80, v19, vm0, $0xb8;
	[tilespmem:$0x8400] =	vst v63  }
0x94d: {  	s20 =	simm.s32 $0x5E80;
	v26 =	vperm.xlane v17, v9;
	v19 =	vadd.s32 v3, v25  }
0x94e: {  	[tilespmem:s20], [sflag:$0x2] =	stream.indirect_vreg.gather [hbm4b:s4+s2], $0x80, v63, vm0, $0xb8;
	[tilespmem:$0x8400] =	vst v63  }
0x94f: {  	s21 =	simm.s32 $0x5F00;
	v28 =	vperm.xlane v17, v10;
	v27 =	vadd.s32 v3, v26  }
0x950: {  	[tilespmem:s21], [sflag:$0x2] =	stream.indirect_vreg.gather [hbm4b:s4+s2], $0x80, v18, vm0, $0xb8;
	[tilespmem:$0x8400] =	vst v63  }
0x951: {  	s22 =	simm.s32 $0x5F80;
	v29 =	vperm.xlane v17, v11;
	v18 =	vadd.s32 v3, v28  }
0x952: {  	[tilespmem:s22], [sflag:$0x2] =	stream.indirect_vreg.gather [hbm4b:s4+s2], $0x80, v19, vm0, $0xb8;
	[tilespmem:$0x8400] =	vst v63  }
0x953: {  	s23 =	simm.s32 $0x6000;
	v30 =	vperm.xlane v17, v12;
	v19 =	vadd.s32 v3, v29  }
0x954: {  	[tilespmem:s23], [sflag:$0x2] =	stream.indirect_vreg.gather [hbm4b:s4+s2], $0x80, v27, vm0, $0xb8;
	[tilespmem:$0x8400] =	vst v63  }
0x955: {  	s24 =	simm.s32 $0x6080;
	v32 =	vperm.xlane v17, v13;
	v31 =	vadd.s32 v3, v30  }
0x956: {  	[tilespmem:s24], [sflag:$0x2] =	stream.indirect_vreg.gather [hbm4b:s4+s2], $0x80, v18, vm0, $0xb8;
	[tilespmem:$0x8400] =	vst v63  }
0x957: {  	s25 =	simm.s32 $0x6100;
	v33 =	vperm.xlane v17, v14;
	v18 =	vadd.s32 v3, v32  }
0x958: {  	[tilespmem:s25], [sflag:$0x2] =	stream.indirect_vreg.gather [hbm4b:s4+s2], $0x80, v19, vm0, $0xb8;
	[tilespmem:$0x8400] =	vst v63  }
0x959: {  	s26 =	simm.s32 $0x6180;
	v34 =	vperm.xlane v17, v15;
	v19 =	vadd.s32 v3, v33  }
0x95a: {  	[tilespmem:s26], [sflag:$0x2] =	stream.indirect_vreg.gather [hbm4b:s4+s2], $0x80, v31, vm0, $0xb8;
	[tilespmem:$0x8400] =	vst v63  }
0x95b: {  	s28 =	simm.s32 $0x6200;
	v17 =	vperm.xlane v17, v16;
	v35 =	vadd.s32 v3, v34  }
0x95c: {  	[tilespmem:s28], [sflag:$0x2] =	stream.indirect_vreg.gather [hbm4b:s4+s2], $0x80, v18, vm0, $0xb8;
	[tilespmem:$0x8400] =	vst v63  }
0x95d: {  	s29 =	simm.s32 $0x6280;
	v17 =	vadd.s32 v3, v17  }
0x95e: {  	[tilespmem:s29], [sflag:$0x2] =	stream.indirect_vreg.gather [hbm4b:s4+s2], $0x80, v19, vm0, $0xb8;
	[tilespmem:$0x8400] =	vst v63  }
0x95f: {  	s30 =	simm.s32 $0x6300  }
0x960: {  	[tilespmem:s30], [sflag:$0x2] =	stream.indirect_vreg.gather [hbm4b:s4+s2], $0x80, v35, vm0, $0xb8;
	[tilespmem:$0x8400] =	vst v63  }
0x961: {  	s31 =	simm.s32 $0x6380  }
0x962: {  	[tilespmem:s31], [sflag:$0x2] =	stream.indirect_vreg.gather [hbm4b:s4+s2], $0x80, v17, vm0, $0xb8;
	[tilespmem:$0x8400] =	vst v63  }
0x963: {  	v17 =	vld [tilespmem:$0x3C0];
	_ =	sdelay $0x4  }
0x964: {  	v18 =	vshll.u32 v17, $0x4  }
0x965: {  	v17 =	vand.u32 $0x7, v17;
	v18 =	vand.u32 $0xFFFFFF80, v18  }
0x966: {  	v17 =	vor.u32 v17, v18  }
0x967: {  	v18 =	vperm.xlane v17, v2;
	_ =	sdelay $0x1  }
0x968: {  	v19 =	vperm.xlane v17, v4;
	v18 =	vadd.s32 v3, v18;
	_ =	sdelay $0x1  }
0x969: {  	v36 =	vperm.xlane v17, v5;
	v19 =	vadd.s32 v3, v19;
	_ =	sdelay $0x1  }
0x96a: {  	s7 =	simm.s32 $0x6400;
	v37 =	vperm.xlane v17, v6;
	v20 =	vadd.s32 v3, v36  }
0x96b: {  	[tilespmem:s7], [sflag:$0x2] =	stream.indirect_vreg.gather [hbm4b:s4+s2], $0x80, v18, vm0, $0xb8;
	[tilespmem:$0x8400] =	vst v63  }
0x96c: {  	s10 =	simm.s32 $0x6480;
	v38 =	vperm.xlane v17, v1;
	v18 =	vadd.s32 v3, v37  }
0x96d: {  	[tilespmem:s10], [sflag:$0x2] =	stream.indirect_vreg.gather [hbm4b:s4+s2], $0x80, v19, vm0, $0xb8;
	[tilespmem:$0x8400] =	vst v63  }
0x96e: {  	s11 =	simm.s32 $0x6500;
	v39 =	vperm.xlane v17, v7;
	v19 =	vadd.s32 v3, v38  }
0x96f: {  	[tilespmem:s11], [sflag:$0x2] =	stream.indirect_vreg.gather [hbm4b:s4+s2], $0x80, v20, vm0, $0xb8;
	[tilespmem:$0x8400] =	vst v63  }
0x970: {  	s12 =	simm.s32 $0x6580;
	v41 =	vperm.xlane v17, v8;
	v40 =	vadd.s32 v3, v39  }
0x971: {  	[tilespmem:s12], [sflag:$0x2] =	stream.indirect_vreg.gather [hbm4b:s4+s2], $0x80, v18, vm0, $0xb8;
	[tilespmem:$0x8400] =	vst v63  }
0x972: {  	s13 =	simm.s32 $0x6600;
	v42 =	vperm.xlane v17, v0;
	v18 =	vadd.s32 v3, v41  }
0x973: {  	[tilespmem:s13], [sflag:$0x2] =	stream.indirect_vreg.gather [hbm4b:s4+s2], $0x80, v19, vm0, $0xb8;
	[tilespmem:$0x8400] =	vst v63  }
0x974: {  	s14 =	simm.s32 $0x6680;
	v43 =	vperm.xlane v17, v9;
	v19 =	vadd.s32 v3, v42  }
0x975: {  	[tilespmem:s14], [sflag:$0x2] =	stream.indirect_vreg.gather [hbm4b:s4+s2], $0x80, v40, vm0, $0xb8;
	[tilespmem:$0x8400] =	vst v63  }
0x976: {  	s15 =	simm.s32 $0x6700;
	v45 =	vperm.xlane v17, v10;
	v44 =	vadd.s32 v3, v43  }
0x977: {  	[tilespmem:s15], [sflag:$0x2] =	stream.indirect_vreg.gather [hbm4b:s4+s2], $0x80, v18, vm0, $0xb8;
	[tilespmem:$0x8400] =	vst v63  }
0x978: {  	s16 =	simm.s32 $0x6780;
	v46 =	vperm.xlane v17, v11;
	v18 =	vadd.s32 v3, v45  }
0x979: {  	[tilespmem:s16], [sflag:$0x2] =	stream.indirect_vreg.gather [hbm4b:s4+s2], $0x80, v19, vm0, $0xb8;
	[tilespmem:$0x8400] =	vst v63  }
0x97a: {  	s17 =	simm.s32 $0x6800;
	v47 =	vperm.xlane v17, v12;
	v19 =	vadd.s32 v3, v46  }
0x97b: {  	[tilespmem:s17], [sflag:$0x2] =	stream.indirect_vreg.gather [hbm4b:s4+s2], $0x80, v44, vm0, $0xb8;
	[tilespmem:$0x8400] =	vst v63  }
0x97c: {  	s18 =	simm.s32 $0x6880;
	v49 =	vperm.xlane v17, v13;
	v48 =	vadd.s32 v3, v47  }
0x97d: {  	[tilespmem:s18], [sflag:$0x2] =	stream.indirect_vreg.gather [hbm4b:s4+s2], $0x80, v18, vm0, $0xb8;
	[tilespmem:$0x8400] =	vst v63  }
0x97e: {  	s19 =	simm.s32 $0x6900;
	v50 =	vperm.xlane v17, v14;
	v18 =	vadd.s32 v3, v49  }
0x97f: {  	[tilespmem:s19], [sflag:$0x2] =	stream.indirect_vreg.gather [hbm4b:s4+s2], $0x80, v19, vm0, $0xb8;
	[tilespmem:$0x8400] =	vst v63  }
0x980: {  	s20 =	simm.s32 $0x6980;
	v51 =	vperm.xlane v17, v15;
	v19 =	vadd.s32 v3, v50  }
0x981: {  	[tilespmem:s20], [sflag:$0x2] =	stream.indirect_vreg.gather [hbm4b:s4+s2], $0x80, v48, vm0, $0xb8;
	[tilespmem:$0x8400] =	vst v63  }
0x982: {  	s21 =	simm.s32 $0x6A00;
	v17 =	vperm.xlane v17, v16;
	v52 =	vadd.s32 v3, v51  }
0x983: {  	[tilespmem:s21], [sflag:$0x2] =	stream.indirect_vreg.gather [hbm4b:s4+s2], $0x80, v18, vm0, $0xb8;
	[tilespmem:$0x8400] =	vst v63  }
0x984: {  	s22 =	simm.s32 $0x6A80;
	v17 =	vadd.s32 v3, v17  }
0x985: {  	[tilespmem:s22], [sflag:$0x2] =	stream.indirect_vreg.gather [hbm4b:s4+s2], $0x80, v19, vm0, $0xb8;
	[tilespmem:$0x8400] =	vst v63  }
0x986: {  	s23 =	simm.s32 $0x6B00  }
0x987: {  	[tilespmem:s23], [sflag:$0x2] =	stream.indirect_vreg.gather [hbm4b:s4+s2], $0x80, v52, vm0, $0xb8;
	[tilespmem:$0x8400] =	vst v63  }
0x988: {  	s24 =	simm.s32 $0x6B80  }
0x989: {  	[tilespmem:s24], [sflag:$0x2] =	stream.indirect_vreg.gather [hbm4b:s4+s2], $0x80, v17, vm0, $0xb8;
	[tilespmem:$0x8400] =	vst v63  }
0x98a: {  	v17 =	vld [tilespmem:$0x3D0];
	_ =	sdelay $0x4  }
0x98b: {  	v18 =	vshll.u32 v17, $0x4  }
0x98c: {  	v17 =	vand.u32 $0x7, v17;
	v18 =	vand.u32 $0xFFFFFF80, v18  }
0x98d: {  	v17 =	vor.u32 v17, v18  }
0x98e: {  	v18 =	vperm.xlane v17, v2;
	_ =	sdelay $0x1  }
0x98f: {  	v19 =	vperm.xlane v17, v4;
	v18 =	vadd.s32 v3, v18;
	_ =	sdelay $0x1  }
0x990: {  	v53 =	vperm.xlane v17, v5;
	v19 =	vadd.s32 v3, v19;
	_ =	sdelay $0x1  }
0x991: {  	s25 =	simm.s32 $0x6C00;
	v54 =	vperm.xlane v17, v6;
	v20 =	vadd.s32 v3, v53  }
0x992: {  	[tilespmem:s25], [sflag:$0x2] =	stream.indirect_vreg.gather [hbm4b:s4+s2], $0x80, v18, vm0, $0xb8;
	[tilespmem:$0x8400] =	vst v63  }
0x993: {  	s26 =	simm.s32 $0x6C80;
	v55 =	vperm.xlane v17, v1;
	v18 =	vadd.s32 v3, v54  }
0x994: {  	[tilespmem:s26], [sflag:$0x2] =	stream.indirect_vreg.gather [hbm4b:s4+s2], $0x80, v19, vm0, $0xb8;
	[tilespmem:$0x8400] =	vst v63  }
0x995: {  	s28 =	simm.s32 $0x6D00;
	v56 =	vperm.xlane v17, v7;
	v19 =	vadd.s32 v3, v55  }
0x996: {  	[tilespmem:s28], [sflag:$0x2] =	stream.indirect_vreg.gather [hbm4b:s4+s2], $0x80, v20, vm0, $0xb8;
	[tilespmem:$0x8400] =	vst v63  }
0x997: {  	s29 =	simm.s32 $0x6D80;
	v58 =	vperm.xlane v17, v8;
	v57 =	vadd.s32 v3, v56  }
0x998: {  	[tilespmem:s29], [sflag:$0x2] =	stream.indirect_vreg.gather [hbm4b:s4+s2], $0x80, v18, vm0, $0xb8;
	[tilespmem:$0x8400] =	vst v63  }
0x999: {  	s30 =	simm.s32 $0x6E00;
	v59 =	vperm.xlane v17, v0;
	v18 =	vadd.s32 v3, v58  }
0x99a: {  	[tilespmem:s30], [sflag:$0x2] =	stream.indirect_vreg.gather [hbm4b:s4+s2], $0x80, v19, vm0, $0xb8;
	[tilespmem:$0x8400] =	vst v63  }
0x99b: {  	s31 =	simm.s32 $0x6E80;
	v60 =	vperm.xlane v17, v9;
	v19 =	vadd.s32 v3, v59  }
0x99c: {  	[tilespmem:s31], [sflag:$0x2] =	stream.indirect_vreg.gather [hbm4b:s4+s2], $0x80, v57, vm0, $0xb8;
	[tilespmem:$0x8400] =	vst v63  }
0x99d: {  	s7 =	simm.s32 $0x6F00;
	v62 =	vperm.xlane v17, v10;
	v61 =	vadd.s32 v3, v60  }
0x99e: {  	[tilespmem:s7], [sflag:$0x2] =	stream.indirect_vreg.gather [hbm4b:s4+s2], $0x80, v18, vm0, $0xb8;
	[tilespmem:$0x8400] =	vst v63  }
0x99f: {  	s10 =	simm.s32 $0x6F80;
	v63 =	vperm.xlane v17, v11;
	v18 =	vadd.s32 v3, v62  }
0x9a0: {  	[tilespmem:s10], [sflag:$0x2] =	stream.indirect_vreg.gather [hbm4b:s4+s2], $0x80, v19, vm0, $0xb8;
	[tilespmem:$0x8400] =	vst v63  }
0x9a1: {  	s11 =	simm.s32 $0x7000;
	v24 =	vperm.xlane v17, v12;
	v19 =	vadd.s32 v3, v63  }
0x9a2: {  	[tilespmem:s11], [sflag:$0x2] =	stream.indirect_vreg.gather [hbm4b:s4+s2], $0x80, v61, vm0, $0xb8;
	[tilespmem:$0x8400] =	vst v63  }
0x9a3: {  	s12 =	simm.s32 $0x7080;
	v26 =	vperm.xlane v17, v13;
	v25 =	vadd.s32 v3, v24  }
0x9a4: {  	[tilespmem:s12], [sflag:$0x2] =	stream.indirect_vreg.gather [hbm4b:s4+s2], $0x80, v18, vm0, $0xb8;
	[tilespmem:$0x8400] =	vst v63  }
0x9a5: {  	s13 =	simm.s32 $0x7100;
	v27 =	vperm.xlane v17, v14;
	v18 =	vadd.s32 v3, v26  }
0x9a6: {  	[tilespmem:s13], [sflag:$0x2] =	stream.indirect_vreg.gather [hbm4b:s4+s2], $0x80, v19, vm0, $0xb8;
	[tilespmem:$0x8400] =	vst v63  }
0x9a7: {  	s14 =	simm.s32 $0x7180;
	v28 =	vperm.xlane v17, v15;
	v19 =	vadd.s32 v3, v27  }
0x9a8: {  	[tilespmem:s14], [sflag:$0x2] =	stream.indirect_vreg.gather [hbm4b:s4+s2], $0x80, v25, vm0, $0xb8;
	[tilespmem:$0x8400] =	vst v63  }
0x9a9: {  	s15 =	simm.s32 $0x7200;
	v17 =	vperm.xlane v17, v16;
	v29 =	vadd.s32 v3, v28  }
0x9aa: {  	[tilespmem:s15], [sflag:$0x2] =	stream.indirect_vreg.gather [hbm4b:s4+s2], $0x80, v18, vm0, $0xb8;
	[tilespmem:$0x8400] =	vst v63  }
0x9ab: {  	s16 =	simm.s32 $0x7280;
	v17 =	vadd.s32 v3, v17  }
0x9ac: {  	[tilespmem:s16], [sflag:$0x2] =	stream.indirect_vreg.gather [hbm4b:s4+s2], $0x80, v19, vm0, $0xb8;
	[tilespmem:$0x8400] =	vst v63  }
0x9ad: {  	s17 =	simm.s32 $0x7300  }
0x9ae: {  	[tilespmem:s17], [sflag:$0x2] =	stream.indirect_vreg.gather [hbm4b:s4+s2], $0x80, v29, vm0, $0xb8;
	[tilespmem:$0x8400] =	vst v63  }
0x9af: {  	s18 =	simm.s32 $0x7380  }
0x9b0: {  	[tilespmem:s18], [sflag:$0x2] =	stream.indirect_vreg.gather [hbm4b:s4+s2], $0x80, v17, vm0, $0xb8;
	[tilespmem:$0x8400] =	vst v63  }
0x9b1: {  	v17 =	vld [tilespmem:$0x3E0];
	_ =	sdelay $0x4  }
0x9b2: {  	v18 =	vshll.u32 v17, $0x4  }
0x9b3: {  	v17 =	vand.u32 $0x7, v17;
	v18 =	vand.u32 $0xFFFFFF80, v18  }
0x9b4: {  	v17 =	vor.u32 v17, v18  }
0x9b5: {  	v18 =	vperm.xlane v17, v2;
	_ =	sdelay $0x1  }
0x9b6: {  	v19 =	vperm.xlane v17, v4;
	v18 =	vadd.s32 v3, v18;
	_ =	sdelay $0x1  }
0x9b7: {  	v30 =	vperm.xlane v17, v5;
	v19 =	vadd.s32 v3, v19;
	_ =	sdelay $0x1  }
0x9b8: {  	s19 =	simm.s32 $0x7400;
	v31 =	vperm.xlane v17, v6;
	v20 =	vadd.s32 v3, v30  }
0x9b9: {  	[tilespmem:s19], [sflag:$0x2] =	stream.indirect_vreg.gather [hbm4b:s4+s2], $0x80, v18, vm0, $0xb8;
	[tilespmem:$0x8400] =	vst v63  }
0x9ba: {  	s20 =	simm.s32 $0x7480;
	v32 =	vperm.xlane v17, v1;
	v18 =	vadd.s32 v3, v31  }
0x9bb: {  	[tilespmem:s20], [sflag:$0x2] =	stream.indirect_vreg.gather [hbm4b:s4+s2], $0x80, v19, vm0, $0xb8;
	[tilespmem:$0x8400] =	vst v63  }
0x9bc: {  	s21 =	simm.s32 $0x7500;
	v33 =	vperm.xlane v17, v7;
	v19 =	vadd.s32 v3, v32  }
0x9bd: {  	[tilespmem:s21], [sflag:$0x2] =	stream.indirect_vreg.gather [hbm4b:s4+s2], $0x80, v20, vm0, $0xb8;
	[tilespmem:$0x8400] =	vst v63  }
0x9be: {  	s22 =	simm.s32 $0x7580;
	v35 =	vperm.xlane v17, v8;
	v34 =	vadd.s32 v3, v33  }
0x9bf: {  	[tilespmem:s22], [sflag:$0x2] =	stream.indirect_vreg.gather [hbm4b:s4+s2], $0x80, v18, vm0, $0xb8;
	[tilespmem:$0x8400] =	vst v63  }
0x9c0: {  	s23 =	simm.s32 $0x7600;
	v36 =	vperm.xlane v17, v0;
	v18 =	vadd.s32 v3, v35  }
0x9c1: {  	[tilespmem:s23], [sflag:$0x2] =	stream.indirect_vreg.gather [hbm4b:s4+s2], $0x80, v19, vm0, $0xb8;
	[tilespmem:$0x8400] =	vst v63  }
0x9c2: {  	s24 =	simm.s32 $0x7680;
	v37 =	vperm.xlane v17, v9;
	v19 =	vadd.s32 v3, v36  }
0x9c3: {  	[tilespmem:s24], [sflag:$0x2] =	stream.indirect_vreg.gather [hbm4b:s4+s2], $0x80, v34, vm0, $0xb8;
	[tilespmem:$0x8400] =	vst v63  }
0x9c4: {  	s25 =	simm.s32 $0x7700;
	v39 =	vperm.xlane v17, v10;
	v38 =	vadd.s32 v3, v37  }
0x9c5: {  	[tilespmem:s25], [sflag:$0x2] =	stream.indirect_vreg.gather [hbm4b:s4+s2], $0x80, v18, vm0, $0xb8;
	[tilespmem:$0x8400] =	vst v63  }
0x9c6: {  	s26 =	simm.s32 $0x7780;
	v40 =	vperm.xlane v17, v11;
	v18 =	vadd.s32 v3, v39  }
0x9c7: {  	[tilespmem:s26], [sflag:$0x2] =	stream.indirect_vreg.gather [hbm4b:s4+s2], $0x80, v19, vm0, $0xb8;
	[tilespmem:$0x8400] =	vst v63  }
0x9c8: {  	s28 =	simm.s32 $0x7800;
	v41 =	vperm.xlane v17, v12;
	v19 =	vadd.s32 v3, v40  }
0x9c9: {  	[tilespmem:s28], [sflag:$0x2] =	stream.indirect_vreg.gather [hbm4b:s4+s2], $0x80, v38, vm0, $0xb8;
	[tilespmem:$0x8400] =	vst v63  }
0x9ca: {  	s29 =	simm.s32 $0x7880;
	v43 =	vperm.xlane v17, v13;
	v42 =	vadd.s32 v3, v41  }
0x9cb: {  	[tilespmem:s29], [sflag:$0x2] =	stream.indirect_vreg.gather [hbm4b:s4+s2], $0x80, v18, vm0, $0xb8;
	[tilespmem:$0x8400] =	vst v63  }
0x9cc: {  	s30 =	simm.s32 $0x7900;
	v44 =	vperm.xlane v17, v14;
	v18 =	vadd.s32 v3, v43  }
0x9cd: {  	[tilespmem:s30], [sflag:$0x2] =	stream.indirect_vreg.gather [hbm4b:s4+s2], $0x80, v19, vm0, $0xb8;
	[tilespmem:$0x8400] =	vst v63  }
0x9ce: {  	s31 =	simm.s32 $0x7980;
	v45 =	vperm.xlane v17, v15;
	v19 =	vadd.s32 v3, v44  }
0x9cf: {  	[tilespmem:s31], [sflag:$0x2] =	stream.indirect_vreg.gather [hbm4b:s4+s2], $0x80, v42, vm0, $0xb8;
	[tilespmem:$0x8400] =	vst v63  }
0x9d0: {  	s7 =	simm.s32 $0x7A00;
	v17 =	vperm.xlane v17, v16;
	v46 =	vadd.s32 v3, v45  }
0x9d1: {  	[tilespmem:s7], [sflag:$0x2] =	stream.indirect_vreg.gather [hbm4b:s4+s2], $0x80, v18, vm0, $0xb8;
	[tilespmem:$0x8400] =	vst v63  }
0x9d2: {  	s10 =	simm.s32 $0x7A80;
	v17 =	vadd.s32 v3, v17  }
0x9d3: {  	[tilespmem:s10], [sflag:$0x2] =	stream.indirect_vreg.gather [hbm4b:s4+s2], $0x80, v19, vm0, $0xb8;
	[tilespmem:$0x8400] =	vst v63  }
0x9d4: {  	s11 =	simm.s32 $0x7B00  }
0x9d5: {  	[tilespmem:s11], [sflag:$0x2] =	stream.indirect_vreg.gather [hbm4b:s4+s2], $0x80, v46, vm0, $0xb8;
	[tilespmem:$0x8400] =	vst v63  }
0x9d6: {  	s12 =	simm.s32 $0x7B80  }
0x9d7: {  	[tilespmem:s12], [sflag:$0x2] =	stream.indirect_vreg.gather [hbm4b:s4+s2], $0x80, v17, vm0, $0xb8;
	[tilespmem:$0x8400] =	vst v63  }
0x9d8: {  	v17 =	vld [tilespmem:$0x3F0];
	_ =	sdelay $0x4  }
0x9d9: {  	v18 =	vshll.u32 v17, $0x4  }
0x9da: {  	v17 =	vand.u32 $0x7, v17;
	v18 =	vand.u32 $0xFFFFFF80, v18  }
0x9db: {  	v17 =	vor.u32 v17, v18  }
0x9dc: {  	v18 =	vperm.xlane v17, v2;
	_ =	sdelay $0x1  }
0x9dd: {  	v19 =	vperm.xlane v17, v4;
	v18 =	vadd.s32 v3, v18;
	_ =	sdelay $0x1  }
0x9de: {  	v47 =	vperm.xlane v17, v5;
	v19 =	vadd.s32 v3, v19;
	_ =	sdelay $0x1  }
0x9df: {  	s13 =	simm.s32 $0x7C00;
	v48 =	vperm.xlane v17, v6;
	v20 =	vadd.s32 v3, v47  }
0x9e0: {  	[tilespmem:s13], [sflag:$0x2] =	stream.indirect_vreg.gather [hbm4b:s4+s2], $0x80, v18, vm0, $0xb8;
	[tilespmem:$0x8400] =	vst v63  }
0x9e1: {  	s14 =	simm.s32 $0x7C80;
	v49 =	vperm.xlane v17, v1;
	v18 =	vadd.s32 v3, v48  }
0x9e2: {  	[tilespmem:s14], [sflag:$0x2] =	stream.indirect_vreg.gather [hbm4b:s4+s2], $0x80, v19, vm0, $0xb8;
	[tilespmem:$0x8400] =	vst v63  }
0x9e3: {  	s15 =	simm.s32 $0x7D00;
	v50 =	vperm.xlane v17, v7;
	v19 =	vadd.s32 v3, v49  }
0x9e4: {  	[tilespmem:s15], [sflag:$0x2] =	stream.indirect_vreg.gather [hbm4b:s4+s2], $0x80, v20, vm0, $0xb8;
	[tilespmem:$0x8400] =	vst v63  }
0x9e5: {  	s16 =	simm.s32 $0x7D80;
	v52 =	vperm.xlane v17, v8;
	v51 =	vadd.s32 v3, v50  }
0x9e6: {  	[tilespmem:s16], [sflag:$0x2] =	stream.indirect_vreg.gather [hbm4b:s4+s2], $0x80, v18, vm0, $0xb8;
	[tilespmem:$0x8400] =	vst v63  }
0x9e7: {  	s17 =	simm.s32 $0x7E00;
	v53 =	vperm.xlane v17, v0;
	v18 =	vadd.s32 v3, v52  }
0x9e8: {  	[tilespmem:s17], [sflag:$0x2] =	stream.indirect_vreg.gather [hbm4b:s4+s2], $0x80, v19, vm0, $0xb8;
	[tilespmem:$0x8400] =	vst v63  }
0x9e9: {  	s18 =	simm.s32 $0x7E80;
	v54 =	vperm.xlane v17, v9;
	v19 =	vadd.s32 v3, v53  }
0x9ea: {  	[tilespmem:s18], [sflag:$0x2] =	stream.indirect_vreg.gather [hbm4b:s4+s2], $0x80, v51, vm0, $0xb8;
	[tilespmem:$0x8400] =	vst v63  }
0x9eb: {  	s19 =	simm.s32 $0x7F00;
	v56 =	vperm.xlane v17, v10;
	v55 =	vadd.s32 v3, v54  }
0x9ec: {  	[tilespmem:s19], [sflag:$0x2] =	stream.indirect_vreg.gather [hbm4b:s4+s2], $0x80, v18, vm0, $0xb8;
	[tilespmem:$0x8400] =	vst v63  }
0x9ed: {  	s20 =	simm.s32 $0x7F80;
	v57 =	vperm.xlane v17, v11;
	v18 =	vadd.s32 v3, v56  }
0x9ee: {  	[tilespmem:s20], [sflag:$0x2] =	stream.indirect_vreg.gather [hbm4b:s4+s2], $0x80, v19, vm0, $0xb8;
	[tilespmem:$0x8400] =	vst v63  }
0x9ef: {  	s21 =	simm.s32 $0x8000;
	v58 =	vperm.xlane v17, v12;
	v19 =	vadd.s32 v3, v57  }
0x9f0: {  	[tilespmem:s21], [sflag:$0x2] =	stream.indirect_vreg.gather [hbm4b:s4+s2], $0x80, v55, vm0, $0xb8;
	[tilespmem:$0x8400] =	vst v63  }
0x9f1: {  	s22 =	simm.s32 $0x8080;
	v60 =	vperm.xlane v17, v13;
	v59 =	vadd.s32 v3, v58  }
0x9f2: {  	[tilespmem:s22], [sflag:$0x2] =	stream.indirect_vreg.gather [hbm4b:s4+s2], $0x80, v18, vm0, $0xb8;
	[tilespmem:$0x8400] =	vst v63  }
0x9f3: {  	s23 =	simm.s32 $0x8100;
	v61 =	vperm.xlane v17, v14;
	v18 =	vadd.s32 v3, v60  }
0x9f4: {  	[tilespmem:s23], [sflag:$0x2] =	stream.indirect_vreg.gather [hbm4b:s4+s2], $0x80, v19, vm0, $0xb8;
	[tilespmem:$0x8400] =	vst v63  }
0x9f5: {  	s24 =	simm.s32 $0x8180;
	v62 =	vperm.xlane v17, v15;
	v19 =	vadd.s32 v3, v61  }
0x9f6: {  	[tilespmem:s24], [sflag:$0x2] =	stream.indirect_vreg.gather [hbm4b:s4+s2], $0x80, v59, vm0, $0xb8;
	[tilespmem:$0x8400] =	vst v63  }
0x9f7: {  	s25 =	simm.s32 $0x8200;
	v17 =	vperm.xlane v17, v16;
	v63 =	vadd.s32 v3, v62  }
0x9f8: {  	[tilespmem:s25], [sflag:$0x2] =	stream.indirect_vreg.gather [hbm4b:s4+s2], $0x80, v18, vm0, $0xb8;
	[tilespmem:$0x8400] =	vst v63  }
0x9f9: {  	s26 =	simm.s32 $0x8280;
	v17 =	vadd.s32 v3, v17  }
0x9fa: {  	[tilespmem:s26], [sflag:$0x2] =	stream.indirect_vreg.gather [hbm4b:s4+s2], $0x80, v19, vm0, $0xb8;
	[tilespmem:$0x8400] =	vst v63  }
0x9fb: {  	s28 =	simm.s32 $0x8300  }
0x9fc: {  	[tilespmem:s28], [sflag:$0x2] =	stream.indirect_vreg.gather [hbm4b:s4+s2], $0x80, v63, vm0, $0xb8;
	[tilespmem:$0x8400] =	vst v63  }
0x9fd: {  	s29 =	simm.s32 $0x8380  }
0x9fe: {  	[tilespmem:s29], [sflag:$0x2] =	stream.indirect_vreg.gather [hbm4b:s4+s2], $0x80, v17, vm0, $0xb8;
	[tilespmem:$0x8400] =	vst v63  }
0x9ff: {  	_ =	swait.ge [sflag:s8], $0x4000  }
0xa00: {  	[sflag:s8] =	ssyncset.done $0x0  }
0xa01: {  	s1 =	simm.s32 $0x400;
	s30 =	rddreg [dreg:$0x9];
	[sflag:s8] =	ssyncadd.s32 $0xFFFFC000  }
0xa02: {  	[hbm4b:s30+s2] =	stream.linear.scatter [tilespmem:s1], [sflag:$0x3], $0x4000, $0x38;
	[tilespmem:$0x8400] =	vst v63  }
0xa03: {  	_ =	swait.ge [sflag:s6], $0x4000  }
0xa04: {  	[sflag:s6] =	ssyncset.done $0x0  }
0xa05: {  	[sflag:s6] =	ssyncadd.s32 $0xFFFFC000  }
0xa06: {  	_ =	swait.ge [sflag:s9], $0x4000  }
0xa07: {  	p0 =	sne.s32 s5, $0x1;
	s0 =	simm.s32 $0x4400;
	[sflag:s9] =	ssyncset.done $0x0  }
.Ltmp0:
0xa08: {  	s31 =	rddreg [dreg:$0xa];
	[sflag:s9] =	ssyncadd.s32 $0xFFFFC000;
	(pc) =	sbr.rel @p0 .LBB2_1-.Ltmp0, $4  }
0xa09: {  	[hbm4b:s31+s2] =	stream.linear.scatter [tilespmem:s0], [sflag:$0x3], $0x4000, $0x38;
	[tilespmem:$0x8400] =	vst v63  }
0xa0a: {  	_ =	swait.ge [sflag:s6], $0x4000  }
0xa0b: {  	[sflag:s6] =	ssyncset.done $0x0  }
0xa0c: {  	s5 =	sadd.s32 $0xFFFFFFFF, s5;
	[sflag:s6] =	ssyncadd.s32 $0xFFFFC000  }
0xa0d: {  	_ =	sfence.sel $0x180000  }
0xa0e: {  	[bflag:$0x0] =	sbarrier.arrive $0xFFFF  }
0xa0f: {  	_ =	strace $0x9000004A  }
0xa10: {  	s0 =	stileid.u32;
	[bflag:$0x2] =	sbarrier.arrive $0xFFFF  }
0xa11: {  	p0 =	sne.s32 s0, $0x0;
	s0 =	rddreg [dreg:$0x2]  }
0xa12: {  	s0 =	sadd.s32 @!p0 $0x100000, s0  }
0xa13: {  	[sflag:s0] =	ssyncadd.tile.s32 @!p0 $0x1;
	_ =	shalt  }
.Lfunc_end2:
_tile_overlayer_lowered:
.L_overlay_start_2:
0xa14: {  	(tag) =	ssettag $0x2  }
0xa15: {  	s0 =	rddreg [dreg:$0x0];
	s2 =	stileid.u32  }
0xa16: {  	s1 =	rddreg [dreg:$0x1];
	p0 =	sne.s32 s2, $0x0  }
0xa17: {  	s3 =	rddreg [dreg:$0x2];
	[bflag:$0x3] =	sbarrier.arrive $0xFFFF;
	s2 =	simm.s32 @!p0 $0x1C03  }
0xa18: {  	[timem:s3], [sflag:s2] =	dma.local @!p0 [hbm:s0], s1  }
0xa19: {  	s0 =	simm.s32 @!p0 $0x3  }
0xa1a: {  	_ =	swait.ge @!p0 [sflag:s0], s1  }
0xa1b: {  	s1 =	ssub.s32 @!p0 $0x0, s1;
	[sflag:s0] =	ssyncset.done @!p0 $0x0  }
0xa1c: {  	[sflag:s0] =	ssyncadd.s32 @!p0 s1  }
0xa1d: {  	[bflag:$0x3] =	sbarrier.arrive $0xFFFF  }
0xa1e: {  	_ =	shalt  }

// kernel: kernel.8.cloned.1.call-start
scs
__scs_entry_jumppad:
0x0: {  	(pc) =	sbr.rel $0x88, $3  }
0x1: {  	(tag) =	ssettag $0x0;
	lr =	simm.s32 $0x1  }
0x2: {  	[smem:$0x3F9B] =	sst lr;
	_ =	strace $0xD0000000  }
0x3: {  	_ = 	snop  }
0x4: {  	_ = 	snop  }
0x5: {  	_ = 	snop  }
0x6: {  	_ = 	snop  }
0x7: {  	_ = 	snop  }
__scs_overlays_trampoline_lowered:
0x8: {  	[smem:$0x3FAA] =	sst s0  }
0x9: {  	[smem:$0x3FAB] =	sst s1  }
0xa: {  	[smem:$0x3FAC] =	sst s2  }
0xb: {  	[smem:$0x3FAD] =	sst s3  }
0xc: {  	[smem:$0x3FAE] =	sst s4  }
0xd: {  	[smem:$0x3FAF] =	sst s5  }
0xe: {  	[smem:$0x3FB0] =	sst s6  }
0xf: {  	[smem:$0x3FB1] =	sst s7  }
0x10: {  	[smem:$0x3FB2] =	sst s8  }
0x11: {  	[smem:$0x3FB3] =	sst s9;
	s0 =	simm.s32 @!p0 $0x0  }
0x12: {  	s1 =	sld [smem:$0x3F99];
	s0 =	simm.s32 @p0 $0x1  }
0x13: {  	[smem:$0x3FB4] =	sst s0;
	s0 =	simm.s32 @!p1 $0x0  }
0x14: {  	s2 =	sld [smem:$0x3F98];
	s0 =	simm.s32 @p1 $0x1  }
0x15: {  	[smem:$0x3FB5] =	sst s0;
	s0 =	simm.s32 @!p2 $0x0  }
0x16: {  	s3 =	sld [smem:$0x3FDB];
	s0 =	simm.s32 @p2 $0x1  }
0x17: {  	s4 =	simm.s32 $0x1BF5;
	[smem:$0x3FB7] =	sst s0  }
0x18: {  	s0 =	sld [smem:$0x3F9A];
	_ =	swait.ge [sflag:s4], $0x0  }
0x19: {  	s7 =	sld [smem:$0x3F9B]  }
0x1a: {  	s8 =	sadd.s32 $0xFFFFE003, lr  }
0x1b: {  	s9 =	sadd.s32 $0xFFFFFEF7, lr;
	s5 =	simm.s32 $0xFFFFFFFF;
	p2 =	slt.u32 s8, $0xFFFFF086  }
0x1c: {  	p1 =	slt.u32 s9, $0xF7A;
	s5 =	simm.s32 @!p2 $0x0  }
0x1d: {  	s5 =	simm.s32 @p1 $0x1;
	p0 =	seq.s32 s7, s2  }
0x1e: {  	s7 =	smul.u32 @!p0 $0xF7A, s2;
	p2 =	seq.s32 @!p0 s5, $0x0  }
0x1f: {  	s9 =	smul.u32 $0xF7A, s1;
	s8 =	simm.s32 @!p0 $0x1BF5;
	p2 =	por !p2, p0  }
0x20: {  	[sflag:s8] =	ssyncset.s32 @!p0 $0xFFFFF086;
	s6 =	sadd.s32 @!p0 s3, s7;
	s7 =	simm.s32 @!p0 $0x108  }
0x21: {  	s3 =	sadd.s32 s3, s9;
	s6 =	sadd.s32 @!p0 $0x88, s6;
	s7 =	simm.s32 @p2 $0x1082  }
0x22: {  	[simem:s7], [sflag:s8] =	dma.local @!p0 [hbm:s6], $0xF7A  }
0x23: {  	s9 =	sor.u32 $0xD0000000, s2;
	s6 =	simm.s32 $0x108;
	_ =	swait.ge @!p0 [sflag:s8], $0x0  }
0x24: {  	s3 =	sadd.s32 $0x88, s3;
	s6 =	simm.s32 @!p1 $0x1082;
	[sflag:s4] =	ssyncset.s32 $0xFFFFF086  }
0x25: {  	[simem:s6], [sflag:s4] =	dma.local [hbm:s3], $0xF7A  }
0x26: {  	[smem:$0x3F9B] =	sst s1;
	(tag) =	ssettag s2;
	_ =	strace s9  }
0x27: {  	s1 =	sld [smem:$0x3FAB]  }
0x28: {  	s2 =	sld [smem:$0x3FAC]  }
0x29: {  	s4 =	sld [smem:$0x3FAE]  }
0x2a: {  	p0 =	seq.s32 s5, $0x0;
	s5 =	sld [smem:$0x3FAF]  }
0x2b: {  	s6 =	sld [smem:$0x3FB0]  }
0x2c: {  	s7 =	sld [smem:$0x3FB1]  }
0x2d: {  	s3 =	simm.s32 $0x108;
	s8 =	sld [smem:$0x3FB2]  }
0x2e: {  	s3 =	simm.s32 @!p0 $0x1082;
	s9 =	sld [smem:$0x3FB3]  }
0x2f: {  	lr =	sadd.s32 s0, s3;
	s0 =	sld [smem:$0x3FAA]  }
0x30: {  	s3 =	sld [smem:$0x3FAD]  }
0x31: {  	[smem:$0x3FB6] =	sst s10  }
0x32: {  	s10 =	sld [smem:$0x3FB4];
	_ =	sdelay $0x3  }
0x33: {  	p0 =	seq.s32 s10, $0x1;
	s10 =	sld [smem:$0x3FB6];
	_ =	sdelay $0x3  }
0x34: {  	[smem:$0x3FB6] =	sst s10  }
0x35: {  	s10 =	sld [smem:$0x3FB5];
	_ =	sdelay $0x3  }
0x36: {  	p1 =	seq.s32 s10, $0x1;
	s10 =	sld [smem:$0x3FB6];
	_ =	sdelay $0x3  }
0x37: {  	[smem:$0x3FB6] =	sst s10  }
0x38: {  	s10 =	sld [smem:$0x3FB7]  }
0x39: {  	_ = 	snop;
	(pc) =	sbr.ind lr, $3  }
0x3a: {  	_ = 	snop  }
0x3b: {  	_ = 	snop  }
0x3c: {  	p2 =	seq.s32 s10, $0x1;
	s10 =	sld [smem:$0x3FB6]  }
0x3d: {  	_ =	shalt  }
0x3e: {  	_ =	shalt  }
0x3f: {  	_ =	shalt  }
0x40: {  	_ =	shalt  }
0x41: {  	_ =	shalt  }
0x42: {  	_ =	shalt  }
0x43: {  	_ =	shalt  }
0x44: {  	_ =	shalt  }
0x45: {  	_ =	shalt  }
0x46: {  	_ =	shalt  }
0x47: {  	_ =	shalt  }
0x48: {  	_ =	shalt  }
0x49: {  	_ =	shalt  }
0x4a: {  	_ =	shalt  }
0x4b: {  	_ =	shalt  }
0x4c: {  	_ =	shalt  }
0x4d: {  	_ =	shalt  }
0x4e: {  	_ =	shalt  }
0x4f: {  	_ =	shalt  }
0x50: {  	_ =	shalt  }
0x51: {  	_ =	shalt  }
0x52: {  	_ =	shalt  }
0x53: {  	_ =	shalt  }
0x54: {  	_ =	shalt  }
0x55: {  	_ =	shalt  }
0x56: {  	_ =	shalt  }
0x57: {  	_ =	shalt  }
0x58: {  	_ =	shalt  }
0x59: {  	_ =	shalt  }
0x5a: {  	_ =	shalt  }
0x5b: {  	_ =	shalt  }
0x5c: {  	_ =	shalt  }
0x5d: {  	_ =	shalt  }
0x5e: {  	_ =	shalt  }
0x5f: {  	_ =	shalt  }
0x60: {  	_ =	shalt  }
0x61: {  	_ =	shalt  }
0x62: {  	_ =	shalt  }
0x63: {  	_ =	shalt  }
0x64: {  	_ =	shalt  }
0x65: {  	_ =	shalt  }
0x66: {  	_ =	shalt  }
0x67: {  	_ =	shalt  }
0x68: {  	_ =	shalt  }
0x69: {  	_ =	shalt  }
0x6a: {  	_ =	shalt  }
0x6b: {  	_ =	shalt  }
0x6c: {  	_ =	shalt  }
0x6d: {  	_ =	shalt  }
0x6e: {  	_ =	shalt  }
0x6f: {  	_ =	shalt  }
0x70: {  	_ =	shalt  }
0x71: {  	_ =	shalt  }
0x72: {  	_ =	shalt  }
0x73: {  	_ =	shalt  }
0x74: {  	_ =	shalt  }
0x75: {  	_ =	shalt  }
0x76: {  	_ =	shalt  }
0x77: {  	_ =	shalt  }
0x78: {  	_ =	shalt  }
0x79: {  	_ =	shalt  }
0x7a: {  	_ =	shalt  }
0x7b: {  	_ =	shalt  }
0x7c: {  	_ =	shalt  }
0x7d: {  	_ =	shalt  }
0x7e: {  	_ =	shalt  }
0x7f: {  	_ =	shalt  }
0x80: {  	_ =	shalt  }
0x81: {  	_ =	shalt  }
0x82: {  	_ =	shalt  }
0x83: {  	_ =	shalt  }
0x84: {  	_ =	shalt  }
0x85: {  	_ =	shalt  }
0x86: {  	_ =	shalt  }
0x87: {  	_ =	shalt  }
.Lfunc_end0:
.L_simem_size_0:
called_computation_lowered:
.L_overlay_start_0:
0x88: {  	s2 =	sld [smem:$0x3FD9]  }
0x89: {  	s3 =	sld [smem:$0x3FFE];
	_ =	sdelay $0x1  }
0x8a: {  	s1 =	srdreg.scid  }
0x8b: {  	s0 =	sand.u32 $0x1, s1  }
0x8c: {  	s17 =	sshll.u32 s0, $0xA;
	s2 =	sadd.s32 s3, s2  }
0x8d: {  	s2 =	sadd.s32 s2, s17  }
0x8e: {  	[smem:$0x3FC2] =	sst s2  }
0x8f: {  	_ = 	snop  }
0x90: {  	s2 =	sld [smem:$0x3FD0];
	(tm) =	ssettm $0x1  }
0x91: {  	s18 =	sld [smem:$0x3FFB];
	_ =	sdelay $0x3  }
0x92: {  	_ =	strace s18  }
0x93: {  	s3 =	sld [smem:$0x3FFC];
	_ =	sdelay $0x3  }
0x94: {  	_ =	strace s3  }
0x95: {  	s3 =	sld [smem:$0x3FFD];
	_ =	sdelay $0x3  }
0x96: {  	_ =	strace s3  }
0x97: {  	_ =	strace $0x8FFFFFFF  }
0x98: {  	s19 =	sld [smem:$0x3FDB];
	_ =	sdelay $0x1  }
0x99: {  	s4 =	simm.s32 $_scs_section_size  }
0x9a: {  	s5 =	simm.s32 $_size__tile_overlayer_lowered;
	s6 =	simm.s32 $_tile_overlayer_lowered  }
0x9b: {  	s22 =	simm.s32 $0x1BFF;
	s21 =	sshll.u32 s6, $0x1;
	s3 =	sadd.s32 s4, s19  }
0x9c: {  	s7 =	simm.s32 $0x0;
	s20 =	sshll.u32 s5, $0x1;
	s5 =	sadd.s32 s21, s3  }
0x9d: {  	[timem:s7], [sflag:s22] =	dma.local [hbm:s5], s20  }
0x9e: {  	_ =	swait.ge [sflag:s22], s20  }
0x9f: {  	s4 =	ssub.s32 $0x0, s20;
	[sflag:s22] =	ssyncset.done $0x0  }
0xa0: {  	[sflag:s22] =	ssyncadd.s32 s4;
	_ =	sdelay $0x1  }
0xa1: {  	s23 =	simm.s32 $0x1B8B  }
0xa2: {  	_ =	swait.ge [sflag:s23], $0x1  }
0xa3: {  	[sflag:s23] =	ssyncset.done $0x0  }
0xa4: {  	s25 =	simm.s32 $0x1B8E;
	s24 =	sld [smem:$0x3FFE];
	[sflag:s23] =	ssyncadd.s32 $0xFFFFFFFF  }
0xa5: {  	s26 =	simm.s32 $execute0_lowered;
	[smem:$0x3FD2] =	sst s25  }
0xa6: {  	s5 =	sshll.u32 s26, $0x1;
	_ =	strace $0x80000046;
	[dreg:$0x1] =	wrdreg $0xFFFFFFFF  }
0xa7: {  	s28 =	simm.s32 $_size_execute0_lowered;
	s3 =	sadd.s32 s3, s5;
	[dreg:$0x0] =	wrdreg $0x0  }
0xa8: {  	s5 =	sshll.u32 s28, $0x1;
	[dreg:$0x2] =	wrdreg s3  }
0xa9: {  	[dreg:$0x3] =	wrdreg s5  }
0xaa: {  	[dreg:$0x4] =	wrdreg $0xC0  }
0xab: {  	_ =	task [dreg:s7], $0x5FFFF  }
0xac: {  	[dreg:$0x1] =	wrdreg $0xFFFFFFFF  }
0xad: {  	[dreg:$0x0] =	wrdreg $0x60  }
0xae: {  	[dreg:$0x2] =	wrdreg s2  }
0xaf: {  	[dreg:$0x3] =	wrdreg s24  }
0xb0: {  	[dreg:$0x4] =	wrdreg $0x9  }
0xb1: {  	_ =	task.clear_ibuf [dreg:s7], $0x5FFFF;
	_ =	strace $0x90000046  }
0xb2: {  	s29 =	simm.s32 $0x9;
	_ =	strace $0x80000048  }
0xb3: {  	_ =	swait.ge [sflag:s29], $0x1  }
0xb4: {  	[sflag:s29] =	ssyncadd.s32 $0xFFFFFFFF  }
0xb5: {  	_ =	strace $0x90000048  }
0xb6: {  	_ =	sfence  }
0xb7: {  	s30 =	sld [smem:$0x0];
	_ =	sdelay $0x2  }
0xb8: {  	s31 =	sshll.u32 s1, $0xD;
	s1 =	sshrl.u32 s1, $0x2  }
0xb9: {  	s3 =	sand.u32 $0x4000, s31;
	s1 =	sadd.s32 s1, s30  }
0xba: {  	s0 =	sor.u32 s3, s0;
	s1 =	sshll.u32 s1, $0x11  }
0xbb: {  	s0 =	sor.u32 s1, s0  }
0xbc: {  	s0 =	sadd.s32 $0x8F2B, s0  }
0xbd: {  	[sflag:s0] =	ssyncadd.remote.s32 $0x1  }
0xbe: {  	_ =	sfence.sel $0xFFFF  }
0xbf: {  	[dreg:$0x0] =	wrdreg $0xFFFFFFFF;
	(pc) =	sbr.abs _section_cstart, $3  }
0xc0: {  	[dreg:$0x1] =	wrdreg $0xFFFFFFFF  }
0xc1: {  	_ =	task.clear_ibuf [dreg:s7], $0x2FFFF;
	_ =	strace $0x9FFFFFFF  }
0xc2: {  	(tm) =	ssettm $0x7FFFFFFF  }
0xc3: {  	_ =	shalt  }
tec
execute0_lowered:
.L_overlay_start_1:
0x0: {  	(tag) =	ssettag $0x1  }
0x1: {  	s3 =	rddreg [dreg:$0x0]  }
0x2: {  	s0 =	srdreg.scid;
	s5 =	rddreg [dreg:$0x1]  }
0x3: {  	s2 =	simm.s32 $0x0;
	s4 =	sand.u32 $0x1, s0;
	s0 =	rddreg [dreg:$0x2]  }
0x4: {  	s1 =	stileid.u32;
	s11 =	simm.s32 $0x0;
	[smem:$0x7FF] =	sst s2  }
0x5: {  	s7 =	sshll.u32 s1, $0x7;
	s6 =	sshll.u32 s4, $0x4;
	_ =	strace $0x80000047  }
0x6: {  	s7 =	sand.u32 $0x380, s7;
	s9 =	ssub.s32 $0x2, s4;
	s6 =	sor.u32 s1, s6  }
0x7: {  	s4 =	sshll.u32 s4, $0xB;
	s10 =	sshrl.u32 s9, $0x1;
	s6 =	sshrl.u32 s6, $0x3  }
0x8: {  	s31 =	ssub.s32 s9, s10;
	s8 =	sshll.u32 s6, $0xD;
	s6 =	sshll.u32 s6, $0xE  }
0x9: {  	s9 =	simm.s32 $0x1;
	s8 =	sor.u32 s7, s8;
	s6 =	sor.u32 s7, s6  }
0xa: {  	s10 =	simm.s32 $0x800;
	s8 =	sshrl.u32 s8, $0x3;
	s6 =	sshrl.u32 s6, $0x3  }
0xb: {  	v2 =	vlaneseq.u32;
	s7 =	simm.s32 $0x80;
	s5 =	sadd.s32 s8, s5;
	s3 =	sadd.s32 s3, s6  }
0xc: {  	v1 =	vimm.s32 $0x0;
	v2 =	vadd.s32 $0x1, v2;
	v0 =	vmov s4;
	s6 =	smax.u32 s31, $0x1;
	s8 =	simm.s32 $0x400;
	s5 =	sadd.s32 $0x1E00, s5  }
.LBB2_1:
0xd: {  	[tilespmem:s2], [sflag:$0x1] =	stream.strided.gather [hbm4b:s3+s7], $0x800, s8, s7, $0x38;
	[tilespmem:$0xC80] =	vst v63  }
0xe: {  	_ =	swait.ge [sflag:s9], $0x800  }
0xf: {  	s13 =	simm.s32 $0x3F800000;
	[sflag:s9] =	ssyncset.done $0x0  }
0x10: {  	s12 =	simm.s32 $0x0;
	s14 =	simm.s32 $0x0;
	[sflag:s9] =	ssyncadd.s32 $0xFFFFF800  }
.LBB2_2:
0x11: {  	s15 =	sadd.s32 s12, s13;
	s17 =	simm.s32 $0x0  }
0x12: {  	s15 =	sshra.s32 s15, $0x1;
	v5 =	vld [tilespmem:s17+$0x0]  }
0x13: {  	v3 =	vimm.s32 $0x0;
	s16 =	simm.s32 $0x40;
	v4 =	vmov s15  }
.LBB2_3:
0x14: {  	p0 =	sne.s32 s16, $0x1FC0  }
.Ltmp0:
0x15: {  	_ = 	snop;
	(pc) =	sbr.rel @p0 .LBB2_3-.Ltmp0, $4  }
0x16: {  	_ = 	snop  }
0x17: {  	s17 =	sshra.s32 s16, $0x2;
	s16 =	sadd.s32 $0x40, s16;
	vm0 =	vge.s32 v5, v4  }
0x18: {  	v5 =	vld [tilespmem:s17+$0x0];
	v6 =	vsel vm0, $0x1, v1  }
0x19: {  	v3 =	vadd.s32 v6, v3  }
0x1a: {  	_ =	sdelay $0x2  }
0x1b: {  	vm0 =	vge.s32 v5, v4  }
0x1c: {  	v4 =	vsel vm0, $0x1, v1  }
0x1d: {  	v3 =	vadd.s32 v4, v3  }
0x1e: {  	(xrf0) =	vadd.scan.msk.s32 $0xffff, v3;
	_ =	sdelay $0x5  }
0x1f: {  	v3, _, _ =	vpop (xrf0)  }
0x20: {  	(v2sf) =	vpush v3, $0xF;
	_ =	sdelay $0xe  }
0x21: {  	s16 =	spop (v2sf)  }
0x22: {  	s14 =	sadd.s32 $0x1, s14;
	p0 =	sgt.s32 s16, $0x3FE  }
0x23: {  	s12 =	smov.u32 @p0 s15;
	s15 =	smov.u32 @p0 s13;
	p0 =	sne.s32 s14, $0x1F  }
.Ltmp1:
0x24: {  	_ = 	snop;
	(pc) =	sbr.rel @p0 .LBB2_2-.Ltmp1, $2  }
0x25: {  	_ =	sdelay $0x2  }
0x26: {  	s13 =	smov.u32 s15  }
0x27: {  	s14 =	simm.s32 $0x0  }
0x28: {  	s13 =	sadd.s32 $0x1, s12;
	v5 =	vld [tilespmem:s14+$0x0]  }
0x29: {  	v3 =	vimm.s32 $0x0;
	v4 =	vmov s13;
	s13 =	simm.s32 $0x40  }
.LBB2_6:
0x2a: {  	p0 =	sne.s32 s13, $0x1FC0  }
.Ltmp2:
0x2b: {  	_ = 	snop;
	(pc) =	sbr.rel @p0 .LBB2_6-.Ltmp2, $4  }
0x2c: {  	_ = 	snop  }
0x2d: {  	s14 =	sshra.s32 s13, $0x2;
	s13 =	sadd.s32 $0x40, s13;
	vm0 =	vge.s32 v5, v4  }
0x2e: {  	v5 =	vld [tilespmem:s14+$0x0];
	v6 =	vsel vm0, $0x1, v1  }
0x2f: {  	v3 =	vadd.s32 v6, v3  }
0x30: {  	_ =	sdelay $0x2  }
0x31: {  	vm0 =	vge.s32 v5, v4  }
0x32: {  	v4 =	vsel vm0, $0x1, v1  }
0x33: {  	v3 =	vadd.s32 v4, v3  }
0x34: {  	(xrf0) =	vadd.scan.msk.s32 $0xffff, v3;
	_ =	sdelay $0x5  }
0x35: {  	v3, _, _ =	vpop (xrf0)  }
0x36: {  	(v2sf) =	vpush v3, $0xF;
	_ =	sdelay $0x1  }
0x37: {  	[tilespmem:$0x800] =	vst v0;
	s13 =	simm.s32 $0x0  }
0x38: {  	v5 =	vld [tilespmem:s13+$0x0];
	_ =	sdelay $0x3  }
0x39: {  	v3 =	vmov s12  }
0x3a: {  	vm0 =	veq.s32 v5, v3  }
0x3b: {  	v4 =	vsel vm0, $0x1, v1  }
0x3c: {  	(xrf0) =	vadd.scan.msk.s32 $0xffff, v4;
	_ =	sdelay $0x4  }
0x3d: {  	s29 =	simm.s32 $0x0;
	v4 =	vsel vm0, $0xFFFFFFFF, v1;
	s28 =	spop (v2sf)  }
0x3e: {  	v6 =	vadd.s32 s29, v4;
	v7, _, _ =	vpop (xrf0);
	s12 =	ssub.s32 $0x3FF, s28  }
0x3f: {  	v6 =	vadd.s32 v7, v6;
	v4 =	vmov s12  }
0x40: {  	vm1 =	vlt.s32 v6, v4  }
0x41: {  	vm2 =	vgt.s32 v5, v3;
	vm0 =	vmand vm0, vm1  }
0x42: {  	vm0 =	vmor vm2, vm0  }
0x43: {  	v5 =	vsel vm0, $0x1, v1  }
0x44: {  	(xrf0) =	vadd.scan.msk.s32 $0xffff, v5;
	_ =	sdelay $0x5  }
0x45: {  	(v2sf) =	vpush v7, $0xF;
	s12 =	simm.s32 $0x1;
	v6 =	vsel vm0, $0xFFFFFFFF, v1;
	v5, _, _ =	vpop (xrf0)  }
0x46: {  	v6 =	vadd.s32 s12, v6;
	(v2sf) =	vpush v5, $0xF  }
0x47: {  	v5 =	vadd.s32 v5, v6;
	_ =	sdelay $0x3  }
0x48: {  	v6 =	vadd.s32 s4, v2  }
0x49: {  	s30 =	simm.s32 $0x10;
	[tilespmem:v5+s10+$0x0] =	vst.idx.msk vm0, v6  }
0x4a: {  	v5 =	vld [tilespmem:s30+$0x0];
	_ =	sdelay $0x4  }
0x4b: {  	vm0 =	veq.s32 v5, v3  }
0x4c: {  	v7 =	vsel vm0, $0x1, v1  }
0x4d: {  	s16 =	simm.s32 $0x80;
	s31 =	spop (v2sf);
	(xrf0) =	vadd.scan.msk.s32 $0xffff, v7  }
0x4e: {  	s13 =	smov.u32 s4;
	s14 =	sadd.s32 $0x0, s31;
	v6 =	vsel vm0, $0xFFFFFFFF, v1;
	s15 =	spop (v2sf)  }
.LBB2_8:
0x4f: {  	s12 =	sadd.s32 s12, s15  }
0x50: {  	s13 =	sadd.s32 $0x10, s13;
	s15 =	smov.u32 s16;
	s17 =	sadd.s32 $0x40, s16  }
0x51: {  	p0 =	sne.s32 s16, $0x1FC0;
	_ =	sdelay $0x1  }
0x52: {  	v6 =	vadd.s32 s14, v6;
	v7, _, _ =	vpop (xrf0)  }
0x53: {  	v6 =	vadd.s32 v7, v6;
	(v2sf) =	vpush v7, $0xF  }
0x54: {  	vm1 =	vlt.s32 v6, v4  }
0x55: {  	vm2 =	vgt.s32 v5, v3;
	vm0 =	vmand vm0, vm1  }
0x56: {  	vm0 =	vmor vm2, vm0  }
0x57: {  	v5 =	vsel vm0, $0xFFFFFFFF, v1;
	v6 =	vsel vm0, $0x1, v1  }
0x58: {  	(xrf0) =	vadd.scan.msk.s32 $0xffff, v6;
	_ =	sdelay $0x5  }
0x59: {  	v5 =	vadd.s32 s12, v5;
	v6, _, _ =	vpop (xrf0)  }
0x5a: {  	v5 =	vadd.s32 v6, v5;
	(v2sf) =	vpush v6, $0xF;
	_ =	sdelay $0x2  }
0x5b: {  	s16 =	spop (v2sf)  }
0x5c: {  	v6 =	vadd.s32 s13, v2;
	s14 =	sadd.s32 s14, s16  }
0x5d: {  	s15 =	sshra.s32 s15, $0x2;
	[tilespmem:v5+s10+$0x0] =	vst.idx.msk vm0, v6  }
0x5e: {  	v5 =	vld [tilespmem:s15+$0x0];
	_ =	sdelay $0x4  }
.Ltmp3:
0x5f: {  	vm0 =	veq.s32 v5, v3;
	(pc) =	sbr.rel @p0 .LBB2_8-.Ltmp3, $3  }
0x60: {  	v6 =	vsel vm0, $0xFFFFFFFF, v1;
	v7 =	vsel vm0, $0x1, v1  }
0x61: {  	(xrf0) =	vadd.scan.msk.s32 $0xffff, v7;
	_ =	sdelay $0x1  }
0x62: {  	s16 =	smov.u32 s17;
	s15 =	spop (v2sf)  }
0x63: {  	_ =	sdelay $0x2  }
0x64: {  	v6 =	vadd.s32 s14, v6;
	v7, _, _ =	vpop (xrf0)  }
0x65: {  	v6 =	vadd.s32 v7, v6  }
0x66: {  	vm1 =	vlt.s32 v6, v4  }
0x67: {  	vm2 =	vgt.s32 v5, v3;
	vm0 =	vmand vm0, vm1  }
0x68: {  	vm0 =	vmor vm2, vm0  }
0x69: {  	v3 =	vsel vm0, $0x1, v1  }
0x6a: {  	(xrf0) =	vadd.scan.msk.s32 $0xffff, v3;
	_ =	sdelay $0x5  }
0x6b: {  	(v2sf) =	vpush v7, $0xF;
	v3, _, _ =	vpop (xrf0)  }
0x6c: {  	(v2sf) =	vpush v3, $0xF;
	_ =	sdelay $0x4  }
0x6d: {  	s12 =	sadd.s32 s12, s15;
	v62 =	vsel vm0, $0xFFFFFFFF, v1  }
0x6e: {  	v4 =	vadd.s32 s12, v62  }
0x6f: {  	v3 =	vadd.s32 v3, v4;
	_ =	sdelay $0x2  }
0x70: {  	s29 =	sadd.s32 $0x10, s13  }
0x71: {  	s11 =	sadd.s32 $0x1, s11;
	v63 =	vadd.s32 s29, v2  }
0x72: {  	p0 =	sne.s32 s11, s6;
	[tilespmem:v3+s10+$0x0] =	vst.idx.msk vm0, v63  }
0x73: {  	[hbm4b:s5+s7] =	stream.strided.scatter [tilespmem:s10], [sflag:$0x1], $0x400, s8, s7, $0x38;
	[tilespmem:$0xC80] =	vst v63  }
.Ltmp4:
0x74: {  	s30 =	spop (v2sf);
	(pc) =	sbr.rel @p0 .LBB2_1-.Ltmp4, $4  }
0x75: {  	s31 =	spop (v2sf)  }
0x76: {  	_ =	swait.ge [sflag:s9], $0x400  }
0x77: {  	[sflag:s9] =	ssyncset.done $0x0  }
0x78: {  	[sflag:s9] =	ssyncadd.s32 $0xFFFFFC00  }
0x79: {  	_ =	sfence.sel $0x180000  }
0x7a: {  	[bflag:$0x0] =	sbarrier.arrive $0xFFFF  }
0x7b: {  	p0 =	sne.s32 s1, $0x0;
	_ =	strace $0x90000047  }
0x7c: {  	s0 =	sadd.s32 @!p0 $0x100000, s0;
	[bflag:$0x2] =	sbarrier.arrive $0xFFFF  }
0x7d: {  	[sflag:s0] =	ssyncadd.tile.s32 @!p0 $0x1;
	_ =	shalt  }
.Lfunc_end2:
_tile_overlayer_lowered:
.L_overlay_start_2:
0x7e: {  	(tag) =	ssettag $0x2  }
0x7f: {  	s0 =	rddreg [dreg:$0x0];
	s2 =	stileid.u32  }
0x80: {  	s1 =	rddreg [dreg:$0x1];
	p0 =	sne.s32 s2, $0x0  }
0x81: {  	s3 =	rddreg [dreg:$0x2];
	[bflag:$0x3] =	sbarrier.arrive $0xFFFF;
	s2 =	simm.s32 @!p0 $0x1C01  }
0x82: {  	[timem:s3], [sflag:s2] =	dma.local @!p0 [hbm:s0], s1  }
0x83: {  	s0 =	simm.s32 @!p0 $0x1  }
0x84: {  	_ =	swait.ge @!p0 [sflag:s0], s1  }
0x85: {  	s1 =	ssub.s32 @!p0 $0x0, s1;
	[sflag:s0] =	ssyncset.done @!p0 $0x0  }
0x86: {  	[sflag:s0] =	ssyncadd.s32 @!p0 s1  }
0x87: {  	[bflag:$0x3] =	sbarrier.arrive $0xFFFF  }
0x88: {  	_ =	shalt  }

</sc_bundles>
